<compile_context>
chip_gen: v7x
topology: tpu7x:2x2x1
jax: 0.10.2.dev20260603
libtpu: 0.0.44.dev20260713+nightly
codegen_flags: <defaults>
</compile_context>

<pallas_src>
import functools

import jax
import jax.numpy as jnp
from jax import lax
from jax.experimental import pallas as pl
from jax.experimental.pallas import tpu as pltpu
from jax.experimental.pallas import tpu_sc as plsc

_DIM = 64
_CHUNK = 128
_NC = 2
_NS = 16
_NW = _NC * _NS


_NBUF = 8


@functools.lru_cache(maxsize=None)
def _build_gather(B: int):
    assert B % (_NW * _CHUNK) == 0
    b_per_w = B // _NW
    n_chunks = b_per_w // _CHUNK
    mesh = plsc.VectorSubcoreMesh(core_axis_name="c", subcore_axis_name="s")

    @functools.partial(
        pl.kernel,
        mesh=mesh,
        out_type=jax.ShapeDtypeStruct((B, _DIM), jnp.float32),
        scratch_types=[
            pltpu.VMEM((n_chunks, _CHUNK), jnp.int32),
            pltpu.VMEM((_NBUF, _CHUNK, _DIM), jnp.float32),
        ]
        + [pltpu.SemaphoreType.DMA] * (2 * _NBUF),
        compiler_params=pltpu.CompilerParams(use_tc_tiling_on_sc=False),
    )
    def gather_kernel(idx_hbm, table_hbm, out_hbm, idx_v, rows_v, *sems):
        gsem = sems[:_NBUF]
        wsem = sems[_NBUF:]
        wid = lax.axis_index("s") * _NC + lax.axis_index("c")
        base = wid * b_per_w
        pltpu.sync_copy(idx_hbm.at[wid], idx_v)

        def gather(ch, b):
            for j in range(_CHUNK // 16):
                vec = idx_v[ch, pl.ds(16 * j, 16)]
                pltpu.async_copy(
                    table_hbm.at[vec], rows_v.at[b, pl.ds(16 * j, 16)], gsem[b]
                )

        def write(ch, b):
            return pltpu.async_copy(
                rows_v.at[b], out_hbm.at[pl.ds(base + ch * _CHUNK, _CHUNK)],
                wsem[b],
            )

        for ch in range(_NBUF):
            gather(ch, ch)
        for ch in range(n_chunks):
            b = ch % _NBUF
            pltpu.make_async_copy(
                table_hbm.at[idx_v.at[ch]], rows_v.at[b], gsem[b]
            ).wait()
            w = write(ch, b)
            nxt = ch + _NBUF
            if nxt < n_chunks:
                w.wait()
                gather(nxt, b)
        for ch in range(n_chunks - _NBUF, n_chunks):
            b = ch % _NBUF
            pltpu.make_async_copy(
                rows_v.at[b], out_hbm.at[pl.ds(base + ch * _CHUNK, _CHUNK)],
                wsem[b],
            ).wait()

    return gather_kernel


def kernel(inputs, embeddings):
    rows, cols = inputs.shape
    B = rows * cols
    idx = inputs.reshape(_NW, B // (_NW * _CHUNK), _CHUNK).astype(jnp.int32)
    out = _build_gather(B)(idx, embeddings)
    return out.reshape(rows, cols, _DIM)

# --- scband reference (transcript-rebuilt; emitter-appended) ---
"""Pipeline reference for scband-embedding-31834297598137 (READ-ONLY COPY).

The authoritative reference and input builder live on the scoring server;
editing this copy changes nothing except your own understanding.
"""

import jax, jax.numpy as jnp
import numpy as np

NUM_EMBEDDINGS = 1000000
EMBEDDING_DIM = 64

def setup_inputs(seed: int = 0) -> dict:
    key = jax.random.key(seed)
    k1, k2 = jax.random.split(key)
    inputs = jax.random.randint(k1, (4096, 26), 0, NUM_EMBEDDINGS, dtype=jnp.int64 if jax.config.jax_enable_x64 else jnp.int32)
    # he_uniform over fan_in = num_embeddings axis-0? Keras he_uniform uses fan_in of the weight shape: limit = sqrt(6 / fan_in), fan_in = num_embeddings
    limit = np.sqrt(6.0 / NUM_EMBEDDINGS)
    embeddings = jax.random.uniform(k2, (NUM_EMBEDDINGS, EMBEDDING_DIM), minval=-limit, maxval=limit, dtype=jnp.float32)
    return {"inputs": inputs, "embeddings": embeddings}

def reference(inputs, embeddings):
    # tf.nn.embedding_lookup == gather along axis 0
    return jnp.take(embeddings, inputs, axis=0)

if __name__ == "__main__":
    import jax
    _d = setup_inputs()
    print(jax.jit(kernel)(*tuple(_d.values())))

</pallas_src>

<mosaic_0001>
#map = affine_map<(d0, d1) -> (0, 0, 0)>
#map1 = affine_map<(d0, d1) -> (0, 0)>
module attributes {stable_mosaic.version = 14 : i64} {
  func.func @gather_kernel(%arg0: i32, %arg1: i32, %arg2: memref<32x26x128xi32, #tpu.memory_space<hbm>>, %arg3: memref<1000000x64xf32, #tpu.memory_space<hbm>>, %arg4: memref<106496x64xf32, #tpu.memory_space<hbm>>, %arg5: memref<26x128xi32, #tpu.memory_space<vmem>>, %arg6: memref<8x128x64xf32, #tpu.memory_space<vmem>>, %arg7: memref<!tpu.dma_semaphore, #tpu.memory_space<semaphore_mem>>, %arg8: memref<!tpu.dma_semaphore, #tpu.memory_space<semaphore_mem>>, %arg9: memref<!tpu.dma_semaphore, #tpu.memory_space<semaphore_mem>>, %arg10: memref<!tpu.dma_semaphore, #tpu.memory_space<semaphore_mem>>, %arg11: memref<!tpu.dma_semaphore, #tpu.memory_space<semaphore_mem>>, %arg12: memref<!tpu.dma_semaphore, #tpu.memory_space<semaphore_mem>>, %arg13: memref<!tpu.dma_semaphore, #tpu.memory_space<semaphore_mem>>, %arg14: memref<!tpu.dma_semaphore, #tpu.memory_space<semaphore_mem>>, %arg15: memref<!tpu.dma_semaphore, #tpu.memory_space<semaphore_mem>>, %arg16: memref<!tpu.dma_semaphore, #tpu.memory_space<semaphore_mem>>, %arg17: memref<!tpu.dma_semaphore, #tpu.memory_space<semaphore_mem>>, %arg18: memref<!tpu.dma_semaphore, #tpu.memory_space<semaphore_mem>>, %arg19: memref<!tpu.dma_semaphore, #tpu.memory_space<semaphore_mem>>, %arg20: memref<!tpu.dma_semaphore, #tpu.memory_space<semaphore_mem>>, %arg21: memref<!tpu.dma_semaphore, #tpu.memory_space<semaphore_mem>>, %arg22: memref<!tpu.dma_semaphore, #tpu.memory_space<semaphore_mem>>) attributes {dimension_semantics = [#tpu.dimension_semantics<core_parallel>, #tpu.dimension_semantics<subcore_parallel>], iteration_bounds = array<i64: 2, 16>, scalar_prefetch = 0 : i64, scratch_operands = 18 : i64, tpu.core_type = #tpu.core_type<sc_vector_subcore>, window_params = [{transform_indices = #map}, {transform_indices = #map1}, {transform_indices = #map1}]} {
    %mul3A = arith.constant 2 : i32
    %mul3A_0 = arith.muli %arg1, %mul3A : i32
    %add3A = arith.addi %mul3A_0, %arg0 : i32
    %mul3A_1 = arith.constant 3328 : i32
    %mul3A_2 = arith.muli %add3A, %mul3A_1 : i32
    "tpu.region"() ({
      %run_scoped3A = tpu.sem_alloc : memref<!tpu.dma_semaphore, #tpu.memory_space<semaphore_mem>>
      %dma_start3A_3760 = arith.constant 0 : i32
      %dma_start3A_3761 = arith.constant 0 : i32
      %dma_start3A_3762 = tpu.memref_slice %arg2[%add3A, %dma_start3A_3760, %dma_start3A_3761] : memref<32x26x128xi32, #tpu.memory_space<hbm>> -> memref<1x26x128xi32, #tpu.memory_space<hbm>>
      %dma_start3A_3763 = tpu.memref_squeeze %dma_start3A_3762 : memref<1x26x128xi32, #tpu.memory_space<hbm>> -> memref<26x128xi32, #tpu.memory_space<hbm>>
      %dma_start3A_3764 = arith.constant 0 : i32
      %dma_start3A_3765 = arith.constant 0 : i32
      %dma_start3A_3766 = tpu.memref_slice %arg2[%add3A, %dma_start3A_3764, %dma_start3A_3765] : memref<32x26x128xi32, #tpu.memory_space<hbm>> -> memref<1x26x128xi32, #tpu.memory_space<hbm>>
      %dma_start3A_3767 = tpu.memref_squeeze %dma_start3A_3766 : memref<1x26x128xi32, #tpu.memory_space<hbm>> -> memref<26x128xi32, #tpu.memory_space<hbm>>
      tpu.enqueue_dma source(%dma_start3A_3767 : memref<26x128xi32, #tpu.memory_space<hbm>>) target(%arg5 : memref<26x128xi32, #tpu.memory_space<vmem>>) target_semaphore(%run_scoped3A : memref<!tpu.dma_semaphore, #tpu.memory_space<semaphore_mem>>)
      %dma_wait3A_3768 = arith.constant 0 : i32
      %dma_wait3A_3769 = arith.constant 0 : i32
      %dma_wait3A_3770 = tpu.memref_slice %arg2[%add3A, %dma_wait3A_3768, %dma_wait3A_3769] : memref<32x26x128xi32, #tpu.memory_space<hbm>> -> memref<1x26x128xi32, #tpu.memory_space<hbm>>
      %dma_wait3A_3771 = tpu.memref_squeeze %dma_wait3A_3770 : memref<1x26x128xi32, #tpu.memory_space<hbm>> -> memref<26x128xi32, #tpu.memory_space<hbm>>
      %dma_wait3A_3772 = arith.constant 0 : i32
      %dma_wait3A_3773 = arith.constant 0 : i32
      %dma_wait3A_3774 = tpu.memref_slice %arg2[%add3A, %dma_wait3A_3772, %dma_wait3A_3773] : memref<32x26x128xi32, #tpu.memory_space<hbm>> -> memref<1x26x128xi32, #tpu.memory_space<hbm>>
      %dma_wait3A_3775 = tpu.memref_squeeze %dma_wait3A_3774 : memref<1x26x128xi32, #tpu.memory_space<hbm>> -> memref<26x128xi32, #tpu.memory_space<hbm>>
      tpu.wait_dma2 semaphore(%run_scoped3A : memref<!tpu.dma_semaphore, #tpu.memory_space<semaphore_mem>>) src(%dma_wait3A_3775 : memref<26x128xi32, #tpu.memory_space<hbm>>) dst(%arg5 : memref<26x128xi32, #tpu.memory_space<vmem>>)
      tpu.yield
    }) : () -> ()
    %get3A = arith.constant 0 : i32
    %get3A_3 = arith.index_cast %get3A : i32 to index
    %get3A_4 = arith.constant 0 : index
    %get3A_5 = tpu.vector_load %arg5[%get3A_3, %get3A_4] {strides = array<i32>} : memref<26x128xi32, #tpu.memory_space<vmem>>, vector<1x16xi32>,
    %get3A_6 = vector.shape_cast %get3A_5 : vector<1x16xi32> to vector<16xi32>
    %dma_start3A = arith.constant 0 : i32
    %dma_start3A_7 = arith.constant 0 : i32
    %dma_start3A_8 = arith.constant 0 : i32
    %dma_start3A_9 = tpu.memref_slice %arg6[%dma_start3A, %dma_start3A_7, %dma_start3A_8] : memref<8x128x64xf32, #tpu.memory_space<vmem>> -> memref<1x16x64xf32, #tpu.memory_space<vmem>>
    %dma_start3A_10 = tpu.memref_squeeze %dma_start3A_9 : memref<1x16x64xf32, #tpu.memory_space<vmem>> -> memref<16x64xf32, #tpu.memory_space<vmem>>
    %dma_start3A_11 = arith.constant 0 : i32
    %dma_start3A_12 = arith.constant 0 : i32
    %dma_start3A_13 = tpu.memref_slice %arg3[%dma_start3A_11, %dma_start3A_12] : memref<1000000x64xf32, #tpu.memory_space<hbm>> -> memref<1000000x64xf32, #tpu.memory_space<hbm>>
    tpu.enqueue_indirect_dma source(%dma_start3A_13 : memref<1000000x64xf32, #tpu.memory_space<hbm>>) target(%dma_start3A_10 : memref<16x64xf32, #tpu.memory_space<vmem>>) offsets(%get3A_6 : vector<16xi32>) semaphore(%arg7 : memref<!tpu.dma_semaphore, #tpu.memory_space<semaphore_mem>>)
    %get3A_14 = arith.constant 0 : i32
    %get3A_15 = arith.index_cast %get3A_14 : i32 to index
    %get3A_16 = arith.constant 16 : index
    %get3A_17 = tpu.vector_load %arg5[%get3A_15, %get3A_16] {strides = array<i32>} : memref<26x128xi32, #tpu.memory_space<vmem>>, vector<1x16xi32>,
    %get3A_18 = vector.shape_cast %get3A_17 : vector<1x16xi32> to vector<16xi32>
    %dma_start3A_19 = arith.constant 0 : i32
    %dma_start3A_20 = arith.constant 16 : i32
    %dma_start3A_21 = arith.constant 0 : i32
    %dma_start3A_22 = tpu.memref_slice %arg6[%dma_start3A_19, %dma_start3A_20, %dma_start3A_21] : memref<8x128x64xf32, #tpu.memory_space<vmem>> -> memref<1x16x64xf32, #tpu.memory_space<vmem>>
    %dma_start3A_23 = tpu.memref_squeeze %dma_start3A_22 : memref<1x16x64xf32, #tpu.memory_space<vmem>> -> memref<16x64xf32, #tpu.memory_space<vmem>>
    %dma_start3A_24 = arith.constant 0 : i32
    %dma_start3A_25 = arith.constant 0 : i32
    %dma_start3A_26 = tpu.memref_slice %arg3[%dma_start3A_24, %dma_start3A_25] : memref<1000000x64xf32, #tpu.memory_space<hbm>> -> memref<1000000x64xf32, #tpu.memory_space<hbm>>
    tpu.enqueue_indirect_dma source(%dma_start3A_26 : memref<1000000x64xf32, #tpu.memory_space<hbm>>) target(%dma_start3A_23 : memref<16x64xf32, #tpu.memory_space<vmem>>) offsets(%get3A_18 : vector<16xi32>) semaphore(%arg7 : memref<!tpu.dma_semaphore, #tpu.memory_space<semaphore_mem>>)
    %get3A_27 = arith.constant 0 : i32
    %get3A_28 = arith.index_cast %get3A_27 : i32 to index
    %get3A_29 = arith.constant 32 : index
    %get3A_30 = tpu.vector_load %arg5[%get3A_28, %get3A_29] {strides = array<i32>} : memref<26x128xi32, #tpu.memory_space<vmem>>, vector<1x16xi32>,
    %get3A_31 = vector.shape_cast %get3A_30 : vector<1x16xi32> to vector<16xi32>
    %dma_start3A_32 = arith.constant 0 : i32
    %dma_start3A_33 = arith.constant 32 : i32
    %dma_start3A_34 = arith.constant 0 : i32
    %dma_start3A_35 = tpu.memref_slice %arg6[%dma_start3A_32, %dma_start3A_33, %dma_start3A_34] : memref<8x128x64xf32, #tpu.memory_space<vmem>> -> memref<1x16x64xf32, #tpu.memory_space<vmem>>
    %dma_start3A_36 = tpu.memref_squeeze %dma_start3A_35 : memref<1x16x64xf32, #tpu.memory_space<vmem>> -> memref<16x64xf32, #tpu.memory_space<vmem>>
    %dma_start3A_37 = arith.constant 0 : i32
    %dma_start3A_38 = arith.constant 0 : i32
    %dma_start3A_39 = tpu.memref_slice %arg3[%dma_start3A_37, %dma_start3A_38] : memref<1000000x64xf32, #tpu.memory_space<hbm>> -> memref<1000000x64xf32, #tpu.memory_space<hbm>>
    tpu.enqueue_indirect_dma source(%dma_start3A_39 : memref<1000000x64xf32, #tpu.memory_space<hbm>>) target(%dma_start3A_36 : memref<16x64xf32, #tpu.memory_space<vmem>>) offsets(%get3A_31 : vector<16xi32>) semaphore(%arg7 : memref<!tpu.dma_semaphore, #tpu.memory_space<semaphore_mem>>)
    %get3A_40 = arith.constant 0 : i32
    %get3A_41 = arith.index_cast %get3A_40 : i32 to index
    %get3A_42 = arith.constant 48 : index
    %get3A_43 = tpu.vector_load %arg5[%get3A_41, %get3A_42] {strides = array<i32>} : memref<26x128xi32, #tpu.memory_space<vmem>>, vector<1x16xi32>,
    %get3A_44 = vector.shape_cast %get3A_43 : vector<1x16xi32> to vector<16xi32>
    %dma_start3A_45 = arith.constant 0 : i32
    %dma_start3A_46 = arith.constant 48 : i32
    %dma_start3A_47 = arith.constant 0 : i32
    %dma_start3A_48 = tpu.memref_slice %arg6[%dma_start3A_45, %dma_start3A_46, %dma_start3A_47] : memref<8x128x64xf32, #tpu.memory_space<vmem>> -> memref<1x16x64xf32, #tpu.memory_space<vmem>>
    %dma_start3A_49 = tpu.memref_squeeze %dma_start3A_48 : memref<1x16x64xf32, #tpu.memory_space<vmem>> -> memref<16x64xf32, #tpu.memory_space<vmem>>
    %dma_start3A_50 = arith.constant 0 : i32
    %dma_start3A_51 = arith.constant 0 : i32
    %dma_start3A_52 = tpu.memref_slice %arg3[%dma_start3A_50, %dma_start3A_51] : memref<1000000x64xf32, #tpu.memory_space<hbm>> -> memref<1000000x64xf32, #tpu.memory_space<hbm>>
    tpu.enqueue_indirect_dma source(%dma_start3A_52 : memref<1000000x64xf32, #tpu.memory_space<hbm>>) target(%dma_start3A_49 : memref<16x64xf32, #tpu.memory_space<vmem>>) offsets(%get3A_44 : vector<16xi32>) semaphore(%arg7 : memref<!tpu.dma_semaphore, #tpu.memory_space<semaphore_mem>>)
    %get3A_53 = arith.constant 0 : i32
    %get3A_54 = arith.index_cast %get3A_53 : i32 to index
    %get3A_55 = arith.constant 64 : index
    %get3A_56 = tpu.vector_load %arg5[%get3A_54, %get3A_55] {strides = array<i32>} : memref<26x128xi32, #tpu.memory_space<vmem>>, vector<1x16xi32>,
    %get3A_57 = vector.shape_cast %get3A_56 : vector<1x16xi32> to vector<16xi32>
    %dma_start3A_58 = arith.constant 0 : i32
    %dma_start3A_59 = arith.constant 64 : i32
    %dma_start3A_60 = arith.constant 0 : i32
    %dma_start3A_61 = tpu.memref_slice %arg6[%dma_start3A_58, %dma_start3A_59, %dma_start3A_60] : memref<8x128x64xf32, #tpu.memory_space<vmem>> -> memref<1x16x64xf32, #tpu.memory_space<vmem>>
    %dma_start3A_62 = tpu.memref_squeeze %dma_start3A_61 : memref<1x16x64xf32, #tpu.memory_space<vmem>> -> memref<16x64xf32, #tpu.memory_space<vmem>>
    %dma_start3A_63 = arith.constant 0 : i32
    %dma_start3A_64 = arith.constant 0 : i32
    %dma_start3A_65 = tpu.memref_slice %arg3[%dma_start3A_63, %dma_start3A_64] : memref<1000000x64xf32, #tpu.memory_space<hbm>> -> memref<1000000x64xf32, #tpu.memory_space<hbm>>
    tpu.enqueue_indirect_dma source(%dma_start3A_65 : memref<1000000x64xf32, #tpu.memory_space<hbm>>) target(%dma_start3A_62 : memref<16x64xf32, #tpu.memory_space<vmem>>) offsets(%get3A_57 : vector<16xi32>) semaphore(%arg7 : memref<!tpu.dma_semaphore, #tpu.memory_space<semaphore_mem>>)
    %get3A_66 = arith.constant 0 : i32
    %get3A_67 = arith.index_cast %get3A_66 : i32 to index
    %get3A_68 = arith.constant 80 : index
    %get3A_69 = tpu.vector_load %arg5[%get3A_67, %get3A_68] {strides = array<i32>} : memref<26x128xi32, #tpu.memory_space<vmem>>, vector<1x16xi32>,
    %get3A_70 = vector.shape_cast %get3A_69 : vector<1x16xi32> to vector<16xi32>
    %dma_start3A_71 = arith.constant 0 : i32
    %dma_start3A_72 = arith.constant 80 : i32
    %dma_start3A_73 = arith.constant 0 : i32
    %dma_start3A_74 = tpu.memref_slice %arg6[%dma_start3A_71, %dma_start3A_72, %dma_start3A_73] : memref<8x128x64xf32, #tpu.memory_space<vmem>> -> memref<1x16x64xf32, #tpu.memory_space<vmem>>
    %dma_start3A_75 = tpu.memref_squeeze %dma_start3A_74 : memref<1x16x64xf32, #tpu.memory_space<vmem>> -> memref<16x64xf32, #tpu.memory_space<vmem>>
    %dma_start3A_76 = arith.constant 0 : i32
    %dma_start3A_77 = arith.constant 0 : i32
    %dma_start3A_78 = tpu.memref_slice %arg3[%dma_start3A_76, %dma_start3A_77] : memref<1000000x64xf32, #tpu.memory_space<hbm>> -> memref<1000000x64xf32, #tpu.memory_space<hbm>>
    tpu.enqueue_indirect_dma source(%dma_start3A_78 : memref<1000000x64xf32, #tpu.memory_space<hbm>>) target(%dma_start3A_75 : memref<16x64xf32, #tpu.memory_space<vmem>>) offsets(%get3A_70 : vector<16xi32>) semaphore(%arg7 : memref<!tpu.dma_semaphore, #tpu.memory_space<semaphore_mem>>)
    %get3A_79 = arith.constant 0 : i32
    %get3A_80 = arith.index_cast %get3A_79 : i32 to index
    %get3A_81 = arith.constant 96 : index
    %get3A_82 = tpu.vector_load %arg5[%get3A_80, %get3A_81] {strides = array<i32>} : memref<26x128xi32, #tpu.memory_space<vmem>>, vector<1x16xi32>,
    %get3A_83 = vector.shape_cast %get3A_82 : vector<1x16xi32> to vector<16xi32>
    %dma_start3A_84 = arith.constant 0 : i32
    %dma_start3A_85 = arith.constant 96 : i32
    %dma_start3A_86 = arith.constant 0 : i32
    %dma_start3A_87 = tpu.memref_slice %arg6[%dma_start3A_84, %dma_start3A_85, %dma_start3A_86] : memref<8x128x64xf32, #tpu.memory_space<vmem>> -> memref<1x16x64xf32, #tpu.memory_space<vmem>>
    %dma_start3A_88 = tpu.memref_squeeze %dma_start3A_87 : memref<1x16x64xf32, #tpu.memory_space<vmem>> -> memref<16x64xf32, #tpu.memory_space<vmem>>
    %dma_start3A_89 = arith.constant 0 : i32
    %dma_start3A_90 = arith.constant 0 : i32
    %dma_start3A_91 = tpu.memref_slice %arg3[%dma_start3A_89, %dma_start3A_90] : memref<1000000x64xf32, #tpu.memory_space<hbm>> -> memref<1000000x64xf32, #tpu.memory_space<hbm>>
    tpu.enqueue_indirect_dma source(%dma_start3A_91 : memref<1000000x64xf32, #tpu.memory_space<hbm>>) target(%dma_start3A_88 : memref<16x64xf32, #tpu.memory_space<vmem>>) offsets(%get3A_83 : vector<16xi32>) semaphore(%arg7 : memref<!tpu.dma_semaphore, #tpu.memory_space<semaphore_mem>>)
    %get3A_92 = arith.constant 0 : i32
    %get3A_93 = arith.index_cast %get3A_92 : i32 to index
    %get3A_94 = arith.constant 112 : index
    %get3A_95 = tpu.vector_load %arg5[%get3A_93, %get3A_94] {strides = array<i32>} : memref<26x128xi32, #tpu.memory_space<vmem>>, vector<1x16xi32>,
    %get3A_96 = vector.shape_cast %get3A_95 : vector<1x16xi32> to vector<16xi32>
    %dma_start3A_97 = arith.constant 0 : i32
    %dma_start3A_98 = arith.constant 112 : i32
    %dma_start3A_99 = arith.constant 0 : i32
    %dma_start3A_100 = tpu.memref_slice %arg6[%dma_start3A_97, %dma_start3A_98, %dma_start3A_99] : memref<8x128x64xf32, #tpu.memory_space<vmem>> -> memref<1x16x64xf32, #tpu.memory_space<vmem>>
    %dma_start3A_101 = tpu.memref_squeeze %dma_start3A_100 : memref<1x16x64xf32, #tpu.memory_space<vmem>> -> memref<16x64xf32, #tpu.memory_space<vmem>>
    %dma_start3A_102 = arith.constant 0 : i32
    %dma_start3A_103 = arith.constant 0 : i32
    %dma_start3A_104 = tpu.memref_slice %arg3[%dma_start3A_102, %dma_start3A_103] : memref<1000000x64xf32, #tpu.memory_space<hbm>> -> memref<1000000x64xf32, #tpu.memory_space<hbm>>
    tpu.enqueue_indirect_dma source(%dma_start3A_104 : memref<1000000x64xf32, #tpu.memory_space<hbm>>) target(%dma_start3A_101 : memref<16x64xf32, #tpu.memory_space<vmem>>) offsets(%get3A_96 : vector<16xi32>) semaphore(%arg7 : memref<!tpu.dma_semaphore, #tpu.memory_space<semaphore_mem>>)
    %get3A_105 = arith.constant 1 : i32
    %get3A_106 = arith.index_cast %get3A_105 : i32 to index
    %get3A_107 = arith.constant 0 : index
    %get3A_108 = tpu.vector_load %arg5[%get3A_106, %get3A_107] {strides = array<i32>} : memref<26x128xi32, #tpu.memory_space<vmem>>, vector<1x16xi32>,
    %get3A_109 = vector.shape_cast %get3A_108 : vector<1x16xi32> to vector<16xi32>
    %dma_start3A_110 = arith.constant 1 : i32
    %dma_start3A_111 = arith.constant 0 : i32
    %dma_start3A_112 = arith.constant 0 : i32
    %dma_start3A_113 = tpu.memref_slice %arg6[%dma_start3A_110, %dma_start3A_111, %dma_start3A_112] : memref<8x128x64xf32, #tpu.memory_space<vmem>> -> memref<1x16x64xf32, #tpu.memory_space<vmem>>
    %dma_start3A_114 = tpu.memref_squeeze %dma_start3A_113 : memref<1x16x64xf32, #tpu.memory_space<vmem>> -> memref<16x64xf32, #tpu.memory_space<vmem>>
    %dma_start3A_115 = arith.constant 0 : i32
    %dma_start3A_116 = arith.constant 0 : i32
    %dma_start3A_117 = tpu.memref_slice %arg3[%dma_start3A_115, %dma_start3A_116] : memref<1000000x64xf32, #tpu.memory_space<hbm>> -> memref<1000000x64xf32, #tpu.memory_space<hbm>>
    tpu.enqueue_indirect_dma source(%dma_start3A_117 : memref<1000000x64xf32, #tpu.memory_space<hbm>>) target(%dma_start3A_114 : memref<16x64xf32, #tpu.memory_space<vmem>>) offsets(%get3A_109 : vector<16xi32>) semaphore(%arg8 : memref<!tpu.dma_semaphore, #tpu.memory_space<semaphore_mem>>)
    %get3A_118 = arith.constant 1 : i32
    %get3A_119 = arith.index_cast %get3A_118 : i32 to index
    %get3A_120 = arith.constant 16 : index
    %get3A_121 = tpu.vector_load %arg5[%get3A_119, %get3A_120] {strides = array<i32>} : memref<26x128xi32, #tpu.memory_space<vmem>>, vector<1x16xi32>,
    %get3A_122 = vector.shape_cast %get3A_121 : vector<1x16xi32> to vector<16xi32>
    %dma_start3A_123 = arith.constant 1 : i32
    %dma_start3A_124 = arith.constant 16 : i32
    %dma_start3A_125 = arith.constant 0 : i32
    %dma_start3A_126 = tpu.memref_slice %arg6[%dma_start3A_123, %dma_start3A_124, %dma_start3A_125] : memref<8x128x64xf32, #tpu.memory_space<vmem>> -> memref<1x16x64xf32, #tpu.memory_space<vmem>>
    %dma_start3A_127 = tpu.memref_squeeze %dma_start3A_126 : memref<1x16x64xf32, #tpu.memory_space<vmem>> -> memref<16x64xf32, #tpu.memory_space<vmem>>
    %dma_start3A_128 = arith.constant 0 : i32
    %dma_start3A_129 = arith.constant 0 : i32
    %dma_start3A_130 = tpu.memref_slice %arg3[%dma_start3A_128, %dma_start3A_129] : memref<1000000x64xf32, #tpu.memory_space<hbm>> -> memref<1000000x64xf32, #tpu.memory_space<hbm>>
    tpu.enqueue_indirect_dma source(%dma_start3A_130 : memref<1000000x64xf32, #tpu.memory_space<hbm>>) target(%dma_start3A_127 : memref<16x64xf32, #tpu.memory_space<vmem>>) offsets(%get3A_122 : vector<16xi32>) semaphore(%arg8 : memref<!tpu.dma_semaphore, #tpu.memory_space<semaphore_mem>>)
    %get3A_131 = arith.constant 1 : i32
    %get3A_132 = arith.index_cast %get3A_131 : i32 to index
    %get3A_133 = arith.constant 32 : index
    %get3A_134 = tpu.vector_load %arg5[%get3A_132, %get3A_133] {strides = array<i32>} : memref<26x128xi32, #tpu.memory_space<vmem>>, vector<1x16xi32>,
    %get3A_135 = vector.shape_cast %get3A_134 : vector<1x16xi32> to vector<16xi32>
    %dma_start3A_136 = arith.constant 1 : i32
    %dma_start3A_137 = arith.constant 32 : i32
    %dma_start3A_138 = arith.constant 0 : i32
    %dma_start3A_139 = tpu.memref_slice %arg6[%dma_start3A_136, %dma_start3A_137, %dma_start3A_138] : memref<8x128x64xf32, #tpu.memory_space<vmem>> -> memref<1x16x64xf32, #tpu.memory_space<vmem>>
    %dma_start3A_140 = tpu.memref_squeeze %dma_start3A_139 : memref<1x16x64xf32, #tpu.memory_space<vmem>> -> memref<16x64xf32, #tpu.memory_space<vmem>>
    %dma_start3A_141 = arith.constant 0 : i32
    %dma_start3A_142 = arith.constant 0 : i32
    %dma_start3A_143 = tpu.memref_slice %arg3[%dma_start3A_141, %dma_start3A_142] : memref<1000000x64xf32, #tpu.memory_space<hbm>> -> memref<1000000x64xf32, #tpu.memory_space<hbm>>
    tpu.enqueue_indirect_dma source(%dma_start3A_143 : memref<1000000x64xf32, #tpu.memory_space<hbm>>) target(%dma_start3A_140 : memref<16x64xf32, #tpu.memory_space<vmem>>) offsets(%get3A_135 : vector<16xi32>) semaphore(%arg8 : memref<!tpu.dma_semaphore, #tpu.memory_space<semaphore_mem>>)
    %get3A_144 = arith.constant 1 : i32
    %get3A_145 = arith.index_cast %get3A_144 : i32 to index
    %get3A_146 = arith.constant 48 : index
    %get3A_147 = tpu.vector_load %arg5[%get3A_145, %get3A_146] {strides = array<i32>} : memref<26x128xi32, #tpu.memory_space<vmem>>, vector<1x16xi32>,
    %get3A_148 = vector.shape_cast %get3A_147 : vector<1x16xi32> to vector<16xi32>
    %dma_start3A_149 = arith.constant 1 : i32
    %dma_start3A_150 = arith.constant 48 : i32
    %dma_start3A_151 = arith.constant 0 : i32
    %dma_start3A_152 = tpu.memref_slice %arg6[%dma_start3A_149, %dma_start3A_150, %dma_start3A_151] : memref<8x128x64xf32, #tpu.memory_space<vmem>> -> memref<1x16x64xf32, #tpu.memory_space<vmem>>
    %dma_start3A_153 = tpu.memref_squeeze %dma_start3A_152 : memref<1x16x64xf32, #tpu.memory_space<vmem>> -> memref<16x64xf32, #tpu.memory_space<vmem>>
    %dma_start3A_154 = arith.constant 0 : i32
    %dma_start3A_155 = arith.constant 0 : i32
    %dma_start3A_156 = tpu.memref_slice %arg3[%dma_start3A_154, %dma_start3A_155] : memref<1000000x64xf32, #tpu.memory_space<hbm>> -> memref<1000000x64xf32, #tpu.memory_space<hbm>>
    tpu.enqueue_indirect_dma source(%dma_start3A_156 : memref<1000000x64xf32, #tpu.memory_space<hbm>>) target(%dma_start3A_153 : memref<16x64xf32, #tpu.memory_space<vmem>>) offsets(%get3A_148 : vector<16xi32>) semaphore(%arg8 : memref<!tpu.dma_semaphore, #tpu.memory_space<semaphore_mem>>)
    %get3A_157 = arith.constant 1 : i32
    %get3A_158 = arith.index_cast %get3A_157 : i32 to index
    %get3A_159 = arith.constant 64 : index
    %get3A_160 = tpu.vector_load %arg5[%get3A_158, %get3A_159] {strides = array<i32>} : memref<26x128xi32, #tpu.memory_space<vmem>>, vector<1x16xi32>,
    %get3A_161 = vector.shape_cast %get3A_160 : vector<1x16xi32> to vector<16xi32>
    %dma_start3A_162 = arith.constant 1 : i32
    %dma_start3A_163 = arith.constant 64 : i32
    %dma_start3A_164 = arith.constant 0 : i32
    %dma_start3A_165 = tpu.memref_slice %arg6[%dma_start3A_162, %dma_start3A_163, %dma_start3A_164] : memref<8x128x64xf32, #tpu.memory_space<vmem>> -> memref<1x16x64xf32, #tpu.memory_space<vmem>>
    %dma_start3A_166 = tpu.memref_squeeze %dma_start3A_165 : memref<1x16x64xf32, #tpu.memory_space<vmem>> -> memref<16x64xf32, #tpu.memory_space<vmem>>
    %dma_start3A_167 = arith.constant 0 : i32
    %dma_start3A_168 = arith.constant 0 : i32
    %dma_start3A_169 = tpu.memref_slice %arg3[%dma_start3A_167, %dma_start3A_168] : memref<1000000x64xf32, #tpu.memory_space<hbm>> -> memref<1000000x64xf32, #tpu.memory_space<hbm>>
    tpu.enqueue_indirect_dma source(%dma_start3A_169 : memref<1000000x64xf32, #tpu.memory_space<hbm>>) target(%dma_start3A_166 : memref<16x64xf32, #tpu.memory_space<vmem>>) offsets(%get3A_161 : vector<16xi32>) semaphore(%arg8 : memref<!tpu.dma_semaphore, #tpu.memory_space<semaphore_mem>>)
    %get3A_170 = arith.constant 1 : i32
    %get3A_171 = arith.index_cast %get3A_170 : i32 to index
    %get3A_172 = arith.constant 80 : index
    %get3A_173 = tpu.vector_load %arg5[%get3A_171, %get3A_172] {strides = array<i32>} : memref<26x128xi32, #tpu.memory_space<vmem>>, vector<1x16xi32>,
    %get3A_174 = vector.shape_cast %get3A_173 : vector<1x16xi32> to vector<16xi32>
    %dma_start3A_175 = arith.constant 1 : i32
    %dma_start3A_176 = arith.constant 80 : i32
    %dma_start3A_177 = arith.constant 0 : i32
    %dma_start3A_178 = tpu.memref_slice %arg6[%dma_start3A_175, %dma_start3A_176, %dma_start3A_177] : memref<8x128x64xf32, #tpu.memory_space<vmem>> -> memref<1x16x64xf32, #tpu.memory_space<vmem>>
    %dma_start3A_179 = tpu.memref_squeeze %dma_start3A_178 : memref<1x16x64xf32, #tpu.memory_space<vmem>> -> memref<16x64xf32, #tpu.memory_space<vmem>>
    %dma_start3A_180 = arith.constant 0 : i32
    %dma_start3A_181 = arith.constant 0 : i32
    %dma_start3A_182 = tpu.memref_slice %arg3[%dma_start3A_180, %dma_start3A_181] : memref<1000000x64xf32, #tpu.memory_space<hbm>> -> memref<1000000x64xf32, #tpu.memory_space<hbm>>
    tpu.enqueue_indirect_dma source(%dma_start3A_182 : memref<1000000x64xf32, #tpu.memory_space<hbm>>) target(%dma_start3A_179 : memref<16x64xf32, #tpu.memory_space<vmem>>) offsets(%get3A_174 : vector<16xi32>) semaphore(%arg8 : memref<!tpu.dma_semaphore, #tpu.memory_space<semaphore_mem>>)
    %get3A_183 = arith.constant 1 : i32
    %get3A_184 = arith.index_cast %get3A_183 : i32 to index
    %get3A_185 = arith.constant 96 : index
    %get3A_186 = tpu.vector_load %arg5[%get3A_184, %get3A_185] {strides = array<i32>} : memref<26x128xi32, #tpu.memory_space<vmem>>, vector<1x16xi32>,
    %get3A_187 = vector.shape_cast %get3A_186 : vector<1x16xi32> to vector<16xi32>
    %dma_start3A_188 = arith.constant 1 : i32
    %dma_start3A_189 = arith.constant 96 : i32
    %dma_start3A_190 = arith.constant 0 : i32
    %dma_start3A_191 = tpu.memref_slice %arg6[%dma_start3A_188, %dma_start3A_189, %dma_start3A_190] : memref<8x128x64xf32, #tpu.memory_space<vmem>> -> memref<1x16x64xf32, #tpu.memory_space<vmem>>
    %dma_start3A_192 = tpu.memref_squeeze %dma_start3A_191 : memref<1x16x64xf32, #tpu.memory_space<vmem>> -> memref<16x64xf32, #tpu.memory_space<vmem>>
    %dma_start3A_193 = arith.constant 0 : i32
    %dma_start3A_194 = arith.constant 0 : i32
    %dma_start3A_195 = tpu.memref_slice %arg3[%dma_start3A_193, %dma_start3A_194] : memref<1000000x64xf32, #tpu.memory_space<hbm>> -> memref<1000000x64xf32, #tpu.memory_space<hbm>>
    tpu.enqueue_indirect_dma source(%dma_start3A_195 : memref<1000000x64xf32, #tpu.memory_space<hbm>>) target(%dma_start3A_192 : memref<16x64xf32, #tpu.memory_space<vmem>>) offsets(%get3A_187 : vector<16xi32>) semaphore(%arg8 : memref<!tpu.dma_semaphore, #tpu.memory_space<semaphore_mem>>)
    %get3A_196 = arith.constant 1 : i32
    %get3A_197 = arith.index_cast %get3A_196 : i32 to index
    %get3A_198 = arith.constant 112 : index
    %get3A_199 = tpu.vector_load %arg5[%get3A_197, %get3A_198] {strides = array<i32>} : memref<26x128xi32, #tpu.memory_space<vmem>>, vector<1x16xi32>,
    %get3A_200 = vector.shape_cast %get3A_199 : vector<1x16xi32> to vector<16xi32>
    %dma_start3A_201 = arith.constant 1 : i32
    %dma_start3A_202 = arith.constant 112 : i32
    %dma_start3A_203 = arith.constant 0 : i32
    %dma_start3A_204 = tpu.memref_slice %arg6[%dma_start3A_201, %dma_start3A_202, %dma_start3A_203] : memref<8x128x64xf32, #tpu.memory_space<vmem>> -> memref<1x16x64xf32, #tpu.memory_space<vmem>>
    %dma_start3A_205 = tpu.memref_squeeze %dma_start3A_204 : memref<1x16x64xf32, #tpu.memory_space<vmem>> -> memref<16x64xf32, #tpu.memory_space<vmem>>
    %dma_start3A_206 = arith.constant 0 : i32
    %dma_start3A_207 = arith.constant 0 : i32
    %dma_start3A_208 = tpu.memref_slice %arg3[%dma_start3A_206, %dma_start3A_207] : memref<1000000x64xf32, #tpu.memory_space<hbm>> -> memref<1000000x64xf32, #tpu.memory_space<hbm>>
    tpu.enqueue_indirect_dma source(%dma_start3A_208 : memref<1000000x64xf32, #tpu.memory_space<hbm>>) target(%dma_start3A_205 : memref<16x64xf32, #tpu.memory_space<vmem>>) offsets(%get3A_200 : vector<16xi32>) semaphore(%arg8 : memref<!tpu.dma_semaphore, #tpu.memory_space<semaphore_mem>>)
    %get3A_209 = arith.constant 2 : i32
    %get3A_210 = arith.index_cast %get3A_209 : i32 to index
    %get3A_211 = arith.constant 0 : index
    %get3A_212 = tpu.vector_load %arg5[%get3A_210, %get3A_211] {strides = array<i32>} : memref<26x128xi32, #tpu.memory_space<vmem>>, vector<1x16xi32>,
    %get3A_213 = vector.shape_cast %get3A_212 : vector<1x16xi32> to vector<16xi32>
    %dma_start3A_214 = arith.constant 2 : i32
    %dma_start3A_215 = arith.constant 0 : i32
    %dma_start3A_216 = arith.constant 0 : i32
    %dma_start3A_217 = tpu.memref_slice %arg6[%dma_start3A_214, %dma_start3A_215, %dma_start3A_216] : memref<8x128x64xf32, #tpu.memory_space<vmem>> -> memref<1x16x64xf32, #tpu.memory_space<vmem>>
    %dma_start3A_218 = tpu.memref_squeeze %dma_start3A_217 : memref<1x16x64xf32, #tpu.memory_space<vmem>> -> memref<16x64xf32, #tpu.memory_space<vmem>>
    %dma_start3A_219 = arith.constant 0 : i32
    %dma_start3A_220 = arith.constant 0 : i32
    %dma_start3A_221 = tpu.memref_slice %arg3[%dma_start3A_219, %dma_start3A_220] : memref<1000000x64xf32, #tpu.memory_space<hbm>> -> memref<1000000x64xf32, #tpu.memory_space<hbm>>
    tpu.enqueue_indirect_dma source(%dma_start3A_221 : memref<1000000x64xf32, #tpu.memory_space<hbm>>) target(%dma_start3A_218 : memref<16x64xf32, #tpu.memory_space<vmem>>) offsets(%get3A_213 : vector<16xi32>) semaphore(%arg9 : memref<!tpu.dma_semaphore, #tpu.memory_space<semaphore_mem>>)
    %get3A_222 = arith.constant 2 : i32
    %get3A_223 = arith.index_cast %get3A_222 : i32 to index
    %get3A_224 = arith.constant 16 : index
    %get3A_225 = tpu.vector_load %arg5[%get3A_223, %get3A_224] {strides = array<i32>} : memref<26x128xi32, #tpu.memory_space<vmem>>, vector<1x16xi32>,
    %get3A_226 = vector.shape_cast %get3A_225 : vector<1x16xi32> to vector<16xi32>
    %dma_start3A_227 = arith.constant 2 : i32
    %dma_start3A_228 = arith.constant 16 : i32
    %dma_start3A_229 = arith.constant 0 : i32
    %dma_start3A_230 = tpu.memref_slice %arg6[%dma_start3A_227, %dma_start3A_228, %dma_start3A_229] : memref<8x128x64xf32, #tpu.memory_space<vmem>> -> memref<1x16x64xf32, #tpu.memory_space<vmem>>
    %dma_start3A_231 = tpu.memref_squeeze %dma_start3A_230 : memref<1x16x64xf32, #tpu.memory_space<vmem>> -> memref<16x64xf32, #tpu.memory_space<vmem>>
    %dma_start3A_232 = arith.constant 0 : i32
    %dma_start3A_233 = arith.constant 0 : i32
    %dma_start3A_234 = tpu.memref_slice %arg3[%dma_start3A_232, %dma_start3A_233] : memref<1000000x64xf32, #tpu.memory_space<hbm>> -> memref<1000000x64xf32, #tpu.memory_space<hbm>>
    tpu.enqueue_indirect_dma source(%dma_start3A_234 : memref<1000000x64xf32, #tpu.memory_space<hbm>>) target(%dma_start3A_231 : memref<16x64xf32, #tpu.memory_space<vmem>>) offsets(%get3A_226 : vector<16xi32>) semaphore(%arg9 : memref<!tpu.dma_semaphore, #tpu.memory_space<semaphore_mem>>)
    %get3A_235 = arith.constant 2 : i32
    %get3A_236 = arith.index_cast %get3A_235 : i32 to index
    %get3A_237 = arith.constant 32 : index
    %get3A_238 = tpu.vector_load %arg5[%get3A_236, %get3A_237] {strides = array<i32>} : memref<26x128xi32, #tpu.memory_space<vmem>>, vector<1x16xi32>,
    %get3A_239 = vector.shape_cast %get3A_238 : vector<1x16xi32> to vector<16xi32>
    %dma_start3A_240 = arith.constant 2 : i32
    %dma_start3A_241 = arith.constant 32 : i32
    %dma_start3A_242 = arith.constant 0 : i32
    %dma_start3A_243 = tpu.memref_slice %arg6[%dma_start3A_240, %dma_start3A_241, %dma_start3A_242] : memref<8x128x64xf32, #tpu.memory_space<vmem>> -> memref<1x16x64xf32, #tpu.memory_space<vmem>>
    %dma_start3A_244 = tpu.memref_squeeze %dma_start3A_243 : memref<1x16x64xf32, #tpu.memory_space<vmem>> -> memref<16x64xf32, #tpu.memory_space<vmem>>
    %dma_start3A_245 = arith.constant 0 : i32
    %dma_start3A_246 = arith.constant 0 : i32
    %dma_start3A_247 = tpu.memref_slice %arg3[%dma_start3A_245, %dma_start3A_246] : memref<1000000x64xf32, #tpu.memory_space<hbm>> -> memref<1000000x64xf32, #tpu.memory_space<hbm>>
    tpu.enqueue_indirect_dma source(%dma_start3A_247 : memref<1000000x64xf32, #tpu.memory_space<hbm>>) target(%dma_start3A_244 : memref<16x64xf32, #tpu.memory_space<vmem>>) offsets(%get3A_239 : vector<16xi32>) semaphore(%arg9 : memref<!tpu.dma_semaphore, #tpu.memory_space<semaphore_mem>>)
    %get3A_248 = arith.constant 2 : i32
    %get3A_249 = arith.index_cast %get3A_248 : i32 to index
    %get3A_250 = arith.constant 48 : index
    %get3A_251 = tpu.vector_load %arg5[%get3A_249, %get3A_250] {strides = array<i32>} : memref<26x128xi32, #tpu.memory_space<vmem>>, vector<1x16xi32>,
    %get3A_252 = vector.shape_cast %get3A_251 : vector<1x16xi32> to vector<16xi32>
    %dma_start3A_253 = arith.constant 2 : i32
    %dma_start3A_254 = arith.constant 48 : i32
    %dma_start3A_255 = arith.constant 0 : i32
    %dma_start3A_256 = tpu.memref_slice %arg6[%dma_start3A_253, %dma_start3A_254, %dma_start3A_255] : memref<8x128x64xf32, #tpu.memory_space<vmem>> -> memref<1x16x64xf32, #tpu.memory_space<vmem>>
    %dma_start3A_257 = tpu.memref_squeeze %dma_start3A_256 : memref<1x16x64xf32, #tpu.memory_space<vmem>> -> memref<16x64xf32, #tpu.memory_space<vmem>>
    %dma_start3A_258 = arith.constant 0 : i32
    %dma_start3A_259 = arith.constant 0 : i32
    %dma_start3A_260 = tpu.memref_slice %arg3[%dma_start3A_258, %dma_start3A_259] : memref<1000000x64xf32, #tpu.memory_space<hbm>> -> memref<1000000x64xf32, #tpu.memory_space<hbm>>
    tpu.enqueue_indirect_dma source(%dma_start3A_260 : memref<1000000x64xf32, #tpu.memory_space<hbm>>) target(%dma_start3A_257 : memref<16x64xf32, #tpu.memory_space<vmem>>) offsets(%get3A_252 : vector<16xi32>) semaphore(%arg9 : memref<!tpu.dma_semaphore, #tpu.memory_space<semaphore_mem>>)
    %get3A_261 = arith.constant 2 : i32
    %get3A_262 = arith.index_cast %get3A_261 : i32 to index
    %get3A_263 = arith.constant 64 : index
    %get3A_264 = tpu.vector_load %arg5[%get3A_262, %get3A_263] {strides = array<i32>} : memref<26x128xi32, #tpu.memory_space<vmem>>, vector<1x16xi32>,
    %get3A_265 = vector.shape_cast %get3A_264 : vector<1x16xi32> to vector<16xi32>
    %dma_start3A_266 = arith.constant 2 : i32
    %dma_start3A_267 = arith.constant 64 : i32
    %dma_start3A_268 = arith.constant 0 : i32
    %dma_start3A_269 = tpu.memref_slice %arg6[%dma_start3A_266, %dma_start3A_267, %dma_start3A_268] : memref<8x128x64xf32, #tpu.memory_space<vmem>> -> memref<1x16x64xf32, #tpu.memory_space<vmem>>
    %dma_start3A_270 = tpu.memref_squeeze %dma_start3A_269 : memref<1x16x64xf32, #tpu.memory_space<vmem>> -> memref<16x64xf32, #tpu.memory_space<vmem>>
    %dma_start3A_271 = arith.constant 0 : i32
    %dma_start3A_272 = arith.constant 0 : i32
    %dma_start3A_273 = tpu.memref_slice %arg3[%dma_start3A_271, %dma_start3A_272] : memref<1000000x64xf32, #tpu.memory_space<hbm>> -> memref<1000000x64xf32, #tpu.memory_space<hbm>>
    tpu.enqueue_indirect_dma source(%dma_start3A_273 : memref<1000000x64xf32, #tpu.memory_space<hbm>>) target(%dma_start3A_270 : memref<16x64xf32, #tpu.memory_space<vmem>>) offsets(%get3A_265 : vector<16xi32>) semaphore(%arg9 : memref<!tpu.dma_semaphore, #tpu.memory_space<semaphore_mem>>)
    %get3A_274 = arith.constant 2 : i32
    %get3A_275 = arith.index_cast %get3A_274 : i32 to index
    %get3A_276 = arith.constant 80 : index
    %get3A_277 = tpu.vector_load %arg5[%get3A_275, %get3A_276] {strides = array<i32>} : memref<26x128xi32, #tpu.memory_space<vmem>>, vector<1x16xi32>,
    %get3A_278 = vector.shape_cast %get3A_277 : vector<1x16xi32> to vector<16xi32>
    %dma_start3A_279 = arith.constant 2 : i32
    %dma_start3A_280 = arith.constant 80 : i32
    %dma_start3A_281 = arith.constant 0 : i32
    %dma_start3A_282 = tpu.memref_slice %arg6[%dma_start3A_279, %dma_start3A_280, %dma_start3A_281] : memref<8x128x64xf32, #tpu.memory_space<vmem>> -> memref<1x16x64xf32, #tpu.memory_space<vmem>>
    %dma_start3A_283 = tpu.memref_squeeze %dma_start3A_282 : memref<1x16x64xf32, #tpu.memory_space<vmem>> -> memref<16x64xf32, #tpu.memory_space<vmem>>
    %dma_start3A_284 = arith.constant 0 : i32
    %dma_start3A_285 = arith.constant 0 : i32
    %dma_start3A_286 = tpu.memref_slice %arg3[%dma_start3A_284, %dma_start3A_285] : memref<1000000x64xf32, #tpu.memory_space<hbm>> -> memref<1000000x64xf32, #tpu.memory_space<hbm>>
    tpu.enqueue_indirect_dma source(%dma_start3A_286 : memref<1000000x64xf32, #tpu.memory_space<hbm>>) target(%dma_start3A_283 : memref<16x64xf32, #tpu.memory_space<vmem>>) offsets(%get3A_278 : vector<16xi32>) semaphore(%arg9 : memref<!tpu.dma_semaphore, #tpu.memory_space<semaphore_mem>>)
    %get3A_287 = arith.constant 2 : i32
    %get3A_288 = arith.index_cast %get3A_287 : i32 to index
    %get3A_289 = arith.constant 96 : index
    %get3A_290 = tpu.vector_load %arg5[%get3A_288, %get3A_289] {strides = array<i32>} : memref<26x128xi32, #tpu.memory_space<vmem>>, vector<1x16xi32>,
    %get3A_291 = vector.shape_cast %get3A_290 : vector<1x16xi32> to vector<16xi32>
    %dma_start3A_292 = arith.constant 2 : i32
    %dma_start3A_293 = arith.constant 96 : i32
    %dma_start3A_294 = arith.constant 0 : i32
    %dma_start3A_295 = tpu.memref_slice %arg6[%dma_start3A_292, %dma_start3A_293, %dma_start3A_294] : memref<8x128x64xf32, #tpu.memory_space<vmem>> -> memref<1x16x64xf32, #tpu.memory_space<vmem>>
    %dma_start3A_296 = tpu.memref_squeeze %dma_start3A_295 : memref<1x16x64xf32, #tpu.memory_space<vmem>> -> memref<16x64xf32, #tpu.memory_space<vmem>>
    %dma_start3A_297 = arith.constant 0 : i32
    %dma_start3A_298 = arith.constant 0 : i32
    %dma_start3A_299 = tpu.memref_slice %arg3[%dma_start3A_297, %dma_start3A_298] : memref<1000000x64xf32, #tpu.memory_space<hbm>> -> memref<1000000x64xf32, #tpu.memory_space<hbm>>
    tpu.enqueue_indirect_dma source(%dma_start3A_299 : memref<1000000x64xf32, #tpu.memory_space<hbm>>) target(%dma_start3A_296 : memref<16x64xf32, #tpu.memory_space<vmem>>) offsets(%get3A_291 : vector<16xi32>) semaphore(%arg9 : memref<!tpu.dma_semaphore, #tpu.memory_space<semaphore_mem>>)
    %get3A_300 = arith.constant 2 : i32
    %get3A_301 = arith.index_cast %get3A_300 : i32 to index
    %get3A_302 = arith.constant 112 : index
    %get3A_303 = tpu.vector_load %arg5[%get3A_301, %get3A_302] {strides = array<i32>} : memref<26x128xi32, #tpu.memory_space<vmem>>, vector<1x16xi32>,
    %get3A_304 = vector.shape_cast %get3A_303 : vector<1x16xi32> to vector<16xi32>
    %dma_start3A_305 = arith.constant 2 : i32
    %dma_start3A_306 = arith.constant 112 : i32
    %dma_start3A_307 = arith.constant 0 : i32
    %dma_start3A_308 = tpu.memref_slice %arg6[%dma_start3A_305, %dma_start3A_306, %dma_start3A_307] : memref<8x128x64xf32, #tpu.memory_space<vmem>> -> memref<1x16x64xf32, #tpu.memory_space<vmem>>
    %dma_start3A_309 = tpu.memref_squeeze %dma_start3A_308 : memref<1x16x64xf32, #tpu.memory_space<vmem>> -> memref<16x64xf32, #tpu.memory_space<vmem>>
    %dma_start3A_310 = arith.constant 0 : i32
    %dma_start3A_311 = arith.constant 0 : i32
    %dma_start3A_312 = tpu.memref_slice %arg3[%dma_start3A_310, %dma_start3A_311] : memref<1000000x64xf32, #tpu.memory_space<hbm>> -> memref<1000000x64xf32, #tpu.memory_space<hbm>>
    tpu.enqueue_indirect_dma source(%dma_start3A_312 : memref<1000000x64xf32, #tpu.memory_space<hbm>>) target(%dma_start3A_309 : memref<16x64xf32, #tpu.memory_space<vmem>>) offsets(%get3A_304 : vector<16xi32>) semaphore(%arg9 : memref<!tpu.dma_semaphore, #tpu.memory_space<semaphore_mem>>)
    %get3A_313 = arith.constant 3 : i32
    %get3A_314 = arith.index_cast %get3A_313 : i32 to index
    %get3A_315 = arith.constant 0 : index
    %get3A_316 = tpu.vector_load %arg5[%get3A_314, %get3A_315] {strides = array<i32>} : memref<26x128xi32, #tpu.memory_space<vmem>>, vector<1x16xi32>,
    %get3A_317 = vector.shape_cast %get3A_316 : vector<1x16xi32> to vector<16xi32>
    %dma_start3A_318 = arith.constant 3 : i32
    %dma_start3A_319 = arith.constant 0 : i32
    %dma_start3A_320 = arith.constant 0 : i32
    %dma_start3A_321 = tpu.memref_slice %arg6[%dma_start3A_318, %dma_start3A_319, %dma_start3A_320] : memref<8x128x64xf32, #tpu.memory_space<vmem>> -> memref<1x16x64xf32, #tpu.memory_space<vmem>>
    %dma_start3A_322 = tpu.memref_squeeze %dma_start3A_321 : memref<1x16x64xf32, #tpu.memory_space<vmem>> -> memref<16x64xf32, #tpu.memory_space<vmem>>
    %dma_start3A_323 = arith.constant 0 : i32
    %dma_start3A_324 = arith.constant 0 : i32
    %dma_start3A_325 = tpu.memref_slice %arg3[%dma_start3A_323, %dma_start3A_324] : memref<1000000x64xf32, #tpu.memory_space<hbm>> -> memref<1000000x64xf32, #tpu.memory_space<hbm>>
    tpu.enqueue_indirect_dma source(%dma_start3A_325 : memref<1000000x64xf32, #tpu.memory_space<hbm>>) target(%dma_start3A_322 : memref<16x64xf32, #tpu.memory_space<vmem>>) offsets(%get3A_317 : vector<16xi32>) semaphore(%arg10 : memref<!tpu.dma_semaphore, #tpu.memory_space<semaphore_mem>>)
    %get3A_326 = arith.constant 3 : i32
    %get3A_327 = arith.index_cast %get3A_326 : i32 to index
    %get3A_328 = arith.constant 16 : index
    %get3A_329 = tpu.vector_load %arg5[%get3A_327, %get3A_328] {strides = array<i32>} : memref<26x128xi32, #tpu.memory_space<vmem>>, vector<1x16xi32>,
    %get3A_330 = vector.shape_cast %get3A_329 : vector<1x16xi32> to vector<16xi32>
    %dma_start3A_331 = arith.constant 3 : i32
    %dma_start3A_332 = arith.constant 16 : i32
    %dma_start3A_333 = arith.constant 0 : i32
    %dma_start3A_334 = tpu.memref_slice %arg6[%dma_start3A_331, %dma_start3A_332, %dma_start3A_333] : memref<8x128x64xf32, #tpu.memory_space<vmem>> -> memref<1x16x64xf32, #tpu.memory_space<vmem>>
    %dma_start3A_335 = tpu.memref_squeeze %dma_start3A_334 : memref<1x16x64xf32, #tpu.memory_space<vmem>> -> memref<16x64xf32, #tpu.memory_space<vmem>>
    %dma_start3A_336 = arith.constant 0 : i32
    %dma_start3A_337 = arith.constant 0 : i32
    %dma_start3A_338 = tpu.memref_slice %arg3[%dma_start3A_336, %dma_start3A_337] : memref<1000000x64xf32, #tpu.memory_space<hbm>> -> memref<1000000x64xf32, #tpu.memory_space<hbm>>
    tpu.enqueue_indirect_dma source(%dma_start3A_338 : memref<1000000x64xf32, #tpu.memory_space<hbm>>) target(%dma_start3A_335 : memref<16x64xf32, #tpu.memory_space<vmem>>) offsets(%get3A_330 : vector<16xi32>) semaphore(%arg10 : memref<!tpu.dma_semaphore, #tpu.memory_space<semaphore_mem>>)
    %get3A_339 = arith.constant 3 : i32
    %get3A_340 = arith.index_cast %get3A_339 : i32 to index
    %get3A_341 = arith.constant 32 : index
    %get3A_342 = tpu.vector_load %arg5[%get3A_340, %get3A_341] {strides = array<i32>} : memref<26x128xi32, #tpu.memory_space<vmem>>, vector<1x16xi32>,
    %get3A_343 = vector.shape_cast %get3A_342 : vector<1x16xi32> to vector<16xi32>
    %dma_start3A_344 = arith.constant 3 : i32
    %dma_start3A_345 = arith.constant 32 : i32
    %dma_start3A_346 = arith.constant 0 : i32
    %dma_start3A_347 = tpu.memref_slice %arg6[%dma_start3A_344, %dma_start3A_345, %dma_start3A_346] : memref<8x128x64xf32, #tpu.memory_space<vmem>> -> memref<1x16x64xf32, #tpu.memory_space<vmem>>
    %dma_start3A_348 = tpu.memref_squeeze %dma_start3A_347 : memref<1x16x64xf32, #tpu.memory_space<vmem>> -> memref<16x64xf32, #tpu.memory_space<vmem>>
    %dma_start3A_349 = arith.constant 0 : i32
    %dma_start3A_350 = arith.constant 0 : i32
    %dma_start3A_351 = tpu.memref_slice %arg3[%dma_start3A_349, %dma_start3A_350] : memref<1000000x64xf32, #tpu.memory_space<hbm>> -> memref<1000000x64xf32, #tpu.memory_space<hbm>>
    tpu.enqueue_indirect_dma source(%dma_start3A_351 : memref<1000000x64xf32, #tpu.memory_space<hbm>>) target(%dma_start3A_348 : memref<16x64xf32, #tpu.memory_space<vmem>>) offsets(%get3A_343 : vector<16xi32>) semaphore(%arg10 : memref<!tpu.dma_semaphore, #tpu.memory_space<semaphore_mem>>)
    %get3A_352 = arith.constant 3 : i32
    %get3A_353 = arith.index_cast %get3A_352 : i32 to index
    %get3A_354 = arith.constant 48 : index
    %get3A_355 = tpu.vector_load %arg5[%get3A_353, %get3A_354] {strides = array<i32>} : memref<26x128xi32, #tpu.memory_space<vmem>>, vector<1x16xi32>,
    %get3A_356 = vector.shape_cast %get3A_355 : vector<1x16xi32> to vector<16xi32>
    %dma_start3A_357 = arith.constant 3 : i32
    %dma_start3A_358 = arith.constant 48 : i32
    %dma_start3A_359 = arith.constant 0 : i32
    %dma_start3A_360 = tpu.memref_slice %arg6[%dma_start3A_357, %dma_start3A_358, %dma_start3A_359] : memref<8x128x64xf32, #tpu.memory_space<vmem>> -> memref<1x16x64xf32, #tpu.memory_space<vmem>>
    %dma_start3A_361 = tpu.memref_squeeze %dma_start3A_360 : memref<1x16x64xf32, #tpu.memory_space<vmem>> -> memref<16x64xf32, #tpu.memory_space<vmem>>
    %dma_start3A_362 = arith.constant 0 : i32
    %dma_start3A_363 = arith.constant 0 : i32
    %dma_start3A_364 = tpu.memref_slice %arg3[%dma_start3A_362, %dma_start3A_363] : memref<1000000x64xf32, #tpu.memory_space<hbm>> -> memref<1000000x64xf32, #tpu.memory_space<hbm>>
    tpu.enqueue_indirect_dma source(%dma_start3A_364 : memref<1000000x64xf32, #tpu.memory_space<hbm>>) target(%dma_start3A_361 : memref<16x64xf32, #tpu.memory_space<vmem>>) offsets(%get3A_356 : vector<16xi32>) semaphore(%arg10 : memref<!tpu.dma_semaphore, #tpu.memory_space<semaphore_mem>>)
    %get3A_365 = arith.constant 3 : i32
    %get3A_366 = arith.index_cast %get3A_365 : i32 to index
    %get3A_367 = arith.constant 64 : index
    %get3A_368 = tpu.vector_load %arg5[%get3A_366, %get3A_367] {strides = array<i32>} : memref<26x128xi32, #tpu.memory_space<vmem>>, vector<1x16xi32>,
    %get3A_369 = vector.shape_cast %get3A_368 : vector<1x16xi32> to vector<16xi32>
    %dma_start3A_370 = arith.constant 3 : i32
    %dma_start3A_371 = arith.constant 64 : i32
    %dma_start3A_372 = arith.constant 0 : i32
    %dma_start3A_373 = tpu.memref_slice %arg6[%dma_start3A_370, %dma_start3A_371, %dma_start3A_372] : memref<8x128x64xf32, #tpu.memory_space<vmem>> -> memref<1x16x64xf32, #tpu.memory_space<vmem>>
    %dma_start3A_374 = tpu.memref_squeeze %dma_start3A_373 : memref<1x16x64xf32, #tpu.memory_space<vmem>> -> memref<16x64xf32, #tpu.memory_space<vmem>>
    %dma_start3A_375 = arith.constant 0 : i32
    %dma_start3A_376 = arith.constant 0 : i32
    %dma_start3A_377 = tpu.memref_slice %arg3[%dma_start3A_375, %dma_start3A_376] : memref<1000000x64xf32, #tpu.memory_space<hbm>> -> memref<1000000x64xf32, #tpu.memory_space<hbm>>
    tpu.enqueue_indirect_dma source(%dma_start3A_377 : memref<1000000x64xf32, #tpu.memory_space<hbm>>) target(%dma_start3A_374 : memref<16x64xf32, #tpu.memory_space<vmem>>) offsets(%get3A_369 : vector<16xi32>) semaphore(%arg10 : memref<!tpu.dma_semaphore, #tpu.memory_space<semaphore_mem>>)
    %get3A_378 = arith.constant 3 : i32
    %get3A_379 = arith.index_cast %get3A_378 : i32 to index
    %get3A_380 = arith.constant 80 : index
    %get3A_381 = tpu.vector_load %arg5[%get3A_379, %get3A_380] {strides = array<i32>} : memref<26x128xi32, #tpu.memory_space<vmem>>, vector<1x16xi32>,
    %get3A_382 = vector.shape_cast %get3A_381 : vector<1x16xi32> to vector<16xi32>
    %dma_start3A_383 = arith.constant 3 : i32
    %dma_start3A_384 = arith.constant 80 : i32
    %dma_start3A_385 = arith.constant 0 : i32
    %dma_start3A_386 = tpu.memref_slice %arg6[%dma_start3A_383, %dma_start3A_384, %dma_start3A_385] : memref<8x128x64xf32, #tpu.memory_space<vmem>> -> memref<1x16x64xf32, #tpu.memory_space<vmem>>
    %dma_start3A_387 = tpu.memref_squeeze %dma_start3A_386 : memref<1x16x64xf32, #tpu.memory_space<vmem>> -> memref<16x64xf32, #tpu.memory_space<vmem>>
    %dma_start3A_388 = arith.constant 0 : i32
    %dma_start3A_389 = arith.constant 0 : i32
    %dma_start3A_390 = tpu.memref_slice %arg3[%dma_start3A_388, %dma_start3A_389] : memref<1000000x64xf32, #tpu.memory_space<hbm>> -> memref<1000000x64xf32, #tpu.memory_space<hbm>>
    tpu.enqueue_indirect_dma source(%dma_start3A_390 : memref<1000000x64xf32, #tpu.memory_space<hbm>>) target(%dma_start3A_387 : memref<16x64xf32, #tpu.memory_space<vmem>>) offsets(%get3A_382 : vector<16xi32>) semaphore(%arg10 : memref<!tpu.dma_semaphore, #tpu.memory_space<semaphore_mem>>)
    %get3A_391 = arith.constant 3 : i32
    %get3A_392 = arith.index_cast %get3A_391 : i32 to index
    %get3A_393 = arith.constant 96 : index
    %get3A_394 = tpu.vector_load %arg5[%get3A_392, %get3A_393] {strides = array<i32>} : memref<26x128xi32, #tpu.memory_space<vmem>>, vector<1x16xi32>,
    %get3A_395 = vector.shape_cast %get3A_394 : vector<1x16xi32> to vector<16xi32>
    %dma_start3A_396 = arith.constant 3 : i32
    %dma_start3A_397 = arith.constant 96 : i32
    %dma_start3A_398 = arith.constant 0 : i32
    %dma_start3A_399 = tpu.memref_slice %arg6[%dma_start3A_396, %dma_start3A_397, %dma_start3A_398] : memref<8x128x64xf32, #tpu.memory_space<vmem>> -> memref<1x16x64xf32, #tpu.memory_space<vmem>>
    %dma_start3A_400 = tpu.memref_squeeze %dma_start3A_399 : memref<1x16x64xf32, #tpu.memory_space<vmem>> -> memref<16x64xf32, #tpu.memory_space<vmem>>
    %dma_start3A_401 = arith.constant 0 : i32
    %dma_start3A_402 = arith.constant 0 : i32
    %dma_start3A_403 = tpu.memref_slice %arg3[%dma_start3A_401, %dma_start3A_402] : memref<1000000x64xf32, #tpu.memory_space<hbm>> -> memref<1000000x64xf32, #tpu.memory_space<hbm>>
    tpu.enqueue_indirect_dma source(%dma_start3A_403 : memref<1000000x64xf32, #tpu.memory_space<hbm>>) target(%dma_start3A_400 : memref<16x64xf32, #tpu.memory_space<vmem>>) offsets(%get3A_395 : vector<16xi32>) semaphore(%arg10 : memref<!tpu.dma_semaphore, #tpu.memory_space<semaphore_mem>>)
    %get3A_404 = arith.constant 3 : i32
    %get3A_405 = arith.index_cast %get3A_404 : i32 to index
    %get3A_406 = arith.constant 112 : index
    %get3A_407 = tpu.vector_load %arg5[%get3A_405, %get3A_406] {strides = array<i32>} : memref<26x128xi32, #tpu.memory_space<vmem>>, vector<1x16xi32>,
    %get3A_408 = vector.shape_cast %get3A_407 : vector<1x16xi32> to vector<16xi32>
    %dma_start3A_409 = arith.constant 3 : i32
    %dma_start3A_410 = arith.constant 112 : i32
    %dma_start3A_411 = arith.constant 0 : i32
    %dma_start3A_412 = tpu.memref_slice %arg6[%dma_start3A_409, %dma_start3A_410, %dma_start3A_411] : memref<8x128x64xf32, #tpu.memory_space<vmem>> -> memref<1x16x64xf32, #tpu.memory_space<vmem>>
    %dma_start3A_413 = tpu.memref_squeeze %dma_start3A_412 : memref<1x16x64xf32, #tpu.memory_space<vmem>> -> memref<16x64xf32, #tpu.memory_space<vmem>>
    %dma_start3A_414 = arith.constant 0 : i32
    %dma_start3A_415 = arith.constant 0 : i32
    %dma_start3A_416 = tpu.memref_slice %arg3[%dma_start3A_414, %dma_start3A_415] : memref<1000000x64xf32, #tpu.memory_space<hbm>> -> memref<1000000x64xf32, #tpu.memory_space<hbm>>
    tpu.enqueue_indirect_dma source(%dma_start3A_416 : memref<1000000x64xf32, #tpu.memory_space<hbm>>) target(%dma_start3A_413 : memref<16x64xf32, #tpu.memory_space<vmem>>) offsets(%get3A_408 : vector<16xi32>) semaphore(%arg10 : memref<!tpu.dma_semaphore, #tpu.memory_space<semaphore_mem>>)
    %get3A_417 = arith.constant 4 : i32
    %get3A_418 = arith.index_cast %get3A_417 : i32 to index
    %get3A_419 = arith.constant 0 : index
    %get3A_420 = tpu.vector_load %arg5[%get3A_418, %get3A_419] {strides = array<i32>} : memref<26x128xi32, #tpu.memory_space<vmem>>, vector<1x16xi32>,
    %get3A_421 = vector.shape_cast %get3A_420 : vector<1x16xi32> to vector<16xi32>
    %dma_start3A_422 = arith.constant 4 : i32
    %dma_start3A_423 = arith.constant 0 : i32
    %dma_start3A_424 = arith.constant 0 : i32
    %dma_start3A_425 = tpu.memref_slice %arg6[%dma_start3A_422, %dma_start3A_423, %dma_start3A_424] : memref<8x128x64xf32, #tpu.memory_space<vmem>> -> memref<1x16x64xf32, #tpu.memory_space<vmem>>
    %dma_start3A_426 = tpu.memref_squeeze %dma_start3A_425 : memref<1x16x64xf32, #tpu.memory_space<vmem>> -> memref<16x64xf32, #tpu.memory_space<vmem>>
    %dma_start3A_427 = arith.constant 0 : i32
    %dma_start3A_428 = arith.constant 0 : i32
    %dma_start3A_429 = tpu.memref_slice %arg3[%dma_start3A_427, %dma_start3A_428] : memref<1000000x64xf32, #tpu.memory_space<hbm>> -> memref<1000000x64xf32, #tpu.memory_space<hbm>>
    tpu.enqueue_indirect_dma source(%dma_start3A_429 : memref<1000000x64xf32, #tpu.memory_space<hbm>>) target(%dma_start3A_426 : memref<16x64xf32, #tpu.memory_space<vmem>>) offsets(%get3A_421 : vector<16xi32>) semaphore(%arg11 : memref<!tpu.dma_semaphore, #tpu.memory_space<semaphore_mem>>)
    %get3A_430 = arith.constant 4 : i32
    %get3A_431 = arith.index_cast %get3A_430 : i32 to index
    %get3A_432 = arith.constant 16 : index
    %get3A_433 = tpu.vector_load %arg5[%get3A_431, %get3A_432] {strides = array<i32>} : memref<26x128xi32, #tpu.memory_space<vmem>>, vector<1x16xi32>,
    %get3A_434 = vector.shape_cast %get3A_433 : vector<1x16xi32> to vector<16xi32>
    %dma_start3A_435 = arith.constant 4 : i32
    %dma_start3A_436 = arith.constant 16 : i32
    %dma_start3A_437 = arith.constant 0 : i32
    %dma_start3A_438 = tpu.memref_slice %arg6[%dma_start3A_435, %dma_start3A_436, %dma_start3A_437] : memref<8x128x64xf32, #tpu.memory_space<vmem>> -> memref<1x16x64xf32, #tpu.memory_space<vmem>>
    %dma_start3A_439 = tpu.memref_squeeze %dma_start3A_438 : memref<1x16x64xf32, #tpu.memory_space<vmem>> -> memref<16x64xf32, #tpu.memory_space<vmem>>
    %dma_start3A_440 = arith.constant 0 : i32
    %dma_start3A_441 = arith.constant 0 : i32
    %dma_start3A_442 = tpu.memref_slice %arg3[%dma_start3A_440, %dma_start3A_441] : memref<1000000x64xf32, #tpu.memory_space<hbm>> -> memref<1000000x64xf32, #tpu.memory_space<hbm>>
    tpu.enqueue_indirect_dma source(%dma_start3A_442 : memref<1000000x64xf32, #tpu.memory_space<hbm>>) target(%dma_start3A_439 : memref<16x64xf32, #tpu.memory_space<vmem>>) offsets(%get3A_434 : vector<16xi32>) semaphore(%arg11 : memref<!tpu.dma_semaphore, #tpu.memory_space<semaphore_mem>>)
    %get3A_443 = arith.constant 4 : i32
    %get3A_444 = arith.index_cast %get3A_443 : i32 to index
    %get3A_445 = arith.constant 32 : index
    %get3A_446 = tpu.vector_load %arg5[%get3A_444, %get3A_445] {strides = array<i32>} : memref<26x128xi32, #tpu.memory_space<vmem>>, vector<1x16xi32>,
    %get3A_447 = vector.shape_cast %get3A_446 : vector<1x16xi32> to vector<16xi32>
    %dma_start3A_448 = arith.constant 4 : i32
    %dma_start3A_449 = arith.constant 32 : i32
    %dma_start3A_450 = arith.constant 0 : i32
    %dma_start3A_451 = tpu.memref_slice %arg6[%dma_start3A_448, %dma_start3A_449, %dma_start3A_450] : memref<8x128x64xf32, #tpu.memory_space<vmem>> -> memref<1x16x64xf32, #tpu.memory_space<vmem>>
    %dma_start3A_452 = tpu.memref_squeeze %dma_start3A_451 : memref<1x16x64xf32, #tpu.memory_space<vmem>> -> memref<16x64xf32, #tpu.memory_space<vmem>>
    %dma_start3A_453 = arith.constant 0 : i32
    %dma_start3A_454 = arith.constant 0 : i32
    %dma_start3A_455 = tpu.memref_slice %arg3[%dma_start3A_453, %dma_start3A_454] : memref<1000000x64xf32, #tpu.memory_space<hbm>> -> memref<1000000x64xf32, #tpu.memory_space<hbm>>
    tpu.enqueue_indirect_dma source(%dma_start3A_455 : memref<1000000x64xf32, #tpu.memory_space<hbm>>) target(%dma_start3A_452 : memref<16x64xf32, #tpu.memory_space<vmem>>) offsets(%get3A_447 : vector<16xi32>) semaphore(%arg11 : memref<!tpu.dma_semaphore, #tpu.memory_space<semaphore_mem>>)
    %get3A_456 = arith.constant 4 : i32
    %get3A_457 = arith.index_cast %get3A_456 : i32 to index
    %get3A_458 = arith.constant 48 : index
    %get3A_459 = tpu.vector_load %arg5[%get3A_457, %get3A_458] {strides = array<i32>} : memref<26x128xi32, #tpu.memory_space<vmem>>, vector<1x16xi32>,
    %get3A_460 = vector.shape_cast %get3A_459 : vector<1x16xi32> to vector<16xi32>
    %dma_start3A_461 = arith.constant 4 : i32
    %dma_start3A_462 = arith.constant 48 : i32
    %dma_start3A_463 = arith.constant 0 : i32
    %dma_start3A_464 = tpu.memref_slice %arg6[%dma_start3A_461, %dma_start3A_462, %dma_start3A_463] : memref<8x128x64xf32, #tpu.memory_space<vmem>> -> memref<1x16x64xf32, #tpu.memory_space<vmem>>
    %dma_start3A_465 = tpu.memref_squeeze %dma_start3A_464 : memref<1x16x64xf32, #tpu.memory_space<vmem>> -> memref<16x64xf32, #tpu.memory_space<vmem>>
    %dma_start3A_466 = arith.constant 0 : i32
    %dma_start3A_467 = arith.constant 0 : i32
    %dma_start3A_468 = tpu.memref_slice %arg3[%dma_start3A_466, %dma_start3A_467] : memref<1000000x64xf32, #tpu.memory_space<hbm>> -> memref<1000000x64xf32, #tpu.memory_space<hbm>>
    tpu.enqueue_indirect_dma source(%dma_start3A_468 : memref<1000000x64xf32, #tpu.memory_space<hbm>>) target(%dma_start3A_465 : memref<16x64xf32, #tpu.memory_space<vmem>>) offsets(%get3A_460 : vector<16xi32>) semaphore(%arg11 : memref<!tpu.dma_semaphore, #tpu.memory_space<semaphore_mem>>)
    %get3A_469 = arith.constant 4 : i32
    %get3A_470 = arith.index_cast %get3A_469 : i32 to index
    %get3A_471 = arith.constant 64 : index
    %get3A_472 = tpu.vector_load %arg5[%get3A_470, %get3A_471] {strides = array<i32>} : memref<26x128xi32, #tpu.memory_space<vmem>>, vector<1x16xi32>,
    %get3A_473 = vector.shape_cast %get3A_472 : vector<1x16xi32> to vector<16xi32>
    %dma_start3A_474 = arith.constant 4 : i32
    %dma_start3A_475 = arith.constant 64 : i32
    %dma_start3A_476 = arith.constant 0 : i32
    %dma_start3A_477 = tpu.memref_slice %arg6[%dma_start3A_474, %dma_start3A_475, %dma_start3A_476] : memref<8x128x64xf32, #tpu.memory_space<vmem>> -> memref<1x16x64xf32, #tpu.memory_space<vmem>>
    %dma_start3A_478 = tpu.memref_squeeze %dma_start3A_477 : memref<1x16x64xf32, #tpu.memory_space<vmem>> -> memref<16x64xf32, #tpu.memory_space<vmem>>
    %dma_start3A_479 = arith.constant 0 : i32
    %dma_start3A_480 = arith.constant 0 : i32
    %dma_start3A_481 = tpu.memref_slice %arg3[%dma_start3A_479, %dma_start3A_480] : memref<1000000x64xf32, #tpu.memory_space<hbm>> -> memref<1000000x64xf32, #tpu.memory_space<hbm>>
    tpu.enqueue_indirect_dma source(%dma_start3A_481 : memref<1000000x64xf32, #tpu.memory_space<hbm>>) target(%dma_start3A_478 : memref<16x64xf32, #tpu.memory_space<vmem>>) offsets(%get3A_473 : vector<16xi32>) semaphore(%arg11 : memref<!tpu.dma_semaphore, #tpu.memory_space<semaphore_mem>>)
    %get3A_482 = arith.constant 4 : i32
    %get3A_483 = arith.index_cast %get3A_482 : i32 to index
    %get3A_484 = arith.constant 80 : index
    %get3A_485 = tpu.vector_load %arg5[%get3A_483, %get3A_484] {strides = array<i32>} : memref<26x128xi32, #tpu.memory_space<vmem>>, vector<1x16xi32>,
    %get3A_486 = vector.shape_cast %get3A_485 : vector<1x16xi32> to vector<16xi32>
    %dma_start3A_487 = arith.constant 4 : i32
    %dma_start3A_488 = arith.constant 80 : i32
    %dma_start3A_489 = arith.constant 0 : i32
    %dma_start3A_490 = tpu.memref_slice %arg6[%dma_start3A_487, %dma_start3A_488, %dma_start3A_489] : memref<8x128x64xf32, #tpu.memory_space<vmem>> -> memref<1x16x64xf32, #tpu.memory_space<vmem>>
    %dma_start3A_491 = tpu.memref_squeeze %dma_start3A_490 : memref<1x16x64xf32, #tpu.memory_space<vmem>> -> memref<16x64xf32, #tpu.memory_space<vmem>>
    %dma_start3A_492 = arith.constant 0 : i32
    %dma_start3A_493 = arith.constant 0 : i32
    %dma_start3A_494 = tpu.memref_slice %arg3[%dma_start3A_492, %dma_start3A_493] : memref<1000000x64xf32, #tpu.memory_space<hbm>> -> memref<1000000x64xf32, #tpu.memory_space<hbm>>
    tpu.enqueue_indirect_dma source(%dma_start3A_494 : memref<1000000x64xf32, #tpu.memory_space<hbm>>) target(%dma_start3A_491 : memref<16x64xf32, #tpu.memory_space<vmem>>) offsets(%get3A_486 : vector<16xi32>) semaphore(%arg11 : memref<!tpu.dma_semaphore, #tpu.memory_space<semaphore_mem>>)
    %get3A_495 = arith.constant 4 : i32
    %get3A_496 = arith.index_cast %get3A_495 : i32 to index
    %get3A_497 = arith.constant 96 : index
    %get3A_498 = tpu.vector_load %arg5[%get3A_496, %get3A_497] {strides = array<i32>} : memref<26x128xi32, #tpu.memory_space<vmem>>, vector<1x16xi32>,
    %get3A_499 = vector.shape_cast %get3A_498 : vector<1x16xi32> to vector<16xi32>
    %dma_start3A_500 = arith.constant 4 : i32
    %dma_start3A_501 = arith.constant 96 : i32
    %dma_start3A_502 = arith.constant 0 : i32
    %dma_start3A_503 = tpu.memref_slice %arg6[%dma_start3A_500, %dma_start3A_501, %dma_start3A_502] : memref<8x128x64xf32, #tpu.memory_space<vmem>> -> memref<1x16x64xf32, #tpu.memory_space<vmem>>
    %dma_start3A_504 = tpu.memref_squeeze %dma_start3A_503 : memref<1x16x64xf32, #tpu.memory_space<vmem>> -> memref<16x64xf32, #tpu.memory_space<vmem>>
    %dma_start3A_505 = arith.constant 0 : i32
    %dma_start3A_506 = arith.constant 0 : i32
    %dma_start3A_507 = tpu.memref_slice %arg3[%dma_start3A_505, %dma_start3A_506] : memref<1000000x64xf32, #tpu.memory_space<hbm>> -> memref<1000000x64xf32, #tpu.memory_space<hbm>>
    tpu.enqueue_indirect_dma source(%dma_start3A_507 : memref<1000000x64xf32, #tpu.memory_space<hbm>>) target(%dma_start3A_504 : memref<16x64xf32, #tpu.memory_space<vmem>>) offsets(%get3A_499 : vector<16xi32>) semaphore(%arg11 : memref<!tpu.dma_semaphore, #tpu.memory_space<semaphore_mem>>)
    %get3A_508 = arith.constant 4 : i32
    %get3A_509 = arith.index_cast %get3A_508 : i32 to index
    %get3A_510 = arith.constant 112 : index
    %get3A_511 = tpu.vector_load %arg5[%get3A_509, %get3A_510] {strides = array<i32>} : memref<26x128xi32, #tpu.memory_space<vmem>>, vector<1x16xi32>,
    %get3A_512 = vector.shape_cast %get3A_511 : vector<1x16xi32> to vector<16xi32>
    %dma_start3A_513 = arith.constant 4 : i32
    %dma_start3A_514 = arith.constant 112 : i32
    %dma_start3A_515 = arith.constant 0 : i32
    %dma_start3A_516 = tpu.memref_slice %arg6[%dma_start3A_513, %dma_start3A_514, %dma_start3A_515] : memref<8x128x64xf32, #tpu.memory_space<vmem>> -> memref<1x16x64xf32, #tpu.memory_space<vmem>>
    %dma_start3A_517 = tpu.memref_squeeze %dma_start3A_516 : memref<1x16x64xf32, #tpu.memory_space<vmem>> -> memref<16x64xf32, #tpu.memory_space<vmem>>
    %dma_start3A_518 = arith.constant 0 : i32
    %dma_start3A_519 = arith.constant 0 : i32
    %dma_start3A_520 = tpu.memref_slice %arg3[%dma_start3A_518, %dma_start3A_519] : memref<1000000x64xf32, #tpu.memory_space<hbm>> -> memref<1000000x64xf32, #tpu.memory_space<hbm>>
    tpu.enqueue_indirect_dma source(%dma_start3A_520 : memref<1000000x64xf32, #tpu.memory_space<hbm>>) target(%dma_start3A_517 : memref<16x64xf32, #tpu.memory_space<vmem>>) offsets(%get3A_512 : vector<16xi32>) semaphore(%arg11 : memref<!tpu.dma_semaphore, #tpu.memory_space<semaphore_mem>>)
    %get3A_521 = arith.constant 5 : i32
    %get3A_522 = arith.index_cast %get3A_521 : i32 to index
    %get3A_523 = arith.constant 0 : index
    %get3A_524 = tpu.vector_load %arg5[%get3A_522, %get3A_523] {strides = array<i32>} : memref<26x128xi32, #tpu.memory_space<vmem>>, vector<1x16xi32>,
    %get3A_525 = vector.shape_cast %get3A_524 : vector<1x16xi32> to vector<16xi32>
    %dma_start3A_526 = arith.constant 5 : i32
    %dma_start3A_527 = arith.constant 0 : i32
    %dma_start3A_528 = arith.constant 0 : i32
    %dma_start3A_529 = tpu.memref_slice %arg6[%dma_start3A_526, %dma_start3A_527, %dma_start3A_528] : memref<8x128x64xf32, #tpu.memory_space<vmem>> -> memref<1x16x64xf32, #tpu.memory_space<vmem>>
    %dma_start3A_530 = tpu.memref_squeeze %dma_start3A_529 : memref<1x16x64xf32, #tpu.memory_space<vmem>> -> memref<16x64xf32, #tpu.memory_space<vmem>>
    %dma_start3A_531 = arith.constant 0 : i32
    %dma_start3A_532 = arith.constant 0 : i32
    %dma_start3A_533 = tpu.memref_slice %arg3[%dma_start3A_531, %dma_start3A_532] : memref<1000000x64xf32, #tpu.memory_space<hbm>> -> memref<1000000x64xf32, #tpu.memory_space<hbm>>
    tpu.enqueue_indirect_dma source(%dma_start3A_533 : memref<1000000x64xf32, #tpu.memory_space<hbm>>) target(%dma_start3A_530 : memref<16x64xf32, #tpu.memory_space<vmem>>) offsets(%get3A_525 : vector<16xi32>) semaphore(%arg12 : memref<!tpu.dma_semaphore, #tpu.memory_space<semaphore_mem>>)
    %get3A_534 = arith.constant 5 : i32
    %get3A_535 = arith.index_cast %get3A_534 : i32 to index
    %get3A_536 = arith.constant 16 : index
    %get3A_537 = tpu.vector_load %arg5[%get3A_535, %get3A_536] {strides = array<i32>} : memref<26x128xi32, #tpu.memory_space<vmem>>, vector<1x16xi32>,
    %get3A_538 = vector.shape_cast %get3A_537 : vector<1x16xi32> to vector<16xi32>
    %dma_start3A_539 = arith.constant 5 : i32
    %dma_start3A_540 = arith.constant 16 : i32
    %dma_start3A_541 = arith.constant 0 : i32
    %dma_start3A_542 = tpu.memref_slice %arg6[%dma_start3A_539, %dma_start3A_540, %dma_start3A_541] : memref<8x128x64xf32, #tpu.memory_space<vmem>> -> memref<1x16x64xf32, #tpu.memory_space<vmem>>
    %dma_start3A_543 = tpu.memref_squeeze %dma_start3A_542 : memref<1x16x64xf32, #tpu.memory_space<vmem>> -> memref<16x64xf32, #tpu.memory_space<vmem>>
    %dma_start3A_544 = arith.constant 0 : i32
    %dma_start3A_545 = arith.constant 0 : i32
    %dma_start3A_546 = tpu.memref_slice %arg3[%dma_start3A_544, %dma_start3A_545] : memref<1000000x64xf32, #tpu.memory_space<hbm>> -> memref<1000000x64xf32, #tpu.memory_space<hbm>>
    tpu.enqueue_indirect_dma source(%dma_start3A_546 : memref<1000000x64xf32, #tpu.memory_space<hbm>>) target(%dma_start3A_543 : memref<16x64xf32, #tpu.memory_space<vmem>>) offsets(%get3A_538 : vector<16xi32>) semaphore(%arg12 : memref<!tpu.dma_semaphore, #tpu.memory_space<semaphore_mem>>)
    %get3A_547 = arith.constant 5 : i32
    %get3A_548 = arith.index_cast %get3A_547 : i32 to index
    %get3A_549 = arith.constant 32 : index
    %get3A_550 = tpu.vector_load %arg5[%get3A_548, %get3A_549] {strides = array<i32>} : memref<26x128xi32, #tpu.memory_space<vmem>>, vector<1x16xi32>,
    %get3A_551 = vector.shape_cast %get3A_550 : vector<1x16xi32> to vector<16xi32>
    %dma_start3A_552 = arith.constant 5 : i32
    %dma_start3A_553 = arith.constant 32 : i32
    %dma_start3A_554 = arith.constant 0 : i32
    %dma_start3A_555 = tpu.memref_slice %arg6[%dma_start3A_552, %dma_start3A_553, %dma_start3A_554] : memref<8x128x64xf32, #tpu.memory_space<vmem>> -> memref<1x16x64xf32, #tpu.memory_space<vmem>>
    %dma_start3A_556 = tpu.memref_squeeze %dma_start3A_555 : memref<1x16x64xf32, #tpu.memory_space<vmem>> -> memref<16x64xf32, #tpu.memory_space<vmem>>
    %dma_start3A_557 = arith.constant 0 : i32
    %dma_start3A_558 = arith.constant 0 : i32
    %dma_start3A_559 = tpu.memref_slice %arg3[%dma_start3A_557, %dma_start3A_558] : memref<1000000x64xf32, #tpu.memory_space<hbm>> -> memref<1000000x64xf32, #tpu.memory_space<hbm>>
    tpu.enqueue_indirect_dma source(%dma_start3A_559 : memref<1000000x64xf32, #tpu.memory_space<hbm>>) target(%dma_start3A_556 : memref<16x64xf32, #tpu.memory_space<vmem>>) offsets(%get3A_551 : vector<16xi32>) semaphore(%arg12 : memref<!tpu.dma_semaphore, #tpu.memory_space<semaphore_mem>>)
    %get3A_560 = arith.constant 5 : i32
    %get3A_561 = arith.index_cast %get3A_560 : i32 to index
    %get3A_562 = arith.constant 48 : index
    %get3A_563 = tpu.vector_load %arg5[%get3A_561, %get3A_562] {strides = array<i32>} : memref<26x128xi32, #tpu.memory_space<vmem>>, vector<1x16xi32>,
    %get3A_564 = vector.shape_cast %get3A_563 : vector<1x16xi32> to vector<16xi32>
    %dma_start3A_565 = arith.constant 5 : i32
    %dma_start3A_566 = arith.constant 48 : i32
    %dma_start3A_567 = arith.constant 0 : i32
    %dma_start3A_568 = tpu.memref_slice %arg6[%dma_start3A_565, %dma_start3A_566, %dma_start3A_567] : memref<8x128x64xf32, #tpu.memory_space<vmem>> -> memref<1x16x64xf32, #tpu.memory_space<vmem>>
    %dma_start3A_569 = tpu.memref_squeeze %dma_start3A_568 : memref<1x16x64xf32, #tpu.memory_space<vmem>> -> memref<16x64xf32, #tpu.memory_space<vmem>>
    %dma_start3A_570 = arith.constant 0 : i32
    %dma_start3A_571 = arith.constant 0 : i32
    %dma_start3A_572 = tpu.memref_slice %arg3[%dma_start3A_570, %dma_start3A_571] : memref<1000000x64xf32, #tpu.memory_space<hbm>> -> memref<1000000x64xf32, #tpu.memory_space<hbm>>
    tpu.enqueue_indirect_dma source(%dma_start3A_572 : memref<1000000x64xf32, #tpu.memory_space<hbm>>) target(%dma_start3A_569 : memref<16x64xf32, #tpu.memory_space<vmem>>) offsets(%get3A_564 : vector<16xi32>) semaphore(%arg12 : memref<!tpu.dma_semaphore, #tpu.memory_space<semaphore_mem>>)
    %get3A_573 = arith.constant 5 : i32
    %get3A_574 = arith.index_cast %get3A_573 : i32 to index
    %get3A_575 = arith.constant 64 : index
    %get3A_576 = tpu.vector_load %arg5[%get3A_574, %get3A_575] {strides = array<i32>} : memref<26x128xi32, #tpu.memory_space<vmem>>, vector<1x16xi32>,
    %get3A_577 = vector.shape_cast %get3A_576 : vector<1x16xi32> to vector<16xi32>
    %dma_start3A_578 = arith.constant 5 : i32
    %dma_start3A_579 = arith.constant 64 : i32
    %dma_start3A_580 = arith.constant 0 : i32
    %dma_start3A_581 = tpu.memref_slice %arg6[%dma_start3A_578, %dma_start3A_579, %dma_start3A_580] : memref<8x128x64xf32, #tpu.memory_space<vmem>> -> memref<1x16x64xf32, #tpu.memory_space<vmem>>
    %dma_start3A_582 = tpu.memref_squeeze %dma_start3A_581 : memref<1x16x64xf32, #tpu.memory_space<vmem>> -> memref<16x64xf32, #tpu.memory_space<vmem>>
    %dma_start3A_583 = arith.constant 0 : i32
    %dma_start3A_584 = arith.constant 0 : i32
    %dma_start3A_585 = tpu.memref_slice %arg3[%dma_start3A_583, %dma_start3A_584] : memref<1000000x64xf32, #tpu.memory_space<hbm>> -> memref<1000000x64xf32, #tpu.memory_space<hbm>>
    tpu.enqueue_indirect_dma source(%dma_start3A_585 : memref<1000000x64xf32, #tpu.memory_space<hbm>>) target(%dma_start3A_582 : memref<16x64xf32, #tpu.memory_space<vmem>>) offsets(%get3A_577 : vector<16xi32>) semaphore(%arg12 : memref<!tpu.dma_semaphore, #tpu.memory_space<semaphore_mem>>)
    %get3A_586 = arith.constant 5 : i32
    %get3A_587 = arith.index_cast %get3A_586 : i32 to index
    %get3A_588 = arith.constant 80 : index
    %get3A_589 = tpu.vector_load %arg5[%get3A_587, %get3A_588] {strides = array<i32>} : memref<26x128xi32, #tpu.memory_space<vmem>>, vector<1x16xi32>,
    %get3A_590 = vector.shape_cast %get3A_589 : vector<1x16xi32> to vector<16xi32>
    %dma_start3A_591 = arith.constant 5 : i32
    %dma_start3A_592 = arith.constant 80 : i32
    %dma_start3A_593 = arith.constant 0 : i32
    %dma_start3A_594 = tpu.memref_slice %arg6[%dma_start3A_591, %dma_start3A_592, %dma_start3A_593] : memref<8x128x64xf32, #tpu.memory_space<vmem>> -> memref<1x16x64xf32, #tpu.memory_space<vmem>>
    %dma_start3A_595 = tpu.memref_squeeze %dma_start3A_594 : memref<1x16x64xf32, #tpu.memory_space<vmem>> -> memref<16x64xf32, #tpu.memory_space<vmem>>
    %dma_start3A_596 = arith.constant 0 : i32
    %dma_start3A_597 = arith.constant 0 : i32
    %dma_start3A_598 = tpu.memref_slice %arg3[%dma_start3A_596, %dma_start3A_597] : memref<1000000x64xf32, #tpu.memory_space<hbm>> -> memref<1000000x64xf32, #tpu.memory_space<hbm>>
    tpu.enqueue_indirect_dma source(%dma_start3A_598 : memref<1000000x64xf32, #tpu.memory_space<hbm>>) target(%dma_start3A_595 : memref<16x64xf32, #tpu.memory_space<vmem>>) offsets(%get3A_590 : vector<16xi32>) semaphore(%arg12 : memref<!tpu.dma_semaphore, #tpu.memory_space<semaphore_mem>>)
    %get3A_599 = arith.constant 5 : i32
    %get3A_600 = arith.index_cast %get3A_599 : i32 to index
    %get3A_601 = arith.constant 96 : index
    %get3A_602 = tpu.vector_load %arg5[%get3A_600, %get3A_601] {strides = array<i32>} : memref<26x128xi32, #tpu.memory_space<vmem>>, vector<1x16xi32>,
    %get3A_603 = vector.shape_cast %get3A_602 : vector<1x16xi32> to vector<16xi32>
    %dma_start3A_604 = arith.constant 5 : i32
    %dma_start3A_605 = arith.constant 96 : i32
    %dma_start3A_606 = arith.constant 0 : i32
    %dma_start3A_607 = tpu.memref_slice %arg6[%dma_start3A_604, %dma_start3A_605, %dma_start3A_606] : memref<8x128x64xf32, #tpu.memory_space<vmem>> -> memref<1x16x64xf32, #tpu.memory_space<vmem>>
    %dma_start3A_608 = tpu.memref_squeeze %dma_start3A_607 : memref<1x16x64xf32, #tpu.memory_space<vmem>> -> memref<16x64xf32, #tpu.memory_space<vmem>>
    %dma_start3A_609 = arith.constant 0 : i32
    %dma_start3A_610 = arith.constant 0 : i32
    %dma_start3A_611 = tpu.memref_slice %arg3[%dma_start3A_609, %dma_start3A_610] : memref<1000000x64xf32, #tpu.memory_space<hbm>> -> memref<1000000x64xf32, #tpu.memory_space<hbm>>
    tpu.enqueue_indirect_dma source(%dma_start3A_611 : memref<1000000x64xf32, #tpu.memory_space<hbm>>) target(%dma_start3A_608 : memref<16x64xf32, #tpu.memory_space<vmem>>) offsets(%get3A_603 : vector<16xi32>) semaphore(%arg12 : memref<!tpu.dma_semaphore, #tpu.memory_space<semaphore_mem>>)
    %get3A_612 = arith.constant 5 : i32
    %get3A_613 = arith.index_cast %get3A_612 : i32 to index
    %get3A_614 = arith.constant 112 : index
    %get3A_615 = tpu.vector_load %arg5[%get3A_613, %get3A_614] {strides = array<i32>} : memref<26x128xi32, #tpu.memory_space<vmem>>, vector<1x16xi32>,
    %get3A_616 = vector.shape_cast %get3A_615 : vector<1x16xi32> to vector<16xi32>
    %dma_start3A_617 = arith.constant 5 : i32
    %dma_start3A_618 = arith.constant 112 : i32
    %dma_start3A_619 = arith.constant 0 : i32
    %dma_start3A_620 = tpu.memref_slice %arg6[%dma_start3A_617, %dma_start3A_618, %dma_start3A_619] : memref<8x128x64xf32, #tpu.memory_space<vmem>> -> memref<1x16x64xf32, #tpu.memory_space<vmem>>
    %dma_start3A_621 = tpu.memref_squeeze %dma_start3A_620 : memref<1x16x64xf32, #tpu.memory_space<vmem>> -> memref<16x64xf32, #tpu.memory_space<vmem>>
    %dma_start3A_622 = arith.constant 0 : i32
    %dma_start3A_623 = arith.constant 0 : i32
    %dma_start3A_624 = tpu.memref_slice %arg3[%dma_start3A_622, %dma_start3A_623] : memref<1000000x64xf32, #tpu.memory_space<hbm>> -> memref<1000000x64xf32, #tpu.memory_space<hbm>>
    tpu.enqueue_indirect_dma source(%dma_start3A_624 : memref<1000000x64xf32, #tpu.memory_space<hbm>>) target(%dma_start3A_621 : memref<16x64xf32, #tpu.memory_space<vmem>>) offsets(%get3A_616 : vector<16xi32>) semaphore(%arg12 : memref<!tpu.dma_semaphore, #tpu.memory_space<semaphore_mem>>)
    %get3A_625 = arith.constant 6 : i32
    %get3A_626 = arith.index_cast %get3A_625 : i32 to index
    %get3A_627 = arith.constant 0 : index
    %get3A_628 = tpu.vector_load %arg5[%get3A_626, %get3A_627] {strides = array<i32>} : memref<26x128xi32, #tpu.memory_space<vmem>>, vector<1x16xi32>,
    %get3A_629 = vector.shape_cast %get3A_628 : vector<1x16xi32> to vector<16xi32>
    %dma_start3A_630 = arith.constant 6 : i32
    %dma_start3A_631 = arith.constant 0 : i32
    %dma_start3A_632 = arith.constant 0 : i32
    %dma_start3A_633 = tpu.memref_slice %arg6[%dma_start3A_630, %dma_start3A_631, %dma_start3A_632] : memref<8x128x64xf32, #tpu.memory_space<vmem>> -> memref<1x16x64xf32, #tpu.memory_space<vmem>>
    %dma_start3A_634 = tpu.memref_squeeze %dma_start3A_633 : memref<1x16x64xf32, #tpu.memory_space<vmem>> -> memref<16x64xf32, #tpu.memory_space<vmem>>
    %dma_start3A_635 = arith.constant 0 : i32
    %dma_start3A_636 = arith.constant 0 : i32
    %dma_start3A_637 = tpu.memref_slice %arg3[%dma_start3A_635, %dma_start3A_636] : memref<1000000x64xf32, #tpu.memory_space<hbm>> -> memref<1000000x64xf32, #tpu.memory_space<hbm>>
    tpu.enqueue_indirect_dma source(%dma_start3A_637 : memref<1000000x64xf32, #tpu.memory_space<hbm>>) target(%dma_start3A_634 : memref<16x64xf32, #tpu.memory_space<vmem>>) offsets(%get3A_629 : vector<16xi32>) semaphore(%arg13 : memref<!tpu.dma_semaphore, #tpu.memory_space<semaphore_mem>>)
    %get3A_638 = arith.constant 6 : i32
    %get3A_639 = arith.index_cast %get3A_638 : i32 to index
    %get3A_640 = arith.constant 16 : index
    %get3A_641 = tpu.vector_load %arg5[%get3A_639, %get3A_640] {strides = array<i32>} : memref<26x128xi32, #tpu.memory_space<vmem>>, vector<1x16xi32>,
    %get3A_642 = vector.shape_cast %get3A_641 : vector<1x16xi32> to vector<16xi32>
    %dma_start3A_643 = arith.constant 6 : i32
    %dma_start3A_644 = arith.constant 16 : i32
    %dma_start3A_645 = arith.constant 0 : i32
    %dma_start3A_646 = tpu.memref_slice %arg6[%dma_start3A_643, %dma_start3A_644, %dma_start3A_645] : memref<8x128x64xf32, #tpu.memory_space<vmem>> -> memref<1x16x64xf32, #tpu.memory_space<vmem>>
    %dma_start3A_647 = tpu.memref_squeeze %dma_start3A_646 : memref<1x16x64xf32, #tpu.memory_space<vmem>> -> memref<16x64xf32, #tpu.memory_space<vmem>>
    %dma_start3A_648 = arith.constant 0 : i32
    %dma_start3A_649 = arith.constant 0 : i32
    %dma_start3A_650 = tpu.memref_slice %arg3[%dma_start3A_648, %dma_start3A_649] : memref<1000000x64xf32, #tpu.memory_space<hbm>> -> memref<1000000x64xf32, #tpu.memory_space<hbm>>
    tpu.enqueue_indirect_dma source(%dma_start3A_650 : memref<1000000x64xf32, #tpu.memory_space<hbm>>) target(%dma_start3A_647 : memref<16x64xf32, #tpu.memory_space<vmem>>) offsets(%get3A_642 : vector<16xi32>) semaphore(%arg13 : memref<!tpu.dma_semaphore, #tpu.memory_space<semaphore_mem>>)
    %get3A_651 = arith.constant 6 : i32
    %get3A_652 = arith.index_cast %get3A_651 : i32 to index
    %get3A_653 = arith.constant 32 : index
    %get3A_654 = tpu.vector_load %arg5[%get3A_652, %get3A_653] {strides = array<i32>} : memref<26x128xi32, #tpu.memory_space<vmem>>, vector<1x16xi32>,
    %get3A_655 = vector.shape_cast %get3A_654 : vector<1x16xi32> to vector<16xi32>
    %dma_start3A_656 = arith.constant 6 : i32
    %dma_start3A_657 = arith.constant 32 : i32
    %dma_start3A_658 = arith.constant 0 : i32
    %dma_start3A_659 = tpu.memref_slice %arg6[%dma_start3A_656, %dma_start3A_657, %dma_start3A_658] : memref<8x128x64xf32, #tpu.memory_space<vmem>> -> memref<1x16x64xf32, #tpu.memory_space<vmem>>
    %dma_start3A_660 = tpu.memref_squeeze %dma_start3A_659 : memref<1x16x64xf32, #tpu.memory_space<vmem>> -> memref<16x64xf32, #tpu.memory_space<vmem>>
    %dma_start3A_661 = arith.constant 0 : i32
    %dma_start3A_662 = arith.constant 0 : i32
    %dma_start3A_663 = tpu.memref_slice %arg3[%dma_start3A_661, %dma_start3A_662] : memref<1000000x64xf32, #tpu.memory_space<hbm>> -> memref<1000000x64xf32, #tpu.memory_space<hbm>>
    tpu.enqueue_indirect_dma source(%dma_start3A_663 : memref<1000000x64xf32, #tpu.memory_space<hbm>>) target(%dma_start3A_660 : memref<16x64xf32, #tpu.memory_space<vmem>>) offsets(%get3A_655 : vector<16xi32>) semaphore(%arg13 : memref<!tpu.dma_semaphore, #tpu.memory_space<semaphore_mem>>)
    %get3A_664 = arith.constant 6 : i32
    %get3A_665 = arith.index_cast %get3A_664 : i32 to index
    %get3A_666 = arith.constant 48 : index
    %get3A_667 = tpu.vector_load %arg5[%get3A_665, %get3A_666] {strides = array<i32>} : memref<26x128xi32, #tpu.memory_space<vmem>>, vector<1x16xi32>,
    %get3A_668 = vector.shape_cast %get3A_667 : vector<1x16xi32> to vector<16xi32>
    %dma_start3A_669 = arith.constant 6 : i32
    %dma_start3A_670 = arith.constant 48 : i32
    %dma_start3A_671 = arith.constant 0 : i32
    %dma_start3A_672 = tpu.memref_slice %arg6[%dma_start3A_669, %dma_start3A_670, %dma_start3A_671] : memref<8x128x64xf32, #tpu.memory_space<vmem>> -> memref<1x16x64xf32, #tpu.memory_space<vmem>>
    %dma_start3A_673 = tpu.memref_squeeze %dma_start3A_672 : memref<1x16x64xf32, #tpu.memory_space<vmem>> -> memref<16x64xf32, #tpu.memory_space<vmem>>
    %dma_start3A_674 = arith.constant 0 : i32
    %dma_start3A_675 = arith.constant 0 : i32
    %dma_start3A_676 = tpu.memref_slice %arg3[%dma_start3A_674, %dma_start3A_675] : memref<1000000x64xf32, #tpu.memory_space<hbm>> -> memref<1000000x64xf32, #tpu.memory_space<hbm>>
    tpu.enqueue_indirect_dma source(%dma_start3A_676 : memref<1000000x64xf32, #tpu.memory_space<hbm>>) target(%dma_start3A_673 : memref<16x64xf32, #tpu.memory_space<vmem>>) offsets(%get3A_668 : vector<16xi32>) semaphore(%arg13 : memref<!tpu.dma_semaphore, #tpu.memory_space<semaphore_mem>>)
    %get3A_677 = arith.constant 6 : i32
    %get3A_678 = arith.index_cast %get3A_677 : i32 to index
    %get3A_679 = arith.constant 64 : index
    %get3A_680 = tpu.vector_load %arg5[%get3A_678, %get3A_679] {strides = array<i32>} : memref<26x128xi32, #tpu.memory_space<vmem>>, vector<1x16xi32>,
    %get3A_681 = vector.shape_cast %get3A_680 : vector<1x16xi32> to vector<16xi32>
    %dma_start3A_682 = arith.constant 6 : i32
    %dma_start3A_683 = arith.constant 64 : i32
    %dma_start3A_684 = arith.constant 0 : i32
    %dma_start3A_685 = tpu.memref_slice %arg6[%dma_start3A_682, %dma_start3A_683, %dma_start3A_684] : memref<8x128x64xf32, #tpu.memory_space<vmem>> -> memref<1x16x64xf32, #tpu.memory_space<vmem>>
    %dma_start3A_686 = tpu.memref_squeeze %dma_start3A_685 : memref<1x16x64xf32, #tpu.memory_space<vmem>> -> memref<16x64xf32, #tpu.memory_space<vmem>>
    %dma_start3A_687 = arith.constant 0 : i32
    %dma_start3A_688 = arith.constant 0 : i32
    %dma_start3A_689 = tpu.memref_slice %arg3[%dma_start3A_687, %dma_start3A_688] : memref<1000000x64xf32, #tpu.memory_space<hbm>> -> memref<1000000x64xf32, #tpu.memory_space<hbm>>
    tpu.enqueue_indirect_dma source(%dma_start3A_689 : memref<1000000x64xf32, #tpu.memory_space<hbm>>) target(%dma_start3A_686 : memref<16x64xf32, #tpu.memory_space<vmem>>) offsets(%get3A_681 : vector<16xi32>) semaphore(%arg13 : memref<!tpu.dma_semaphore, #tpu.memory_space<semaphore_mem>>)
    %get3A_690 = arith.constant 6 : i32
    %get3A_691 = arith.index_cast %get3A_690 : i32 to index
    %get3A_692 = arith.constant 80 : index
    %get3A_693 = tpu.vector_load %arg5[%get3A_691, %get3A_692] {strides = array<i32>} : memref<26x128xi32, #tpu.memory_space<vmem>>, vector<1x16xi32>,
    %get3A_694 = vector.shape_cast %get3A_693 : vector<1x16xi32> to vector<16xi32>
    %dma_start3A_695 = arith.constant 6 : i32
    %dma_start3A_696 = arith.constant 80 : i32
    %dma_start3A_697 = arith.constant 0 : i32
    %dma_start3A_698 = tpu.memref_slice %arg6[%dma_start3A_695, %dma_start3A_696, %dma_start3A_697] : memref<8x128x64xf32, #tpu.memory_space<vmem>> -> memref<1x16x64xf32, #tpu.memory_space<vmem>>
    %dma_start3A_699 = tpu.memref_squeeze %dma_start3A_698 : memref<1x16x64xf32, #tpu.memory_space<vmem>> -> memref<16x64xf32, #tpu.memory_space<vmem>>
    %dma_start3A_700 = arith.constant 0 : i32
    %dma_start3A_701 = arith.constant 0 : i32
    %dma_start3A_702 = tpu.memref_slice %arg3[%dma_start3A_700, %dma_start3A_701] : memref<1000000x64xf32, #tpu.memory_space<hbm>> -> memref<1000000x64xf32, #tpu.memory_space<hbm>>
    tpu.enqueue_indirect_dma source(%dma_start3A_702 : memref<1000000x64xf32, #tpu.memory_space<hbm>>) target(%dma_start3A_699 : memref<16x64xf32, #tpu.memory_space<vmem>>) offsets(%get3A_694 : vector<16xi32>) semaphore(%arg13 : memref<!tpu.dma_semaphore, #tpu.memory_space<semaphore_mem>>)
    %get3A_703 = arith.constant 6 : i32
    %get3A_704 = arith.index_cast %get3A_703 : i32 to index
    %get3A_705 = arith.constant 96 : index
    %get3A_706 = tpu.vector_load %arg5[%get3A_704, %get3A_705] {strides = array<i32>} : memref<26x128xi32, #tpu.memory_space<vmem>>, vector<1x16xi32>,
    %get3A_707 = vector.shape_cast %get3A_706 : vector<1x16xi32> to vector<16xi32>
    %dma_start3A_708 = arith.constant 6 : i32
    %dma_start3A_709 = arith.constant 96 : i32
    %dma_start3A_710 = arith.constant 0 : i32
    %dma_start3A_711 = tpu.memref_slice %arg6[%dma_start3A_708, %dma_start3A_709, %dma_start3A_710] : memref<8x128x64xf32, #tpu.memory_space<vmem>> -> memref<1x16x64xf32, #tpu.memory_space<vmem>>
    %dma_start3A_712 = tpu.memref_squeeze %dma_start3A_711 : memref<1x16x64xf32, #tpu.memory_space<vmem>> -> memref<16x64xf32, #tpu.memory_space<vmem>>
    %dma_start3A_713 = arith.constant 0 : i32
    %dma_start3A_714 = arith.constant 0 : i32
    %dma_start3A_715 = tpu.memref_slice %arg3[%dma_start3A_713, %dma_start3A_714] : memref<1000000x64xf32, #tpu.memory_space<hbm>> -> memref<1000000x64xf32, #tpu.memory_space<hbm>>
    tpu.enqueue_indirect_dma source(%dma_start3A_715 : memref<1000000x64xf32, #tpu.memory_space<hbm>>) target(%dma_start3A_712 : memref<16x64xf32, #tpu.memory_space<vmem>>) offsets(%get3A_707 : vector<16xi32>) semaphore(%arg13 : memref<!tpu.dma_semaphore, #tpu.memory_space<semaphore_mem>>)
    %get3A_716 = arith.constant 6 : i32
    %get3A_717 = arith.index_cast %get3A_716 : i32 to index
    %get3A_718 = arith.constant 112 : index
    %get3A_719 = tpu.vector_load %arg5[%get3A_717, %get3A_718] {strides = array<i32>} : memref<26x128xi32, #tpu.memory_space<vmem>>, vector<1x16xi32>,
    %get3A_720 = vector.shape_cast %get3A_719 : vector<1x16xi32> to vector<16xi32>
    %dma_start3A_721 = arith.constant 6 : i32
    %dma_start3A_722 = arith.constant 112 : i32
    %dma_start3A_723 = arith.constant 0 : i32
    %dma_start3A_724 = tpu.memref_slice %arg6[%dma_start3A_721, %dma_start3A_722, %dma_start3A_723] : memref<8x128x64xf32, #tpu.memory_space<vmem>> -> memref<1x16x64xf32, #tpu.memory_space<vmem>>
    %dma_start3A_725 = tpu.memref_squeeze %dma_start3A_724 : memref<1x16x64xf32, #tpu.memory_space<vmem>> -> memref<16x64xf32, #tpu.memory_space<vmem>>
    %dma_start3A_726 = arith.constant 0 : i32
    %dma_start3A_727 = arith.constant 0 : i32
    %dma_start3A_728 = tpu.memref_slice %arg3[%dma_start3A_726, %dma_start3A_727] : memref<1000000x64xf32, #tpu.memory_space<hbm>> -> memref<1000000x64xf32, #tpu.memory_space<hbm>>
    tpu.enqueue_indirect_dma source(%dma_start3A_728 : memref<1000000x64xf32, #tpu.memory_space<hbm>>) target(%dma_start3A_725 : memref<16x64xf32, #tpu.memory_space<vmem>>) offsets(%get3A_720 : vector<16xi32>) semaphore(%arg13 : memref<!tpu.dma_semaphore, #tpu.memory_space<semaphore_mem>>)
    %get3A_729 = arith.constant 7 : i32
    %get3A_730 = arith.index_cast %get3A_729 : i32 to index
    %get3A_731 = arith.constant 0 : index
    %get3A_732 = tpu.vector_load %arg5[%get3A_730, %get3A_731] {strides = array<i32>} : memref<26x128xi32, #tpu.memory_space<vmem>>, vector<1x16xi32>,
    %get3A_733 = vector.shape_cast %get3A_732 : vector<1x16xi32> to vector<16xi32>
    %dma_start3A_734 = arith.constant 7 : i32
    %dma_start3A_735 = arith.constant 0 : i32
    %dma_start3A_736 = arith.constant 0 : i32
    %dma_start3A_737 = tpu.memref_slice %arg6[%dma_start3A_734, %dma_start3A_735, %dma_start3A_736] : memref<8x128x64xf32, #tpu.memory_space<vmem>> -> memref<1x16x64xf32, #tpu.memory_space<vmem>>
    %dma_start3A_738 = tpu.memref_squeeze %dma_start3A_737 : memref<1x16x64xf32, #tpu.memory_space<vmem>> -> memref<16x64xf32, #tpu.memory_space<vmem>>
    %dma_start3A_739 = arith.constant 0 : i32
    %dma_start3A_740 = arith.constant 0 : i32
    %dma_start3A_741 = tpu.memref_slice %arg3[%dma_start3A_739, %dma_start3A_740] : memref<1000000x64xf32, #tpu.memory_space<hbm>> -> memref<1000000x64xf32, #tpu.memory_space<hbm>>
    tpu.enqueue_indirect_dma source(%dma_start3A_741 : memref<1000000x64xf32, #tpu.memory_space<hbm>>) target(%dma_start3A_738 : memref<16x64xf32, #tpu.memory_space<vmem>>) offsets(%get3A_733 : vector<16xi32>) semaphore(%arg14 : memref<!tpu.dma_semaphore, #tpu.memory_space<semaphore_mem>>)
    %get3A_742 = arith.constant 7 : i32
    %get3A_743 = arith.index_cast %get3A_742 : i32 to index
    %get3A_744 = arith.constant 16 : index
    %get3A_745 = tpu.vector_load %arg5[%get3A_743, %get3A_744] {strides = array<i32>} : memref<26x128xi32, #tpu.memory_space<vmem>>, vector<1x16xi32>,
    %get3A_746 = vector.shape_cast %get3A_745 : vector<1x16xi32> to vector<16xi32>
    %dma_start3A_747 = arith.constant 7 : i32
    %dma_start3A_748 = arith.constant 16 : i32
    %dma_start3A_749 = arith.constant 0 : i32
    %dma_start3A_750 = tpu.memref_slice %arg6[%dma_start3A_747, %dma_start3A_748, %dma_start3A_749] : memref<8x128x64xf32, #tpu.memory_space<vmem>> -> memref<1x16x64xf32, #tpu.memory_space<vmem>>
    %dma_start3A_751 = tpu.memref_squeeze %dma_start3A_750 : memref<1x16x64xf32, #tpu.memory_space<vmem>> -> memref<16x64xf32, #tpu.memory_space<vmem>>
    %dma_start3A_752 = arith.constant 0 : i32
    %dma_start3A_753 = arith.constant 0 : i32
    %dma_start3A_754 = tpu.memref_slice %arg3[%dma_start3A_752, %dma_start3A_753] : memref<1000000x64xf32, #tpu.memory_space<hbm>> -> memref<1000000x64xf32, #tpu.memory_space<hbm>>
    tpu.enqueue_indirect_dma source(%dma_start3A_754 : memref<1000000x64xf32, #tpu.memory_space<hbm>>) target(%dma_start3A_751 : memref<16x64xf32, #tpu.memory_space<vmem>>) offsets(%get3A_746 : vector<16xi32>) semaphore(%arg14 : memref<!tpu.dma_semaphore, #tpu.memory_space<semaphore_mem>>)
    %get3A_755 = arith.constant 7 : i32
    %get3A_756 = arith.index_cast %get3A_755 : i32 to index
    %get3A_757 = arith.constant 32 : index
    %get3A_758 = tpu.vector_load %arg5[%get3A_756, %get3A_757] {strides = array<i32>} : memref<26x128xi32, #tpu.memory_space<vmem>>, vector<1x16xi32>,
    %get3A_759 = vector.shape_cast %get3A_758 : vector<1x16xi32> to vector<16xi32>
    %dma_start3A_760 = arith.constant 7 : i32
    %dma_start3A_761 = arith.constant 32 : i32
    %dma_start3A_762 = arith.constant 0 : i32
    %dma_start3A_763 = tpu.memref_slice %arg6[%dma_start3A_760, %dma_start3A_761, %dma_start3A_762] : memref<8x128x64xf32, #tpu.memory_space<vmem>> -> memref<1x16x64xf32, #tpu.memory_space<vmem>>
    %dma_start3A_764 = tpu.memref_squeeze %dma_start3A_763 : memref<1x16x64xf32, #tpu.memory_space<vmem>> -> memref<16x64xf32, #tpu.memory_space<vmem>>
    %dma_start3A_765 = arith.constant 0 : i32
    %dma_start3A_766 = arith.constant 0 : i32
    %dma_start3A_767 = tpu.memref_slice %arg3[%dma_start3A_765, %dma_start3A_766] : memref<1000000x64xf32, #tpu.memory_space<hbm>> -> memref<1000000x64xf32, #tpu.memory_space<hbm>>
    tpu.enqueue_indirect_dma source(%dma_start3A_767 : memref<1000000x64xf32, #tpu.memory_space<hbm>>) target(%dma_start3A_764 : memref<16x64xf32, #tpu.memory_space<vmem>>) offsets(%get3A_759 : vector<16xi32>) semaphore(%arg14 : memref<!tpu.dma_semaphore, #tpu.memory_space<semaphore_mem>>)
    %get3A_768 = arith.constant 7 : i32
    %get3A_769 = arith.index_cast %get3A_768 : i32 to index
    %get3A_770 = arith.constant 48 : index
    %get3A_771 = tpu.vector_load %arg5[%get3A_769, %get3A_770] {strides = array<i32>} : memref<26x128xi32, #tpu.memory_space<vmem>>, vector<1x16xi32>,
    %get3A_772 = vector.shape_cast %get3A_771 : vector<1x16xi32> to vector<16xi32>
    %dma_start3A_773 = arith.constant 7 : i32
    %dma_start3A_774 = arith.constant 48 : i32
    %dma_start3A_775 = arith.constant 0 : i32
    %dma_start3A_776 = tpu.memref_slice %arg6[%dma_start3A_773, %dma_start3A_774, %dma_start3A_775] : memref<8x128x64xf32, #tpu.memory_space<vmem>> -> memref<1x16x64xf32, #tpu.memory_space<vmem>>
    %dma_start3A_777 = tpu.memref_squeeze %dma_start3A_776 : memref<1x16x64xf32, #tpu.memory_space<vmem>> -> memref<16x64xf32, #tpu.memory_space<vmem>>
    %dma_start3A_778 = arith.constant 0 : i32
    %dma_start3A_779 = arith.constant 0 : i32
    %dma_start3A_780 = tpu.memref_slice %arg3[%dma_start3A_778, %dma_start3A_779] : memref<1000000x64xf32, #tpu.memory_space<hbm>> -> memref<1000000x64xf32, #tpu.memory_space<hbm>>
    tpu.enqueue_indirect_dma source(%dma_start3A_780 : memref<1000000x64xf32, #tpu.memory_space<hbm>>) target(%dma_start3A_777 : memref<16x64xf32, #tpu.memory_space<vmem>>) offsets(%get3A_772 : vector<16xi32>) semaphore(%arg14 : memref<!tpu.dma_semaphore, #tpu.memory_space<semaphore_mem>>)
    %get3A_781 = arith.constant 7 : i32
    %get3A_782 = arith.index_cast %get3A_781 : i32 to index
    %get3A_783 = arith.constant 64 : index
    %get3A_784 = tpu.vector_load %arg5[%get3A_782, %get3A_783] {strides = array<i32>} : memref<26x128xi32, #tpu.memory_space<vmem>>, vector<1x16xi32>,
    %get3A_785 = vector.shape_cast %get3A_784 : vector<1x16xi32> to vector<16xi32>
    %dma_start3A_786 = arith.constant 7 : i32
    %dma_start3A_787 = arith.constant 64 : i32
    %dma_start3A_788 = arith.constant 0 : i32
    %dma_start3A_789 = tpu.memref_slice %arg6[%dma_start3A_786, %dma_start3A_787, %dma_start3A_788] : memref<8x128x64xf32, #tpu.memory_space<vmem>> -> memref<1x16x64xf32, #tpu.memory_space<vmem>>
    %dma_start3A_790 = tpu.memref_squeeze %dma_start3A_789 : memref<1x16x64xf32, #tpu.memory_space<vmem>> -> memref<16x64xf32, #tpu.memory_space<vmem>>
    %dma_start3A_791 = arith.constant 0 : i32
    %dma_start3A_792 = arith.constant 0 : i32
    %dma_start3A_793 = tpu.memref_slice %arg3[%dma_start3A_791, %dma_start3A_792] : memref<1000000x64xf32, #tpu.memory_space<hbm>> -> memref<1000000x64xf32, #tpu.memory_space<hbm>>
    tpu.enqueue_indirect_dma source(%dma_start3A_793 : memref<1000000x64xf32, #tpu.memory_space<hbm>>) target(%dma_start3A_790 : memref<16x64xf32, #tpu.memory_space<vmem>>) offsets(%get3A_785 : vector<16xi32>) semaphore(%arg14 : memref<!tpu.dma_semaphore, #tpu.memory_space<semaphore_mem>>)
    %get3A_794 = arith.constant 7 : i32
    %get3A_795 = arith.index_cast %get3A_794 : i32 to index
    %get3A_796 = arith.constant 80 : index
    %get3A_797 = tpu.vector_load %arg5[%get3A_795, %get3A_796] {strides = array<i32>} : memref<26x128xi32, #tpu.memory_space<vmem>>, vector<1x16xi32>,
    %get3A_798 = vector.shape_cast %get3A_797 : vector<1x16xi32> to vector<16xi32>
    %dma_start3A_799 = arith.constant 7 : i32
    %dma_start3A_800 = arith.constant 80 : i32
    %dma_start3A_801 = arith.constant 0 : i32
    %dma_start3A_802 = tpu.memref_slice %arg6[%dma_start3A_799, %dma_start3A_800, %dma_start3A_801] : memref<8x128x64xf32, #tpu.memory_space<vmem>> -> memref<1x16x64xf32, #tpu.memory_space<vmem>>
    %dma_start3A_803 = tpu.memref_squeeze %dma_start3A_802 : memref<1x16x64xf32, #tpu.memory_space<vmem>> -> memref<16x64xf32, #tpu.memory_space<vmem>>
    %dma_start3A_804 = arith.constant 0 : i32
    %dma_start3A_805 = arith.constant 0 : i32
    %dma_start3A_806 = tpu.memref_slice %arg3[%dma_start3A_804, %dma_start3A_805] : memref<1000000x64xf32, #tpu.memory_space<hbm>> -> memref<1000000x64xf32, #tpu.memory_space<hbm>>
    tpu.enqueue_indirect_dma source(%dma_start3A_806 : memref<1000000x64xf32, #tpu.memory_space<hbm>>) target(%dma_start3A_803 : memref<16x64xf32, #tpu.memory_space<vmem>>) offsets(%get3A_798 : vector<16xi32>) semaphore(%arg14 : memref<!tpu.dma_semaphore, #tpu.memory_space<semaphore_mem>>)
    %get3A_807 = arith.constant 7 : i32
    %get3A_808 = arith.index_cast %get3A_807 : i32 to index
    %get3A_809 = arith.constant 96 : index
    %get3A_810 = tpu.vector_load %arg5[%get3A_808, %get3A_809] {strides = array<i32>} : memref<26x128xi32, #tpu.memory_space<vmem>>, vector<1x16xi32>,
    %get3A_811 = vector.shape_cast %get3A_810 : vector<1x16xi32> to vector<16xi32>
    %dma_start3A_812 = arith.constant 7 : i32
    %dma_start3A_813 = arith.constant 96 : i32
    %dma_start3A_814 = arith.constant 0 : i32
    %dma_start3A_815 = tpu.memref_slice %arg6[%dma_start3A_812, %dma_start3A_813, %dma_start3A_814] : memref<8x128x64xf32, #tpu.memory_space<vmem>> -> memref<1x16x64xf32, #tpu.memory_space<vmem>>
    %dma_start3A_816 = tpu.memref_squeeze %dma_start3A_815 : memref<1x16x64xf32, #tpu.memory_space<vmem>> -> memref<16x64xf32, #tpu.memory_space<vmem>>
    %dma_start3A_817 = arith.constant 0 : i32
    %dma_start3A_818 = arith.constant 0 : i32
    %dma_start3A_819 = tpu.memref_slice %arg3[%dma_start3A_817, %dma_start3A_818] : memref<1000000x64xf32, #tpu.memory_space<hbm>> -> memref<1000000x64xf32, #tpu.memory_space<hbm>>
    tpu.enqueue_indirect_dma source(%dma_start3A_819 : memref<1000000x64xf32, #tpu.memory_space<hbm>>) target(%dma_start3A_816 : memref<16x64xf32, #tpu.memory_space<vmem>>) offsets(%get3A_811 : vector<16xi32>) semaphore(%arg14 : memref<!tpu.dma_semaphore, #tpu.memory_space<semaphore_mem>>)
    %get3A_820 = arith.constant 7 : i32
    %get3A_821 = arith.index_cast %get3A_820 : i32 to index
    %get3A_822 = arith.constant 112 : index
    %get3A_823 = tpu.vector_load %arg5[%get3A_821, %get3A_822] {strides = array<i32>} : memref<26x128xi32, #tpu.memory_space<vmem>>, vector<1x16xi32>,
    %get3A_824 = vector.shape_cast %get3A_823 : vector<1x16xi32> to vector<16xi32>
    %dma_start3A_825 = arith.constant 7 : i32
    %dma_start3A_826 = arith.constant 112 : i32
    %dma_start3A_827 = arith.constant 0 : i32
    %dma_start3A_828 = tpu.memref_slice %arg6[%dma_start3A_825, %dma_start3A_826, %dma_start3A_827] : memref<8x128x64xf32, #tpu.memory_space<vmem>> -> memref<1x16x64xf32, #tpu.memory_space<vmem>>
    %dma_start3A_829 = tpu.memref_squeeze %dma_start3A_828 : memref<1x16x64xf32, #tpu.memory_space<vmem>> -> memref<16x64xf32, #tpu.memory_space<vmem>>
    %dma_start3A_830 = arith.constant 0 : i32
    %dma_start3A_831 = arith.constant 0 : i32
    %dma_start3A_832 = tpu.memref_slice %arg3[%dma_start3A_830, %dma_start3A_831] : memref<1000000x64xf32, #tpu.memory_space<hbm>> -> memref<1000000x64xf32, #tpu.memory_space<hbm>>
    tpu.enqueue_indirect_dma source(%dma_start3A_832 : memref<1000000x64xf32, #tpu.memory_space<hbm>>) target(%dma_start3A_829 : memref<16x64xf32, #tpu.memory_space<vmem>>) offsets(%get3A_824 : vector<16xi32>) semaphore(%arg14 : memref<!tpu.dma_semaphore, #tpu.memory_space<semaphore_mem>>)
    %dma_wait3A = arith.constant 0 : i32
    %dma_wait3A_833 = arith.constant 0 : i32
    %dma_wait3A_834 = arith.constant 0 : i32
    %dma_wait3A_835 = arith.constant 0 : i32
    %dma_wait3A_836 = tpu.memref_slice %arg6[%dma_wait3A_833, %dma_wait3A_834, %dma_wait3A_835] : memref<8x128x64xf32, #tpu.memory_space<vmem>> -> memref<1x128x64xf32, #tpu.memory_space<vmem>>
    %dma_wait3A_837 = tpu.memref_squeeze %dma_wait3A_836 : memref<1x128x64xf32, #tpu.memory_space<vmem>> -> memref<128x64xf32, #tpu.memory_space<vmem>>
    %dma_wait3A_838 = arith.constant 0 : i32
    %dma_wait3A_839 = tpu.memref_slice %arg5[%dma_wait3A, %dma_wait3A_838] : memref<26x128xi32, #tpu.memory_space<vmem>> -> memref<1x128xi32, #tpu.memory_space<vmem>>
    %dma_wait3A_840 = tpu.memref_squeeze %dma_wait3A_839 : memref<1x128xi32, #tpu.memory_space<vmem>> -> memref<128xi32, #tpu.memory_space<vmem>>
    %dma_wait3A_841 = arith.constant 0 : i32
    %dma_wait3A_842 = arith.constant 0 : i32
    %dma_wait3A_843 = tpu.memref_slice %arg3[%dma_wait3A_841, %dma_wait3A_842] : memref<1000000x64xf32, #tpu.memory_space<hbm>> -> memref<1000000x64xf32, #tpu.memory_space<hbm>>
    tpu.wait_indirect_dma semaphore(%arg7 : memref<!tpu.dma_semaphore, #tpu.memory_space<semaphore_mem>>) src(%dma_wait3A_843 : memref<1000000x64xf32, #tpu.memory_space<hbm>>) dst(%dma_wait3A_837 : memref<128x64xf32, #tpu.memory_space<vmem>>)
    %add3A_844 = arith.constant 0 : i32
    %add3A_845 = arith.addi %mul3A_2, %add3A_844 : i32
    %dma_start3A_846 = arith.constant 0 : i32
    %dma_start3A_847 = arith.constant 0 : i32
    %dma_start3A_848 = arith.constant 0 : i32
    %dma_start3A_849 = tpu.memref_slice %arg6[%dma_start3A_846, %dma_start3A_847, %dma_start3A_848] : memref<8x128x64xf32, #tpu.memory_space<vmem>> -> memref<1x128x64xf32, #tpu.memory_space<vmem>>
    %dma_start3A_850 = tpu.memref_squeeze %dma_start3A_849 : memref<1x128x64xf32, #tpu.memory_space<vmem>> -> memref<128x64xf32, #tpu.memory_space<vmem>>
    %dma_start3A_851 = arith.constant 0 : i32
    %dma_start3A_852 = tpu.memref_slice %arg4[%add3A_845, %dma_start3A_851] : memref<106496x64xf32, #tpu.memory_space<hbm>> -> memref<128x64xf32, #tpu.memory_space<hbm>>
    %dma_start3A_853 = arith.constant 0 : i32
    %dma_start3A_854 = tpu.memref_slice %arg4[%add3A_845, %dma_start3A_853] : memref<106496x64xf32, #tpu.memory_space<hbm>> -> memref<128x64xf32, #tpu.memory_space<hbm>>
    %dma_start3A_855 = arith.constant 0 : i32
    %dma_start3A_856 = arith.constant 0 : i32
    %dma_start3A_857 = tpu.memref_slice %arg6[%dma_start3A_846, %dma_start3A_855, %dma_start3A_856] : memref<8x128x64xf32, #tpu.memory_space<vmem>> -> memref<1x128x64xf32, #tpu.memory_space<vmem>>
    %dma_start3A_858 = tpu.memref_squeeze %dma_start3A_857 : memref<1x128x64xf32, #tpu.memory_space<vmem>> -> memref<128x64xf32, #tpu.memory_space<vmem>>
    tpu.enqueue_dma source(%dma_start3A_858 : memref<128x64xf32, #tpu.memory_space<vmem>>) target(%dma_start3A_854 : memref<128x64xf32, #tpu.memory_space<hbm>>) target_semaphore(%arg15 : memref<!tpu.dma_semaphore, #tpu.memory_space<semaphore_mem>>)
    %dma_wait3A_859 = arith.constant 0 : i32
    %dma_wait3A_860 = arith.constant 0 : i32
    %dma_wait3A_861 = arith.constant 0 : i32
    %dma_wait3A_862 = tpu.memref_slice %arg6[%dma_wait3A_859, %dma_wait3A_860, %dma_wait3A_861] : memref<8x128x64xf32, #tpu.memory_space<vmem>> -> memref<1x128x64xf32, #tpu.memory_space<vmem>>
    %dma_wait3A_863 = tpu.memref_squeeze %dma_wait3A_862 : memref<1x128x64xf32, #tpu.memory_space<vmem>> -> memref<128x64xf32, #tpu.memory_space<vmem>>
    %dma_wait3A_864 = arith.constant 0 : i32
    %dma_wait3A_865 = tpu.memref_slice %arg4[%add3A_845, %dma_wait3A_864] : memref<106496x64xf32, #tpu.memory_space<hbm>> -> memref<128x64xf32, #tpu.memory_space<hbm>>
    %dma_wait3A_866 = arith.constant 0 : i32
    %dma_wait3A_867 = tpu.memref_slice %arg4[%add3A_845, %dma_wait3A_866] : memref<106496x64xf32, #tpu.memory_space<hbm>> -> memref<128x64xf32, #tpu.memory_space<hbm>>
    %dma_wait3A_868 = arith.constant 0 : i32
    %dma_wait3A_869 = arith.constant 0 : i32
    %dma_wait3A_870 = tpu.memref_slice %arg6[%dma_wait3A_859, %dma_wait3A_868, %dma_wait3A_869] : memref<8x128x64xf32, #tpu.memory_space<vmem>> -> memref<1x128x64xf32, #tpu.memory_space<vmem>>
    %dma_wait3A_871 = tpu.memref_squeeze %dma_wait3A_870 : memref<1x128x64xf32, #tpu.memory_space<vmem>> -> memref<128x64xf32, #tpu.memory_space<vmem>>
    tpu.wait_dma2 semaphore(%arg15 : memref<!tpu.dma_semaphore, #tpu.memory_space<semaphore_mem>>) src(%dma_wait3A_871 : memref<128x64xf32, #tpu.memory_space<vmem>>) dst(%dma_wait3A_867 : memref<128x64xf32, #tpu.memory_space<hbm>>)
    %get3A_872 = arith.constant 8 : i32
    %get3A_873 = arith.index_cast %get3A_872 : i32 to index
    %get3A_874 = arith.constant 0 : index
    %get3A_875 = tpu.vector_load %arg5[%get3A_873, %get3A_874] {strides = array<i32>} : memref<26x128xi32, #tpu.memory_space<vmem>>, vector<1x16xi32>,
    %get3A_876 = vector.shape_cast %get3A_875 : vector<1x16xi32> to vector<16xi32>
    %dma_start3A_877 = arith.constant 0 : i32
    %dma_start3A_878 = arith.constant 0 : i32
    %dma_start3A_879 = arith.constant 0 : i32
    %dma_start3A_880 = tpu.memref_slice %arg6[%dma_start3A_877, %dma_start3A_878, %dma_start3A_879] : memref<8x128x64xf32, #tpu.memory_space<vmem>> -> memref<1x16x64xf32, #tpu.memory_space<vmem>>
    %dma_start3A_881 = tpu.memref_squeeze %dma_start3A_880 : memref<1x16x64xf32, #tpu.memory_space<vmem>> -> memref<16x64xf32, #tpu.memory_space<vmem>>
    %dma_start3A_882 = arith.constant 0 : i32
    %dma_start3A_883 = arith.constant 0 : i32
    %dma_start3A_884 = tpu.memref_slice %arg3[%dma_start3A_882, %dma_start3A_883] : memref<1000000x64xf32, #tpu.memory_space<hbm>> -> memref<1000000x64xf32, #tpu.memory_space<hbm>>
    tpu.enqueue_indirect_dma source(%dma_start3A_884 : memref<1000000x64xf32, #tpu.memory_space<hbm>>) target(%dma_start3A_881 : memref<16x64xf32, #tpu.memory_space<vmem>>) offsets(%get3A_876 : vector<16xi32>) semaphore(%arg7 : memref<!tpu.dma_semaphore, #tpu.memory_space<semaphore_mem>>)
    %get3A_885 = arith.constant 8 : i32
    %get3A_886 = arith.index_cast %get3A_885 : i32 to index
    %get3A_887 = arith.constant 16 : index
    %get3A_888 = tpu.vector_load %arg5[%get3A_886, %get3A_887] {strides = array<i32>} : memref<26x128xi32, #tpu.memory_space<vmem>>, vector<1x16xi32>,
    %get3A_889 = vector.shape_cast %get3A_888 : vector<1x16xi32> to vector<16xi32>
    %dma_start3A_890 = arith.constant 0 : i32
    %dma_start3A_891 = arith.constant 16 : i32
    %dma_start3A_892 = arith.constant 0 : i32
    %dma_start3A_893 = tpu.memref_slice %arg6[%dma_start3A_890, %dma_start3A_891, %dma_start3A_892] : memref<8x128x64xf32, #tpu.memory_space<vmem>> -> memref<1x16x64xf32, #tpu.memory_space<vmem>>
    %dma_start3A_894 = tpu.memref_squeeze %dma_start3A_893 : memref<1x16x64xf32, #tpu.memory_space<vmem>> -> memref<16x64xf32, #tpu.memory_space<vmem>>
    %dma_start3A_895 = arith.constant 0 : i32
    %dma_start3A_896 = arith.constant 0 : i32
    %dma_start3A_897 = tpu.memref_slice %arg3[%dma_start3A_895, %dma_start3A_896] : memref<1000000x64xf32, #tpu.memory_space<hbm>> -> memref<1000000x64xf32, #tpu.memory_space<hbm>>
    tpu.enqueue_indirect_dma source(%dma_start3A_897 : memref<1000000x64xf32, #tpu.memory_space<hbm>>) target(%dma_start3A_894 : memref<16x64xf32, #tpu.memory_space<vmem>>) offsets(%get3A_889 : vector<16xi32>) semaphore(%arg7 : memref<!tpu.dma_semaphore, #tpu.memory_space<semaphore_mem>>)
    %get3A_898 = arith.constant 8 : i32
    %get3A_899 = arith.index_cast %get3A_898 : i32 to index
    %get3A_900 = arith.constant 32 : index
    %get3A_901 = tpu.vector_load %arg5[%get3A_899, %get3A_900] {strides = array<i32>} : memref<26x128xi32, #tpu.memory_space<vmem>>, vector<1x16xi32>,
    %get3A_902 = vector.shape_cast %get3A_901 : vector<1x16xi32> to vector<16xi32>
    %dma_start3A_903 = arith.constant 0 : i32
    %dma_start3A_904 = arith.constant 32 : i32
    %dma_start3A_905 = arith.constant 0 : i32
    %dma_start3A_906 = tpu.memref_slice %arg6[%dma_start3A_903, %dma_start3A_904, %dma_start3A_905] : memref<8x128x64xf32, #tpu.memory_space<vmem>> -> memref<1x16x64xf32, #tpu.memory_space<vmem>>
    %dma_start3A_907 = tpu.memref_squeeze %dma_start3A_906 : memref<1x16x64xf32, #tpu.memory_space<vmem>> -> memref<16x64xf32, #tpu.memory_space<vmem>>
    %dma_start3A_908 = arith.constant 0 : i32
    %dma_start3A_909 = arith.constant 0 : i32
    %dma_start3A_910 = tpu.memref_slice %arg3[%dma_start3A_908, %dma_start3A_909] : memref<1000000x64xf32, #tpu.memory_space<hbm>> -> memref<1000000x64xf32, #tpu.memory_space<hbm>>
    tpu.enqueue_indirect_dma source(%dma_start3A_910 : memref<1000000x64xf32, #tpu.memory_space<hbm>>) target(%dma_start3A_907 : memref<16x64xf32, #tpu.memory_space<vmem>>) offsets(%get3A_902 : vector<16xi32>) semaphore(%arg7 : memref<!tpu.dma_semaphore, #tpu.memory_space<semaphore_mem>>)
    %get3A_911 = arith.constant 8 : i32
    %get3A_912 = arith.index_cast %get3A_911 : i32 to index
    %get3A_913 = arith.constant 48 : index
    %get3A_914 = tpu.vector_load %arg5[%get3A_912, %get3A_913] {strides = array<i32>} : memref<26x128xi32, #tpu.memory_space<vmem>>, vector<1x16xi32>,
    %get3A_915 = vector.shape_cast %get3A_914 : vector<1x16xi32> to vector<16xi32>
    %dma_start3A_916 = arith.constant 0 : i32
    %dma_start3A_917 = arith.constant 48 : i32
    %dma_start3A_918 = arith.constant 0 : i32
    %dma_start3A_919 = tpu.memref_slice %arg6[%dma_start3A_916, %dma_start3A_917, %dma_start3A_918] : memref<8x128x64xf32, #tpu.memory_space<vmem>> -> memref<1x16x64xf32, #tpu.memory_space<vmem>>
    %dma_start3A_920 = tpu.memref_squeeze %dma_start3A_919 : memref<1x16x64xf32, #tpu.memory_space<vmem>> -> memref<16x64xf32, #tpu.memory_space<vmem>>
    %dma_start3A_921 = arith.constant 0 : i32
    %dma_start3A_922 = arith.constant 0 : i32
    %dma_start3A_923 = tpu.memref_slice %arg3[%dma_start3A_921, %dma_start3A_922] : memref<1000000x64xf32, #tpu.memory_space<hbm>> -> memref<1000000x64xf32, #tpu.memory_space<hbm>>
    tpu.enqueue_indirect_dma source(%dma_start3A_923 : memref<1000000x64xf32, #tpu.memory_space<hbm>>) target(%dma_start3A_920 : memref<16x64xf32, #tpu.memory_space<vmem>>) offsets(%get3A_915 : vector<16xi32>) semaphore(%arg7 : memref<!tpu.dma_semaphore, #tpu.memory_space<semaphore_mem>>)
    %get3A_924 = arith.constant 8 : i32
    %get3A_925 = arith.index_cast %get3A_924 : i32 to index
    %get3A_926 = arith.constant 64 : index
    %get3A_927 = tpu.vector_load %arg5[%get3A_925, %get3A_926] {strides = array<i32>} : memref<26x128xi32, #tpu.memory_space<vmem>>, vector<1x16xi32>,
    %get3A_928 = vector.shape_cast %get3A_927 : vector<1x16xi32> to vector<16xi32>
    %dma_start3A_929 = arith.constant 0 : i32
    %dma_start3A_930 = arith.constant 64 : i32
    %dma_start3A_931 = arith.constant 0 : i32
    %dma_start3A_932 = tpu.memref_slice %arg6[%dma_start3A_929, %dma_start3A_930, %dma_start3A_931] : memref<8x128x64xf32, #tpu.memory_space<vmem>> -> memref<1x16x64xf32, #tpu.memory_space<vmem>>
    %dma_start3A_933 = tpu.memref_squeeze %dma_start3A_932 : memref<1x16x64xf32, #tpu.memory_space<vmem>> -> memref<16x64xf32, #tpu.memory_space<vmem>>
    %dma_start3A_934 = arith.constant 0 : i32
    %dma_start3A_935 = arith.constant 0 : i32
    %dma_start3A_936 = tpu.memref_slice %arg3[%dma_start3A_934, %dma_start3A_935] : memref<1000000x64xf32, #tpu.memory_space<hbm>> -> memref<1000000x64xf32, #tpu.memory_space<hbm>>
    tpu.enqueue_indirect_dma source(%dma_start3A_936 : memref<1000000x64xf32, #tpu.memory_space<hbm>>) target(%dma_start3A_933 : memref<16x64xf32, #tpu.memory_space<vmem>>) offsets(%get3A_928 : vector<16xi32>) semaphore(%arg7 : memref<!tpu.dma_semaphore, #tpu.memory_space<semaphore_mem>>)
    %get3A_937 = arith.constant 8 : i32
    %get3A_938 = arith.index_cast %get3A_937 : i32 to index
    %get3A_939 = arith.constant 80 : index
    %get3A_940 = tpu.vector_load %arg5[%get3A_938, %get3A_939] {strides = array<i32>} : memref<26x128xi32, #tpu.memory_space<vmem>>, vector<1x16xi32>,
    %get3A_941 = vector.shape_cast %get3A_940 : vector<1x16xi32> to vector<16xi32>
    %dma_start3A_942 = arith.constant 0 : i32
    %dma_start3A_943 = arith.constant 80 : i32
    %dma_start3A_944 = arith.constant 0 : i32
    %dma_start3A_945 = tpu.memref_slice %arg6[%dma_start3A_942, %dma_start3A_943, %dma_start3A_944] : memref<8x128x64xf32, #tpu.memory_space<vmem>> -> memref<1x16x64xf32, #tpu.memory_space<vmem>>
    %dma_start3A_946 = tpu.memref_squeeze %dma_start3A_945 : memref<1x16x64xf32, #tpu.memory_space<vmem>> -> memref<16x64xf32, #tpu.memory_space<vmem>>
    %dma_start3A_947 = arith.constant 0 : i32
    %dma_start3A_948 = arith.constant 0 : i32
    %dma_start3A_949 = tpu.memref_slice %arg3[%dma_start3A_947, %dma_start3A_948] : memref<1000000x64xf32, #tpu.memory_space<hbm>> -> memref<1000000x64xf32, #tpu.memory_space<hbm>>
    tpu.enqueue_indirect_dma source(%dma_start3A_949 : memref<1000000x64xf32, #tpu.memory_space<hbm>>) target(%dma_start3A_946 : memref<16x64xf32, #tpu.memory_space<vmem>>) offsets(%get3A_941 : vector<16xi32>) semaphore(%arg7 : memref<!tpu.dma_semaphore, #tpu.memory_space<semaphore_mem>>)
    %get3A_950 = arith.constant 8 : i32
    %get3A_951 = arith.index_cast %get3A_950 : i32 to index
    %get3A_952 = arith.constant 96 : index
    %get3A_953 = tpu.vector_load %arg5[%get3A_951, %get3A_952] {strides = array<i32>} : memref<26x128xi32, #tpu.memory_space<vmem>>, vector<1x16xi32>,
    %get3A_954 = vector.shape_cast %get3A_953 : vector<1x16xi32> to vector<16xi32>
    %dma_start3A_955 = arith.constant 0 : i32
    %dma_start3A_956 = arith.constant 96 : i32
    %dma_start3A_957 = arith.constant 0 : i32
    %dma_start3A_958 = tpu.memref_slice %arg6[%dma_start3A_955, %dma_start3A_956, %dma_start3A_957] : memref<8x128x64xf32, #tpu.memory_space<vmem>> -> memref<1x16x64xf32, #tpu.memory_space<vmem>>
    %dma_start3A_959 = tpu.memref_squeeze %dma_start3A_958 : memref<1x16x64xf32, #tpu.memory_space<vmem>> -> memref<16x64xf32, #tpu.memory_space<vmem>>
    %dma_start3A_960 = arith.constant 0 : i32
    %dma_start3A_961 = arith.constant 0 : i32
    %dma_start3A_962 = tpu.memref_slice %arg3[%dma_start3A_960, %dma_start3A_961] : memref<1000000x64xf32, #tpu.memory_space<hbm>> -> memref<1000000x64xf32, #tpu.memory_space<hbm>>
    tpu.enqueue_indirect_dma source(%dma_start3A_962 : memref<1000000x64xf32, #tpu.memory_space<hbm>>) target(%dma_start3A_959 : memref<16x64xf32, #tpu.memory_space<vmem>>) offsets(%get3A_954 : vector<16xi32>) semaphore(%arg7 : memref<!tpu.dma_semaphore, #tpu.memory_space<semaphore_mem>>)
    %get3A_963 = arith.constant 8 : i32
    %get3A_964 = arith.index_cast %get3A_963 : i32 to index
    %get3A_965 = arith.constant 112 : index
    %get3A_966 = tpu.vector_load %arg5[%get3A_964, %get3A_965] {strides = array<i32>} : memref<26x128xi32, #tpu.memory_space<vmem>>, vector<1x16xi32>,
    %get3A_967 = vector.shape_cast %get3A_966 : vector<1x16xi32> to vector<16xi32>
    %dma_start3A_968 = arith.constant 0 : i32
    %dma_start3A_969 = arith.constant 112 : i32
    %dma_start3A_970 = arith.constant 0 : i32
    %dma_start3A_971 = tpu.memref_slice %arg6[%dma_start3A_968, %dma_start3A_969, %dma_start3A_970] : memref<8x128x64xf32, #tpu.memory_space<vmem>> -> memref<1x16x64xf32, #tpu.memory_space<vmem>>
    %dma_start3A_972 = tpu.memref_squeeze %dma_start3A_971 : memref<1x16x64xf32, #tpu.memory_space<vmem>> -> memref<16x64xf32, #tpu.memory_space<vmem>>
    %dma_start3A_973 = arith.constant 0 : i32
    %dma_start3A_974 = arith.constant 0 : i32
    %dma_start3A_975 = tpu.memref_slice %arg3[%dma_start3A_973, %dma_start3A_974] : memref<1000000x64xf32, #tpu.memory_space<hbm>> -> memref<1000000x64xf32, #tpu.memory_space<hbm>>
    tpu.enqueue_indirect_dma source(%dma_start3A_975 : memref<1000000x64xf32, #tpu.memory_space<hbm>>) target(%dma_start3A_972 : memref<16x64xf32, #tpu.memory_space<vmem>>) offsets(%get3A_967 : vector<16xi32>) semaphore(%arg7 : memref<!tpu.dma_semaphore, #tpu.memory_space<semaphore_mem>>)
    %dma_wait3A_976 = arith.constant 1 : i32
    %dma_wait3A_977 = arith.constant 1 : i32
    %dma_wait3A_978 = arith.constant 0 : i32
    %dma_wait3A_979 = arith.constant 0 : i32
    %dma_wait3A_980 = tpu.memref_slice %arg6[%dma_wait3A_977, %dma_wait3A_978, %dma_wait3A_979] : memref<8x128x64xf32, #tpu.memory_space<vmem>> -> memref<1x128x64xf32, #tpu.memory_space<vmem>>
    %dma_wait3A_981 = tpu.memref_squeeze %dma_wait3A_980 : memref<1x128x64xf32, #tpu.memory_space<vmem>> -> memref<128x64xf32, #tpu.memory_space<vmem>>
    %dma_wait3A_982 = arith.constant 0 : i32
    %dma_wait3A_983 = tpu.memref_slice %arg5[%dma_wait3A_976, %dma_wait3A_982] : memref<26x128xi32, #tpu.memory_space<vmem>> -> memref<1x128xi32, #tpu.memory_space<vmem>>
    %dma_wait3A_984 = tpu.memref_squeeze %dma_wait3A_983 : memref<1x128xi32, #tpu.memory_space<vmem>> -> memref<128xi32, #tpu.memory_space<vmem>>
    %dma_wait3A_985 = arith.constant 0 : i32
    %dma_wait3A_986 = arith.constant 0 : i32
    %dma_wait3A_987 = tpu.memref_slice %arg3[%dma_wait3A_985, %dma_wait3A_986] : memref<1000000x64xf32, #tpu.memory_space<hbm>> -> memref<1000000x64xf32, #tpu.memory_space<hbm>>
    tpu.wait_indirect_dma semaphore(%arg8 : memref<!tpu.dma_semaphore, #tpu.memory_space<semaphore_mem>>) src(%dma_wait3A_987 : memref<1000000x64xf32, #tpu.memory_space<hbm>>) dst(%dma_wait3A_981 : memref<128x64xf32, #tpu.memory_space<vmem>>)
    %add3A_988 = arith.constant 128 : i32
    %add3A_989 = arith.addi %mul3A_2, %add3A_988 : i32
    %dma_start3A_990 = arith.constant 1 : i32
    %dma_start3A_991 = arith.constant 0 : i32
    %dma_start3A_992 = arith.constant 0 : i32
    %dma_start3A_993 = tpu.memref_slice %arg6[%dma_start3A_990, %dma_start3A_991, %dma_start3A_992] : memref<8x128x64xf32, #tpu.memory_space<vmem>> -> memref<1x128x64xf32, #tpu.memory_space<vmem>>
    %dma_start3A_994 = tpu.memref_squeeze %dma_start3A_993 : memref<1x128x64xf32, #tpu.memory_space<vmem>> -> memref<128x64xf32, #tpu.memory_space<vmem>>
    %dma_start3A_995 = arith.constant 0 : i32
    %dma_start3A_996 = tpu.memref_slice %arg4[%add3A_989, %dma_start3A_995] : memref<106496x64xf32, #tpu.memory_space<hbm>> -> memref<128x64xf32, #tpu.memory_space<hbm>>
    %dma_start3A_997 = arith.constant 0 : i32
    %dma_start3A_998 = tpu.memref_slice %arg4[%add3A_989, %dma_start3A_997] : memref<106496x64xf32, #tpu.memory_space<hbm>> -> memref<128x64xf32, #tpu.memory_space<hbm>>
    %dma_start3A_999 = arith.constant 0 : i32
    %dma_start3A_1000 = arith.constant 0 : i32
    %dma_start3A_1001 = tpu.memref_slice %arg6[%dma_start3A_990, %dma_start3A_999, %dma_start3A_1000] : memref<8x128x64xf32, #tpu.memory_space<vmem>> -> memref<1x128x64xf32, #tpu.memory_space<vmem>>
    %dma_start3A_1002 = tpu.memref_squeeze %dma_start3A_1001 : memref<1x128x64xf32, #tpu.memory_space<vmem>> -> memref<128x64xf32, #tpu.memory_space<vmem>>
    tpu.enqueue_dma source(%dma_start3A_1002 : memref<128x64xf32, #tpu.memory_space<vmem>>) target(%dma_start3A_998 : memref<128x64xf32, #tpu.memory_space<hbm>>) target_semaphore(%arg16 : memref<!tpu.dma_semaphore, #tpu.memory_space<semaphore_mem>>)
    %dma_wait3A_1003 = arith.constant 1 : i32
    %dma_wait3A_1004 = arith.constant 0 : i32
    %dma_wait3A_1005 = arith.constant 0 : i32
    %dma_wait3A_1006 = tpu.memref_slice %arg6[%dma_wait3A_1003, %dma_wait3A_1004, %dma_wait3A_1005] : memref<8x128x64xf32, #tpu.memory_space<vmem>> -> memref<1x128x64xf32, #tpu.memory_space<vmem>>
    %dma_wait3A_1007 = tpu.memref_squeeze %dma_wait3A_1006 : memref<1x128x64xf32, #tpu.memory_space<vmem>> -> memref<128x64xf32, #tpu.memory_space<vmem>>
    %dma_wait3A_1008 = arith.constant 0 : i32
    %dma_wait3A_1009 = tpu.memref_slice %arg4[%add3A_989, %dma_wait3A_1008] : memref<106496x64xf32, #tpu.memory_space<hbm>> -> memref<128x64xf32, #tpu.memory_space<hbm>>
    %dma_wait3A_1010 = arith.constant 0 : i32
    %dma_wait3A_1011 = tpu.memref_slice %arg4[%add3A_989, %dma_wait3A_1010] : memref<106496x64xf32, #tpu.memory_space<hbm>> -> memref<128x64xf32, #tpu.memory_space<hbm>>
    %dma_wait3A_1012 = arith.constant 0 : i32
    %dma_wait3A_1013 = arith.constant 0 : i32
    %dma_wait3A_1014 = tpu.memref_slice %arg6[%dma_wait3A_1003, %dma_wait3A_1012, %dma_wait3A_1013] : memref<8x128x64xf32, #tpu.memory_space<vmem>> -> memref<1x128x64xf32, #tpu.memory_space<vmem>>
    %dma_wait3A_1015 = tpu.memref_squeeze %dma_wait3A_1014 : memref<1x128x64xf32, #tpu.memory_space<vmem>> -> memref<128x64xf32, #tpu.memory_space<vmem>>
    tpu.wait_dma2 semaphore(%arg16 : memref<!tpu.dma_semaphore, #tpu.memory_space<semaphore_mem>>) src(%dma_wait3A_1015 : memref<128x64xf32, #tpu.memory_space<vmem>>) dst(%dma_wait3A_1011 : memref<128x64xf32, #tpu.memory_space<hbm>>)
    %get3A_1016 = arith.constant 9 : i32
    %get3A_1017 = arith.index_cast %get3A_1016 : i32 to index
    %get3A_1018 = arith.constant 0 : index
    %get3A_1019 = tpu.vector_load %arg5[%get3A_1017, %get3A_1018] {strides = array<i32>} : memref<26x128xi32, #tpu.memory_space<vmem>>, vector<1x16xi32>,
    %get3A_1020 = vector.shape_cast %get3A_1019 : vector<1x16xi32> to vector<16xi32>
    %dma_start3A_1021 = arith.constant 1 : i32
    %dma_start3A_1022 = arith.constant 0 : i32
    %dma_start3A_1023 = arith.constant 0 : i32
    %dma_start3A_1024 = tpu.memref_slice %arg6[%dma_start3A_1021, %dma_start3A_1022, %dma_start3A_1023] : memref<8x128x64xf32, #tpu.memory_space<vmem>> -> memref<1x16x64xf32, #tpu.memory_space<vmem>>
    %dma_start3A_1025 = tpu.memref_squeeze %dma_start3A_1024 : memref<1x16x64xf32, #tpu.memory_space<vmem>> -> memref<16x64xf32, #tpu.memory_space<vmem>>
    %dma_start3A_1026 = arith.constant 0 : i32
    %dma_start3A_1027 = arith.constant 0 : i32
    %dma_start3A_1028 = tpu.memref_slice %arg3[%dma_start3A_1026, %dma_start3A_1027] : memref<1000000x64xf32, #tpu.memory_space<hbm>> -> memref<1000000x64xf32, #tpu.memory_space<hbm>>
    tpu.enqueue_indirect_dma source(%dma_start3A_1028 : memref<1000000x64xf32, #tpu.memory_space<hbm>>) target(%dma_start3A_1025 : memref<16x64xf32, #tpu.memory_space<vmem>>) offsets(%get3A_1020 : vector<16xi32>) semaphore(%arg8 : memref<!tpu.dma_semaphore, #tpu.memory_space<semaphore_mem>>)
    %get3A_1029 = arith.constant 9 : i32
    %get3A_1030 = arith.index_cast %get3A_1029 : i32 to index
    %get3A_1031 = arith.constant 16 : index
    %get3A_1032 = tpu.vector_load %arg5[%get3A_1030, %get3A_1031] {strides = array<i32>} : memref<26x128xi32, #tpu.memory_space<vmem>>, vector<1x16xi32>,
    %get3A_1033 = vector.shape_cast %get3A_1032 : vector<1x16xi32> to vector<16xi32>
    %dma_start3A_1034 = arith.constant 1 : i32
    %dma_start3A_1035 = arith.constant 16 : i32
    %dma_start3A_1036 = arith.constant 0 : i32
    %dma_start3A_1037 = tpu.memref_slice %arg6[%dma_start3A_1034, %dma_start3A_1035, %dma_start3A_1036] : memref<8x128x64xf32, #tpu.memory_space<vmem>> -> memref<1x16x64xf32, #tpu.memory_space<vmem>>
    %dma_start3A_1038 = tpu.memref_squeeze %dma_start3A_1037 : memref<1x16x64xf32, #tpu.memory_space<vmem>> -> memref<16x64xf32, #tpu.memory_space<vmem>>
    %dma_start3A_1039 = arith.constant 0 : i32
    %dma_start3A_1040 = arith.constant 0 : i32
    %dma_start3A_1041 = tpu.memref_slice %arg3[%dma_start3A_1039, %dma_start3A_1040] : memref<1000000x64xf32, #tpu.memory_space<hbm>> -> memref<1000000x64xf32, #tpu.memory_space<hbm>>
    tpu.enqueue_indirect_dma source(%dma_start3A_1041 : memref<1000000x64xf32, #tpu.memory_space<hbm>>) target(%dma_start3A_1038 : memref<16x64xf32, #tpu.memory_space<vmem>>) offsets(%get3A_1033 : vector<16xi32>) semaphore(%arg8 : memref<!tpu.dma_semaphore, #tpu.memory_space<semaphore_mem>>)
    %get3A_1042 = arith.constant 9 : i32
    %get3A_1043 = arith.index_cast %get3A_1042 : i32 to index
    %get3A_1044 = arith.constant 32 : index
    %get3A_1045 = tpu.vector_load %arg5[%get3A_1043, %get3A_1044] {strides = array<i32>} : memref<26x128xi32, #tpu.memory_space<vmem>>, vector<1x16xi32>,
    %get3A_1046 = vector.shape_cast %get3A_1045 : vector<1x16xi32> to vector<16xi32>
    %dma_start3A_1047 = arith.constant 1 : i32
    %dma_start3A_1048 = arith.constant 32 : i32
    %dma_start3A_1049 = arith.constant 0 : i32
    %dma_start3A_1050 = tpu.memref_slice %arg6[%dma_start3A_1047, %dma_start3A_1048, %dma_start3A_1049] : memref<8x128x64xf32, #tpu.memory_space<vmem>> -> memref<1x16x64xf32, #tpu.memory_space<vmem>>
    %dma_start3A_1051 = tpu.memref_squeeze %dma_start3A_1050 : memref<1x16x64xf32, #tpu.memory_space<vmem>> -> memref<16x64xf32, #tpu.memory_space<vmem>>
    %dma_start3A_1052 = arith.constant 0 : i32
    %dma_start3A_1053 = arith.constant 0 : i32
    %dma_start3A_1054 = tpu.memref_slice %arg3[%dma_start3A_1052, %dma_start3A_1053] : memref<1000000x64xf32, #tpu.memory_space<hbm>> -> memref<1000000x64xf32, #tpu.memory_space<hbm>>
    tpu.enqueue_indirect_dma source(%dma_start3A_1054 : memref<1000000x64xf32, #tpu.memory_space<hbm>>) target(%dma_start3A_1051 : memref<16x64xf32, #tpu.memory_space<vmem>>) offsets(%get3A_1046 : vector<16xi32>) semaphore(%arg8 : memref<!tpu.dma_semaphore, #tpu.memory_space<semaphore_mem>>)
    %get3A_1055 = arith.constant 9 : i32
    %get3A_1056 = arith.index_cast %get3A_1055 : i32 to index
    %get3A_1057 = arith.constant 48 : index
    %get3A_1058 = tpu.vector_load %arg5[%get3A_1056, %get3A_1057] {strides = array<i32>} : memref<26x128xi32, #tpu.memory_space<vmem>>, vector<1x16xi32>,
    %get3A_1059 = vector.shape_cast %get3A_1058 : vector<1x16xi32> to vector<16xi32>
    %dma_start3A_1060 = arith.constant 1 : i32
    %dma_start3A_1061 = arith.constant 48 : i32
    %dma_start3A_1062 = arith.constant 0 : i32
    %dma_start3A_1063 = tpu.memref_slice %arg6[%dma_start3A_1060, %dma_start3A_1061, %dma_start3A_1062] : memref<8x128x64xf32, #tpu.memory_space<vmem>> -> memref<1x16x64xf32, #tpu.memory_space<vmem>>
    %dma_start3A_1064 = tpu.memref_squeeze %dma_start3A_1063 : memref<1x16x64xf32, #tpu.memory_space<vmem>> -> memref<16x64xf32, #tpu.memory_space<vmem>>
    %dma_start3A_1065 = arith.constant 0 : i32
    %dma_start3A_1066 = arith.constant 0 : i32
    %dma_start3A_1067 = tpu.memref_slice %arg3[%dma_start3A_1065, %dma_start3A_1066] : memref<1000000x64xf32, #tpu.memory_space<hbm>> -> memref<1000000x64xf32, #tpu.memory_space<hbm>>
    tpu.enqueue_indirect_dma source(%dma_start3A_1067 : memref<1000000x64xf32, #tpu.memory_space<hbm>>) target(%dma_start3A_1064 : memref<16x64xf32, #tpu.memory_space<vmem>>) offsets(%get3A_1059 : vector<16xi32>) semaphore(%arg8 : memref<!tpu.dma_semaphore, #tpu.memory_space<semaphore_mem>>)
    %get3A_1068 = arith.constant 9 : i32
    %get3A_1069 = arith.index_cast %get3A_1068 : i32 to index
    %get3A_1070 = arith.constant 64 : index
    %get3A_1071 = tpu.vector_load %arg5[%get3A_1069, %get3A_1070] {strides = array<i32>} : memref<26x128xi32, #tpu.memory_space<vmem>>, vector<1x16xi32>,
    %get3A_1072 = vector.shape_cast %get3A_1071 : vector<1x16xi32> to vector<16xi32>
    %dma_start3A_1073 = arith.constant 1 : i32
    %dma_start3A_1074 = arith.constant 64 : i32
    %dma_start3A_1075 = arith.constant 0 : i32
    %dma_start3A_1076 = tpu.memref_slice %arg6[%dma_start3A_1073, %dma_start3A_1074, %dma_start3A_1075] : memref<8x128x64xf32, #tpu.memory_space<vmem>> -> memref<1x16x64xf32, #tpu.memory_space<vmem>>
    %dma_start3A_1077 = tpu.memref_squeeze %dma_start3A_1076 : memref<1x16x64xf32, #tpu.memory_space<vmem>> -> memref<16x64xf32, #tpu.memory_space<vmem>>
    %dma_start3A_1078 = arith.constant 0 : i32
    %dma_start3A_1079 = arith.constant 0 : i32
    %dma_start3A_1080 = tpu.memref_slice %arg3[%dma_start3A_1078, %dma_start3A_1079] : memref<1000000x64xf32, #tpu.memory_space<hbm>> -> memref<1000000x64xf32, #tpu.memory_space<hbm>>
    tpu.enqueue_indirect_dma source(%dma_start3A_1080 : memref<1000000x64xf32, #tpu.memory_space<hbm>>) target(%dma_start3A_1077 : memref<16x64xf32, #tpu.memory_space<vmem>>) offsets(%get3A_1072 : vector<16xi32>) semaphore(%arg8 : memref<!tpu.dma_semaphore, #tpu.memory_space<semaphore_mem>>)
    %get3A_1081 = arith.constant 9 : i32
    %get3A_1082 = arith.index_cast %get3A_1081 : i32 to index
    %get3A_1083 = arith.constant 80 : index
    %get3A_1084 = tpu.vector_load %arg5[%get3A_1082, %get3A_1083] {strides = array<i32>} : memref<26x128xi32, #tpu.memory_space<vmem>>, vector<1x16xi32>,
    %get3A_1085 = vector.shape_cast %get3A_1084 : vector<1x16xi32> to vector<16xi32>
    %dma_start3A_1086 = arith.constant 1 : i32
    %dma_start3A_1087 = arith.constant 80 : i32
    %dma_start3A_1088 = arith.constant 0 : i32
    %dma_start3A_1089 = tpu.memref_slice %arg6[%dma_start3A_1086, %dma_start3A_1087, %dma_start3A_1088] : memref<8x128x64xf32, #tpu.memory_space<vmem>> -> memref<1x16x64xf32, #tpu.memory_space<vmem>>
    %dma_start3A_1090 = tpu.memref_squeeze %dma_start3A_1089 : memref<1x16x64xf32, #tpu.memory_space<vmem>> -> memref<16x64xf32, #tpu.memory_space<vmem>>
    %dma_start3A_1091 = arith.constant 0 : i32
    %dma_start3A_1092 = arith.constant 0 : i32
    %dma_start3A_1093 = tpu.memref_slice %arg3[%dma_start3A_1091, %dma_start3A_1092] : memref<1000000x64xf32, #tpu.memory_space<hbm>> -> memref<1000000x64xf32, #tpu.memory_space<hbm>>
    tpu.enqueue_indirect_dma source(%dma_start3A_1093 : memref<1000000x64xf32, #tpu.memory_space<hbm>>) target(%dma_start3A_1090 : memref<16x64xf32, #tpu.memory_space<vmem>>) offsets(%get3A_1085 : vector<16xi32>) semaphore(%arg8 : memref<!tpu.dma_semaphore, #tpu.memory_space<semaphore_mem>>)
    %get3A_1094 = arith.constant 9 : i32
    %get3A_1095 = arith.index_cast %get3A_1094 : i32 to index
    %get3A_1096 = arith.constant 96 : index
    %get3A_1097 = tpu.vector_load %arg5[%get3A_1095, %get3A_1096] {strides = array<i32>} : memref<26x128xi32, #tpu.memory_space<vmem>>, vector<1x16xi32>,
    %get3A_1098 = vector.shape_cast %get3A_1097 : vector<1x16xi32> to vector<16xi32>
    %dma_start3A_1099 = arith.constant 1 : i32
    %dma_start3A_1100 = arith.constant 96 : i32
    %dma_start3A_1101 = arith.constant 0 : i32
    %dma_start3A_1102 = tpu.memref_slice %arg6[%dma_start3A_1099, %dma_start3A_1100, %dma_start3A_1101] : memref<8x128x64xf32, #tpu.memory_space<vmem>> -> memref<1x16x64xf32, #tpu.memory_space<vmem>>
    %dma_start3A_1103 = tpu.memref_squeeze %dma_start3A_1102 : memref<1x16x64xf32, #tpu.memory_space<vmem>> -> memref<16x64xf32, #tpu.memory_space<vmem>>
    %dma_start3A_1104 = arith.constant 0 : i32
    %dma_start3A_1105 = arith.constant 0 : i32
    %dma_start3A_1106 = tpu.memref_slice %arg3[%dma_start3A_1104, %dma_start3A_1105] : memref<1000000x64xf32, #tpu.memory_space<hbm>> -> memref<1000000x64xf32, #tpu.memory_space<hbm>>
    tpu.enqueue_indirect_dma source(%dma_start3A_1106 : memref<1000000x64xf32, #tpu.memory_space<hbm>>) target(%dma_start3A_1103 : memref<16x64xf32, #tpu.memory_space<vmem>>) offsets(%get3A_1098 : vector<16xi32>) semaphore(%arg8 : memref<!tpu.dma_semaphore, #tpu.memory_space<semaphore_mem>>)
    %get3A_1107 = arith.constant 9 : i32
    %get3A_1108 = arith.index_cast %get3A_1107 : i32 to index
    %get3A_1109 = arith.constant 112 : index
    %get3A_1110 = tpu.vector_load %arg5[%get3A_1108, %get3A_1109] {strides = array<i32>} : memref<26x128xi32, #tpu.memory_space<vmem>>, vector<1x16xi32>,
    %get3A_1111 = vector.shape_cast %get3A_1110 : vector<1x16xi32> to vector<16xi32>
    %dma_start3A_1112 = arith.constant 1 : i32
    %dma_start3A_1113 = arith.constant 112 : i32
    %dma_start3A_1114 = arith.constant 0 : i32
    %dma_start3A_1115 = tpu.memref_slice %arg6[%dma_start3A_1112, %dma_start3A_1113, %dma_start3A_1114] : memref<8x128x64xf32, #tpu.memory_space<vmem>> -> memref<1x16x64xf32, #tpu.memory_space<vmem>>
    %dma_start3A_1116 = tpu.memref_squeeze %dma_start3A_1115 : memref<1x16x64xf32, #tpu.memory_space<vmem>> -> memref<16x64xf32, #tpu.memory_space<vmem>>
    %dma_start3A_1117 = arith.constant 0 : i32
    %dma_start3A_1118 = arith.constant 0 : i32
    %dma_start3A_1119 = tpu.memref_slice %arg3[%dma_start3A_1117, %dma_start3A_1118] : memref<1000000x64xf32, #tpu.memory_space<hbm>> -> memref<1000000x64xf32, #tpu.memory_space<hbm>>
    tpu.enqueue_indirect_dma source(%dma_start3A_1119 : memref<1000000x64xf32, #tpu.memory_space<hbm>>) target(%dma_start3A_1116 : memref<16x64xf32, #tpu.memory_space<vmem>>) offsets(%get3A_1111 : vector<16xi32>) semaphore(%arg8 : memref<!tpu.dma_semaphore, #tpu.memory_space<semaphore_mem>>)
    %dma_wait3A_1120 = arith.constant 2 : i32
    %dma_wait3A_1121 = arith.constant 2 : i32
    %dma_wait3A_1122 = arith.constant 0 : i32
    %dma_wait3A_1123 = arith.constant 0 : i32
    %dma_wait3A_1124 = tpu.memref_slice %arg6[%dma_wait3A_1121, %dma_wait3A_1122, %dma_wait3A_1123] : memref<8x128x64xf32, #tpu.memory_space<vmem>> -> memref<1x128x64xf32, #tpu.memory_space<vmem>>
    %dma_wait3A_1125 = tpu.memref_squeeze %dma_wait3A_1124 : memref<1x128x64xf32, #tpu.memory_space<vmem>> -> memref<128x64xf32, #tpu.memory_space<vmem>>
    %dma_wait3A_1126 = arith.constant 0 : i32
    %dma_wait3A_1127 = tpu.memref_slice %arg5[%dma_wait3A_1120, %dma_wait3A_1126] : memref<26x128xi32, #tpu.memory_space<vmem>> -> memref<1x128xi32, #tpu.memory_space<vmem>>
    %dma_wait3A_1128 = tpu.memref_squeeze %dma_wait3A_1127 : memref<1x128xi32, #tpu.memory_space<vmem>> -> memref<128xi32, #tpu.memory_space<vmem>>
    %dma_wait3A_1129 = arith.constant 0 : i32
    %dma_wait3A_1130 = arith.constant 0 : i32
    %dma_wait3A_1131 = tpu.memref_slice %arg3[%dma_wait3A_1129, %dma_wait3A_1130] : memref<1000000x64xf32, #tpu.memory_space<hbm>> -> memref<1000000x64xf32, #tpu.memory_space<hbm>>
    tpu.wait_indirect_dma semaphore(%arg9 : memref<!tpu.dma_semaphore, #tpu.memory_space<semaphore_mem>>) src(%dma_wait3A_1131 : memref<1000000x64xf32, #tpu.memory_space<hbm>>) dst(%dma_wait3A_1125 : memref<128x64xf32, #tpu.memory_space<vmem>>)
    %add3A_1132 = arith.constant 256 : i32
    %add3A_1133 = arith.addi %mul3A_2, %add3A_1132 : i32
    %dma_start3A_1134 = arith.constant 2 : i32
    %dma_start3A_1135 = arith.constant 0 : i32
    %dma_start3A_1136 = arith.constant 0 : i32
    %dma_start3A_1137 = tpu.memref_slice %arg6[%dma_start3A_1134, %dma_start3A_1135, %dma_start3A_1136] : memref<8x128x64xf32, #tpu.memory_space<vmem>> -> memref<1x128x64xf32, #tpu.memory_space<vmem>>
    %dma_start3A_1138 = tpu.memref_squeeze %dma_start3A_1137 : memref<1x128x64xf32, #tpu.memory_space<vmem>> -> memref<128x64xf32, #tpu.memory_space<vmem>>
    %dma_start3A_1139 = arith.constant 0 : i32
    %dma_start3A_1140 = tpu.memref_slice %arg4[%add3A_1133, %dma_start3A_1139] : memref<106496x64xf32, #tpu.memory_space<hbm>> -> memref<128x64xf32, #tpu.memory_space<hbm>>
    %dma_start3A_1141 = arith.constant 0 : i32
    %dma_start3A_1142 = tpu.memref_slice %arg4[%add3A_1133, %dma_start3A_1141] : memref<106496x64xf32, #tpu.memory_space<hbm>> -> memref<128x64xf32, #tpu.memory_space<hbm>>
    %dma_start3A_1143 = arith.constant 0 : i32
    %dma_start3A_1144 = arith.constant 0 : i32
    %dma_start3A_1145 = tpu.memref_slice %arg6[%dma_start3A_1134, %dma_start3A_1143, %dma_start3A_1144] : memref<8x128x64xf32, #tpu.memory_space<vmem>> -> memref<1x128x64xf32, #tpu.memory_space<vmem>>
    %dma_start3A_1146 = tpu.memref_squeeze %dma_start3A_1145 : memref<1x128x64xf32, #tpu.memory_space<vmem>> -> memref<128x64xf32, #tpu.memory_space<vmem>>
    tpu.enqueue_dma source(%dma_start3A_1146 : memref<128x64xf32, #tpu.memory_space<vmem>>) target(%dma_start3A_1142 : memref<128x64xf32, #tpu.memory_space<hbm>>) target_semaphore(%arg17 : memref<!tpu.dma_semaphore, #tpu.memory_space<semaphore_mem>>)
    %dma_wait3A_1147 = arith.constant 2 : i32
    %dma_wait3A_1148 = arith.constant 0 : i32
    %dma_wait3A_1149 = arith.constant 0 : i32
    %dma_wait3A_1150 = tpu.memref_slice %arg6[%dma_wait3A_1147, %dma_wait3A_1148, %dma_wait3A_1149] : memref<8x128x64xf32, #tpu.memory_space<vmem>> -> memref<1x128x64xf32, #tpu.memory_space<vmem>>
    %dma_wait3A_1151 = tpu.memref_squeeze %dma_wait3A_1150 : memref<1x128x64xf32, #tpu.memory_space<vmem>> -> memref<128x64xf32, #tpu.memory_space<vmem>>
    %dma_wait3A_1152 = arith.constant 0 : i32
    %dma_wait3A_1153 = tpu.memref_slice %arg4[%add3A_1133, %dma_wait3A_1152] : memref<106496x64xf32, #tpu.memory_space<hbm>> -> memref<128x64xf32, #tpu.memory_space<hbm>>
    %dma_wait3A_1154 = arith.constant 0 : i32
    %dma_wait3A_1155 = tpu.memref_slice %arg4[%add3A_1133, %dma_wait3A_1154] : memref<106496x64xf32, #tpu.memory_space<hbm>> -> memref<128x64xf32, #tpu.memory_space<hbm>>
    %dma_wait3A_1156 = arith.constant 0 : i32
    %dma_wait3A_1157 = arith.constant 0 : i32
    %dma_wait3A_1158 = tpu.memref_slice %arg6[%dma_wait3A_1147, %dma_wait3A_1156, %dma_wait3A_1157] : memref<8x128x64xf32, #tpu.memory_space<vmem>> -> memref<1x128x64xf32, #tpu.memory_space<vmem>>
    %dma_wait3A_1159 = tpu.memref_squeeze %dma_wait3A_1158 : memref<1x128x64xf32, #tpu.memory_space<vmem>> -> memref<128x64xf32, #tpu.memory_space<vmem>>
    tpu.wait_dma2 semaphore(%arg17 : memref<!tpu.dma_semaphore, #tpu.memory_space<semaphore_mem>>) src(%dma_wait3A_1159 : memref<128x64xf32, #tpu.memory_space<vmem>>) dst(%dma_wait3A_1155 : memref<128x64xf32, #tpu.memory_space<hbm>>)
    %get3A_1160 = arith.constant 10 : i32
    %get3A_1161 = arith.index_cast %get3A_1160 : i32 to index
    %get3A_1162 = arith.constant 0 : index
    %get3A_1163 = tpu.vector_load %arg5[%get3A_1161, %get3A_1162] {strides = array<i32>} : memref<26x128xi32, #tpu.memory_space<vmem>>, vector<1x16xi32>,
    %get3A_1164 = vector.shape_cast %get3A_1163 : vector<1x16xi32> to vector<16xi32>
    %dma_start3A_1165 = arith.constant 2 : i32
    %dma_start3A_1166 = arith.constant 0 : i32
    %dma_start3A_1167 = arith.constant 0 : i32
    %dma_start3A_1168 = tpu.memref_slice %arg6[%dma_start3A_1165, %dma_start3A_1166, %dma_start3A_1167] : memref<8x128x64xf32, #tpu.memory_space<vmem>> -> memref<1x16x64xf32, #tpu.memory_space<vmem>>
    %dma_start3A_1169 = tpu.memref_squeeze %dma_start3A_1168 : memref<1x16x64xf32, #tpu.memory_space<vmem>> -> memref<16x64xf32, #tpu.memory_space<vmem>>
    %dma_start3A_1170 = arith.constant 0 : i32
    %dma_start3A_1171 = arith.constant 0 : i32
    %dma_start3A_1172 = tpu.memref_slice %arg3[%dma_start3A_1170, %dma_start3A_1171] : memref<1000000x64xf32, #tpu.memory_space<hbm>> -> memref<1000000x64xf32, #tpu.memory_space<hbm>>
    tpu.enqueue_indirect_dma source(%dma_start3A_1172 : memref<1000000x64xf32, #tpu.memory_space<hbm>>) target(%dma_start3A_1169 : memref<16x64xf32, #tpu.memory_space<vmem>>) offsets(%get3A_1164 : vector<16xi32>) semaphore(%arg9 : memref<!tpu.dma_semaphore, #tpu.memory_space<semaphore_mem>>)
    %get3A_1173 = arith.constant 10 : i32
    %get3A_1174 = arith.index_cast %get3A_1173 : i32 to index
    %get3A_1175 = arith.constant 16 : index
    %get3A_1176 = tpu.vector_load %arg5[%get3A_1174, %get3A_1175] {strides = array<i32>} : memref<26x128xi32, #tpu.memory_space<vmem>>, vector<1x16xi32>,
    %get3A_1177 = vector.shape_cast %get3A_1176 : vector<1x16xi32> to vector<16xi32>
    %dma_start3A_1178 = arith.constant 2 : i32
    %dma_start3A_1179 = arith.constant 16 : i32
    %dma_start3A_1180 = arith.constant 0 : i32
    %dma_start3A_1181 = tpu.memref_slice %arg6[%dma_start3A_1178, %dma_start3A_1179, %dma_start3A_1180] : memref<8x128x64xf32, #tpu.memory_space<vmem>> -> memref<1x16x64xf32, #tpu.memory_space<vmem>>
    %dma_start3A_1182 = tpu.memref_squeeze %dma_start3A_1181 : memref<1x16x64xf32, #tpu.memory_space<vmem>> -> memref<16x64xf32, #tpu.memory_space<vmem>>
    %dma_start3A_1183 = arith.constant 0 : i32
    %dma_start3A_1184 = arith.constant 0 : i32
    %dma_start3A_1185 = tpu.memref_slice %arg3[%dma_start3A_1183, %dma_start3A_1184] : memref<1000000x64xf32, #tpu.memory_space<hbm>> -> memref<1000000x64xf32, #tpu.memory_space<hbm>>
    tpu.enqueue_indirect_dma source(%dma_start3A_1185 : memref<1000000x64xf32, #tpu.memory_space<hbm>>) target(%dma_start3A_1182 : memref<16x64xf32, #tpu.memory_space<vmem>>) offsets(%get3A_1177 : vector<16xi32>) semaphore(%arg9 : memref<!tpu.dma_semaphore, #tpu.memory_space<semaphore_mem>>)
    %get3A_1186 = arith.constant 10 : i32
    %get3A_1187 = arith.index_cast %get3A_1186 : i32 to index
    %get3A_1188 = arith.constant 32 : index
    %get3A_1189 = tpu.vector_load %arg5[%get3A_1187, %get3A_1188] {strides = array<i32>} : memref<26x128xi32, #tpu.memory_space<vmem>>, vector<1x16xi32>,
    %get3A_1190 = vector.shape_cast %get3A_1189 : vector<1x16xi32> to vector<16xi32>
    %dma_start3A_1191 = arith.constant 2 : i32
    %dma_start3A_1192 = arith.constant 32 : i32
    %dma_start3A_1193 = arith.constant 0 : i32
    %dma_start3A_1194 = tpu.memref_slice %arg6[%dma_start3A_1191, %dma_start3A_1192, %dma_start3A_1193] : memref<8x128x64xf32, #tpu.memory_space<vmem>> -> memref<1x16x64xf32, #tpu.memory_space<vmem>>
    %dma_start3A_1195 = tpu.memref_squeeze %dma_start3A_1194 : memref<1x16x64xf32, #tpu.memory_space<vmem>> -> memref<16x64xf32, #tpu.memory_space<vmem>>
    %dma_start3A_1196 = arith.constant 0 : i32
    %dma_start3A_1197 = arith.constant 0 : i32
    %dma_start3A_1198 = tpu.memref_slice %arg3[%dma_start3A_1196, %dma_start3A_1197] : memref<1000000x64xf32, #tpu.memory_space<hbm>> -> memref<1000000x64xf32, #tpu.memory_space<hbm>>
    tpu.enqueue_indirect_dma source(%dma_start3A_1198 : memref<1000000x64xf32, #tpu.memory_space<hbm>>) target(%dma_start3A_1195 : memref<16x64xf32, #tpu.memory_space<vmem>>) offsets(%get3A_1190 : vector<16xi32>) semaphore(%arg9 : memref<!tpu.dma_semaphore, #tpu.memory_space<semaphore_mem>>)
    %get3A_1199 = arith.constant 10 : i32
    %get3A_1200 = arith.index_cast %get3A_1199 : i32 to index
    %get3A_1201 = arith.constant 48 : index
    %get3A_1202 = tpu.vector_load %arg5[%get3A_1200, %get3A_1201] {strides = array<i32>} : memref<26x128xi32, #tpu.memory_space<vmem>>, vector<1x16xi32>,
    %get3A_1203 = vector.shape_cast %get3A_1202 : vector<1x16xi32> to vector<16xi32>
    %dma_start3A_1204 = arith.constant 2 : i32
    %dma_start3A_1205 = arith.constant 48 : i32
    %dma_start3A_1206 = arith.constant 0 : i32
    %dma_start3A_1207 = tpu.memref_slice %arg6[%dma_start3A_1204, %dma_start3A_1205, %dma_start3A_1206] : memref<8x128x64xf32, #tpu.memory_space<vmem>> -> memref<1x16x64xf32, #tpu.memory_space<vmem>>
    %dma_start3A_1208 = tpu.memref_squeeze %dma_start3A_1207 : memref<1x16x64xf32, #tpu.memory_space<vmem>> -> memref<16x64xf32, #tpu.memory_space<vmem>>
    %dma_start3A_1209 = arith.constant 0 : i32
    %dma_start3A_1210 = arith.constant 0 : i32
    %dma_start3A_1211 = tpu.memref_slice %arg3[%dma_start3A_1209, %dma_start3A_1210] : memref<1000000x64xf32, #tpu.memory_space<hbm>> -> memref<1000000x64xf32, #tpu.memory_space<hbm>>
    tpu.enqueue_indirect_dma source(%dma_start3A_1211 : memref<1000000x64xf32, #tpu.memory_space<hbm>>) target(%dma_start3A_1208 : memref<16x64xf32, #tpu.memory_space<vmem>>) offsets(%get3A_1203 : vector<16xi32>) semaphore(%arg9 : memref<!tpu.dma_semaphore, #tpu.memory_space<semaphore_mem>>)
    %get3A_1212 = arith.constant 10 : i32
    %get3A_1213 = arith.index_cast %get3A_1212 : i32 to index
    %get3A_1214 = arith.constant 64 : index
    %get3A_1215 = tpu.vector_load %arg5[%get3A_1213, %get3A_1214] {strides = array<i32>} : memref<26x128xi32, #tpu.memory_space<vmem>>, vector<1x16xi32>,
    %get3A_1216 = vector.shape_cast %get3A_1215 : vector<1x16xi32> to vector<16xi32>
    %dma_start3A_1217 = arith.constant 2 : i32
    %dma_start3A_1218 = arith.constant 64 : i32
    %dma_start3A_1219 = arith.constant 0 : i32
    %dma_start3A_1220 = tpu.memref_slice %arg6[%dma_start3A_1217, %dma_start3A_1218, %dma_start3A_1219] : memref<8x128x64xf32, #tpu.memory_space<vmem>> -> memref<1x16x64xf32, #tpu.memory_space<vmem>>
    %dma_start3A_1221 = tpu.memref_squeeze %dma_start3A_1220 : memref<1x16x64xf32, #tpu.memory_space<vmem>> -> memref<16x64xf32, #tpu.memory_space<vmem>>
    %dma_start3A_1222 = arith.constant 0 : i32
    %dma_start3A_1223 = arith.constant 0 : i32
    %dma_start3A_1224 = tpu.memref_slice %arg3[%dma_start3A_1222, %dma_start3A_1223] : memref<1000000x64xf32, #tpu.memory_space<hbm>> -> memref<1000000x64xf32, #tpu.memory_space<hbm>>
    tpu.enqueue_indirect_dma source(%dma_start3A_1224 : memref<1000000x64xf32, #tpu.memory_space<hbm>>) target(%dma_start3A_1221 : memref<16x64xf32, #tpu.memory_space<vmem>>) offsets(%get3A_1216 : vector<16xi32>) semaphore(%arg9 : memref<!tpu.dma_semaphore, #tpu.memory_space<semaphore_mem>>)
    %get3A_1225 = arith.constant 10 : i32
    %get3A_1226 = arith.index_cast %get3A_1225 : i32 to index
    %get3A_1227 = arith.constant 80 : index
    %get3A_1228 = tpu.vector_load %arg5[%get3A_1226, %get3A_1227] {strides = array<i32>} : memref<26x128xi32, #tpu.memory_space<vmem>>, vector<1x16xi32>,
    %get3A_1229 = vector.shape_cast %get3A_1228 : vector<1x16xi32> to vector<16xi32>
    %dma_start3A_1230 = arith.constant 2 : i32
    %dma_start3A_1231 = arith.constant 80 : i32
    %dma_start3A_1232 = arith.constant 0 : i32
    %dma_start3A_1233 = tpu.memref_slice %arg6[%dma_start3A_1230, %dma_start3A_1231, %dma_start3A_1232] : memref<8x128x64xf32, #tpu.memory_space<vmem>> -> memref<1x16x64xf32, #tpu.memory_space<vmem>>
    %dma_start3A_1234 = tpu.memref_squeeze %dma_start3A_1233 : memref<1x16x64xf32, #tpu.memory_space<vmem>> -> memref<16x64xf32, #tpu.memory_space<vmem>>
    %dma_start3A_1235 = arith.constant 0 : i32
    %dma_start3A_1236 = arith.constant 0 : i32
    %dma_start3A_1237 = tpu.memref_slice %arg3[%dma_start3A_1235, %dma_start3A_1236] : memref<1000000x64xf32, #tpu.memory_space<hbm>> -> memref<1000000x64xf32, #tpu.memory_space<hbm>>
    tpu.enqueue_indirect_dma source(%dma_start3A_1237 : memref<1000000x64xf32, #tpu.memory_space<hbm>>) target(%dma_start3A_1234 : memref<16x64xf32, #tpu.memory_space<vmem>>) offsets(%get3A_1229 : vector<16xi32>) semaphore(%arg9 : memref<!tpu.dma_semaphore, #tpu.memory_space<semaphore_mem>>)
    %get3A_1238 = arith.constant 10 : i32
    %get3A_1239 = arith.index_cast %get3A_1238 : i32 to index
    %get3A_1240 = arith.constant 96 : index
    %get3A_1241 = tpu.vector_load %arg5[%get3A_1239, %get3A_1240] {strides = array<i32>} : memref<26x128xi32, #tpu.memory_space<vmem>>, vector<1x16xi32>,
    %get3A_1242 = vector.shape_cast %get3A_1241 : vector<1x16xi32> to vector<16xi32>
    %dma_start3A_1243 = arith.constant 2 : i32
    %dma_start3A_1244 = arith.constant 96 : i32
    %dma_start3A_1245 = arith.constant 0 : i32
    %dma_start3A_1246 = tpu.memref_slice %arg6[%dma_start3A_1243, %dma_start3A_1244, %dma_start3A_1245] : memref<8x128x64xf32, #tpu.memory_space<vmem>> -> memref<1x16x64xf32, #tpu.memory_space<vmem>>
    %dma_start3A_1247 = tpu.memref_squeeze %dma_start3A_1246 : memref<1x16x64xf32, #tpu.memory_space<vmem>> -> memref<16x64xf32, #tpu.memory_space<vmem>>
    %dma_start3A_1248 = arith.constant 0 : i32
    %dma_start3A_1249 = arith.constant 0 : i32
    %dma_start3A_1250 = tpu.memref_slice %arg3[%dma_start3A_1248, %dma_start3A_1249] : memref<1000000x64xf32, #tpu.memory_space<hbm>> -> memref<1000000x64xf32, #tpu.memory_space<hbm>>
    tpu.enqueue_indirect_dma source(%dma_start3A_1250 : memref<1000000x64xf32, #tpu.memory_space<hbm>>) target(%dma_start3A_1247 : memref<16x64xf32, #tpu.memory_space<vmem>>) offsets(%get3A_1242 : vector<16xi32>) semaphore(%arg9 : memref<!tpu.dma_semaphore, #tpu.memory_space<semaphore_mem>>)
    %get3A_1251 = arith.constant 10 : i32
    %get3A_1252 = arith.index_cast %get3A_1251 : i32 to index
    %get3A_1253 = arith.constant 112 : index
    %get3A_1254 = tpu.vector_load %arg5[%get3A_1252, %get3A_1253] {strides = array<i32>} : memref<26x128xi32, #tpu.memory_space<vmem>>, vector<1x16xi32>,
    %get3A_1255 = vector.shape_cast %get3A_1254 : vector<1x16xi32> to vector<16xi32>
    %dma_start3A_1256 = arith.constant 2 : i32
    %dma_start3A_1257 = arith.constant 112 : i32
    %dma_start3A_1258 = arith.constant 0 : i32
    %dma_start3A_1259 = tpu.memref_slice %arg6[%dma_start3A_1256, %dma_start3A_1257, %dma_start3A_1258] : memref<8x128x64xf32, #tpu.memory_space<vmem>> -> memref<1x16x64xf32, #tpu.memory_space<vmem>>
    %dma_start3A_1260 = tpu.memref_squeeze %dma_start3A_1259 : memref<1x16x64xf32, #tpu.memory_space<vmem>> -> memref<16x64xf32, #tpu.memory_space<vmem>>
    %dma_start3A_1261 = arith.constant 0 : i32
    %dma_start3A_1262 = arith.constant 0 : i32
    %dma_start3A_1263 = tpu.memref_slice %arg3[%dma_start3A_1261, %dma_start3A_1262] : memref<1000000x64xf32, #tpu.memory_space<hbm>> -> memref<1000000x64xf32, #tpu.memory_space<hbm>>
    tpu.enqueue_indirect_dma source(%dma_start3A_1263 : memref<1000000x64xf32, #tpu.memory_space<hbm>>) target(%dma_start3A_1260 : memref<16x64xf32, #tpu.memory_space<vmem>>) offsets(%get3A_1255 : vector<16xi32>) semaphore(%arg9 : memref<!tpu.dma_semaphore, #tpu.memory_space<semaphore_mem>>)
    %dma_wait3A_1264 = arith.constant 3 : i32
    %dma_wait3A_1265 = arith.constant 3 : i32
    %dma_wait3A_1266 = arith.constant 0 : i32
    %dma_wait3A_1267 = arith.constant 0 : i32
    %dma_wait3A_1268 = tpu.memref_slice %arg6[%dma_wait3A_1265, %dma_wait3A_1266, %dma_wait3A_1267] : memref<8x128x64xf32, #tpu.memory_space<vmem>> -> memref<1x128x64xf32, #tpu.memory_space<vmem>>
    %dma_wait3A_1269 = tpu.memref_squeeze %dma_wait3A_1268 : memref<1x128x64xf32, #tpu.memory_space<vmem>> -> memref<128x64xf32, #tpu.memory_space<vmem>>
    %dma_wait3A_1270 = arith.constant 0 : i32
    %dma_wait3A_1271 = tpu.memref_slice %arg5[%dma_wait3A_1264, %dma_wait3A_1270] : memref<26x128xi32, #tpu.memory_space<vmem>> -> memref<1x128xi32, #tpu.memory_space<vmem>>
    %dma_wait3A_1272 = tpu.memref_squeeze %dma_wait3A_1271 : memref<1x128xi32, #tpu.memory_space<vmem>> -> memref<128xi32, #tpu.memory_space<vmem>>
    %dma_wait3A_1273 = arith.constant 0 : i32
    %dma_wait3A_1274 = arith.constant 0 : i32
    %dma_wait3A_1275 = tpu.memref_slice %arg3[%dma_wait3A_1273, %dma_wait3A_1274] : memref<1000000x64xf32, #tpu.memory_space<hbm>> -> memref<1000000x64xf32, #tpu.memory_space<hbm>>
    tpu.wait_indirect_dma semaphore(%arg10 : memref<!tpu.dma_semaphore, #tpu.memory_space<semaphore_mem>>) src(%dma_wait3A_1275 : memref<1000000x64xf32, #tpu.memory_space<hbm>>) dst(%dma_wait3A_1269 : memref<128x64xf32, #tpu.memory_space<vmem>>)
    %add3A_1276 = arith.constant 384 : i32
    %add3A_1277 = arith.addi %mul3A_2, %add3A_1276 : i32
    %dma_start3A_1278 = arith.constant 3 : i32
    %dma_start3A_1279 = arith.constant 0 : i32
    %dma_start3A_1280 = arith.constant 0 : i32
    %dma_start3A_1281 = tpu.memref_slice %arg6[%dma_start3A_1278, %dma_start3A_1279, %dma_start3A_1280] : memref<8x128x64xf32, #tpu.memory_space<vmem>> -> memref<1x128x64xf32, #tpu.memory_space<vmem>>
    %dma_start3A_1282 = tpu.memref_squeeze %dma_start3A_1281 : memref<1x128x64xf32, #tpu.memory_space<vmem>> -> memref<128x64xf32, #tpu.memory_space<vmem>>
    %dma_start3A_1283 = arith.constant 0 : i32
    %dma_start3A_1284 = tpu.memref_slice %arg4[%add3A_1277, %dma_start3A_1283] : memref<106496x64xf32, #tpu.memory_space<hbm>> -> memref<128x64xf32, #tpu.memory_space<hbm>>
    %dma_start3A_1285 = arith.constant 0 : i32
    %dma_start3A_1286 = tpu.memref_slice %arg4[%add3A_1277, %dma_start3A_1285] : memref<106496x64xf32, #tpu.memory_space<hbm>> -> memref<128x64xf32, #tpu.memory_space<hbm>>
    %dma_start3A_1287 = arith.constant 0 : i32
    %dma_start3A_1288 = arith.constant 0 : i32
    %dma_start3A_1289 = tpu.memref_slice %arg6[%dma_start3A_1278, %dma_start3A_1287, %dma_start3A_1288] : memref<8x128x64xf32, #tpu.memory_space<vmem>> -> memref<1x128x64xf32, #tpu.memory_space<vmem>>
    %dma_start3A_1290 = tpu.memref_squeeze %dma_start3A_1289 : memref<1x128x64xf32, #tpu.memory_space<vmem>> -> memref<128x64xf32, #tpu.memory_space<vmem>>
    tpu.enqueue_dma source(%dma_start3A_1290 : memref<128x64xf32, #tpu.memory_space<vmem>>) target(%dma_start3A_1286 : memref<128x64xf32, #tpu.memory_space<hbm>>) target_semaphore(%arg18 : memref<!tpu.dma_semaphore, #tpu.memory_space<semaphore_mem>>)
    %dma_wait3A_1291 = arith.constant 3 : i32
    %dma_wait3A_1292 = arith.constant 0 : i32
    %dma_wait3A_1293 = arith.constant 0 : i32
    %dma_wait3A_1294 = tpu.memref_slice %arg6[%dma_wait3A_1291, %dma_wait3A_1292, %dma_wait3A_1293] : memref<8x128x64xf32, #tpu.memory_space<vmem>> -> memref<1x128x64xf32, #tpu.memory_space<vmem>>
    %dma_wait3A_1295 = tpu.memref_squeeze %dma_wait3A_1294 : memref<1x128x64xf32, #tpu.memory_space<vmem>> -> memref<128x64xf32, #tpu.memory_space<vmem>>
    %dma_wait3A_1296 = arith.constant 0 : i32
    %dma_wait3A_1297 = tpu.memref_slice %arg4[%add3A_1277, %dma_wait3A_1296] : memref<106496x64xf32, #tpu.memory_space<hbm>> -> memref<128x64xf32, #tpu.memory_space<hbm>>
    %dma_wait3A_1298 = arith.constant 0 : i32
    %dma_wait3A_1299 = tpu.memref_slice %arg4[%add3A_1277, %dma_wait3A_1298] : memref<106496x64xf32, #tpu.memory_space<hbm>> -> memref<128x64xf32, #tpu.memory_space<hbm>>
    %dma_wait3A_1300 = arith.constant 0 : i32
    %dma_wait3A_1301 = arith.constant 0 : i32
    %dma_wait3A_1302 = tpu.memref_slice %arg6[%dma_wait3A_1291, %dma_wait3A_1300, %dma_wait3A_1301] : memref<8x128x64xf32, #tpu.memory_space<vmem>> -> memref<1x128x64xf32, #tpu.memory_space<vmem>>
    %dma_wait3A_1303 = tpu.memref_squeeze %dma_wait3A_1302 : memref<1x128x64xf32, #tpu.memory_space<vmem>> -> memref<128x64xf32, #tpu.memory_space<vmem>>
    tpu.wait_dma2 semaphore(%arg18 : memref<!tpu.dma_semaphore, #tpu.memory_space<semaphore_mem>>) src(%dma_wait3A_1303 : memref<128x64xf32, #tpu.memory_space<vmem>>) dst(%dma_wait3A_1299 : memref<128x64xf32, #tpu.memory_space<hbm>>)
    %get3A_1304 = arith.constant 11 : i32
    %get3A_1305 = arith.index_cast %get3A_1304 : i32 to index
    %get3A_1306 = arith.constant 0 : index
    %get3A_1307 = tpu.vector_load %arg5[%get3A_1305, %get3A_1306] {strides = array<i32>} : memref<26x128xi32, #tpu.memory_space<vmem>>, vector<1x16xi32>,
    %get3A_1308 = vector.shape_cast %get3A_1307 : vector<1x16xi32> to vector<16xi32>
    %dma_start3A_1309 = arith.constant 3 : i32
    %dma_start3A_1310 = arith.constant 0 : i32
    %dma_start3A_1311 = arith.constant 0 : i32
    %dma_start3A_1312 = tpu.memref_slice %arg6[%dma_start3A_1309, %dma_start3A_1310, %dma_start3A_1311] : memref<8x128x64xf32, #tpu.memory_space<vmem>> -> memref<1x16x64xf32, #tpu.memory_space<vmem>>
    %dma_start3A_1313 = tpu.memref_squeeze %dma_start3A_1312 : memref<1x16x64xf32, #tpu.memory_space<vmem>> -> memref<16x64xf32, #tpu.memory_space<vmem>>
    %dma_start3A_1314 = arith.constant 0 : i32
    %dma_start3A_1315 = arith.constant 0 : i32
    %dma_start3A_1316 = tpu.memref_slice %arg3[%dma_start3A_1314, %dma_start3A_1315] : memref<1000000x64xf32, #tpu.memory_space<hbm>> -> memref<1000000x64xf32, #tpu.memory_space<hbm>>
    tpu.enqueue_indirect_dma source(%dma_start3A_1316 : memref<1000000x64xf32, #tpu.memory_space<hbm>>) target(%dma_start3A_1313 : memref<16x64xf32, #tpu.memory_space<vmem>>) offsets(%get3A_1308 : vector<16xi32>) semaphore(%arg10 : memref<!tpu.dma_semaphore, #tpu.memory_space<semaphore_mem>>)
    %get3A_1317 = arith.constant 11 : i32
    %get3A_1318 = arith.index_cast %get3A_1317 : i32 to index
    %get3A_1319 = arith.constant 16 : index
    %get3A_1320 = tpu.vector_load %arg5[%get3A_1318, %get3A_1319] {strides = array<i32>} : memref<26x128xi32, #tpu.memory_space<vmem>>, vector<1x16xi32>,
    %get3A_1321 = vector.shape_cast %get3A_1320 : vector<1x16xi32> to vector<16xi32>
    %dma_start3A_1322 = arith.constant 3 : i32
    %dma_start3A_1323 = arith.constant 16 : i32
    %dma_start3A_1324 = arith.constant 0 : i32
    %dma_start3A_1325 = tpu.memref_slice %arg6[%dma_start3A_1322, %dma_start3A_1323, %dma_start3A_1324] : memref<8x128x64xf32, #tpu.memory_space<vmem>> -> memref<1x16x64xf32, #tpu.memory_space<vmem>>
    %dma_start3A_1326 = tpu.memref_squeeze %dma_start3A_1325 : memref<1x16x64xf32, #tpu.memory_space<vmem>> -> memref<16x64xf32, #tpu.memory_space<vmem>>
    %dma_start3A_1327 = arith.constant 0 : i32
    %dma_start3A_1328 = arith.constant 0 : i32
    %dma_start3A_1329 = tpu.memref_slice %arg3[%dma_start3A_1327, %dma_start3A_1328] : memref<1000000x64xf32, #tpu.memory_space<hbm>> -> memref<1000000x64xf32, #tpu.memory_space<hbm>>
    tpu.enqueue_indirect_dma source(%dma_start3A_1329 : memref<1000000x64xf32, #tpu.memory_space<hbm>>) target(%dma_start3A_1326 : memref<16x64xf32, #tpu.memory_space<vmem>>) offsets(%get3A_1321 : vector<16xi32>) semaphore(%arg10 : memref<!tpu.dma_semaphore, #tpu.memory_space<semaphore_mem>>)
    %get3A_1330 = arith.constant 11 : i32
    %get3A_1331 = arith.index_cast %get3A_1330 : i32 to index
    %get3A_1332 = arith.constant 32 : index
    %get3A_1333 = tpu.vector_load %arg5[%get3A_1331, %get3A_1332] {strides = array<i32>} : memref<26x128xi32, #tpu.memory_space<vmem>>, vector<1x16xi32>,
    %get3A_1334 = vector.shape_cast %get3A_1333 : vector<1x16xi32> to vector<16xi32>
    %dma_start3A_1335 = arith.constant 3 : i32
    %dma_start3A_1336 = arith.constant 32 : i32
    %dma_start3A_1337 = arith.constant 0 : i32
    %dma_start3A_1338 = tpu.memref_slice %arg6[%dma_start3A_1335, %dma_start3A_1336, %dma_start3A_1337] : memref<8x128x64xf32, #tpu.memory_space<vmem>> -> memref<1x16x64xf32, #tpu.memory_space<vmem>>
    %dma_start3A_1339 = tpu.memref_squeeze %dma_start3A_1338 : memref<1x16x64xf32, #tpu.memory_space<vmem>> -> memref<16x64xf32, #tpu.memory_space<vmem>>
    %dma_start3A_1340 = arith.constant 0 : i32
    %dma_start3A_1341 = arith.constant 0 : i32
    %dma_start3A_1342 = tpu.memref_slice %arg3[%dma_start3A_1340, %dma_start3A_1341] : memref<1000000x64xf32, #tpu.memory_space<hbm>> -> memref<1000000x64xf32, #tpu.memory_space<hbm>>
    tpu.enqueue_indirect_dma source(%dma_start3A_1342 : memref<1000000x64xf32, #tpu.memory_space<hbm>>) target(%dma_start3A_1339 : memref<16x64xf32, #tpu.memory_space<vmem>>) offsets(%get3A_1334 : vector<16xi32>) semaphore(%arg10 : memref<!tpu.dma_semaphore, #tpu.memory_space<semaphore_mem>>)
    %get3A_1343 = arith.constant 11 : i32
    %get3A_1344 = arith.index_cast %get3A_1343 : i32 to index
    %get3A_1345 = arith.constant 48 : index
    %get3A_1346 = tpu.vector_load %arg5[%get3A_1344, %get3A_1345] {strides = array<i32>} : memref<26x128xi32, #tpu.memory_space<vmem>>, vector<1x16xi32>,
    %get3A_1347 = vector.shape_cast %get3A_1346 : vector<1x16xi32> to vector<16xi32>
    %dma_start3A_1348 = arith.constant 3 : i32
    %dma_start3A_1349 = arith.constant 48 : i32
    %dma_start3A_1350 = arith.constant 0 : i32
    %dma_start3A_1351 = tpu.memref_slice %arg6[%dma_start3A_1348, %dma_start3A_1349, %dma_start3A_1350] : memref<8x128x64xf32, #tpu.memory_space<vmem>> -> memref<1x16x64xf32, #tpu.memory_space<vmem>>
    %dma_start3A_1352 = tpu.memref_squeeze %dma_start3A_1351 : memref<1x16x64xf32, #tpu.memory_space<vmem>> -> memref<16x64xf32, #tpu.memory_space<vmem>>
    %dma_start3A_1353 = arith.constant 0 : i32
    %dma_start3A_1354 = arith.constant 0 : i32
    %dma_start3A_1355 = tpu.memref_slice %arg3[%dma_start3A_1353, %dma_start3A_1354] : memref<1000000x64xf32, #tpu.memory_space<hbm>> -> memref<1000000x64xf32, #tpu.memory_space<hbm>>
    tpu.enqueue_indirect_dma source(%dma_start3A_1355 : memref<1000000x64xf32, #tpu.memory_space<hbm>>) target(%dma_start3A_1352 : memref<16x64xf32, #tpu.memory_space<vmem>>) offsets(%get3A_1347 : vector<16xi32>) semaphore(%arg10 : memref<!tpu.dma_semaphore, #tpu.memory_space<semaphore_mem>>)
    %get3A_1356 = arith.constant 11 : i32
    %get3A_1357 = arith.index_cast %get3A_1356 : i32 to index
    %get3A_1358 = arith.constant 64 : index
    %get3A_1359 = tpu.vector_load %arg5[%get3A_1357, %get3A_1358] {strides = array<i32>} : memref<26x128xi32, #tpu.memory_space<vmem>>, vector<1x16xi32>,
    %get3A_1360 = vector.shape_cast %get3A_1359 : vector<1x16xi32> to vector<16xi32>
    %dma_start3A_1361 = arith.constant 3 : i32
    %dma_start3A_1362 = arith.constant 64 : i32
    %dma_start3A_1363 = arith.constant 0 : i32
    %dma_start3A_1364 = tpu.memref_slice %arg6[%dma_start3A_1361, %dma_start3A_1362, %dma_start3A_1363] : memref<8x128x64xf32, #tpu.memory_space<vmem>> -> memref<1x16x64xf32, #tpu.memory_space<vmem>>
    %dma_start3A_1365 = tpu.memref_squeeze %dma_start3A_1364 : memref<1x16x64xf32, #tpu.memory_space<vmem>> -> memref<16x64xf32, #tpu.memory_space<vmem>>
    %dma_start3A_1366 = arith.constant 0 : i32
    %dma_start3A_1367 = arith.constant 0 : i32
    %dma_start3A_1368 = tpu.memref_slice %arg3[%dma_start3A_1366, %dma_start3A_1367] : memref<1000000x64xf32, #tpu.memory_space<hbm>> -> memref<1000000x64xf32, #tpu.memory_space<hbm>>
    tpu.enqueue_indirect_dma source(%dma_start3A_1368 : memref<1000000x64xf32, #tpu.memory_space<hbm>>) target(%dma_start3A_1365 : memref<16x64xf32, #tpu.memory_space<vmem>>) offsets(%get3A_1360 : vector<16xi32>) semaphore(%arg10 : memref<!tpu.dma_semaphore, #tpu.memory_space<semaphore_mem>>)
    %get3A_1369 = arith.constant 11 : i32
    %get3A_1370 = arith.index_cast %get3A_1369 : i32 to index
    %get3A_1371 = arith.constant 80 : index
    %get3A_1372 = tpu.vector_load %arg5[%get3A_1370, %get3A_1371] {strides = array<i32>} : memref<26x128xi32, #tpu.memory_space<vmem>>, vector<1x16xi32>,
    %get3A_1373 = vector.shape_cast %get3A_1372 : vector<1x16xi32> to vector<16xi32>
    %dma_start3A_1374 = arith.constant 3 : i32
    %dma_start3A_1375 = arith.constant 80 : i32
    %dma_start3A_1376 = arith.constant 0 : i32
    %dma_start3A_1377 = tpu.memref_slice %arg6[%dma_start3A_1374, %dma_start3A_1375, %dma_start3A_1376] : memref<8x128x64xf32, #tpu.memory_space<vmem>> -> memref<1x16x64xf32, #tpu.memory_space<vmem>>
    %dma_start3A_1378 = tpu.memref_squeeze %dma_start3A_1377 : memref<1x16x64xf32, #tpu.memory_space<vmem>> -> memref<16x64xf32, #tpu.memory_space<vmem>>
    %dma_start3A_1379 = arith.constant 0 : i32
    %dma_start3A_1380 = arith.constant 0 : i32
    %dma_start3A_1381 = tpu.memref_slice %arg3[%dma_start3A_1379, %dma_start3A_1380] : memref<1000000x64xf32, #tpu.memory_space<hbm>> -> memref<1000000x64xf32, #tpu.memory_space<hbm>>
    tpu.enqueue_indirect_dma source(%dma_start3A_1381 : memref<1000000x64xf32, #tpu.memory_space<hbm>>) target(%dma_start3A_1378 : memref<16x64xf32, #tpu.memory_space<vmem>>) offsets(%get3A_1373 : vector<16xi32>) semaphore(%arg10 : memref<!tpu.dma_semaphore, #tpu.memory_space<semaphore_mem>>)
    %get3A_1382 = arith.constant 11 : i32
    %get3A_1383 = arith.index_cast %get3A_1382 : i32 to index
    %get3A_1384 = arith.constant 96 : index
    %get3A_1385 = tpu.vector_load %arg5[%get3A_1383, %get3A_1384] {strides = array<i32>} : memref<26x128xi32, #tpu.memory_space<vmem>>, vector<1x16xi32>,
    %get3A_1386 = vector.shape_cast %get3A_1385 : vector<1x16xi32> to vector<16xi32>
    %dma_start3A_1387 = arith.constant 3 : i32
    %dma_start3A_1388 = arith.constant 96 : i32
    %dma_start3A_1389 = arith.constant 0 : i32
    %dma_start3A_1390 = tpu.memref_slice %arg6[%dma_start3A_1387, %dma_start3A_1388, %dma_start3A_1389] : memref<8x128x64xf32, #tpu.memory_space<vmem>> -> memref<1x16x64xf32, #tpu.memory_space<vmem>>
    %dma_start3A_1391 = tpu.memref_squeeze %dma_start3A_1390 : memref<1x16x64xf32, #tpu.memory_space<vmem>> -> memref<16x64xf32, #tpu.memory_space<vmem>>
    %dma_start3A_1392 = arith.constant 0 : i32
    %dma_start3A_1393 = arith.constant 0 : i32
    %dma_start3A_1394 = tpu.memref_slice %arg3[%dma_start3A_1392, %dma_start3A_1393] : memref<1000000x64xf32, #tpu.memory_space<hbm>> -> memref<1000000x64xf32, #tpu.memory_space<hbm>>
    tpu.enqueue_indirect_dma source(%dma_start3A_1394 : memref<1000000x64xf32, #tpu.memory_space<hbm>>) target(%dma_start3A_1391 : memref<16x64xf32, #tpu.memory_space<vmem>>) offsets(%get3A_1386 : vector<16xi32>) semaphore(%arg10 : memref<!tpu.dma_semaphore, #tpu.memory_space<semaphore_mem>>)
    %get3A_1395 = arith.constant 11 : i32
    %get3A_1396 = arith.index_cast %get3A_1395 : i32 to index
    %get3A_1397 = arith.constant 112 : index
    %get3A_1398 = tpu.vector_load %arg5[%get3A_1396, %get3A_1397] {strides = array<i32>} : memref<26x128xi32, #tpu.memory_space<vmem>>, vector<1x16xi32>,
    %get3A_1399 = vector.shape_cast %get3A_1398 : vector<1x16xi32> to vector<16xi32>
    %dma_start3A_1400 = arith.constant 3 : i32
    %dma_start3A_1401 = arith.constant 112 : i32
    %dma_start3A_1402 = arith.constant 0 : i32
    %dma_start3A_1403 = tpu.memref_slice %arg6[%dma_start3A_1400, %dma_start3A_1401, %dma_start3A_1402] : memref<8x128x64xf32, #tpu.memory_space<vmem>> -> memref<1x16x64xf32, #tpu.memory_space<vmem>>
    %dma_start3A_1404 = tpu.memref_squeeze %dma_start3A_1403 : memref<1x16x64xf32, #tpu.memory_space<vmem>> -> memref<16x64xf32, #tpu.memory_space<vmem>>
    %dma_start3A_1405 = arith.constant 0 : i32
    %dma_start3A_1406 = arith.constant 0 : i32
    %dma_start3A_1407 = tpu.memref_slice %arg3[%dma_start3A_1405, %dma_start3A_1406] : memref<1000000x64xf32, #tpu.memory_space<hbm>> -> memref<1000000x64xf32, #tpu.memory_space<hbm>>
    tpu.enqueue_indirect_dma source(%dma_start3A_1407 : memref<1000000x64xf32, #tpu.memory_space<hbm>>) target(%dma_start3A_1404 : memref<16x64xf32, #tpu.memory_space<vmem>>) offsets(%get3A_1399 : vector<16xi32>) semaphore(%arg10 : memref<!tpu.dma_semaphore, #tpu.memory_space<semaphore_mem>>)
    %dma_wait3A_1408 = arith.constant 4 : i32
    %dma_wait3A_1409 = arith.constant 4 : i32
    %dma_wait3A_1410 = arith.constant 0 : i32
    %dma_wait3A_1411 = arith.constant 0 : i32
    %dma_wait3A_1412 = tpu.memref_slice %arg6[%dma_wait3A_1409, %dma_wait3A_1410, %dma_wait3A_1411] : memref<8x128x64xf32, #tpu.memory_space<vmem>> -> memref<1x128x64xf32, #tpu.memory_space<vmem>>
    %dma_wait3A_1413 = tpu.memref_squeeze %dma_wait3A_1412 : memref<1x128x64xf32, #tpu.memory_space<vmem>> -> memref<128x64xf32, #tpu.memory_space<vmem>>
    %dma_wait3A_1414 = arith.constant 0 : i32
    %dma_wait3A_1415 = tpu.memref_slice %arg5[%dma_wait3A_1408, %dma_wait3A_1414] : memref<26x128xi32, #tpu.memory_space<vmem>> -> memref<1x128xi32, #tpu.memory_space<vmem>>
    %dma_wait3A_1416 = tpu.memref_squeeze %dma_wait3A_1415 : memref<1x128xi32, #tpu.memory_space<vmem>> -> memref<128xi32, #tpu.memory_space<vmem>>
    %dma_wait3A_1417 = arith.constant 0 : i32
    %dma_wait3A_1418 = arith.constant 0 : i32
    %dma_wait3A_1419 = tpu.memref_slice %arg3[%dma_wait3A_1417, %dma_wait3A_1418] : memref<1000000x64xf32, #tpu.memory_space<hbm>> -> memref<1000000x64xf32, #tpu.memory_space<hbm>>
    tpu.wait_indirect_dma semaphore(%arg11 : memref<!tpu.dma_semaphore, #tpu.memory_space<semaphore_mem>>) src(%dma_wait3A_1419 : memref<1000000x64xf32, #tpu.memory_space<hbm>>) dst(%dma_wait3A_1413 : memref<128x64xf32, #tpu.memory_space<vmem>>)
    %add3A_1420 = arith.constant 512 : i32
    %add3A_1421 = arith.addi %mul3A_2, %add3A_1420 : i32
    %dma_start3A_1422 = arith.constant 4 : i32
    %dma_start3A_1423 = arith.constant 0 : i32
    %dma_start3A_1424 = arith.constant 0 : i32
    %dma_start3A_1425 = tpu.memref_slice %arg6[%dma_start3A_1422, %dma_start3A_1423, %dma_start3A_1424] : memref<8x128x64xf32, #tpu.memory_space<vmem>> -> memref<1x128x64xf32, #tpu.memory_space<vmem>>
    %dma_start3A_1426 = tpu.memref_squeeze %dma_start3A_1425 : memref<1x128x64xf32, #tpu.memory_space<vmem>> -> memref<128x64xf32, #tpu.memory_space<vmem>>
    %dma_start3A_1427 = arith.constant 0 : i32
    %dma_start3A_1428 = tpu.memref_slice %arg4[%add3A_1421, %dma_start3A_1427] : memref<106496x64xf32, #tpu.memory_space<hbm>> -> memref<128x64xf32, #tpu.memory_space<hbm>>
    %dma_start3A_1429 = arith.constant 0 : i32
    %dma_start3A_1430 = tpu.memref_slice %arg4[%add3A_1421, %dma_start3A_1429] : memref<106496x64xf32, #tpu.memory_space<hbm>> -> memref<128x64xf32, #tpu.memory_space<hbm>>
    %dma_start3A_1431 = arith.constant 0 : i32
    %dma_start3A_1432 = arith.constant 0 : i32
    %dma_start3A_1433 = tpu.memref_slice %arg6[%dma_start3A_1422, %dma_start3A_1431, %dma_start3A_1432] : memref<8x128x64xf32, #tpu.memory_space<vmem>> -> memref<1x128x64xf32, #tpu.memory_space<vmem>>
    %dma_start3A_1434 = tpu.memref_squeeze %dma_start3A_1433 : memref<1x128x64xf32, #tpu.memory_space<vmem>> -> memref<128x64xf32, #tpu.memory_space<vmem>>
    tpu.enqueue_dma source(%dma_start3A_1434 : memref<128x64xf32, #tpu.memory_space<vmem>>) target(%dma_start3A_1430 : memref<128x64xf32, #tpu.memory_space<hbm>>) target_semaphore(%arg19 : memref<!tpu.dma_semaphore, #tpu.memory_space<semaphore_mem>>)
    %dma_wait3A_1435 = arith.constant 4 : i32
    %dma_wait3A_1436 = arith.constant 0 : i32
    %dma_wait3A_1437 = arith.constant 0 : i32
    %dma_wait3A_1438 = tpu.memref_slice %arg6[%dma_wait3A_1435, %dma_wait3A_1436, %dma_wait3A_1437] : memref<8x128x64xf32, #tpu.memory_space<vmem>> -> memref<1x128x64xf32, #tpu.memory_space<vmem>>
    %dma_wait3A_1439 = tpu.memref_squeeze %dma_wait3A_1438 : memref<1x128x64xf32, #tpu.memory_space<vmem>> -> memref<128x64xf32, #tpu.memory_space<vmem>>
    %dma_wait3A_1440 = arith.constant 0 : i32
    %dma_wait3A_1441 = tpu.memref_slice %arg4[%add3A_1421, %dma_wait3A_1440] : memref<106496x64xf32, #tpu.memory_space<hbm>> -> memref<128x64xf32, #tpu.memory_space<hbm>>
    %dma_wait3A_1442 = arith.constant 0 : i32
    %dma_wait3A_1443 = tpu.memref_slice %arg4[%add3A_1421, %dma_wait3A_1442] : memref<106496x64xf32, #tpu.memory_space<hbm>> -> memref<128x64xf32, #tpu.memory_space<hbm>>
    %dma_wait3A_1444 = arith.constant 0 : i32
    %dma_wait3A_1445 = arith.constant 0 : i32
    %dma_wait3A_1446 = tpu.memref_slice %arg6[%dma_wait3A_1435, %dma_wait3A_1444, %dma_wait3A_1445] : memref<8x128x64xf32, #tpu.memory_space<vmem>> -> memref<1x128x64xf32, #tpu.memory_space<vmem>>
    %dma_wait3A_1447 = tpu.memref_squeeze %dma_wait3A_1446 : memref<1x128x64xf32, #tpu.memory_space<vmem>> -> memref<128x64xf32, #tpu.memory_space<vmem>>
    tpu.wait_dma2 semaphore(%arg19 : memref<!tpu.dma_semaphore, #tpu.memory_space<semaphore_mem>>) src(%dma_wait3A_1447 : memref<128x64xf32, #tpu.memory_space<vmem>>) dst(%dma_wait3A_1443 : memref<128x64xf32, #tpu.memory_space<hbm>>)
    %get3A_1448 = arith.constant 12 : i32
    %get3A_1449 = arith.index_cast %get3A_1448 : i32 to index
    %get3A_1450 = arith.constant 0 : index
    %get3A_1451 = tpu.vector_load %arg5[%get3A_1449, %get3A_1450] {strides = array<i32>} : memref<26x128xi32, #tpu.memory_space<vmem>>, vector<1x16xi32>,
    %get3A_1452 = vector.shape_cast %get3A_1451 : vector<1x16xi32> to vector<16xi32>
    %dma_start3A_1453 = arith.constant 4 : i32
    %dma_start3A_1454 = arith.constant 0 : i32
    %dma_start3A_1455 = arith.constant 0 : i32
    %dma_start3A_1456 = tpu.memref_slice %arg6[%dma_start3A_1453, %dma_start3A_1454, %dma_start3A_1455] : memref<8x128x64xf32, #tpu.memory_space<vmem>> -> memref<1x16x64xf32, #tpu.memory_space<vmem>>
    %dma_start3A_1457 = tpu.memref_squeeze %dma_start3A_1456 : memref<1x16x64xf32, #tpu.memory_space<vmem>> -> memref<16x64xf32, #tpu.memory_space<vmem>>
    %dma_start3A_1458 = arith.constant 0 : i32
    %dma_start3A_1459 = arith.constant 0 : i32
    %dma_start3A_1460 = tpu.memref_slice %arg3[%dma_start3A_1458, %dma_start3A_1459] : memref<1000000x64xf32, #tpu.memory_space<hbm>> -> memref<1000000x64xf32, #tpu.memory_space<hbm>>
    tpu.enqueue_indirect_dma source(%dma_start3A_1460 : memref<1000000x64xf32, #tpu.memory_space<hbm>>) target(%dma_start3A_1457 : memref<16x64xf32, #tpu.memory_space<vmem>>) offsets(%get3A_1452 : vector<16xi32>) semaphore(%arg11 : memref<!tpu.dma_semaphore, #tpu.memory_space<semaphore_mem>>)
    %get3A_1461 = arith.constant 12 : i32
    %get3A_1462 = arith.index_cast %get3A_1461 : i32 to index
    %get3A_1463 = arith.constant 16 : index
    %get3A_1464 = tpu.vector_load %arg5[%get3A_1462, %get3A_1463] {strides = array<i32>} : memref<26x128xi32, #tpu.memory_space<vmem>>, vector<1x16xi32>,
    %get3A_1465 = vector.shape_cast %get3A_1464 : vector<1x16xi32> to vector<16xi32>
    %dma_start3A_1466 = arith.constant 4 : i32
    %dma_start3A_1467 = arith.constant 16 : i32
    %dma_start3A_1468 = arith.constant 0 : i32
    %dma_start3A_1469 = tpu.memref_slice %arg6[%dma_start3A_1466, %dma_start3A_1467, %dma_start3A_1468] : memref<8x128x64xf32, #tpu.memory_space<vmem>> -> memref<1x16x64xf32, #tpu.memory_space<vmem>>
    %dma_start3A_1470 = tpu.memref_squeeze %dma_start3A_1469 : memref<1x16x64xf32, #tpu.memory_space<vmem>> -> memref<16x64xf32, #tpu.memory_space<vmem>>
    %dma_start3A_1471 = arith.constant 0 : i32
    %dma_start3A_1472 = arith.constant 0 : i32
    %dma_start3A_1473 = tpu.memref_slice %arg3[%dma_start3A_1471, %dma_start3A_1472] : memref<1000000x64xf32, #tpu.memory_space<hbm>> -> memref<1000000x64xf32, #tpu.memory_space<hbm>>
    tpu.enqueue_indirect_dma source(%dma_start3A_1473 : memref<1000000x64xf32, #tpu.memory_space<hbm>>) target(%dma_start3A_1470 : memref<16x64xf32, #tpu.memory_space<vmem>>) offsets(%get3A_1465 : vector<16xi32>) semaphore(%arg11 : memref<!tpu.dma_semaphore, #tpu.memory_space<semaphore_mem>>)
    %get3A_1474 = arith.constant 12 : i32
    %get3A_1475 = arith.index_cast %get3A_1474 : i32 to index
    %get3A_1476 = arith.constant 32 : index
    %get3A_1477 = tpu.vector_load %arg5[%get3A_1475, %get3A_1476] {strides = array<i32>} : memref<26x128xi32, #tpu.memory_space<vmem>>, vector<1x16xi32>,
    %get3A_1478 = vector.shape_cast %get3A_1477 : vector<1x16xi32> to vector<16xi32>
    %dma_start3A_1479 = arith.constant 4 : i32
    %dma_start3A_1480 = arith.constant 32 : i32
    %dma_start3A_1481 = arith.constant 0 : i32
    %dma_start3A_1482 = tpu.memref_slice %arg6[%dma_start3A_1479, %dma_start3A_1480, %dma_start3A_1481] : memref<8x128x64xf32, #tpu.memory_space<vmem>> -> memref<1x16x64xf32, #tpu.memory_space<vmem>>
    %dma_start3A_1483 = tpu.memref_squeeze %dma_start3A_1482 : memref<1x16x64xf32, #tpu.memory_space<vmem>> -> memref<16x64xf32, #tpu.memory_space<vmem>>
    %dma_start3A_1484 = arith.constant 0 : i32
    %dma_start3A_1485 = arith.constant 0 : i32
    %dma_start3A_1486 = tpu.memref_slice %arg3[%dma_start3A_1484, %dma_start3A_1485] : memref<1000000x64xf32, #tpu.memory_space<hbm>> -> memref<1000000x64xf32, #tpu.memory_space<hbm>>
    tpu.enqueue_indirect_dma source(%dma_start3A_1486 : memref<1000000x64xf32, #tpu.memory_space<hbm>>) target(%dma_start3A_1483 : memref<16x64xf32, #tpu.memory_space<vmem>>) offsets(%get3A_1478 : vector<16xi32>) semaphore(%arg11 : memref<!tpu.dma_semaphore, #tpu.memory_space<semaphore_mem>>)
    %get3A_1487 = arith.constant 12 : i32
    %get3A_1488 = arith.index_cast %get3A_1487 : i32 to index
    %get3A_1489 = arith.constant 48 : index
    %get3A_1490 = tpu.vector_load %arg5[%get3A_1488, %get3A_1489] {strides = array<i32>} : memref<26x128xi32, #tpu.memory_space<vmem>>, vector<1x16xi32>,
    %get3A_1491 = vector.shape_cast %get3A_1490 : vector<1x16xi32> to vector<16xi32>
    %dma_start3A_1492 = arith.constant 4 : i32
    %dma_start3A_1493 = arith.constant 48 : i32
    %dma_start3A_1494 = arith.constant 0 : i32
    %dma_start3A_1495 = tpu.memref_slice %arg6[%dma_start3A_1492, %dma_start3A_1493, %dma_start3A_1494] : memref<8x128x64xf32, #tpu.memory_space<vmem>> -> memref<1x16x64xf32, #tpu.memory_space<vmem>>
    %dma_start3A_1496 = tpu.memref_squeeze %dma_start3A_1495 : memref<1x16x64xf32, #tpu.memory_space<vmem>> -> memref<16x64xf32, #tpu.memory_space<vmem>>
    %dma_start3A_1497 = arith.constant 0 : i32
    %dma_start3A_1498 = arith.constant 0 : i32
    %dma_start3A_1499 = tpu.memref_slice %arg3[%dma_start3A_1497, %dma_start3A_1498] : memref<1000000x64xf32, #tpu.memory_space<hbm>> -> memref<1000000x64xf32, #tpu.memory_space<hbm>>
    tpu.enqueue_indirect_dma source(%dma_start3A_1499 : memref<1000000x64xf32, #tpu.memory_space<hbm>>) target(%dma_start3A_1496 : memref<16x64xf32, #tpu.memory_space<vmem>>) offsets(%get3A_1491 : vector<16xi32>) semaphore(%arg11 : memref<!tpu.dma_semaphore, #tpu.memory_space<semaphore_mem>>)
    %get3A_1500 = arith.constant 12 : i32
    %get3A_1501 = arith.index_cast %get3A_1500 : i32 to index
    %get3A_1502 = arith.constant 64 : index
    %get3A_1503 = tpu.vector_load %arg5[%get3A_1501, %get3A_1502] {strides = array<i32>} : memref<26x128xi32, #tpu.memory_space<vmem>>, vector<1x16xi32>,
    %get3A_1504 = vector.shape_cast %get3A_1503 : vector<1x16xi32> to vector<16xi32>
    %dma_start3A_1505 = arith.constant 4 : i32
    %dma_start3A_1506 = arith.constant 64 : i32
    %dma_start3A_1507 = arith.constant 0 : i32
    %dma_start3A_1508 = tpu.memref_slice %arg6[%dma_start3A_1505, %dma_start3A_1506, %dma_start3A_1507] : memref<8x128x64xf32, #tpu.memory_space<vmem>> -> memref<1x16x64xf32, #tpu.memory_space<vmem>>
    %dma_start3A_1509 = tpu.memref_squeeze %dma_start3A_1508 : memref<1x16x64xf32, #tpu.memory_space<vmem>> -> memref<16x64xf32, #tpu.memory_space<vmem>>
    %dma_start3A_1510 = arith.constant 0 : i32
    %dma_start3A_1511 = arith.constant 0 : i32
    %dma_start3A_1512 = tpu.memref_slice %arg3[%dma_start3A_1510, %dma_start3A_1511] : memref<1000000x64xf32, #tpu.memory_space<hbm>> -> memref<1000000x64xf32, #tpu.memory_space<hbm>>
    tpu.enqueue_indirect_dma source(%dma_start3A_1512 : memref<1000000x64xf32, #tpu.memory_space<hbm>>) target(%dma_start3A_1509 : memref<16x64xf32, #tpu.memory_space<vmem>>) offsets(%get3A_1504 : vector<16xi32>) semaphore(%arg11 : memref<!tpu.dma_semaphore, #tpu.memory_space<semaphore_mem>>)
    %get3A_1513 = arith.constant 12 : i32
    %get3A_1514 = arith.index_cast %get3A_1513 : i32 to index
    %get3A_1515 = arith.constant 80 : index
    %get3A_1516 = tpu.vector_load %arg5[%get3A_1514, %get3A_1515] {strides = array<i32>} : memref<26x128xi32, #tpu.memory_space<vmem>>, vector<1x16xi32>,
    %get3A_1517 = vector.shape_cast %get3A_1516 : vector<1x16xi32> to vector<16xi32>
    %dma_start3A_1518 = arith.constant 4 : i32
    %dma_start3A_1519 = arith.constant 80 : i32
    %dma_start3A_1520 = arith.constant 0 : i32
    %dma_start3A_1521 = tpu.memref_slice %arg6[%dma_start3A_1518, %dma_start3A_1519, %dma_start3A_1520] : memref<8x128x64xf32, #tpu.memory_space<vmem>> -> memref<1x16x64xf32, #tpu.memory_space<vmem>>
    %dma_start3A_1522 = tpu.memref_squeeze %dma_start3A_1521 : memref<1x16x64xf32, #tpu.memory_space<vmem>> -> memref<16x64xf32, #tpu.memory_space<vmem>>
    %dma_start3A_1523 = arith.constant 0 : i32
    %dma_start3A_1524 = arith.constant 0 : i32
    %dma_start3A_1525 = tpu.memref_slice %arg3[%dma_start3A_1523, %dma_start3A_1524] : memref<1000000x64xf32, #tpu.memory_space<hbm>> -> memref<1000000x64xf32, #tpu.memory_space<hbm>>
    tpu.enqueue_indirect_dma source(%dma_start3A_1525 : memref<1000000x64xf32, #tpu.memory_space<hbm>>) target(%dma_start3A_1522 : memref<16x64xf32, #tpu.memory_space<vmem>>) offsets(%get3A_1517 : vector<16xi32>) semaphore(%arg11 : memref<!tpu.dma_semaphore, #tpu.memory_space<semaphore_mem>>)
    %get3A_1526 = arith.constant 12 : i32
    %get3A_1527 = arith.index_cast %get3A_1526 : i32 to index
    %get3A_1528 = arith.constant 96 : index
    %get3A_1529 = tpu.vector_load %arg5[%get3A_1527, %get3A_1528] {strides = array<i32>} : memref<26x128xi32, #tpu.memory_space<vmem>>, vector<1x16xi32>,
    %get3A_1530 = vector.shape_cast %get3A_1529 : vector<1x16xi32> to vector<16xi32>
    %dma_start3A_1531 = arith.constant 4 : i32
    %dma_start3A_1532 = arith.constant 96 : i32
    %dma_start3A_1533 = arith.constant 0 : i32
    %dma_start3A_1534 = tpu.memref_slice %arg6[%dma_start3A_1531, %dma_start3A_1532, %dma_start3A_1533] : memref<8x128x64xf32, #tpu.memory_space<vmem>> -> memref<1x16x64xf32, #tpu.memory_space<vmem>>
    %dma_start3A_1535 = tpu.memref_squeeze %dma_start3A_1534 : memref<1x16x64xf32, #tpu.memory_space<vmem>> -> memref<16x64xf32, #tpu.memory_space<vmem>>
    %dma_start3A_1536 = arith.constant 0 : i32
    %dma_start3A_1537 = arith.constant 0 : i32
    %dma_start3A_1538 = tpu.memref_slice %arg3[%dma_start3A_1536, %dma_start3A_1537] : memref<1000000x64xf32, #tpu.memory_space<hbm>> -> memref<1000000x64xf32, #tpu.memory_space<hbm>>
    tpu.enqueue_indirect_dma source(%dma_start3A_1538 : memref<1000000x64xf32, #tpu.memory_space<hbm>>) target(%dma_start3A_1535 : memref<16x64xf32, #tpu.memory_space<vmem>>) offsets(%get3A_1530 : vector<16xi32>) semaphore(%arg11 : memref<!tpu.dma_semaphore, #tpu.memory_space<semaphore_mem>>)
    %get3A_1539 = arith.constant 12 : i32
    %get3A_1540 = arith.index_cast %get3A_1539 : i32 to index
    %get3A_1541 = arith.constant 112 : index
    %get3A_1542 = tpu.vector_load %arg5[%get3A_1540, %get3A_1541] {strides = array<i32>} : memref<26x128xi32, #tpu.memory_space<vmem>>, vector<1x16xi32>,
    %get3A_1543 = vector.shape_cast %get3A_1542 : vector<1x16xi32> to vector<16xi32>
    %dma_start3A_1544 = arith.constant 4 : i32
    %dma_start3A_1545 = arith.constant 112 : i32
    %dma_start3A_1546 = arith.constant 0 : i32
    %dma_start3A_1547 = tpu.memref_slice %arg6[%dma_start3A_1544, %dma_start3A_1545, %dma_start3A_1546] : memref<8x128x64xf32, #tpu.memory_space<vmem>> -> memref<1x16x64xf32, #tpu.memory_space<vmem>>
    %dma_start3A_1548 = tpu.memref_squeeze %dma_start3A_1547 : memref<1x16x64xf32, #tpu.memory_space<vmem>> -> memref<16x64xf32, #tpu.memory_space<vmem>>
    %dma_start3A_1549 = arith.constant 0 : i32
    %dma_start3A_1550 = arith.constant 0 : i32
    %dma_start3A_1551 = tpu.memref_slice %arg3[%dma_start3A_1549, %dma_start3A_1550] : memref<1000000x64xf32, #tpu.memory_space<hbm>> -> memref<1000000x64xf32, #tpu.memory_space<hbm>>
    tpu.enqueue_indirect_dma source(%dma_start3A_1551 : memref<1000000x64xf32, #tpu.memory_space<hbm>>) target(%dma_start3A_1548 : memref<16x64xf32, #tpu.memory_space<vmem>>) offsets(%get3A_1543 : vector<16xi32>) semaphore(%arg11 : memref<!tpu.dma_semaphore, #tpu.memory_space<semaphore_mem>>)
    %dma_wait3A_1552 = arith.constant 5 : i32
    %dma_wait3A_1553 = arith.constant 5 : i32
    %dma_wait3A_1554 = arith.constant 0 : i32
    %dma_wait3A_1555 = arith.constant 0 : i32
    %dma_wait3A_1556 = tpu.memref_slice %arg6[%dma_wait3A_1553, %dma_wait3A_1554, %dma_wait3A_1555] : memref<8x128x64xf32, #tpu.memory_space<vmem>> -> memref<1x128x64xf32, #tpu.memory_space<vmem>>
    %dma_wait3A_1557 = tpu.memref_squeeze %dma_wait3A_1556 : memref<1x128x64xf32, #tpu.memory_space<vmem>> -> memref<128x64xf32, #tpu.memory_space<vmem>>
    %dma_wait3A_1558 = arith.constant 0 : i32
    %dma_wait3A_1559 = tpu.memref_slice %arg5[%dma_wait3A_1552, %dma_wait3A_1558] : memref<26x128xi32, #tpu.memory_space<vmem>> -> memref<1x128xi32, #tpu.memory_space<vmem>>
    %dma_wait3A_1560 = tpu.memref_squeeze %dma_wait3A_1559 : memref<1x128xi32, #tpu.memory_space<vmem>> -> memref<128xi32, #tpu.memory_space<vmem>>
    %dma_wait3A_1561 = arith.constant 0 : i32
    %dma_wait3A_1562 = arith.constant 0 : i32
    %dma_wait3A_1563 = tpu.memref_slice %arg3[%dma_wait3A_1561, %dma_wait3A_1562] : memref<1000000x64xf32, #tpu.memory_space<hbm>> -> memref<1000000x64xf32, #tpu.memory_space<hbm>>
    tpu.wait_indirect_dma semaphore(%arg12 : memref<!tpu.dma_semaphore, #tpu.memory_space<semaphore_mem>>) src(%dma_wait3A_1563 : memref<1000000x64xf32, #tpu.memory_space<hbm>>) dst(%dma_wait3A_1557 : memref<128x64xf32, #tpu.memory_space<vmem>>)
    %add3A_1564 = arith.constant 640 : i32
    %add3A_1565 = arith.addi %mul3A_2, %add3A_1564 : i32
    %dma_start3A_1566 = arith.constant 5 : i32
    %dma_start3A_1567 = arith.constant 0 : i32
    %dma_start3A_1568 = arith.constant 0 : i32
    %dma_start3A_1569 = tpu.memref_slice %arg6[%dma_start3A_1566, %dma_start3A_1567, %dma_start3A_1568] : memref<8x128x64xf32, #tpu.memory_space<vmem>> -> memref<1x128x64xf32, #tpu.memory_space<vmem>>
    %dma_start3A_1570 = tpu.memref_squeeze %dma_start3A_1569 : memref<1x128x64xf32, #tpu.memory_space<vmem>> -> memref<128x64xf32, #tpu.memory_space<vmem>>
    %dma_start3A_1571 = arith.constant 0 : i32
    %dma_start3A_1572 = tpu.memref_slice %arg4[%add3A_1565, %dma_start3A_1571] : memref<106496x64xf32, #tpu.memory_space<hbm>> -> memref<128x64xf32, #tpu.memory_space<hbm>>
    %dma_start3A_1573 = arith.constant 0 : i32
    %dma_start3A_1574 = tpu.memref_slice %arg4[%add3A_1565, %dma_start3A_1573] : memref<106496x64xf32, #tpu.memory_space<hbm>> -> memref<128x64xf32, #tpu.memory_space<hbm>>
    %dma_start3A_1575 = arith.constant 0 : i32
    %dma_start3A_1576 = arith.constant 0 : i32
    %dma_start3A_1577 = tpu.memref_slice %arg6[%dma_start3A_1566, %dma_start3A_1575, %dma_start3A_1576] : memref<8x128x64xf32, #tpu.memory_space<vmem>> -> memref<1x128x64xf32, #tpu.memory_space<vmem>>
    %dma_start3A_1578 = tpu.memref_squeeze %dma_start3A_1577 : memref<1x128x64xf32, #tpu.memory_space<vmem>> -> memref<128x64xf32, #tpu.memory_space<vmem>>
    tpu.enqueue_dma source(%dma_start3A_1578 : memref<128x64xf32, #tpu.memory_space<vmem>>) target(%dma_start3A_1574 : memref<128x64xf32, #tpu.memory_space<hbm>>) target_semaphore(%arg20 : memref<!tpu.dma_semaphore, #tpu.memory_space<semaphore_mem>>)
    %dma_wait3A_1579 = arith.constant 5 : i32
    %dma_wait3A_1580 = arith.constant 0 : i32
    %dma_wait3A_1581 = arith.constant 0 : i32
    %dma_wait3A_1582 = tpu.memref_slice %arg6[%dma_wait3A_1579, %dma_wait3A_1580, %dma_wait3A_1581] : memref<8x128x64xf32, #tpu.memory_space<vmem>> -> memref<1x128x64xf32, #tpu.memory_space<vmem>>
    %dma_wait3A_1583 = tpu.memref_squeeze %dma_wait3A_1582 : memref<1x128x64xf32, #tpu.memory_space<vmem>> -> memref<128x64xf32, #tpu.memory_space<vmem>>
    %dma_wait3A_1584 = arith.constant 0 : i32
    %dma_wait3A_1585 = tpu.memref_slice %arg4[%add3A_1565, %dma_wait3A_1584] : memref<106496x64xf32, #tpu.memory_space<hbm>> -> memref<128x64xf32, #tpu.memory_space<hbm>>
    %dma_wait3A_1586 = arith.constant 0 : i32
    %dma_wait3A_1587 = tpu.memref_slice %arg4[%add3A_1565, %dma_wait3A_1586] : memref<106496x64xf32, #tpu.memory_space<hbm>> -> memref<128x64xf32, #tpu.memory_space<hbm>>
    %dma_wait3A_1588 = arith.constant 0 : i32
    %dma_wait3A_1589 = arith.constant 0 : i32
    %dma_wait3A_1590 = tpu.memref_slice %arg6[%dma_wait3A_1579, %dma_wait3A_1588, %dma_wait3A_1589] : memref<8x128x64xf32, #tpu.memory_space<vmem>> -> memref<1x128x64xf32, #tpu.memory_space<vmem>>
    %dma_wait3A_1591 = tpu.memref_squeeze %dma_wait3A_1590 : memref<1x128x64xf32, #tpu.memory_space<vmem>> -> memref<128x64xf32, #tpu.memory_space<vmem>>
    tpu.wait_dma2 semaphore(%arg20 : memref<!tpu.dma_semaphore, #tpu.memory_space<semaphore_mem>>) src(%dma_wait3A_1591 : memref<128x64xf32, #tpu.memory_space<vmem>>) dst(%dma_wait3A_1587 : memref<128x64xf32, #tpu.memory_space<hbm>>)
    %get3A_1592 = arith.constant 13 : i32
    %get3A_1593 = arith.index_cast %get3A_1592 : i32 to index
    %get3A_1594 = arith.constant 0 : index
    %get3A_1595 = tpu.vector_load %arg5[%get3A_1593, %get3A_1594] {strides = array<i32>} : memref<26x128xi32, #tpu.memory_space<vmem>>, vector<1x16xi32>,
    %get3A_1596 = vector.shape_cast %get3A_1595 : vector<1x16xi32> to vector<16xi32>
    %dma_start3A_1597 = arith.constant 5 : i32
    %dma_start3A_1598 = arith.constant 0 : i32
    %dma_start3A_1599 = arith.constant 0 : i32
    %dma_start3A_1600 = tpu.memref_slice %arg6[%dma_start3A_1597, %dma_start3A_1598, %dma_start3A_1599] : memref<8x128x64xf32, #tpu.memory_space<vmem>> -> memref<1x16x64xf32, #tpu.memory_space<vmem>>
    %dma_start3A_1601 = tpu.memref_squeeze %dma_start3A_1600 : memref<1x16x64xf32, #tpu.memory_space<vmem>> -> memref<16x64xf32, #tpu.memory_space<vmem>>
    %dma_start3A_1602 = arith.constant 0 : i32
    %dma_start3A_1603 = arith.constant 0 : i32
    %dma_start3A_1604 = tpu.memref_slice %arg3[%dma_start3A_1602, %dma_start3A_1603] : memref<1000000x64xf32, #tpu.memory_space<hbm>> -> memref<1000000x64xf32, #tpu.memory_space<hbm>>
    tpu.enqueue_indirect_dma source(%dma_start3A_1604 : memref<1000000x64xf32, #tpu.memory_space<hbm>>) target(%dma_start3A_1601 : memref<16x64xf32, #tpu.memory_space<vmem>>) offsets(%get3A_1596 : vector<16xi32>) semaphore(%arg12 : memref<!tpu.dma_semaphore, #tpu.memory_space<semaphore_mem>>)
    %get3A_1605 = arith.constant 13 : i32
    %get3A_1606 = arith.index_cast %get3A_1605 : i32 to index
    %get3A_1607 = arith.constant 16 : index
    %get3A_1608 = tpu.vector_load %arg5[%get3A_1606, %get3A_1607] {strides = array<i32>} : memref<26x128xi32, #tpu.memory_space<vmem>>, vector<1x16xi32>,
    %get3A_1609 = vector.shape_cast %get3A_1608 : vector<1x16xi32> to vector<16xi32>
    %dma_start3A_1610 = arith.constant 5 : i32
    %dma_start3A_1611 = arith.constant 16 : i32
    %dma_start3A_1612 = arith.constant 0 : i32
    %dma_start3A_1613 = tpu.memref_slice %arg6[%dma_start3A_1610, %dma_start3A_1611, %dma_start3A_1612] : memref<8x128x64xf32, #tpu.memory_space<vmem>> -> memref<1x16x64xf32, #tpu.memory_space<vmem>>
    %dma_start3A_1614 = tpu.memref_squeeze %dma_start3A_1613 : memref<1x16x64xf32, #tpu.memory_space<vmem>> -> memref<16x64xf32, #tpu.memory_space<vmem>>
    %dma_start3A_1615 = arith.constant 0 : i32
    %dma_start3A_1616 = arith.constant 0 : i32
    %dma_start3A_1617 = tpu.memref_slice %arg3[%dma_start3A_1615, %dma_start3A_1616] : memref<1000000x64xf32, #tpu.memory_space<hbm>> -> memref<1000000x64xf32, #tpu.memory_space<hbm>>
    tpu.enqueue_indirect_dma source(%dma_start3A_1617 : memref<1000000x64xf32, #tpu.memory_space<hbm>>) target(%dma_start3A_1614 : memref<16x64xf32, #tpu.memory_space<vmem>>) offsets(%get3A_1609 : vector<16xi32>) semaphore(%arg12 : memref<!tpu.dma_semaphore, #tpu.memory_space<semaphore_mem>>)
    %get3A_1618 = arith.constant 13 : i32
    %get3A_1619 = arith.index_cast %get3A_1618 : i32 to index
    %get3A_1620 = arith.constant 32 : index
    %get3A_1621 = tpu.vector_load %arg5[%get3A_1619, %get3A_1620] {strides = array<i32>} : memref<26x128xi32, #tpu.memory_space<vmem>>, vector<1x16xi32>,
    %get3A_1622 = vector.shape_cast %get3A_1621 : vector<1x16xi32> to vector<16xi32>
    %dma_start3A_1623 = arith.constant 5 : i32
    %dma_start3A_1624 = arith.constant 32 : i32
    %dma_start3A_1625 = arith.constant 0 : i32
    %dma_start3A_1626 = tpu.memref_slice %arg6[%dma_start3A_1623, %dma_start3A_1624, %dma_start3A_1625] : memref<8x128x64xf32, #tpu.memory_space<vmem>> -> memref<1x16x64xf32, #tpu.memory_space<vmem>>
    %dma_start3A_1627 = tpu.memref_squeeze %dma_start3A_1626 : memref<1x16x64xf32, #tpu.memory_space<vmem>> -> memref<16x64xf32, #tpu.memory_space<vmem>>
    %dma_start3A_1628 = arith.constant 0 : i32
    %dma_start3A_1629 = arith.constant 0 : i32
    %dma_start3A_1630 = tpu.memref_slice %arg3[%dma_start3A_1628, %dma_start3A_1629] : memref<1000000x64xf32, #tpu.memory_space<hbm>> -> memref<1000000x64xf32, #tpu.memory_space<hbm>>
    tpu.enqueue_indirect_dma source(%dma_start3A_1630 : memref<1000000x64xf32, #tpu.memory_space<hbm>>) target(%dma_start3A_1627 : memref<16x64xf32, #tpu.memory_space<vmem>>) offsets(%get3A_1622 : vector<16xi32>) semaphore(%arg12 : memref<!tpu.dma_semaphore, #tpu.memory_space<semaphore_mem>>)
    %get3A_1631 = arith.constant 13 : i32
    %get3A_1632 = arith.index_cast %get3A_1631 : i32 to index
    %get3A_1633 = arith.constant 48 : index
    %get3A_1634 = tpu.vector_load %arg5[%get3A_1632, %get3A_1633] {strides = array<i32>} : memref<26x128xi32, #tpu.memory_space<vmem>>, vector<1x16xi32>,
    %get3A_1635 = vector.shape_cast %get3A_1634 : vector<1x16xi32> to vector<16xi32>
    %dma_start3A_1636 = arith.constant 5 : i32
    %dma_start3A_1637 = arith.constant 48 : i32
    %dma_start3A_1638 = arith.constant 0 : i32
    %dma_start3A_1639 = tpu.memref_slice %arg6[%dma_start3A_1636, %dma_start3A_1637, %dma_start3A_1638] : memref<8x128x64xf32, #tpu.memory_space<vmem>> -> memref<1x16x64xf32, #tpu.memory_space<vmem>>
    %dma_start3A_1640 = tpu.memref_squeeze %dma_start3A_1639 : memref<1x16x64xf32, #tpu.memory_space<vmem>> -> memref<16x64xf32, #tpu.memory_space<vmem>>
    %dma_start3A_1641 = arith.constant 0 : i32
    %dma_start3A_1642 = arith.constant 0 : i32
    %dma_start3A_1643 = tpu.memref_slice %arg3[%dma_start3A_1641, %dma_start3A_1642] : memref<1000000x64xf32, #tpu.memory_space<hbm>> -> memref<1000000x64xf32, #tpu.memory_space<hbm>>
    tpu.enqueue_indirect_dma source(%dma_start3A_1643 : memref<1000000x64xf32, #tpu.memory_space<hbm>>) target(%dma_start3A_1640 : memref<16x64xf32, #tpu.memory_space<vmem>>) offsets(%get3A_1635 : vector<16xi32>) semaphore(%arg12 : memref<!tpu.dma_semaphore, #tpu.memory_space<semaphore_mem>>)
    %get3A_1644 = arith.constant 13 : i32
    %get3A_1645 = arith.index_cast %get3A_1644 : i32 to index
    %get3A_1646 = arith.constant 64 : index
    %get3A_1647 = tpu.vector_load %arg5[%get3A_1645, %get3A_1646] {strides = array<i32>} : memref<26x128xi32, #tpu.memory_space<vmem>>, vector<1x16xi32>,
    %get3A_1648 = vector.shape_cast %get3A_1647 : vector<1x16xi32> to vector<16xi32>
    %dma_start3A_1649 = arith.constant 5 : i32
    %dma_start3A_1650 = arith.constant 64 : i32
    %dma_start3A_1651 = arith.constant 0 : i32
    %dma_start3A_1652 = tpu.memref_slice %arg6[%dma_start3A_1649, %dma_start3A_1650, %dma_start3A_1651] : memref<8x128x64xf32, #tpu.memory_space<vmem>> -> memref<1x16x64xf32, #tpu.memory_space<vmem>>
    %dma_start3A_1653 = tpu.memref_squeeze %dma_start3A_1652 : memref<1x16x64xf32, #tpu.memory_space<vmem>> -> memref<16x64xf32, #tpu.memory_space<vmem>>
    %dma_start3A_1654 = arith.constant 0 : i32
    %dma_start3A_1655 = arith.constant 0 : i32
    %dma_start3A_1656 = tpu.memref_slice %arg3[%dma_start3A_1654, %dma_start3A_1655] : memref<1000000x64xf32, #tpu.memory_space<hbm>> -> memref<1000000x64xf32, #tpu.memory_space<hbm>>
    tpu.enqueue_indirect_dma source(%dma_start3A_1656 : memref<1000000x64xf32, #tpu.memory_space<hbm>>) target(%dma_start3A_1653 : memref<16x64xf32, #tpu.memory_space<vmem>>) offsets(%get3A_1648 : vector<16xi32>) semaphore(%arg12 : memref<!tpu.dma_semaphore, #tpu.memory_space<semaphore_mem>>)
    %get3A_1657 = arith.constant 13 : i32
    %get3A_1658 = arith.index_cast %get3A_1657 : i32 to index
    %get3A_1659 = arith.constant 80 : index
    %get3A_1660 = tpu.vector_load %arg5[%get3A_1658, %get3A_1659] {strides = array<i32>} : memref<26x128xi32, #tpu.memory_space<vmem>>, vector<1x16xi32>,
    %get3A_1661 = vector.shape_cast %get3A_1660 : vector<1x16xi32> to vector<16xi32>
    %dma_start3A_1662 = arith.constant 5 : i32
    %dma_start3A_1663 = arith.constant 80 : i32
    %dma_start3A_1664 = arith.constant 0 : i32
    %dma_start3A_1665 = tpu.memref_slice %arg6[%dma_start3A_1662, %dma_start3A_1663, %dma_start3A_1664] : memref<8x128x64xf32, #tpu.memory_space<vmem>> -> memref<1x16x64xf32, #tpu.memory_space<vmem>>
    %dma_start3A_1666 = tpu.memref_squeeze %dma_start3A_1665 : memref<1x16x64xf32, #tpu.memory_space<vmem>> -> memref<16x64xf32, #tpu.memory_space<vmem>>
    %dma_start3A_1667 = arith.constant 0 : i32
    %dma_start3A_1668 = arith.constant 0 : i32
    %dma_start3A_1669 = tpu.memref_slice %arg3[%dma_start3A_1667, %dma_start3A_1668] : memref<1000000x64xf32, #tpu.memory_space<hbm>> -> memref<1000000x64xf32, #tpu.memory_space<hbm>>
    tpu.enqueue_indirect_dma source(%dma_start3A_1669 : memref<1000000x64xf32, #tpu.memory_space<hbm>>) target(%dma_start3A_1666 : memref<16x64xf32, #tpu.memory_space<vmem>>) offsets(%get3A_1661 : vector<16xi32>) semaphore(%arg12 : memref<!tpu.dma_semaphore, #tpu.memory_space<semaphore_mem>>)
    %get3A_1670 = arith.constant 13 : i32
    %get3A_1671 = arith.index_cast %get3A_1670 : i32 to index
    %get3A_1672 = arith.constant 96 : index
    %get3A_1673 = tpu.vector_load %arg5[%get3A_1671, %get3A_1672] {strides = array<i32>} : memref<26x128xi32, #tpu.memory_space<vmem>>, vector<1x16xi32>,
    %get3A_1674 = vector.shape_cast %get3A_1673 : vector<1x16xi32> to vector<16xi32>
    %dma_start3A_1675 = arith.constant 5 : i32
    %dma_start3A_1676 = arith.constant 96 : i32
    %dma_start3A_1677 = arith.constant 0 : i32
    %dma_start3A_1678 = tpu.memref_slice %arg6[%dma_start3A_1675, %dma_start3A_1676, %dma_start3A_1677] : memref<8x128x64xf32, #tpu.memory_space<vmem>> -> memref<1x16x64xf32, #tpu.memory_space<vmem>>
    %dma_start3A_1679 = tpu.memref_squeeze %dma_start3A_1678 : memref<1x16x64xf32, #tpu.memory_space<vmem>> -> memref<16x64xf32, #tpu.memory_space<vmem>>
    %dma_start3A_1680 = arith.constant 0 : i32
    %dma_start3A_1681 = arith.constant 0 : i32
    %dma_start3A_1682 = tpu.memref_slice %arg3[%dma_start3A_1680, %dma_start3A_1681] : memref<1000000x64xf32, #tpu.memory_space<hbm>> -> memref<1000000x64xf32, #tpu.memory_space<hbm>>
    tpu.enqueue_indirect_dma source(%dma_start3A_1682 : memref<1000000x64xf32, #tpu.memory_space<hbm>>) target(%dma_start3A_1679 : memref<16x64xf32, #tpu.memory_space<vmem>>) offsets(%get3A_1674 : vector<16xi32>) semaphore(%arg12 : memref<!tpu.dma_semaphore, #tpu.memory_space<semaphore_mem>>)
    %get3A_1683 = arith.constant 13 : i32
    %get3A_1684 = arith.index_cast %get3A_1683 : i32 to index
    %get3A_1685 = arith.constant 112 : index
    %get3A_1686 = tpu.vector_load %arg5[%get3A_1684, %get3A_1685] {strides = array<i32>} : memref<26x128xi32, #tpu.memory_space<vmem>>, vector<1x16xi32>,
    %get3A_1687 = vector.shape_cast %get3A_1686 : vector<1x16xi32> to vector<16xi32>
    %dma_start3A_1688 = arith.constant 5 : i32
    %dma_start3A_1689 = arith.constant 112 : i32
    %dma_start3A_1690 = arith.constant 0 : i32
    %dma_start3A_1691 = tpu.memref_slice %arg6[%dma_start3A_1688, %dma_start3A_1689, %dma_start3A_1690] : memref<8x128x64xf32, #tpu.memory_space<vmem>> -> memref<1x16x64xf32, #tpu.memory_space<vmem>>
    %dma_start3A_1692 = tpu.memref_squeeze %dma_start3A_1691 : memref<1x16x64xf32, #tpu.memory_space<vmem>> -> memref<16x64xf32, #tpu.memory_space<vmem>>
    %dma_start3A_1693 = arith.constant 0 : i32
    %dma_start3A_1694 = arith.constant 0 : i32
    %dma_start3A_1695 = tpu.memref_slice %arg3[%dma_start3A_1693, %dma_start3A_1694] : memref<1000000x64xf32, #tpu.memory_space<hbm>> -> memref<1000000x64xf32, #tpu.memory_space<hbm>>
    tpu.enqueue_indirect_dma source(%dma_start3A_1695 : memref<1000000x64xf32, #tpu.memory_space<hbm>>) target(%dma_start3A_1692 : memref<16x64xf32, #tpu.memory_space<vmem>>) offsets(%get3A_1687 : vector<16xi32>) semaphore(%arg12 : memref<!tpu.dma_semaphore, #tpu.memory_space<semaphore_mem>>)
    %dma_wait3A_1696 = arith.constant 6 : i32
    %dma_wait3A_1697 = arith.constant 6 : i32
    %dma_wait3A_1698 = arith.constant 0 : i32
    %dma_wait3A_1699 = arith.constant 0 : i32
    %dma_wait3A_1700 = tpu.memref_slice %arg6[%dma_wait3A_1697, %dma_wait3A_1698, %dma_wait3A_1699] : memref<8x128x64xf32, #tpu.memory_space<vmem>> -> memref<1x128x64xf32, #tpu.memory_space<vmem>>
    %dma_wait3A_1701 = tpu.memref_squeeze %dma_wait3A_1700 : memref<1x128x64xf32, #tpu.memory_space<vmem>> -> memref<128x64xf32, #tpu.memory_space<vmem>>
    %dma_wait3A_1702 = arith.constant 0 : i32
    %dma_wait3A_1703 = tpu.memref_slice %arg5[%dma_wait3A_1696, %dma_wait3A_1702] : memref<26x128xi32, #tpu.memory_space<vmem>> -> memref<1x128xi32, #tpu.memory_space<vmem>>
    %dma_wait3A_1704 = tpu.memref_squeeze %dma_wait3A_1703 : memref<1x128xi32, #tpu.memory_space<vmem>> -> memref<128xi32, #tpu.memory_space<vmem>>
    %dma_wait3A_1705 = arith.constant 0 : i32
    %dma_wait3A_1706 = arith.constant 0 : i32
    %dma_wait3A_1707 = tpu.memref_slice %arg3[%dma_wait3A_1705, %dma_wait3A_1706] : memref<1000000x64xf32, #tpu.memory_space<hbm>> -> memref<1000000x64xf32, #tpu.memory_space<hbm>>
    tpu.wait_indirect_dma semaphore(%arg13 : memref<!tpu.dma_semaphore, #tpu.memory_space<semaphore_mem>>) src(%dma_wait3A_1707 : memref<1000000x64xf32, #tpu.memory_space<hbm>>) dst(%dma_wait3A_1701 : memref<128x64xf32, #tpu.memory_space<vmem>>)
    %add3A_1708 = arith.constant 768 : i32
    %add3A_1709 = arith.addi %mul3A_2, %add3A_1708 : i32
    %dma_start3A_1710 = arith.constant 6 : i32
    %dma_start3A_1711 = arith.constant 0 : i32
    %dma_start3A_1712 = arith.constant 0 : i32
    %dma_start3A_1713 = tpu.memref_slice %arg6[%dma_start3A_1710, %dma_start3A_1711, %dma_start3A_1712] : memref<8x128x64xf32, #tpu.memory_space<vmem>> -> memref<1x128x64xf32, #tpu.memory_space<vmem>>
    %dma_start3A_1714 = tpu.memref_squeeze %dma_start3A_1713 : memref<1x128x64xf32, #tpu.memory_space<vmem>> -> memref<128x64xf32, #tpu.memory_space<vmem>>
    %dma_start3A_1715 = arith.constant 0 : i32
    %dma_start3A_1716 = tpu.memref_slice %arg4[%add3A_1709, %dma_start3A_1715] : memref<106496x64xf32, #tpu.memory_space<hbm>> -> memref<128x64xf32, #tpu.memory_space<hbm>>
    %dma_start3A_1717 = arith.constant 0 : i32
    %dma_start3A_1718 = tpu.memref_slice %arg4[%add3A_1709, %dma_start3A_1717] : memref<106496x64xf32, #tpu.memory_space<hbm>> -> memref<128x64xf32, #tpu.memory_space<hbm>>
    %dma_start3A_1719 = arith.constant 0 : i32
    %dma_start3A_1720 = arith.constant 0 : i32
    %dma_start3A_1721 = tpu.memref_slice %arg6[%dma_start3A_1710, %dma_start3A_1719, %dma_start3A_1720] : memref<8x128x64xf32, #tpu.memory_space<vmem>> -> memref<1x128x64xf32, #tpu.memory_space<vmem>>
    %dma_start3A_1722 = tpu.memref_squeeze %dma_start3A_1721 : memref<1x128x64xf32, #tpu.memory_space<vmem>> -> memref<128x64xf32, #tpu.memory_space<vmem>>
    tpu.enqueue_dma source(%dma_start3A_1722 : memref<128x64xf32, #tpu.memory_space<vmem>>) target(%dma_start3A_1718 : memref<128x64xf32, #tpu.memory_space<hbm>>) target_semaphore(%arg21 : memref<!tpu.dma_semaphore, #tpu.memory_space<semaphore_mem>>)
    %dma_wait3A_1723 = arith.constant 6 : i32
    %dma_wait3A_1724 = arith.constant 0 : i32
    %dma_wait3A_1725 = arith.constant 0 : i32
    %dma_wait3A_1726 = tpu.memref_slice %arg6[%dma_wait3A_1723, %dma_wait3A_1724, %dma_wait3A_1725] : memref<8x128x64xf32, #tpu.memory_space<vmem>> -> memref<1x128x64xf32, #tpu.memory_space<vmem>>
    %dma_wait3A_1727 = tpu.memref_squeeze %dma_wait3A_1726 : memref<1x128x64xf32, #tpu.memory_space<vmem>> -> memref<128x64xf32, #tpu.memory_space<vmem>>
    %dma_wait3A_1728 = arith.constant 0 : i32
    %dma_wait3A_1729 = tpu.memref_slice %arg4[%add3A_1709, %dma_wait3A_1728] : memref<106496x64xf32, #tpu.memory_space<hbm>> -> memref<128x64xf32, #tpu.memory_space<hbm>>
    %dma_wait3A_1730 = arith.constant 0 : i32
    %dma_wait3A_1731 = tpu.memref_slice %arg4[%add3A_1709, %dma_wait3A_1730] : memref<106496x64xf32, #tpu.memory_space<hbm>> -> memref<128x64xf32, #tpu.memory_space<hbm>>
    %dma_wait3A_1732 = arith.constant 0 : i32
    %dma_wait3A_1733 = arith.constant 0 : i32
    %dma_wait3A_1734 = tpu.memref_slice %arg6[%dma_wait3A_1723, %dma_wait3A_1732, %dma_wait3A_1733] : memref<8x128x64xf32, #tpu.memory_space<vmem>> -> memref<1x128x64xf32, #tpu.memory_space<vmem>>
    %dma_wait3A_1735 = tpu.memref_squeeze %dma_wait3A_1734 : memref<1x128x64xf32, #tpu.memory_space<vmem>> -> memref<128x64xf32, #tpu.memory_space<vmem>>
    tpu.wait_dma2 semaphore(%arg21 : memref<!tpu.dma_semaphore, #tpu.memory_space<semaphore_mem>>) src(%dma_wait3A_1735 : memref<128x64xf32, #tpu.memory_space<vmem>>) dst(%dma_wait3A_1731 : memref<128x64xf32, #tpu.memory_space<hbm>>)
    %get3A_1736 = arith.constant 14 : i32
    %get3A_1737 = arith.index_cast %get3A_1736 : i32 to index
    %get3A_1738 = arith.constant 0 : index
    %get3A_1739 = tpu.vector_load %arg5[%get3A_1737, %get3A_1738] {strides = array<i32>} : memref<26x128xi32, #tpu.memory_space<vmem>>, vector<1x16xi32>,
    %get3A_1740 = vector.shape_cast %get3A_1739 : vector<1x16xi32> to vector<16xi32>
    %dma_start3A_1741 = arith.constant 6 : i32
    %dma_start3A_1742 = arith.constant 0 : i32
    %dma_start3A_1743 = arith.constant 0 : i32
    %dma_start3A_1744 = tpu.memref_slice %arg6[%dma_start3A_1741, %dma_start3A_1742, %dma_start3A_1743] : memref<8x128x64xf32, #tpu.memory_space<vmem>> -> memref<1x16x64xf32, #tpu.memory_space<vmem>>
    %dma_start3A_1745 = tpu.memref_squeeze %dma_start3A_1744 : memref<1x16x64xf32, #tpu.memory_space<vmem>> -> memref<16x64xf32, #tpu.memory_space<vmem>>
    %dma_start3A_1746 = arith.constant 0 : i32
    %dma_start3A_1747 = arith.constant 0 : i32
    %dma_start3A_1748 = tpu.memref_slice %arg3[%dma_start3A_1746, %dma_start3A_1747] : memref<1000000x64xf32, #tpu.memory_space<hbm>> -> memref<1000000x64xf32, #tpu.memory_space<hbm>>
    tpu.enqueue_indirect_dma source(%dma_start3A_1748 : memref<1000000x64xf32, #tpu.memory_space<hbm>>) target(%dma_start3A_1745 : memref<16x64xf32, #tpu.memory_space<vmem>>) offsets(%get3A_1740 : vector<16xi32>) semaphore(%arg13 : memref<!tpu.dma_semaphore, #tpu.memory_space<semaphore_mem>>)
    %get3A_1749 = arith.constant 14 : i32
    %get3A_1750 = arith.index_cast %get3A_1749 : i32 to index
    %get3A_1751 = arith.constant 16 : index
    %get3A_1752 = tpu.vector_load %arg5[%get3A_1750, %get3A_1751] {strides = array<i32>} : memref<26x128xi32, #tpu.memory_space<vmem>>, vector<1x16xi32>,
    %get3A_1753 = vector.shape_cast %get3A_1752 : vector<1x16xi32> to vector<16xi32>
    %dma_start3A_1754 = arith.constant 6 : i32
    %dma_start3A_1755 = arith.constant 16 : i32
    %dma_start3A_1756 = arith.constant 0 : i32
    %dma_start3A_1757 = tpu.memref_slice %arg6[%dma_start3A_1754, %dma_start3A_1755, %dma_start3A_1756] : memref<8x128x64xf32, #tpu.memory_space<vmem>> -> memref<1x16x64xf32, #tpu.memory_space<vmem>>
    %dma_start3A_1758 = tpu.memref_squeeze %dma_start3A_1757 : memref<1x16x64xf32, #tpu.memory_space<vmem>> -> memref<16x64xf32, #tpu.memory_space<vmem>>
    %dma_start3A_1759 = arith.constant 0 : i32
    %dma_start3A_1760 = arith.constant 0 : i32
    %dma_start3A_1761 = tpu.memref_slice %arg3[%dma_start3A_1759, %dma_start3A_1760] : memref<1000000x64xf32, #tpu.memory_space<hbm>> -> memref<1000000x64xf32, #tpu.memory_space<hbm>>
    tpu.enqueue_indirect_dma source(%dma_start3A_1761 : memref<1000000x64xf32, #tpu.memory_space<hbm>>) target(%dma_start3A_1758 : memref<16x64xf32, #tpu.memory_space<vmem>>) offsets(%get3A_1753 : vector<16xi32>) semaphore(%arg13 : memref<!tpu.dma_semaphore, #tpu.memory_space<semaphore_mem>>)
    %get3A_1762 = arith.constant 14 : i32
    %get3A_1763 = arith.index_cast %get3A_1762 : i32 to index
    %get3A_1764 = arith.constant 32 : index
    %get3A_1765 = tpu.vector_load %arg5[%get3A_1763, %get3A_1764] {strides = array<i32>} : memref<26x128xi32, #tpu.memory_space<vmem>>, vector<1x16xi32>,
    %get3A_1766 = vector.shape_cast %get3A_1765 : vector<1x16xi32> to vector<16xi32>
    %dma_start3A_1767 = arith.constant 6 : i32
    %dma_start3A_1768 = arith.constant 32 : i32
    %dma_start3A_1769 = arith.constant 0 : i32
    %dma_start3A_1770 = tpu.memref_slice %arg6[%dma_start3A_1767, %dma_start3A_1768, %dma_start3A_1769] : memref<8x128x64xf32, #tpu.memory_space<vmem>> -> memref<1x16x64xf32, #tpu.memory_space<vmem>>
    %dma_start3A_1771 = tpu.memref_squeeze %dma_start3A_1770 : memref<1x16x64xf32, #tpu.memory_space<vmem>> -> memref<16x64xf32, #tpu.memory_space<vmem>>
    %dma_start3A_1772 = arith.constant 0 : i32
    %dma_start3A_1773 = arith.constant 0 : i32
    %dma_start3A_1774 = tpu.memref_slice %arg3[%dma_start3A_1772, %dma_start3A_1773] : memref<1000000x64xf32, #tpu.memory_space<hbm>> -> memref<1000000x64xf32, #tpu.memory_space<hbm>>
    tpu.enqueue_indirect_dma source(%dma_start3A_1774 : memref<1000000x64xf32, #tpu.memory_space<hbm>>) target(%dma_start3A_1771 : memref<16x64xf32, #tpu.memory_space<vmem>>) offsets(%get3A_1766 : vector<16xi32>) semaphore(%arg13 : memref<!tpu.dma_semaphore, #tpu.memory_space<semaphore_mem>>)
    %get3A_1775 = arith.constant 14 : i32
    %get3A_1776 = arith.index_cast %get3A_1775 : i32 to index
    %get3A_1777 = arith.constant 48 : index
    %get3A_1778 = tpu.vector_load %arg5[%get3A_1776, %get3A_1777] {strides = array<i32>} : memref<26x128xi32, #tpu.memory_space<vmem>>, vector<1x16xi32>,
    %get3A_1779 = vector.shape_cast %get3A_1778 : vector<1x16xi32> to vector<16xi32>
    %dma_start3A_1780 = arith.constant 6 : i32
    %dma_start3A_1781 = arith.constant 48 : i32
    %dma_start3A_1782 = arith.constant 0 : i32
    %dma_start3A_1783 = tpu.memref_slice %arg6[%dma_start3A_1780, %dma_start3A_1781, %dma_start3A_1782] : memref<8x128x64xf32, #tpu.memory_space<vmem>> -> memref<1x16x64xf32, #tpu.memory_space<vmem>>
    %dma_start3A_1784 = tpu.memref_squeeze %dma_start3A_1783 : memref<1x16x64xf32, #tpu.memory_space<vmem>> -> memref<16x64xf32, #tpu.memory_space<vmem>>
    %dma_start3A_1785 = arith.constant 0 : i32
    %dma_start3A_1786 = arith.constant 0 : i32
    %dma_start3A_1787 = tpu.memref_slice %arg3[%dma_start3A_1785, %dma_start3A_1786] : memref<1000000x64xf32, #tpu.memory_space<hbm>> -> memref<1000000x64xf32, #tpu.memory_space<hbm>>
    tpu.enqueue_indirect_dma source(%dma_start3A_1787 : memref<1000000x64xf32, #tpu.memory_space<hbm>>) target(%dma_start3A_1784 : memref<16x64xf32, #tpu.memory_space<vmem>>) offsets(%get3A_1779 : vector<16xi32>) semaphore(%arg13 : memref<!tpu.dma_semaphore, #tpu.memory_space<semaphore_mem>>)
    %get3A_1788 = arith.constant 14 : i32
    %get3A_1789 = arith.index_cast %get3A_1788 : i32 to index
    %get3A_1790 = arith.constant 64 : index
    %get3A_1791 = tpu.vector_load %arg5[%get3A_1789, %get3A_1790] {strides = array<i32>} : memref<26x128xi32, #tpu.memory_space<vmem>>, vector<1x16xi32>,
    %get3A_1792 = vector.shape_cast %get3A_1791 : vector<1x16xi32> to vector<16xi32>
    %dma_start3A_1793 = arith.constant 6 : i32
    %dma_start3A_1794 = arith.constant 64 : i32
    %dma_start3A_1795 = arith.constant 0 : i32
    %dma_start3A_1796 = tpu.memref_slice %arg6[%dma_start3A_1793, %dma_start3A_1794, %dma_start3A_1795] : memref<8x128x64xf32, #tpu.memory_space<vmem>> -> memref<1x16x64xf32, #tpu.memory_space<vmem>>
    %dma_start3A_1797 = tpu.memref_squeeze %dma_start3A_1796 : memref<1x16x64xf32, #tpu.memory_space<vmem>> -> memref<16x64xf32, #tpu.memory_space<vmem>>
    %dma_start3A_1798 = arith.constant 0 : i32
    %dma_start3A_1799 = arith.constant 0 : i32
    %dma_start3A_1800 = tpu.memref_slice %arg3[%dma_start3A_1798, %dma_start3A_1799] : memref<1000000x64xf32, #tpu.memory_space<hbm>> -> memref<1000000x64xf32, #tpu.memory_space<hbm>>
    tpu.enqueue_indirect_dma source(%dma_start3A_1800 : memref<1000000x64xf32, #tpu.memory_space<hbm>>) target(%dma_start3A_1797 : memref<16x64xf32, #tpu.memory_space<vmem>>) offsets(%get3A_1792 : vector<16xi32>) semaphore(%arg13 : memref<!tpu.dma_semaphore, #tpu.memory_space<semaphore_mem>>)
    %get3A_1801 = arith.constant 14 : i32
    %get3A_1802 = arith.index_cast %get3A_1801 : i32 to index
    %get3A_1803 = arith.constant 80 : index
    %get3A_1804 = tpu.vector_load %arg5[%get3A_1802, %get3A_1803] {strides = array<i32>} : memref<26x128xi32, #tpu.memory_space<vmem>>, vector<1x16xi32>,
    %get3A_1805 = vector.shape_cast %get3A_1804 : vector<1x16xi32> to vector<16xi32>
    %dma_start3A_1806 = arith.constant 6 : i32
    %dma_start3A_1807 = arith.constant 80 : i32
    %dma_start3A_1808 = arith.constant 0 : i32
    %dma_start3A_1809 = tpu.memref_slice %arg6[%dma_start3A_1806, %dma_start3A_1807, %dma_start3A_1808] : memref<8x128x64xf32, #tpu.memory_space<vmem>> -> memref<1x16x64xf32, #tpu.memory_space<vmem>>
    %dma_start3A_1810 = tpu.memref_squeeze %dma_start3A_1809 : memref<1x16x64xf32, #tpu.memory_space<vmem>> -> memref<16x64xf32, #tpu.memory_space<vmem>>
    %dma_start3A_1811 = arith.constant 0 : i32
    %dma_start3A_1812 = arith.constant 0 : i32
    %dma_start3A_1813 = tpu.memref_slice %arg3[%dma_start3A_1811, %dma_start3A_1812] : memref<1000000x64xf32, #tpu.memory_space<hbm>> -> memref<1000000x64xf32, #tpu.memory_space<hbm>>
    tpu.enqueue_indirect_dma source(%dma_start3A_1813 : memref<1000000x64xf32, #tpu.memory_space<hbm>>) target(%dma_start3A_1810 : memref<16x64xf32, #tpu.memory_space<vmem>>) offsets(%get3A_1805 : vector<16xi32>) semaphore(%arg13 : memref<!tpu.dma_semaphore, #tpu.memory_space<semaphore_mem>>)
    %get3A_1814 = arith.constant 14 : i32
    %get3A_1815 = arith.index_cast %get3A_1814 : i32 to index
    %get3A_1816 = arith.constant 96 : index
    %get3A_1817 = tpu.vector_load %arg5[%get3A_1815, %get3A_1816] {strides = array<i32>} : memref<26x128xi32, #tpu.memory_space<vmem>>, vector<1x16xi32>,
    %get3A_1818 = vector.shape_cast %get3A_1817 : vector<1x16xi32> to vector<16xi32>
    %dma_start3A_1819 = arith.constant 6 : i32
    %dma_start3A_1820 = arith.constant 96 : i32
    %dma_start3A_1821 = arith.constant 0 : i32
    %dma_start3A_1822 = tpu.memref_slice %arg6[%dma_start3A_1819, %dma_start3A_1820, %dma_start3A_1821] : memref<8x128x64xf32, #tpu.memory_space<vmem>> -> memref<1x16x64xf32, #tpu.memory_space<vmem>>
    %dma_start3A_1823 = tpu.memref_squeeze %dma_start3A_1822 : memref<1x16x64xf32, #tpu.memory_space<vmem>> -> memref<16x64xf32, #tpu.memory_space<vmem>>
    %dma_start3A_1824 = arith.constant 0 : i32
    %dma_start3A_1825 = arith.constant 0 : i32
    %dma_start3A_1826 = tpu.memref_slice %arg3[%dma_start3A_1824, %dma_start3A_1825] : memref<1000000x64xf32, #tpu.memory_space<hbm>> -> memref<1000000x64xf32, #tpu.memory_space<hbm>>
    tpu.enqueue_indirect_dma source(%dma_start3A_1826 : memref<1000000x64xf32, #tpu.memory_space<hbm>>) target(%dma_start3A_1823 : memref<16x64xf32, #tpu.memory_space<vmem>>) offsets(%get3A_1818 : vector<16xi32>) semaphore(%arg13 : memref<!tpu.dma_semaphore, #tpu.memory_space<semaphore_mem>>)
    %get3A_1827 = arith.constant 14 : i32
    %get3A_1828 = arith.index_cast %get3A_1827 : i32 to index
    %get3A_1829 = arith.constant 112 : index
    %get3A_1830 = tpu.vector_load %arg5[%get3A_1828, %get3A_1829] {strides = array<i32>} : memref<26x128xi32, #tpu.memory_space<vmem>>, vector<1x16xi32>,
    %get3A_1831 = vector.shape_cast %get3A_1830 : vector<1x16xi32> to vector<16xi32>
    %dma_start3A_1832 = arith.constant 6 : i32
    %dma_start3A_1833 = arith.constant 112 : i32
    %dma_start3A_1834 = arith.constant 0 : i32
    %dma_start3A_1835 = tpu.memref_slice %arg6[%dma_start3A_1832, %dma_start3A_1833, %dma_start3A_1834] : memref<8x128x64xf32, #tpu.memory_space<vmem>> -> memref<1x16x64xf32, #tpu.memory_space<vmem>>
    %dma_start3A_1836 = tpu.memref_squeeze %dma_start3A_1835 : memref<1x16x64xf32, #tpu.memory_space<vmem>> -> memref<16x64xf32, #tpu.memory_space<vmem>>
    %dma_start3A_1837 = arith.constant 0 : i32
    %dma_start3A_1838 = arith.constant 0 : i32
    %dma_start3A_1839 = tpu.memref_slice %arg3[%dma_start3A_1837, %dma_start3A_1838] : memref<1000000x64xf32, #tpu.memory_space<hbm>> -> memref<1000000x64xf32, #tpu.memory_space<hbm>>
    tpu.enqueue_indirect_dma source(%dma_start3A_1839 : memref<1000000x64xf32, #tpu.memory_space<hbm>>) target(%dma_start3A_1836 : memref<16x64xf32, #tpu.memory_space<vmem>>) offsets(%get3A_1831 : vector<16xi32>) semaphore(%arg13 : memref<!tpu.dma_semaphore, #tpu.memory_space<semaphore_mem>>)
    %dma_wait3A_1840 = arith.constant 7 : i32
    %dma_wait3A_1841 = arith.constant 7 : i32
    %dma_wait3A_1842 = arith.constant 0 : i32
    %dma_wait3A_1843 = arith.constant 0 : i32
    %dma_wait3A_1844 = tpu.memref_slice %arg6[%dma_wait3A_1841, %dma_wait3A_1842, %dma_wait3A_1843] : memref<8x128x64xf32, #tpu.memory_space<vmem>> -> memref<1x128x64xf32, #tpu.memory_space<vmem>>
    %dma_wait3A_1845 = tpu.memref_squeeze %dma_wait3A_1844 : memref<1x128x64xf32, #tpu.memory_space<vmem>> -> memref<128x64xf32, #tpu.memory_space<vmem>>
    %dma_wait3A_1846 = arith.constant 0 : i32
    %dma_wait3A_1847 = tpu.memref_slice %arg5[%dma_wait3A_1840, %dma_wait3A_1846] : memref<26x128xi32, #tpu.memory_space<vmem>> -> memref<1x128xi32, #tpu.memory_space<vmem>>
    %dma_wait3A_1848 = tpu.memref_squeeze %dma_wait3A_1847 : memref<1x128xi32, #tpu.memory_space<vmem>> -> memref<128xi32, #tpu.memory_space<vmem>>
    %dma_wait3A_1849 = arith.constant 0 : i32
    %dma_wait3A_1850 = arith.constant 0 : i32
    %dma_wait3A_1851 = tpu.memref_slice %arg3[%dma_wait3A_1849, %dma_wait3A_1850] : memref<1000000x64xf32, #tpu.memory_space<hbm>> -> memref<1000000x64xf32, #tpu.memory_space<hbm>>
    tpu.wait_indirect_dma semaphore(%arg14 : memref<!tpu.dma_semaphore, #tpu.memory_space<semaphore_mem>>) src(%dma_wait3A_1851 : memref<1000000x64xf32, #tpu.memory_space<hbm>>) dst(%dma_wait3A_1845 : memref<128x64xf32, #tpu.memory_space<vmem>>)
    %add3A_1852 = arith.constant 896 : i32
    %add3A_1853 = arith.addi %mul3A_2, %add3A_1852 : i32
    %dma_start3A_1854 = arith.constant 7 : i32
    %dma_start3A_1855 = arith.constant 0 : i32
    %dma_start3A_1856 = arith.constant 0 : i32
    %dma_start3A_1857 = tpu.memref_slice %arg6[%dma_start3A_1854, %dma_start3A_1855, %dma_start3A_1856] : memref<8x128x64xf32, #tpu.memory_space<vmem>> -> memref<1x128x64xf32, #tpu.memory_space<vmem>>
    %dma_start3A_1858 = tpu.memref_squeeze %dma_start3A_1857 : memref<1x128x64xf32, #tpu.memory_space<vmem>> -> memref<128x64xf32, #tpu.memory_space<vmem>>
    %dma_start3A_1859 = arith.constant 0 : i32
    %dma_start3A_1860 = tpu.memref_slice %arg4[%add3A_1853, %dma_start3A_1859] : memref<106496x64xf32, #tpu.memory_space<hbm>> -> memref<128x64xf32, #tpu.memory_space<hbm>>
    %dma_start3A_1861 = arith.constant 0 : i32
    %dma_start3A_1862 = tpu.memref_slice %arg4[%add3A_1853, %dma_start3A_1861] : memref<106496x64xf32, #tpu.memory_space<hbm>> -> memref<128x64xf32, #tpu.memory_space<hbm>>
    %dma_start3A_1863 = arith.constant 0 : i32
    %dma_start3A_1864 = arith.constant 0 : i32
    %dma_start3A_1865 = tpu.memref_slice %arg6[%dma_start3A_1854, %dma_start3A_1863, %dma_start3A_1864] : memref<8x128x64xf32, #tpu.memory_space<vmem>> -> memref<1x128x64xf32, #tpu.memory_space<vmem>>
    %dma_start3A_1866 = tpu.memref_squeeze %dma_start3A_1865 : memref<1x128x64xf32, #tpu.memory_space<vmem>> -> memref<128x64xf32, #tpu.memory_space<vmem>>
    tpu.enqueue_dma source(%dma_start3A_1866 : memref<128x64xf32, #tpu.memory_space<vmem>>) target(%dma_start3A_1862 : memref<128x64xf32, #tpu.memory_space<hbm>>) target_semaphore(%arg22 : memref<!tpu.dma_semaphore, #tpu.memory_space<semaphore_mem>>)
    %dma_wait3A_1867 = arith.constant 7 : i32
    %dma_wait3A_1868 = arith.constant 0 : i32
    %dma_wait3A_1869 = arith.constant 0 : i32
    %dma_wait3A_1870 = tpu.memref_slice %arg6[%dma_wait3A_1867, %dma_wait3A_1868, %dma_wait3A_1869] : memref<8x128x64xf32, #tpu.memory_space<vmem>> -> memref<1x128x64xf32, #tpu.memory_space<vmem>>
    %dma_wait3A_1871 = tpu.memref_squeeze %dma_wait3A_1870 : memref<1x128x64xf32, #tpu.memory_space<vmem>> -> memref<128x64xf32, #tpu.memory_space<vmem>>
    %dma_wait3A_1872 = arith.constant 0 : i32
    %dma_wait3A_1873 = tpu.memref_slice %arg4[%add3A_1853, %dma_wait3A_1872] : memref<106496x64xf32, #tpu.memory_space<hbm>> -> memref<128x64xf32, #tpu.memory_space<hbm>>
    %dma_wait3A_1874 = arith.constant 0 : i32
    %dma_wait3A_1875 = tpu.memref_slice %arg4[%add3A_1853, %dma_wait3A_1874] : memref<106496x64xf32, #tpu.memory_space<hbm>> -> memref<128x64xf32, #tpu.memory_space<hbm>>
    %dma_wait3A_1876 = arith.constant 0 : i32
    %dma_wait3A_1877 = arith.constant 0 : i32
    %dma_wait3A_1878 = tpu.memref_slice %arg6[%dma_wait3A_1867, %dma_wait3A_1876, %dma_wait3A_1877] : memref<8x128x64xf32, #tpu.memory_space<vmem>> -> memref<1x128x64xf32, #tpu.memory_space<vmem>>
    %dma_wait3A_1879 = tpu.memref_squeeze %dma_wait3A_1878 : memref<1x128x64xf32, #tpu.memory_space<vmem>> -> memref<128x64xf32, #tpu.memory_space<vmem>>
    tpu.wait_dma2 semaphore(%arg22 : memref<!tpu.dma_semaphore, #tpu.memory_space<semaphore_mem>>) src(%dma_wait3A_1879 : memref<128x64xf32, #tpu.memory_space<vmem>>) dst(%dma_wait3A_1875 : memref<128x64xf32, #tpu.memory_space<hbm>>)
    %get3A_1880 = arith.constant 15 : i32
    %get3A_1881 = arith.index_cast %get3A_1880 : i32 to index
    %get3A_1882 = arith.constant 0 : index
    %get3A_1883 = tpu.vector_load %arg5[%get3A_1881, %get3A_1882] {strides = array<i32>} : memref<26x128xi32, #tpu.memory_space<vmem>>, vector<1x16xi32>,
    %get3A_1884 = vector.shape_cast %get3A_1883 : vector<1x16xi32> to vector<16xi32>
    %dma_start3A_1885 = arith.constant 7 : i32
    %dma_start3A_1886 = arith.constant 0 : i32
    %dma_start3A_1887 = arith.constant 0 : i32
    %dma_start3A_1888 = tpu.memref_slice %arg6[%dma_start3A_1885, %dma_start3A_1886, %dma_start3A_1887] : memref<8x128x64xf32, #tpu.memory_space<vmem>> -> memref<1x16x64xf32, #tpu.memory_space<vmem>>
    %dma_start3A_1889 = tpu.memref_squeeze %dma_start3A_1888 : memref<1x16x64xf32, #tpu.memory_space<vmem>> -> memref<16x64xf32, #tpu.memory_space<vmem>>
    %dma_start3A_1890 = arith.constant 0 : i32
    %dma_start3A_1891 = arith.constant 0 : i32
    %dma_start3A_1892 = tpu.memref_slice %arg3[%dma_start3A_1890, %dma_start3A_1891] : memref<1000000x64xf32, #tpu.memory_space<hbm>> -> memref<1000000x64xf32, #tpu.memory_space<hbm>>
    tpu.enqueue_indirect_dma source(%dma_start3A_1892 : memref<1000000x64xf32, #tpu.memory_space<hbm>>) target(%dma_start3A_1889 : memref<16x64xf32, #tpu.memory_space<vmem>>) offsets(%get3A_1884 : vector<16xi32>) semaphore(%arg14 : memref<!tpu.dma_semaphore, #tpu.memory_space<semaphore_mem>>)
    %get3A_1893 = arith.constant 15 : i32
    %get3A_1894 = arith.index_cast %get3A_1893 : i32 to index
    %get3A_1895 = arith.constant 16 : index
    %get3A_1896 = tpu.vector_load %arg5[%get3A_1894, %get3A_1895] {strides = array<i32>} : memref<26x128xi32, #tpu.memory_space<vmem>>, vector<1x16xi32>,
    %get3A_1897 = vector.shape_cast %get3A_1896 : vector<1x16xi32> to vector<16xi32>
    %dma_start3A_1898 = arith.constant 7 : i32
    %dma_start3A_1899 = arith.constant 16 : i32
    %dma_start3A_1900 = arith.constant 0 : i32
    %dma_start3A_1901 = tpu.memref_slice %arg6[%dma_start3A_1898, %dma_start3A_1899, %dma_start3A_1900] : memref<8x128x64xf32, #tpu.memory_space<vmem>> -> memref<1x16x64xf32, #tpu.memory_space<vmem>>
    %dma_start3A_1902 = tpu.memref_squeeze %dma_start3A_1901 : memref<1x16x64xf32, #tpu.memory_space<vmem>> -> memref<16x64xf32, #tpu.memory_space<vmem>>
    %dma_start3A_1903 = arith.constant 0 : i32
    %dma_start3A_1904 = arith.constant 0 : i32
    %dma_start3A_1905 = tpu.memref_slice %arg3[%dma_start3A_1903, %dma_start3A_1904] : memref<1000000x64xf32, #tpu.memory_space<hbm>> -> memref<1000000x64xf32, #tpu.memory_space<hbm>>
    tpu.enqueue_indirect_dma source(%dma_start3A_1905 : memref<1000000x64xf32, #tpu.memory_space<hbm>>) target(%dma_start3A_1902 : memref<16x64xf32, #tpu.memory_space<vmem>>) offsets(%get3A_1897 : vector<16xi32>) semaphore(%arg14 : memref<!tpu.dma_semaphore, #tpu.memory_space<semaphore_mem>>)
    %get3A_1906 = arith.constant 15 : i32
    %get3A_1907 = arith.index_cast %get3A_1906 : i32 to index
    %get3A_1908 = arith.constant 32 : index
    %get3A_1909 = tpu.vector_load %arg5[%get3A_1907, %get3A_1908] {strides = array<i32>} : memref<26x128xi32, #tpu.memory_space<vmem>>, vector<1x16xi32>,
    %get3A_1910 = vector.shape_cast %get3A_1909 : vector<1x16xi32> to vector<16xi32>
    %dma_start3A_1911 = arith.constant 7 : i32
    %dma_start3A_1912 = arith.constant 32 : i32
    %dma_start3A_1913 = arith.constant 0 : i32
    %dma_start3A_1914 = tpu.memref_slice %arg6[%dma_start3A_1911, %dma_start3A_1912, %dma_start3A_1913] : memref<8x128x64xf32, #tpu.memory_space<vmem>> -> memref<1x16x64xf32, #tpu.memory_space<vmem>>
    %dma_start3A_1915 = tpu.memref_squeeze %dma_start3A_1914 : memref<1x16x64xf32, #tpu.memory_space<vmem>> -> memref<16x64xf32, #tpu.memory_space<vmem>>
    %dma_start3A_1916 = arith.constant 0 : i32
    %dma_start3A_1917 = arith.constant 0 : i32
    %dma_start3A_1918 = tpu.memref_slice %arg3[%dma_start3A_1916, %dma_start3A_1917] : memref<1000000x64xf32, #tpu.memory_space<hbm>> -> memref<1000000x64xf32, #tpu.memory_space<hbm>>
    tpu.enqueue_indirect_dma source(%dma_start3A_1918 : memref<1000000x64xf32, #tpu.memory_space<hbm>>) target(%dma_start3A_1915 : memref<16x64xf32, #tpu.memory_space<vmem>>) offsets(%get3A_1910 : vector<16xi32>) semaphore(%arg14 : memref<!tpu.dma_semaphore, #tpu.memory_space<semaphore_mem>>)
    %get3A_1919 = arith.constant 15 : i32
    %get3A_1920 = arith.index_cast %get3A_1919 : i32 to index
    %get3A_1921 = arith.constant 48 : index
    %get3A_1922 = tpu.vector_load %arg5[%get3A_1920, %get3A_1921] {strides = array<i32>} : memref<26x128xi32, #tpu.memory_space<vmem>>, vector<1x16xi32>,
    %get3A_1923 = vector.shape_cast %get3A_1922 : vector<1x16xi32> to vector<16xi32>
    %dma_start3A_1924 = arith.constant 7 : i32
    %dma_start3A_1925 = arith.constant 48 : i32
    %dma_start3A_1926 = arith.constant 0 : i32
    %dma_start3A_1927 = tpu.memref_slice %arg6[%dma_start3A_1924, %dma_start3A_1925, %dma_start3A_1926] : memref<8x128x64xf32, #tpu.memory_space<vmem>> -> memref<1x16x64xf32, #tpu.memory_space<vmem>>
    %dma_start3A_1928 = tpu.memref_squeeze %dma_start3A_1927 : memref<1x16x64xf32, #tpu.memory_space<vmem>> -> memref<16x64xf32, #tpu.memory_space<vmem>>
    %dma_start3A_1929 = arith.constant 0 : i32
    %dma_start3A_1930 = arith.constant 0 : i32
    %dma_start3A_1931 = tpu.memref_slice %arg3[%dma_start3A_1929, %dma_start3A_1930] : memref<1000000x64xf32, #tpu.memory_space<hbm>> -> memref<1000000x64xf32, #tpu.memory_space<hbm>>
    tpu.enqueue_indirect_dma source(%dma_start3A_1931 : memref<1000000x64xf32, #tpu.memory_space<hbm>>) target(%dma_start3A_1928 : memref<16x64xf32, #tpu.memory_space<vmem>>) offsets(%get3A_1923 : vector<16xi32>) semaphore(%arg14 : memref<!tpu.dma_semaphore, #tpu.memory_space<semaphore_mem>>)
    %get3A_1932 = arith.constant 15 : i32
    %get3A_1933 = arith.index_cast %get3A_1932 : i32 to index
    %get3A_1934 = arith.constant 64 : index
    %get3A_1935 = tpu.vector_load %arg5[%get3A_1933, %get3A_1934] {strides = array<i32>} : memref<26x128xi32, #tpu.memory_space<vmem>>, vector<1x16xi32>,
    %get3A_1936 = vector.shape_cast %get3A_1935 : vector<1x16xi32> to vector<16xi32>
    %dma_start3A_1937 = arith.constant 7 : i32
    %dma_start3A_1938 = arith.constant 64 : i32
    %dma_start3A_1939 = arith.constant 0 : i32
    %dma_start3A_1940 = tpu.memref_slice %arg6[%dma_start3A_1937, %dma_start3A_1938, %dma_start3A_1939] : memref<8x128x64xf32, #tpu.memory_space<vmem>> -> memref<1x16x64xf32, #tpu.memory_space<vmem>>
    %dma_start3A_1941 = tpu.memref_squeeze %dma_start3A_1940 : memref<1x16x64xf32, #tpu.memory_space<vmem>> -> memref<16x64xf32, #tpu.memory_space<vmem>>
    %dma_start3A_1942 = arith.constant 0 : i32
    %dma_start3A_1943 = arith.constant 0 : i32
    %dma_start3A_1944 = tpu.memref_slice %arg3[%dma_start3A_1942, %dma_start3A_1943] : memref<1000000x64xf32, #tpu.memory_space<hbm>> -> memref<1000000x64xf32, #tpu.memory_space<hbm>>
    tpu.enqueue_indirect_dma source(%dma_start3A_1944 : memref<1000000x64xf32, #tpu.memory_space<hbm>>) target(%dma_start3A_1941 : memref<16x64xf32, #tpu.memory_space<vmem>>) offsets(%get3A_1936 : vector<16xi32>) semaphore(%arg14 : memref<!tpu.dma_semaphore, #tpu.memory_space<semaphore_mem>>)
    %get3A_1945 = arith.constant 15 : i32
    %get3A_1946 = arith.index_cast %get3A_1945 : i32 to index
    %get3A_1947 = arith.constant 80 : index
    %get3A_1948 = tpu.vector_load %arg5[%get3A_1946, %get3A_1947] {strides = array<i32>} : memref<26x128xi32, #tpu.memory_space<vmem>>, vector<1x16xi32>,
    %get3A_1949 = vector.shape_cast %get3A_1948 : vector<1x16xi32> to vector<16xi32>
    %dma_start3A_1950 = arith.constant 7 : i32
    %dma_start3A_1951 = arith.constant 80 : i32
    %dma_start3A_1952 = arith.constant 0 : i32
    %dma_start3A_1953 = tpu.memref_slice %arg6[%dma_start3A_1950, %dma_start3A_1951, %dma_start3A_1952] : memref<8x128x64xf32, #tpu.memory_space<vmem>> -> memref<1x16x64xf32, #tpu.memory_space<vmem>>
    %dma_start3A_1954 = tpu.memref_squeeze %dma_start3A_1953 : memref<1x16x64xf32, #tpu.memory_space<vmem>> -> memref<16x64xf32, #tpu.memory_space<vmem>>
    %dma_start3A_1955 = arith.constant 0 : i32
    %dma_start3A_1956 = arith.constant 0 : i32
    %dma_start3A_1957 = tpu.memref_slice %arg3[%dma_start3A_1955, %dma_start3A_1956] : memref<1000000x64xf32, #tpu.memory_space<hbm>> -> memref<1000000x64xf32, #tpu.memory_space<hbm>>
    tpu.enqueue_indirect_dma source(%dma_start3A_1957 : memref<1000000x64xf32, #tpu.memory_space<hbm>>) target(%dma_start3A_1954 : memref<16x64xf32, #tpu.memory_space<vmem>>) offsets(%get3A_1949 : vector<16xi32>) semaphore(%arg14 : memref<!tpu.dma_semaphore, #tpu.memory_space<semaphore_mem>>)
    %get3A_1958 = arith.constant 15 : i32
    %get3A_1959 = arith.index_cast %get3A_1958 : i32 to index
    %get3A_1960 = arith.constant 96 : index
    %get3A_1961 = tpu.vector_load %arg5[%get3A_1959, %get3A_1960] {strides = array<i32>} : memref<26x128xi32, #tpu.memory_space<vmem>>, vector<1x16xi32>,
    %get3A_1962 = vector.shape_cast %get3A_1961 : vector<1x16xi32> to vector<16xi32>
    %dma_start3A_1963 = arith.constant 7 : i32
    %dma_start3A_1964 = arith.constant 96 : i32
    %dma_start3A_1965 = arith.constant 0 : i32
    %dma_start3A_1966 = tpu.memref_slice %arg6[%dma_start3A_1963, %dma_start3A_1964, %dma_start3A_1965] : memref<8x128x64xf32, #tpu.memory_space<vmem>> -> memref<1x16x64xf32, #tpu.memory_space<vmem>>
    %dma_start3A_1967 = tpu.memref_squeeze %dma_start3A_1966 : memref<1x16x64xf32, #tpu.memory_space<vmem>> -> memref<16x64xf32, #tpu.memory_space<vmem>>
    %dma_start3A_1968 = arith.constant 0 : i32
    %dma_start3A_1969 = arith.constant 0 : i32
    %dma_start3A_1970 = tpu.memref_slice %arg3[%dma_start3A_1968, %dma_start3A_1969] : memref<1000000x64xf32, #tpu.memory_space<hbm>> -> memref<1000000x64xf32, #tpu.memory_space<hbm>>
    tpu.enqueue_indirect_dma source(%dma_start3A_1970 : memref<1000000x64xf32, #tpu.memory_space<hbm>>) target(%dma_start3A_1967 : memref<16x64xf32, #tpu.memory_space<vmem>>) offsets(%get3A_1962 : vector<16xi32>) semaphore(%arg14 : memref<!tpu.dma_semaphore, #tpu.memory_space<semaphore_mem>>)
    %get3A_1971 = arith.constant 15 : i32
    %get3A_1972 = arith.index_cast %get3A_1971 : i32 to index
    %get3A_1973 = arith.constant 112 : index
    %get3A_1974 = tpu.vector_load %arg5[%get3A_1972, %get3A_1973] {strides = array<i32>} : memref<26x128xi32, #tpu.memory_space<vmem>>, vector<1x16xi32>,
    %get3A_1975 = vector.shape_cast %get3A_1974 : vector<1x16xi32> to vector<16xi32>
    %dma_start3A_1976 = arith.constant 7 : i32
    %dma_start3A_1977 = arith.constant 112 : i32
    %dma_start3A_1978 = arith.constant 0 : i32
    %dma_start3A_1979 = tpu.memref_slice %arg6[%dma_start3A_1976, %dma_start3A_1977, %dma_start3A_1978] : memref<8x128x64xf32, #tpu.memory_space<vmem>> -> memref<1x16x64xf32, #tpu.memory_space<vmem>>
    %dma_start3A_1980 = tpu.memref_squeeze %dma_start3A_1979 : memref<1x16x64xf32, #tpu.memory_space<vmem>> -> memref<16x64xf32, #tpu.memory_space<vmem>>
    %dma_start3A_1981 = arith.constant 0 : i32
    %dma_start3A_1982 = arith.constant 0 : i32
    %dma_start3A_1983 = tpu.memref_slice %arg3[%dma_start3A_1981, %dma_start3A_1982] : memref<1000000x64xf32, #tpu.memory_space<hbm>> -> memref<1000000x64xf32, #tpu.memory_space<hbm>>
    tpu.enqueue_indirect_dma source(%dma_start3A_1983 : memref<1000000x64xf32, #tpu.memory_space<hbm>>) target(%dma_start3A_1980 : memref<16x64xf32, #tpu.memory_space<vmem>>) offsets(%get3A_1975 : vector<16xi32>) semaphore(%arg14 : memref<!tpu.dma_semaphore, #tpu.memory_space<semaphore_mem>>)
    %dma_wait3A_1984 = arith.constant 8 : i32
    %dma_wait3A_1985 = arith.constant 0 : i32
    %dma_wait3A_1986 = arith.constant 0 : i32
    %dma_wait3A_1987 = arith.constant 0 : i32
    %dma_wait3A_1988 = tpu.memref_slice %arg6[%dma_wait3A_1985, %dma_wait3A_1986, %dma_wait3A_1987] : memref<8x128x64xf32, #tpu.memory_space<vmem>> -> memref<1x128x64xf32, #tpu.memory_space<vmem>>
    %dma_wait3A_1989 = tpu.memref_squeeze %dma_wait3A_1988 : memref<1x128x64xf32, #tpu.memory_space<vmem>> -> memref<128x64xf32, #tpu.memory_space<vmem>>
    %dma_wait3A_1990 = arith.constant 0 : i32
    %dma_wait3A_1991 = tpu.memref_slice %arg5[%dma_wait3A_1984, %dma_wait3A_1990] : memref<26x128xi32, #tpu.memory_space<vmem>> -> memref<1x128xi32, #tpu.memory_space<vmem>>
    %dma_wait3A_1992 = tpu.memref_squeeze %dma_wait3A_1991 : memref<1x128xi32, #tpu.memory_space<vmem>> -> memref<128xi32, #tpu.memory_space<vmem>>
    %dma_wait3A_1993 = arith.constant 0 : i32
    %dma_wait3A_1994 = arith.constant 0 : i32
    %dma_wait3A_1995 = tpu.memref_slice %arg3[%dma_wait3A_1993, %dma_wait3A_1994] : memref<1000000x64xf32, #tpu.memory_space<hbm>> -> memref<1000000x64xf32, #tpu.memory_space<hbm>>
    tpu.wait_indirect_dma semaphore(%arg7 : memref<!tpu.dma_semaphore, #tpu.memory_space<semaphore_mem>>) src(%dma_wait3A_1995 : memref<1000000x64xf32, #tpu.memory_space<hbm>>) dst(%dma_wait3A_1989 : memref<128x64xf32, #tpu.memory_space<vmem>>)
    %add3A_1996 = arith.constant 1024 : i32
    %add3A_1997 = arith.addi %mul3A_2, %add3A_1996 : i32
    %dma_start3A_1998 = arith.constant 0 : i32
    %dma_start3A_1999 = arith.constant 0 : i32
    %dma_start3A_2000 = arith.constant 0 : i32
    %dma_start3A_2001 = tpu.memref_slice %arg6[%dma_start3A_1998, %dma_start3A_1999, %dma_start3A_2000] : memref<8x128x64xf32, #tpu.memory_space<vmem>> -> memref<1x128x64xf32, #tpu.memory_space<vmem>>
    %dma_start3A_2002 = tpu.memref_squeeze %dma_start3A_2001 : memref<1x128x64xf32, #tpu.memory_space<vmem>> -> memref<128x64xf32, #tpu.memory_space<vmem>>
    %dma_start3A_2003 = arith.constant 0 : i32
    %dma_start3A_2004 = tpu.memref_slice %arg4[%add3A_1997, %dma_start3A_2003] : memref<106496x64xf32, #tpu.memory_space<hbm>> -> memref<128x64xf32, #tpu.memory_space<hbm>>
    %dma_start3A_2005 = arith.constant 0 : i32
    %dma_start3A_2006 = tpu.memref_slice %arg4[%add3A_1997, %dma_start3A_2005] : memref<106496x64xf32, #tpu.memory_space<hbm>> -> memref<128x64xf32, #tpu.memory_space<hbm>>
    %dma_start3A_2007 = arith.constant 0 : i32
    %dma_start3A_2008 = arith.constant 0 : i32
    %dma_start3A_2009 = tpu.memref_slice %arg6[%dma_start3A_1998, %dma_start3A_2007, %dma_start3A_2008] : memref<8x128x64xf32, #tpu.memory_space<vmem>> -> memref<1x128x64xf32, #tpu.memory_space<vmem>>
    %dma_start3A_2010 = tpu.memref_squeeze %dma_start3A_2009 : memref<1x128x64xf32, #tpu.memory_space<vmem>> -> memref<128x64xf32, #tpu.memory_space<vmem>>
    tpu.enqueue_dma source(%dma_start3A_2010 : memref<128x64xf32, #tpu.memory_space<vmem>>) target(%dma_start3A_2006 : memref<128x64xf32, #tpu.memory_space<hbm>>) target_semaphore(%arg15 : memref<!tpu.dma_semaphore, #tpu.memory_space<semaphore_mem>>)
    %dma_wait3A_2011 = arith.constant 0 : i32
    %dma_wait3A_2012 = arith.constant 0 : i32
    %dma_wait3A_2013 = arith.constant 0 : i32
    %dma_wait3A_2014 = tpu.memref_slice %arg6[%dma_wait3A_2011, %dma_wait3A_2012, %dma_wait3A_2013] : memref<8x128x64xf32, #tpu.memory_space<vmem>> -> memref<1x128x64xf32, #tpu.memory_space<vmem>>
    %dma_wait3A_2015 = tpu.memref_squeeze %dma_wait3A_2014 : memref<1x128x64xf32, #tpu.memory_space<vmem>> -> memref<128x64xf32, #tpu.memory_space<vmem>>
    %dma_wait3A_2016 = arith.constant 0 : i32
    %dma_wait3A_2017 = tpu.memref_slice %arg4[%add3A_1997, %dma_wait3A_2016] : memref<106496x64xf32, #tpu.memory_space<hbm>> -> memref<128x64xf32, #tpu.memory_space<hbm>>
    %dma_wait3A_2018 = arith.constant 0 : i32
    %dma_wait3A_2019 = tpu.memref_slice %arg4[%add3A_1997, %dma_wait3A_2018] : memref<106496x64xf32, #tpu.memory_space<hbm>> -> memref<128x64xf32, #tpu.memory_space<hbm>>
    %dma_wait3A_2020 = arith.constant 0 : i32
    %dma_wait3A_2021 = arith.constant 0 : i32
    %dma_wait3A_2022 = tpu.memref_slice %arg6[%dma_wait3A_2011, %dma_wait3A_2020, %dma_wait3A_2021] : memref<8x128x64xf32, #tpu.memory_space<vmem>> -> memref<1x128x64xf32, #tpu.memory_space<vmem>>
    %dma_wait3A_2023 = tpu.memref_squeeze %dma_wait3A_2022 : memref<1x128x64xf32, #tpu.memory_space<vmem>> -> memref<128x64xf32, #tpu.memory_space<vmem>>
    tpu.wait_dma2 semaphore(%arg15 : memref<!tpu.dma_semaphore, #tpu.memory_space<semaphore_mem>>) src(%dma_wait3A_2023 : memref<128x64xf32, #tpu.memory_space<vmem>>) dst(%dma_wait3A_2019 : memref<128x64xf32, #tpu.memory_space<hbm>>)
    %get3A_2024 = arith.constant 16 : i32
    %get3A_2025 = arith.index_cast %get3A_2024 : i32 to index
    %get3A_2026 = arith.constant 0 : index
    %get3A_2027 = tpu.vector_load %arg5[%get3A_2025, %get3A_2026] {strides = array<i32>} : memref<26x128xi32, #tpu.memory_space<vmem>>, vector<1x16xi32>,
    %get3A_2028 = vector.shape_cast %get3A_2027 : vector<1x16xi32> to vector<16xi32>
    %dma_start3A_2029 = arith.constant 0 : i32
    %dma_start3A_2030 = arith.constant 0 : i32
    %dma_start3A_2031 = arith.constant 0 : i32
    %dma_start3A_2032 = tpu.memref_slice %arg6[%dma_start3A_2029, %dma_start3A_2030, %dma_start3A_2031] : memref<8x128x64xf32, #tpu.memory_space<vmem>> -> memref<1x16x64xf32, #tpu.memory_space<vmem>>
    %dma_start3A_2033 = tpu.memref_squeeze %dma_start3A_2032 : memref<1x16x64xf32, #tpu.memory_space<vmem>> -> memref<16x64xf32, #tpu.memory_space<vmem>>
    %dma_start3A_2034 = arith.constant 0 : i32
    %dma_start3A_2035 = arith.constant 0 : i32
    %dma_start3A_2036 = tpu.memref_slice %arg3[%dma_start3A_2034, %dma_start3A_2035] : memref<1000000x64xf32, #tpu.memory_space<hbm>> -> memref<1000000x64xf32, #tpu.memory_space<hbm>>
    tpu.enqueue_indirect_dma source(%dma_start3A_2036 : memref<1000000x64xf32, #tpu.memory_space<hbm>>) target(%dma_start3A_2033 : memref<16x64xf32, #tpu.memory_space<vmem>>) offsets(%get3A_2028 : vector<16xi32>) semaphore(%arg7 : memref<!tpu.dma_semaphore, #tpu.memory_space<semaphore_mem>>)
    %get3A_2037 = arith.constant 16 : i32
    %get3A_2038 = arith.index_cast %get3A_2037 : i32 to index
    %get3A_2039 = arith.constant 16 : index
    %get3A_2040 = tpu.vector_load %arg5[%get3A_2038, %get3A_2039] {strides = array<i32>} : memref<26x128xi32, #tpu.memory_space<vmem>>, vector<1x16xi32>,
    %get3A_2041 = vector.shape_cast %get3A_2040 : vector<1x16xi32> to vector<16xi32>
    %dma_start3A_2042 = arith.constant 0 : i32
    %dma_start3A_2043 = arith.constant 16 : i32
    %dma_start3A_2044 = arith.constant 0 : i32
    %dma_start3A_2045 = tpu.memref_slice %arg6[%dma_start3A_2042, %dma_start3A_2043, %dma_start3A_2044] : memref<8x128x64xf32, #tpu.memory_space<vmem>> -> memref<1x16x64xf32, #tpu.memory_space<vmem>>
    %dma_start3A_2046 = tpu.memref_squeeze %dma_start3A_2045 : memref<1x16x64xf32, #tpu.memory_space<vmem>> -> memref<16x64xf32, #tpu.memory_space<vmem>>
    %dma_start3A_2047 = arith.constant 0 : i32
    %dma_start3A_2048 = arith.constant 0 : i32
    %dma_start3A_2049 = tpu.memref_slice %arg3[%dma_start3A_2047, %dma_start3A_2048] : memref<1000000x64xf32, #tpu.memory_space<hbm>> -> memref<1000000x64xf32, #tpu.memory_space<hbm>>
    tpu.enqueue_indirect_dma source(%dma_start3A_2049 : memref<1000000x64xf32, #tpu.memory_space<hbm>>) target(%dma_start3A_2046 : memref<16x64xf32, #tpu.memory_space<vmem>>) offsets(%get3A_2041 : vector<16xi32>) semaphore(%arg7 : memref<!tpu.dma_semaphore, #tpu.memory_space<semaphore_mem>>)
    %get3A_2050 = arith.constant 16 : i32
    %get3A_2051 = arith.index_cast %get3A_2050 : i32 to index
    %get3A_2052 = arith.constant 32 : index
    %get3A_2053 = tpu.vector_load %arg5[%get3A_2051, %get3A_2052] {strides = array<i32>} : memref<26x128xi32, #tpu.memory_space<vmem>>, vector<1x16xi32>,
    %get3A_2054 = vector.shape_cast %get3A_2053 : vector<1x16xi32> to vector<16xi32>
    %dma_start3A_2055 = arith.constant 0 : i32
    %dma_start3A_2056 = arith.constant 32 : i32
    %dma_start3A_2057 = arith.constant 0 : i32
    %dma_start3A_2058 = tpu.memref_slice %arg6[%dma_start3A_2055, %dma_start3A_2056, %dma_start3A_2057] : memref<8x128x64xf32, #tpu.memory_space<vmem>> -> memref<1x16x64xf32, #tpu.memory_space<vmem>>
    %dma_start3A_2059 = tpu.memref_squeeze %dma_start3A_2058 : memref<1x16x64xf32, #tpu.memory_space<vmem>> -> memref<16x64xf32, #tpu.memory_space<vmem>>
    %dma_start3A_2060 = arith.constant 0 : i32
    %dma_start3A_2061 = arith.constant 0 : i32
    %dma_start3A_2062 = tpu.memref_slice %arg3[%dma_start3A_2060, %dma_start3A_2061] : memref<1000000x64xf32, #tpu.memory_space<hbm>> -> memref<1000000x64xf32, #tpu.memory_space<hbm>>
    tpu.enqueue_indirect_dma source(%dma_start3A_2062 : memref<1000000x64xf32, #tpu.memory_space<hbm>>) target(%dma_start3A_2059 : memref<16x64xf32, #tpu.memory_space<vmem>>) offsets(%get3A_2054 : vector<16xi32>) semaphore(%arg7 : memref<!tpu.dma_semaphore, #tpu.memory_space<semaphore_mem>>)
    %get3A_2063 = arith.constant 16 : i32
    %get3A_2064 = arith.index_cast %get3A_2063 : i32 to index
    %get3A_2065 = arith.constant 48 : index
    %get3A_2066 = tpu.vector_load %arg5[%get3A_2064, %get3A_2065] {strides = array<i32>} : memref<26x128xi32, #tpu.memory_space<vmem>>, vector<1x16xi32>,
    %get3A_2067 = vector.shape_cast %get3A_2066 : vector<1x16xi32> to vector<16xi32>
    %dma_start3A_2068 = arith.constant 0 : i32
    %dma_start3A_2069 = arith.constant 48 : i32
    %dma_start3A_2070 = arith.constant 0 : i32
    %dma_start3A_2071 = tpu.memref_slice %arg6[%dma_start3A_2068, %dma_start3A_2069, %dma_start3A_2070] : memref<8x128x64xf32, #tpu.memory_space<vmem>> -> memref<1x16x64xf32, #tpu.memory_space<vmem>>
    %dma_start3A_2072 = tpu.memref_squeeze %dma_start3A_2071 : memref<1x16x64xf32, #tpu.memory_space<vmem>> -> memref<16x64xf32, #tpu.memory_space<vmem>>
    %dma_start3A_2073 = arith.constant 0 : i32
    %dma_start3A_2074 = arith.constant 0 : i32
    %dma_start3A_2075 = tpu.memref_slice %arg3[%dma_start3A_2073, %dma_start3A_2074] : memref<1000000x64xf32, #tpu.memory_space<hbm>> -> memref<1000000x64xf32, #tpu.memory_space<hbm>>
    tpu.enqueue_indirect_dma source(%dma_start3A_2075 : memref<1000000x64xf32, #tpu.memory_space<hbm>>) target(%dma_start3A_2072 : memref<16x64xf32, #tpu.memory_space<vmem>>) offsets(%get3A_2067 : vector<16xi32>) semaphore(%arg7 : memref<!tpu.dma_semaphore, #tpu.memory_space<semaphore_mem>>)
    %get3A_2076 = arith.constant 16 : i32
    %get3A_2077 = arith.index_cast %get3A_2076 : i32 to index
    %get3A_2078 = arith.constant 64 : index
    %get3A_2079 = tpu.vector_load %arg5[%get3A_2077, %get3A_2078] {strides = array<i32>} : memref<26x128xi32, #tpu.memory_space<vmem>>, vector<1x16xi32>,
    %get3A_2080 = vector.shape_cast %get3A_2079 : vector<1x16xi32> to vector<16xi32>
    %dma_start3A_2081 = arith.constant 0 : i32
    %dma_start3A_2082 = arith.constant 64 : i32
    %dma_start3A_2083 = arith.constant 0 : i32
    %dma_start3A_2084 = tpu.memref_slice %arg6[%dma_start3A_2081, %dma_start3A_2082, %dma_start3A_2083] : memref<8x128x64xf32, #tpu.memory_space<vmem>> -> memref<1x16x64xf32, #tpu.memory_space<vmem>>
    %dma_start3A_2085 = tpu.memref_squeeze %dma_start3A_2084 : memref<1x16x64xf32, #tpu.memory_space<vmem>> -> memref<16x64xf32, #tpu.memory_space<vmem>>
    %dma_start3A_2086 = arith.constant 0 : i32
    %dma_start3A_2087 = arith.constant 0 : i32
    %dma_start3A_2088 = tpu.memref_slice %arg3[%dma_start3A_2086, %dma_start3A_2087] : memref<1000000x64xf32, #tpu.memory_space<hbm>> -> memref<1000000x64xf32, #tpu.memory_space<hbm>>
    tpu.enqueue_indirect_dma source(%dma_start3A_2088 : memref<1000000x64xf32, #tpu.memory_space<hbm>>) target(%dma_start3A_2085 : memref<16x64xf32, #tpu.memory_space<vmem>>) offsets(%get3A_2080 : vector<16xi32>) semaphore(%arg7 : memref<!tpu.dma_semaphore, #tpu.memory_space<semaphore_mem>>)
    %get3A_2089 = arith.constant 16 : i32
    %get3A_2090 = arith.index_cast %get3A_2089 : i32 to index
    %get3A_2091 = arith.constant 80 : index
    %get3A_2092 = tpu.vector_load %arg5[%get3A_2090, %get3A_2091] {strides = array<i32>} : memref<26x128xi32, #tpu.memory_space<vmem>>, vector<1x16xi32>,
    %get3A_2093 = vector.shape_cast %get3A_2092 : vector<1x16xi32> to vector<16xi32>
    %dma_start3A_2094 = arith.constant 0 : i32
    %dma_start3A_2095 = arith.constant 80 : i32
    %dma_start3A_2096 = arith.constant 0 : i32
    %dma_start3A_2097 = tpu.memref_slice %arg6[%dma_start3A_2094, %dma_start3A_2095, %dma_start3A_2096] : memref<8x128x64xf32, #tpu.memory_space<vmem>> -> memref<1x16x64xf32, #tpu.memory_space<vmem>>
    %dma_start3A_2098 = tpu.memref_squeeze %dma_start3A_2097 : memref<1x16x64xf32, #tpu.memory_space<vmem>> -> memref<16x64xf32, #tpu.memory_space<vmem>>
    %dma_start3A_2099 = arith.constant 0 : i32
    %dma_start3A_2100 = arith.constant 0 : i32
    %dma_start3A_2101 = tpu.memref_slice %arg3[%dma_start3A_2099, %dma_start3A_2100] : memref<1000000x64xf32, #tpu.memory_space<hbm>> -> memref<1000000x64xf32, #tpu.memory_space<hbm>>
    tpu.enqueue_indirect_dma source(%dma_start3A_2101 : memref<1000000x64xf32, #tpu.memory_space<hbm>>) target(%dma_start3A_2098 : memref<16x64xf32, #tpu.memory_space<vmem>>) offsets(%get3A_2093 : vector<16xi32>) semaphore(%arg7 : memref<!tpu.dma_semaphore, #tpu.memory_space<semaphore_mem>>)
    %get3A_2102 = arith.constant 16 : i32
    %get3A_2103 = arith.index_cast %get3A_2102 : i32 to index
    %get3A_2104 = arith.constant 96 : index
    %get3A_2105 = tpu.vector_load %arg5[%get3A_2103, %get3A_2104] {strides = array<i32>} : memref<26x128xi32, #tpu.memory_space<vmem>>, vector<1x16xi32>,
    %get3A_2106 = vector.shape_cast %get3A_2105 : vector<1x16xi32> to vector<16xi32>
    %dma_start3A_2107 = arith.constant 0 : i32
    %dma_start3A_2108 = arith.constant 96 : i32
    %dma_start3A_2109 = arith.constant 0 : i32
    %dma_start3A_2110 = tpu.memref_slice %arg6[%dma_start3A_2107, %dma_start3A_2108, %dma_start3A_2109] : memref<8x128x64xf32, #tpu.memory_space<vmem>> -> memref<1x16x64xf32, #tpu.memory_space<vmem>>
    %dma_start3A_2111 = tpu.memref_squeeze %dma_start3A_2110 : memref<1x16x64xf32, #tpu.memory_space<vmem>> -> memref<16x64xf32, #tpu.memory_space<vmem>>
    %dma_start3A_2112 = arith.constant 0 : i32
    %dma_start3A_2113 = arith.constant 0 : i32
    %dma_start3A_2114 = tpu.memref_slice %arg3[%dma_start3A_2112, %dma_start3A_2113] : memref<1000000x64xf32, #tpu.memory_space<hbm>> -> memref<1000000x64xf32, #tpu.memory_space<hbm>>
    tpu.enqueue_indirect_dma source(%dma_start3A_2114 : memref<1000000x64xf32, #tpu.memory_space<hbm>>) target(%dma_start3A_2111 : memref<16x64xf32, #tpu.memory_space<vmem>>) offsets(%get3A_2106 : vector<16xi32>) semaphore(%arg7 : memref<!tpu.dma_semaphore, #tpu.memory_space<semaphore_mem>>)
    %get3A_2115 = arith.constant 16 : i32
    %get3A_2116 = arith.index_cast %get3A_2115 : i32 to index
    %get3A_2117 = arith.constant 112 : index
    %get3A_2118 = tpu.vector_load %arg5[%get3A_2116, %get3A_2117] {strides = array<i32>} : memref<26x128xi32, #tpu.memory_space<vmem>>, vector<1x16xi32>,
    %get3A_2119 = vector.shape_cast %get3A_2118 : vector<1x16xi32> to vector<16xi32>
    %dma_start3A_2120 = arith.constant 0 : i32
    %dma_start3A_2121 = arith.constant 112 : i32
    %dma_start3A_2122 = arith.constant 0 : i32
    %dma_start3A_2123 = tpu.memref_slice %arg6[%dma_start3A_2120, %dma_start3A_2121, %dma_start3A_2122] : memref<8x128x64xf32, #tpu.memory_space<vmem>> -> memref<1x16x64xf32, #tpu.memory_space<vmem>>
    %dma_start3A_2124 = tpu.memref_squeeze %dma_start3A_2123 : memref<1x16x64xf32, #tpu.memory_space<vmem>> -> memref<16x64xf32, #tpu.memory_space<vmem>>
    %dma_start3A_2125 = arith.constant 0 : i32
    %dma_start3A_2126 = arith.constant 0 : i32
    %dma_start3A_2127 = tpu.memref_slice %arg3[%dma_start3A_2125, %dma_start3A_2126] : memref<1000000x64xf32, #tpu.memory_space<hbm>> -> memref<1000000x64xf32, #tpu.memory_space<hbm>>
    tpu.enqueue_indirect_dma source(%dma_start3A_2127 : memref<1000000x64xf32, #tpu.memory_space<hbm>>) target(%dma_start3A_2124 : memref<16x64xf32, #tpu.memory_space<vmem>>) offsets(%get3A_2119 : vector<16xi32>) semaphore(%arg7 : memref<!tpu.dma_semaphore, #tpu.memory_space<semaphore_mem>>)
    %dma_wait3A_2128 = arith.constant 9 : i32
    %dma_wait3A_2129 = arith.constant 1 : i32
    %dma_wait3A_2130 = arith.constant 0 : i32
    %dma_wait3A_2131 = arith.constant 0 : i32
    %dma_wait3A_2132 = tpu.memref_slice %arg6[%dma_wait3A_2129, %dma_wait3A_2130, %dma_wait3A_2131] : memref<8x128x64xf32, #tpu.memory_space<vmem>> -> memref<1x128x64xf32, #tpu.memory_space<vmem>>
    %dma_wait3A_2133 = tpu.memref_squeeze %dma_wait3A_2132 : memref<1x128x64xf32, #tpu.memory_space<vmem>> -> memref<128x64xf32, #tpu.memory_space<vmem>>
    %dma_wait3A_2134 = arith.constant 0 : i32
    %dma_wait3A_2135 = tpu.memref_slice %arg5[%dma_wait3A_2128, %dma_wait3A_2134] : memref<26x128xi32, #tpu.memory_space<vmem>> -> memref<1x128xi32, #tpu.memory_space<vmem>>
    %dma_wait3A_2136 = tpu.memref_squeeze %dma_wait3A_2135 : memref<1x128xi32, #tpu.memory_space<vmem>> -> memref<128xi32, #tpu.memory_space<vmem>>
    %dma_wait3A_2137 = arith.constant 0 : i32
    %dma_wait3A_2138 = arith.constant 0 : i32
    %dma_wait3A_2139 = tpu.memref_slice %arg3[%dma_wait3A_2137, %dma_wait3A_2138] : memref<1000000x64xf32, #tpu.memory_space<hbm>> -> memref<1000000x64xf32, #tpu.memory_space<hbm>>
    tpu.wait_indirect_dma semaphore(%arg8 : memref<!tpu.dma_semaphore, #tpu.memory_space<semaphore_mem>>) src(%dma_wait3A_2139 : memref<1000000x64xf32, #tpu.memory_space<hbm>>) dst(%dma_wait3A_2133 : memref<128x64xf32, #tpu.memory_space<vmem>>)
    %add3A_2140 = arith.constant 1152 : i32
    %add3A_2141 = arith.addi %mul3A_2, %add3A_2140 : i32
    %dma_start3A_2142 = arith.constant 1 : i32
    %dma_start3A_2143 = arith.constant 0 : i32
    %dma_start3A_2144 = arith.constant 0 : i32
    %dma_start3A_2145 = tpu.memref_slice %arg6[%dma_start3A_2142, %dma_start3A_2143, %dma_start3A_2144] : memref<8x128x64xf32, #tpu.memory_space<vmem>> -> memref<1x128x64xf32, #tpu.memory_space<vmem>>
    %dma_start3A_2146 = tpu.memref_squeeze %dma_start3A_2145 : memref<1x128x64xf32, #tpu.memory_space<vmem>> -> memref<128x64xf32, #tpu.memory_space<vmem>>
    %dma_start3A_2147 = arith.constant 0 : i32
    %dma_start3A_2148 = tpu.memref_slice %arg4[%add3A_2141, %dma_start3A_2147] : memref<106496x64xf32, #tpu.memory_space<hbm>> -> memref<128x64xf32, #tpu.memory_space<hbm>>
    %dma_start3A_2149 = arith.constant 0 : i32
    %dma_start3A_2150 = tpu.memref_slice %arg4[%add3A_2141, %dma_start3A_2149] : memref<106496x64xf32, #tpu.memory_space<hbm>> -> memref<128x64xf32, #tpu.memory_space<hbm>>
    %dma_start3A_2151 = arith.constant 0 : i32
    %dma_start3A_2152 = arith.constant 0 : i32
    %dma_start3A_2153 = tpu.memref_slice %arg6[%dma_start3A_2142, %dma_start3A_2151, %dma_start3A_2152] : memref<8x128x64xf32, #tpu.memory_space<vmem>> -> memref<1x128x64xf32, #tpu.memory_space<vmem>>
    %dma_start3A_2154 = tpu.memref_squeeze %dma_start3A_2153 : memref<1x128x64xf32, #tpu.memory_space<vmem>> -> memref<128x64xf32, #tpu.memory_space<vmem>>
    tpu.enqueue_dma source(%dma_start3A_2154 : memref<128x64xf32, #tpu.memory_space<vmem>>) target(%dma_start3A_2150 : memref<128x64xf32, #tpu.memory_space<hbm>>) target_semaphore(%arg16 : memref<!tpu.dma_semaphore, #tpu.memory_space<semaphore_mem>>)
    %dma_wait3A_2155 = arith.constant 1 : i32
    %dma_wait3A_2156 = arith.constant 0 : i32
    %dma_wait3A_2157 = arith.constant 0 : i32
    %dma_wait3A_2158 = tpu.memref_slice %arg6[%dma_wait3A_2155, %dma_wait3A_2156, %dma_wait3A_2157] : memref<8x128x64xf32, #tpu.memory_space<vmem>> -> memref<1x128x64xf32, #tpu.memory_space<vmem>>
    %dma_wait3A_2159 = tpu.memref_squeeze %dma_wait3A_2158 : memref<1x128x64xf32, #tpu.memory_space<vmem>> -> memref<128x64xf32, #tpu.memory_space<vmem>>
    %dma_wait3A_2160 = arith.constant 0 : i32
    %dma_wait3A_2161 = tpu.memref_slice %arg4[%add3A_2141, %dma_wait3A_2160] : memref<106496x64xf32, #tpu.memory_space<hbm>> -> memref<128x64xf32, #tpu.memory_space<hbm>>
    %dma_wait3A_2162 = arith.constant 0 : i32
    %dma_wait3A_2163 = tpu.memref_slice %arg4[%add3A_2141, %dma_wait3A_2162] : memref<106496x64xf32, #tpu.memory_space<hbm>> -> memref<128x64xf32, #tpu.memory_space<hbm>>
    %dma_wait3A_2164 = arith.constant 0 : i32
    %dma_wait3A_2165 = arith.constant 0 : i32
    %dma_wait3A_2166 = tpu.memref_slice %arg6[%dma_wait3A_2155, %dma_wait3A_2164, %dma_wait3A_2165] : memref<8x128x64xf32, #tpu.memory_space<vmem>> -> memref<1x128x64xf32, #tpu.memory_space<vmem>>
    %dma_wait3A_2167 = tpu.memref_squeeze %dma_wait3A_2166 : memref<1x128x64xf32, #tpu.memory_space<vmem>> -> memref<128x64xf32, #tpu.memory_space<vmem>>
    tpu.wait_dma2 semaphore(%arg16 : memref<!tpu.dma_semaphore, #tpu.memory_space<semaphore_mem>>) src(%dma_wait3A_2167 : memref<128x64xf32, #tpu.memory_space<vmem>>) dst(%dma_wait3A_2163 : memref<128x64xf32, #tpu.memory_space<hbm>>)
    %get3A_2168 = arith.constant 17 : i32
    %get3A_2169 = arith.index_cast %get3A_2168 : i32 to index
    %get3A_2170 = arith.constant 0 : index
    %get3A_2171 = tpu.vector_load %arg5[%get3A_2169, %get3A_2170] {strides = array<i32>} : memref<26x128xi32, #tpu.memory_space<vmem>>, vector<1x16xi32>,
    %get3A_2172 = vector.shape_cast %get3A_2171 : vector<1x16xi32> to vector<16xi32>
    %dma_start3A_2173 = arith.constant 1 : i32
    %dma_start3A_2174 = arith.constant 0 : i32
    %dma_start3A_2175 = arith.constant 0 : i32
    %dma_start3A_2176 = tpu.memref_slice %arg6[%dma_start3A_2173, %dma_start3A_2174, %dma_start3A_2175] : memref<8x128x64xf32, #tpu.memory_space<vmem>> -> memref<1x16x64xf32, #tpu.memory_space<vmem>>
    %dma_start3A_2177 = tpu.memref_squeeze %dma_start3A_2176 : memref<1x16x64xf32, #tpu.memory_space<vmem>> -> memref<16x64xf32, #tpu.memory_space<vmem>>
    %dma_start3A_2178 = arith.constant 0 : i32
    %dma_start3A_2179 = arith.constant 0 : i32
    %dma_start3A_2180 = tpu.memref_slice %arg3[%dma_start3A_2178, %dma_start3A_2179] : memref<1000000x64xf32, #tpu.memory_space<hbm>> -> memref<1000000x64xf32, #tpu.memory_space<hbm>>
    tpu.enqueue_indirect_dma source(%dma_start3A_2180 : memref<1000000x64xf32, #tpu.memory_space<hbm>>) target(%dma_start3A_2177 : memref<16x64xf32, #tpu.memory_space<vmem>>) offsets(%get3A_2172 : vector<16xi32>) semaphore(%arg8 : memref<!tpu.dma_semaphore, #tpu.memory_space<semaphore_mem>>)
    %get3A_2181 = arith.constant 17 : i32
    %get3A_2182 = arith.index_cast %get3A_2181 : i32 to index
    %get3A_2183 = arith.constant 16 : index
    %get3A_2184 = tpu.vector_load %arg5[%get3A_2182, %get3A_2183] {strides = array<i32>} : memref<26x128xi32, #tpu.memory_space<vmem>>, vector<1x16xi32>,
    %get3A_2185 = vector.shape_cast %get3A_2184 : vector<1x16xi32> to vector<16xi32>
    %dma_start3A_2186 = arith.constant 1 : i32
    %dma_start3A_2187 = arith.constant 16 : i32
    %dma_start3A_2188 = arith.constant 0 : i32
    %dma_start3A_2189 = tpu.memref_slice %arg6[%dma_start3A_2186, %dma_start3A_2187, %dma_start3A_2188] : memref<8x128x64xf32, #tpu.memory_space<vmem>> -> memref<1x16x64xf32, #tpu.memory_space<vmem>>
    %dma_start3A_2190 = tpu.memref_squeeze %dma_start3A_2189 : memref<1x16x64xf32, #tpu.memory_space<vmem>> -> memref<16x64xf32, #tpu.memory_space<vmem>>
    %dma_start3A_2191 = arith.constant 0 : i32
    %dma_start3A_2192 = arith.constant 0 : i32
    %dma_start3A_2193 = tpu.memref_slice %arg3[%dma_start3A_2191, %dma_start3A_2192] : memref<1000000x64xf32, #tpu.memory_space<hbm>> -> memref<1000000x64xf32, #tpu.memory_space<hbm>>
    tpu.enqueue_indirect_dma source(%dma_start3A_2193 : memref<1000000x64xf32, #tpu.memory_space<hbm>>) target(%dma_start3A_2190 : memref<16x64xf32, #tpu.memory_space<vmem>>) offsets(%get3A_2185 : vector<16xi32>) semaphore(%arg8 : memref<!tpu.dma_semaphore, #tpu.memory_space<semaphore_mem>>)
    %get3A_2194 = arith.constant 17 : i32
    %get3A_2195 = arith.index_cast %get3A_2194 : i32 to index
    %get3A_2196 = arith.constant 32 : index
    %get3A_2197 = tpu.vector_load %arg5[%get3A_2195, %get3A_2196] {strides = array<i32>} : memref<26x128xi32, #tpu.memory_space<vmem>>, vector<1x16xi32>,
    %get3A_2198 = vector.shape_cast %get3A_2197 : vector<1x16xi32> to vector<16xi32>
    %dma_start3A_2199 = arith.constant 1 : i32
    %dma_start3A_2200 = arith.constant 32 : i32
    %dma_start3A_2201 = arith.constant 0 : i32
    %dma_start3A_2202 = tpu.memref_slice %arg6[%dma_start3A_2199, %dma_start3A_2200, %dma_start3A_2201] : memref<8x128x64xf32, #tpu.memory_space<vmem>> -> memref<1x16x64xf32, #tpu.memory_space<vmem>>
    %dma_start3A_2203 = tpu.memref_squeeze %dma_start3A_2202 : memref<1x16x64xf32, #tpu.memory_space<vmem>> -> memref<16x64xf32, #tpu.memory_space<vmem>>
    %dma_start3A_2204 = arith.constant 0 : i32
    %dma_start3A_2205 = arith.constant 0 : i32
    %dma_start3A_2206 = tpu.memref_slice %arg3[%dma_start3A_2204, %dma_start3A_2205] : memref<1000000x64xf32, #tpu.memory_space<hbm>> -> memref<1000000x64xf32, #tpu.memory_space<hbm>>
    tpu.enqueue_indirect_dma source(%dma_start3A_2206 : memref<1000000x64xf32, #tpu.memory_space<hbm>>) target(%dma_start3A_2203 : memref<16x64xf32, #tpu.memory_space<vmem>>) offsets(%get3A_2198 : vector<16xi32>) semaphore(%arg8 : memref<!tpu.dma_semaphore, #tpu.memory_space<semaphore_mem>>)
    %get3A_2207 = arith.constant 17 : i32
    %get3A_2208 = arith.index_cast %get3A_2207 : i32 to index
    %get3A_2209 = arith.constant 48 : index
    %get3A_2210 = tpu.vector_load %arg5[%get3A_2208, %get3A_2209] {strides = array<i32>} : memref<26x128xi32, #tpu.memory_space<vmem>>, vector<1x16xi32>,
    %get3A_2211 = vector.shape_cast %get3A_2210 : vector<1x16xi32> to vector<16xi32>
    %dma_start3A_2212 = arith.constant 1 : i32
    %dma_start3A_2213 = arith.constant 48 : i32
    %dma_start3A_2214 = arith.constant 0 : i32
    %dma_start3A_2215 = tpu.memref_slice %arg6[%dma_start3A_2212, %dma_start3A_2213, %dma_start3A_2214] : memref<8x128x64xf32, #tpu.memory_space<vmem>> -> memref<1x16x64xf32, #tpu.memory_space<vmem>>
    %dma_start3A_2216 = tpu.memref_squeeze %dma_start3A_2215 : memref<1x16x64xf32, #tpu.memory_space<vmem>> -> memref<16x64xf32, #tpu.memory_space<vmem>>
    %dma_start3A_2217 = arith.constant 0 : i32
    %dma_start3A_2218 = arith.constant 0 : i32
    %dma_start3A_2219 = tpu.memref_slice %arg3[%dma_start3A_2217, %dma_start3A_2218] : memref<1000000x64xf32, #tpu.memory_space<hbm>> -> memref<1000000x64xf32, #tpu.memory_space<hbm>>
    tpu.enqueue_indirect_dma source(%dma_start3A_2219 : memref<1000000x64xf32, #tpu.memory_space<hbm>>) target(%dma_start3A_2216 : memref<16x64xf32, #tpu.memory_space<vmem>>) offsets(%get3A_2211 : vector<16xi32>) semaphore(%arg8 : memref<!tpu.dma_semaphore, #tpu.memory_space<semaphore_mem>>)
    %get3A_2220 = arith.constant 17 : i32
    %get3A_2221 = arith.index_cast %get3A_2220 : i32 to index
    %get3A_2222 = arith.constant 64 : index
    %get3A_2223 = tpu.vector_load %arg5[%get3A_2221, %get3A_2222] {strides = array<i32>} : memref<26x128xi32, #tpu.memory_space<vmem>>, vector<1x16xi32>,
    %get3A_2224 = vector.shape_cast %get3A_2223 : vector<1x16xi32> to vector<16xi32>
    %dma_start3A_2225 = arith.constant 1 : i32
    %dma_start3A_2226 = arith.constant 64 : i32
    %dma_start3A_2227 = arith.constant 0 : i32
    %dma_start3A_2228 = tpu.memref_slice %arg6[%dma_start3A_2225, %dma_start3A_2226, %dma_start3A_2227] : memref<8x128x64xf32, #tpu.memory_space<vmem>> -> memref<1x16x64xf32, #tpu.memory_space<vmem>>
    %dma_start3A_2229 = tpu.memref_squeeze %dma_start3A_2228 : memref<1x16x64xf32, #tpu.memory_space<vmem>> -> memref<16x64xf32, #tpu.memory_space<vmem>>
    %dma_start3A_2230 = arith.constant 0 : i32
    %dma_start3A_2231 = arith.constant 0 : i32
    %dma_start3A_2232 = tpu.memref_slice %arg3[%dma_start3A_2230, %dma_start3A_2231] : memref<1000000x64xf32, #tpu.memory_space<hbm>> -> memref<1000000x64xf32, #tpu.memory_space<hbm>>
    tpu.enqueue_indirect_dma source(%dma_start3A_2232 : memref<1000000x64xf32, #tpu.memory_space<hbm>>) target(%dma_start3A_2229 : memref<16x64xf32, #tpu.memory_space<vmem>>) offsets(%get3A_2224 : vector<16xi32>) semaphore(%arg8 : memref<!tpu.dma_semaphore, #tpu.memory_space<semaphore_mem>>)
    %get3A_2233 = arith.constant 17 : i32
    %get3A_2234 = arith.index_cast %get3A_2233 : i32 to index
    %get3A_2235 = arith.constant 80 : index
    %get3A_2236 = tpu.vector_load %arg5[%get3A_2234, %get3A_2235] {strides = array<i32>} : memref<26x128xi32, #tpu.memory_space<vmem>>, vector<1x16xi32>,
    %get3A_2237 = vector.shape_cast %get3A_2236 : vector<1x16xi32> to vector<16xi32>
    %dma_start3A_2238 = arith.constant 1 : i32
    %dma_start3A_2239 = arith.constant 80 : i32
    %dma_start3A_2240 = arith.constant 0 : i32
    %dma_start3A_2241 = tpu.memref_slice %arg6[%dma_start3A_2238, %dma_start3A_2239, %dma_start3A_2240] : memref<8x128x64xf32, #tpu.memory_space<vmem>> -> memref<1x16x64xf32, #tpu.memory_space<vmem>>
    %dma_start3A_2242 = tpu.memref_squeeze %dma_start3A_2241 : memref<1x16x64xf32, #tpu.memory_space<vmem>> -> memref<16x64xf32, #tpu.memory_space<vmem>>
    %dma_start3A_2243 = arith.constant 0 : i32
    %dma_start3A_2244 = arith.constant 0 : i32
    %dma_start3A_2245 = tpu.memref_slice %arg3[%dma_start3A_2243, %dma_start3A_2244] : memref<1000000x64xf32, #tpu.memory_space<hbm>> -> memref<1000000x64xf32, #tpu.memory_space<hbm>>
    tpu.enqueue_indirect_dma source(%dma_start3A_2245 : memref<1000000x64xf32, #tpu.memory_space<hbm>>) target(%dma_start3A_2242 : memref<16x64xf32, #tpu.memory_space<vmem>>) offsets(%get3A_2237 : vector<16xi32>) semaphore(%arg8 : memref<!tpu.dma_semaphore, #tpu.memory_space<semaphore_mem>>)
    %get3A_2246 = arith.constant 17 : i32
    %get3A_2247 = arith.index_cast %get3A_2246 : i32 to index
    %get3A_2248 = arith.constant 96 : index
    %get3A_2249 = tpu.vector_load %arg5[%get3A_2247, %get3A_2248] {strides = array<i32>} : memref<26x128xi32, #tpu.memory_space<vmem>>, vector<1x16xi32>,
    %get3A_2250 = vector.shape_cast %get3A_2249 : vector<1x16xi32> to vector<16xi32>
    %dma_start3A_2251 = arith.constant 1 : i32
    %dma_start3A_2252 = arith.constant 96 : i32
    %dma_start3A_2253 = arith.constant 0 : i32
    %dma_start3A_2254 = tpu.memref_slice %arg6[%dma_start3A_2251, %dma_start3A_2252, %dma_start3A_2253] : memref<8x128x64xf32, #tpu.memory_space<vmem>> -> memref<1x16x64xf32, #tpu.memory_space<vmem>>
    %dma_start3A_2255 = tpu.memref_squeeze %dma_start3A_2254 : memref<1x16x64xf32, #tpu.memory_space<vmem>> -> memref<16x64xf32, #tpu.memory_space<vmem>>
    %dma_start3A_2256 = arith.constant 0 : i32
    %dma_start3A_2257 = arith.constant 0 : i32
    %dma_start3A_2258 = tpu.memref_slice %arg3[%dma_start3A_2256, %dma_start3A_2257] : memref<1000000x64xf32, #tpu.memory_space<hbm>> -> memref<1000000x64xf32, #tpu.memory_space<hbm>>
    tpu.enqueue_indirect_dma source(%dma_start3A_2258 : memref<1000000x64xf32, #tpu.memory_space<hbm>>) target(%dma_start3A_2255 : memref<16x64xf32, #tpu.memory_space<vmem>>) offsets(%get3A_2250 : vector<16xi32>) semaphore(%arg8 : memref<!tpu.dma_semaphore, #tpu.memory_space<semaphore_mem>>)
    %get3A_2259 = arith.constant 17 : i32
    %get3A_2260 = arith.index_cast %get3A_2259 : i32 to index
    %get3A_2261 = arith.constant 112 : index
    %get3A_2262 = tpu.vector_load %arg5[%get3A_2260, %get3A_2261] {strides = array<i32>} : memref<26x128xi32, #tpu.memory_space<vmem>>, vector<1x16xi32>,
    %get3A_2263 = vector.shape_cast %get3A_2262 : vector<1x16xi32> to vector<16xi32>
    %dma_start3A_2264 = arith.constant 1 : i32
    %dma_start3A_2265 = arith.constant 112 : i32
    %dma_start3A_2266 = arith.constant 0 : i32
    %dma_start3A_2267 = tpu.memref_slice %arg6[%dma_start3A_2264, %dma_start3A_2265, %dma_start3A_2266] : memref<8x128x64xf32, #tpu.memory_space<vmem>> -> memref<1x16x64xf32, #tpu.memory_space<vmem>>
    %dma_start3A_2268 = tpu.memref_squeeze %dma_start3A_2267 : memref<1x16x64xf32, #tpu.memory_space<vmem>> -> memref<16x64xf32, #tpu.memory_space<vmem>>
    %dma_start3A_2269 = arith.constant 0 : i32
    %dma_start3A_2270 = arith.constant 0 : i32
    %dma_start3A_2271 = tpu.memref_slice %arg3[%dma_start3A_2269, %dma_start3A_2270] : memref<1000000x64xf32, #tpu.memory_space<hbm>> -> memref<1000000x64xf32, #tpu.memory_space<hbm>>
    tpu.enqueue_indirect_dma source(%dma_start3A_2271 : memref<1000000x64xf32, #tpu.memory_space<hbm>>) target(%dma_start3A_2268 : memref<16x64xf32, #tpu.memory_space<vmem>>) offsets(%get3A_2263 : vector<16xi32>) semaphore(%arg8 : memref<!tpu.dma_semaphore, #tpu.memory_space<semaphore_mem>>)
    %dma_wait3A_2272 = arith.constant 10 : i32
    %dma_wait3A_2273 = arith.constant 2 : i32
    %dma_wait3A_2274 = arith.constant 0 : i32
    %dma_wait3A_2275 = arith.constant 0 : i32
    %dma_wait3A_2276 = tpu.memref_slice %arg6[%dma_wait3A_2273, %dma_wait3A_2274, %dma_wait3A_2275] : memref<8x128x64xf32, #tpu.memory_space<vmem>> -> memref<1x128x64xf32, #tpu.memory_space<vmem>>
    %dma_wait3A_2277 = tpu.memref_squeeze %dma_wait3A_2276 : memref<1x128x64xf32, #tpu.memory_space<vmem>> -> memref<128x64xf32, #tpu.memory_space<vmem>>
    %dma_wait3A_2278 = arith.constant 0 : i32
    %dma_wait3A_2279 = tpu.memref_slice %arg5[%dma_wait3A_2272, %dma_wait3A_2278] : memref<26x128xi32, #tpu.memory_space<vmem>> -> memref<1x128xi32, #tpu.memory_space<vmem>>
    %dma_wait3A_2280 = tpu.memref_squeeze %dma_wait3A_2279 : memref<1x128xi32, #tpu.memory_space<vmem>> -> memref<128xi32, #tpu.memory_space<vmem>>
    %dma_wait3A_2281 = arith.constant 0 : i32
    %dma_wait3A_2282 = arith.constant 0 : i32
    %dma_wait3A_2283 = tpu.memref_slice %arg3[%dma_wait3A_2281, %dma_wait3A_2282] : memref<1000000x64xf32, #tpu.memory_space<hbm>> -> memref<1000000x64xf32, #tpu.memory_space<hbm>>
    tpu.wait_indirect_dma semaphore(%arg9 : memref<!tpu.dma_semaphore, #tpu.memory_space<semaphore_mem>>) src(%dma_wait3A_2283 : memref<1000000x64xf32, #tpu.memory_space<hbm>>) dst(%dma_wait3A_2277 : memref<128x64xf32, #tpu.memory_space<vmem>>)
    %add3A_2284 = arith.constant 1280 : i32
    %add3A_2285 = arith.addi %mul3A_2, %add3A_2284 : i32
    %dma_start3A_2286 = arith.constant 2 : i32
    %dma_start3A_2287 = arith.constant 0 : i32
    %dma_start3A_2288 = arith.constant 0 : i32
    %dma_start3A_2289 = tpu.memref_slice %arg6[%dma_start3A_2286, %dma_start3A_2287, %dma_start3A_2288] : memref<8x128x64xf32, #tpu.memory_space<vmem>> -> memref<1x128x64xf32, #tpu.memory_space<vmem>>
    %dma_start3A_2290 = tpu.memref_squeeze %dma_start3A_2289 : memref<1x128x64xf32, #tpu.memory_space<vmem>> -> memref<128x64xf32, #tpu.memory_space<vmem>>
    %dma_start3A_2291 = arith.constant 0 : i32
    %dma_start3A_2292 = tpu.memref_slice %arg4[%add3A_2285, %dma_start3A_2291] : memref<106496x64xf32, #tpu.memory_space<hbm>> -> memref<128x64xf32, #tpu.memory_space<hbm>>
    %dma_start3A_2293 = arith.constant 0 : i32
    %dma_start3A_2294 = tpu.memref_slice %arg4[%add3A_2285, %dma_start3A_2293] : memref<106496x64xf32, #tpu.memory_space<hbm>> -> memref<128x64xf32, #tpu.memory_space<hbm>>
    %dma_start3A_2295 = arith.constant 0 : i32
    %dma_start3A_2296 = arith.constant 0 : i32
    %dma_start3A_2297 = tpu.memref_slice %arg6[%dma_start3A_2286, %dma_start3A_2295, %dma_start3A_2296] : memref<8x128x64xf32, #tpu.memory_space<vmem>> -> memref<1x128x64xf32, #tpu.memory_space<vmem>>
    %dma_start3A_2298 = tpu.memref_squeeze %dma_start3A_2297 : memref<1x128x64xf32, #tpu.memory_space<vmem>> -> memref<128x64xf32, #tpu.memory_space<vmem>>
    tpu.enqueue_dma source(%dma_start3A_2298 : memref<128x64xf32, #tpu.memory_space<vmem>>) target(%dma_start3A_2294 : memref<128x64xf32, #tpu.memory_space<hbm>>) target_semaphore(%arg17 : memref<!tpu.dma_semaphore, #tpu.memory_space<semaphore_mem>>)
    %dma_wait3A_2299 = arith.constant 2 : i32
    %dma_wait3A_2300 = arith.constant 0 : i32
    %dma_wait3A_2301 = arith.constant 0 : i32
    %dma_wait3A_2302 = tpu.memref_slice %arg6[%dma_wait3A_2299, %dma_wait3A_2300, %dma_wait3A_2301] : memref<8x128x64xf32, #tpu.memory_space<vmem>> -> memref<1x128x64xf32, #tpu.memory_space<vmem>>
    %dma_wait3A_2303 = tpu.memref_squeeze %dma_wait3A_2302 : memref<1x128x64xf32, #tpu.memory_space<vmem>> -> memref<128x64xf32, #tpu.memory_space<vmem>>
    %dma_wait3A_2304 = arith.constant 0 : i32
    %dma_wait3A_2305 = tpu.memref_slice %arg4[%add3A_2285, %dma_wait3A_2304] : memref<106496x64xf32, #tpu.memory_space<hbm>> -> memref<128x64xf32, #tpu.memory_space<hbm>>
    %dma_wait3A_2306 = arith.constant 0 : i32
    %dma_wait3A_2307 = tpu.memref_slice %arg4[%add3A_2285, %dma_wait3A_2306] : memref<106496x64xf32, #tpu.memory_space<hbm>> -> memref<128x64xf32, #tpu.memory_space<hbm>>
    %dma_wait3A_2308 = arith.constant 0 : i32
    %dma_wait3A_2309 = arith.constant 0 : i32
    %dma_wait3A_2310 = tpu.memref_slice %arg6[%dma_wait3A_2299, %dma_wait3A_2308, %dma_wait3A_2309] : memref<8x128x64xf32, #tpu.memory_space<vmem>> -> memref<1x128x64xf32, #tpu.memory_space<vmem>>
    %dma_wait3A_2311 = tpu.memref_squeeze %dma_wait3A_2310 : memref<1x128x64xf32, #tpu.memory_space<vmem>> -> memref<128x64xf32, #tpu.memory_space<vmem>>
    tpu.wait_dma2 semaphore(%arg17 : memref<!tpu.dma_semaphore, #tpu.memory_space<semaphore_mem>>) src(%dma_wait3A_2311 : memref<128x64xf32, #tpu.memory_space<vmem>>) dst(%dma_wait3A_2307 : memref<128x64xf32, #tpu.memory_space<hbm>>)
    %get3A_2312 = arith.constant 18 : i32
    %get3A_2313 = arith.index_cast %get3A_2312 : i32 to index
    %get3A_2314 = arith.constant 0 : index
    %get3A_2315 = tpu.vector_load %arg5[%get3A_2313, %get3A_2314] {strides = array<i32>} : memref<26x128xi32, #tpu.memory_space<vmem>>, vector<1x16xi32>,
    %get3A_2316 = vector.shape_cast %get3A_2315 : vector<1x16xi32> to vector<16xi32>
    %dma_start3A_2317 = arith.constant 2 : i32
    %dma_start3A_2318 = arith.constant 0 : i32
    %dma_start3A_2319 = arith.constant 0 : i32
    %dma_start3A_2320 = tpu.memref_slice %arg6[%dma_start3A_2317, %dma_start3A_2318, %dma_start3A_2319] : memref<8x128x64xf32, #tpu.memory_space<vmem>> -> memref<1x16x64xf32, #tpu.memory_space<vmem>>
    %dma_start3A_2321 = tpu.memref_squeeze %dma_start3A_2320 : memref<1x16x64xf32, #tpu.memory_space<vmem>> -> memref<16x64xf32, #tpu.memory_space<vmem>>
    %dma_start3A_2322 = arith.constant 0 : i32
    %dma_start3A_2323 = arith.constant 0 : i32
    %dma_start3A_2324 = tpu.memref_slice %arg3[%dma_start3A_2322, %dma_start3A_2323] : memref<1000000x64xf32, #tpu.memory_space<hbm>> -> memref<1000000x64xf32, #tpu.memory_space<hbm>>
    tpu.enqueue_indirect_dma source(%dma_start3A_2324 : memref<1000000x64xf32, #tpu.memory_space<hbm>>) target(%dma_start3A_2321 : memref<16x64xf32, #tpu.memory_space<vmem>>) offsets(%get3A_2316 : vector<16xi32>) semaphore(%arg9 : memref<!tpu.dma_semaphore, #tpu.memory_space<semaphore_mem>>)
    %get3A_2325 = arith.constant 18 : i32
    %get3A_2326 = arith.index_cast %get3A_2325 : i32 to index
    %get3A_2327 = arith.constant 16 : index
    %get3A_2328 = tpu.vector_load %arg5[%get3A_2326, %get3A_2327] {strides = array<i32>} : memref<26x128xi32, #tpu.memory_space<vmem>>, vector<1x16xi32>,
    %get3A_2329 = vector.shape_cast %get3A_2328 : vector<1x16xi32> to vector<16xi32>
    %dma_start3A_2330 = arith.constant 2 : i32
    %dma_start3A_2331 = arith.constant 16 : i32
    %dma_start3A_2332 = arith.constant 0 : i32
    %dma_start3A_2333 = tpu.memref_slice %arg6[%dma_start3A_2330, %dma_start3A_2331, %dma_start3A_2332] : memref<8x128x64xf32, #tpu.memory_space<vmem>> -> memref<1x16x64xf32, #tpu.memory_space<vmem>>
    %dma_start3A_2334 = tpu.memref_squeeze %dma_start3A_2333 : memref<1x16x64xf32, #tpu.memory_space<vmem>> -> memref<16x64xf32, #tpu.memory_space<vmem>>
    %dma_start3A_2335 = arith.constant 0 : i32
    %dma_start3A_2336 = arith.constant 0 : i32
    %dma_start3A_2337 = tpu.memref_slice %arg3[%dma_start3A_2335, %dma_start3A_2336] : memref<1000000x64xf32, #tpu.memory_space<hbm>> -> memref<1000000x64xf32, #tpu.memory_space<hbm>>
    tpu.enqueue_indirect_dma source(%dma_start3A_2337 : memref<1000000x64xf32, #tpu.memory_space<hbm>>) target(%dma_start3A_2334 : memref<16x64xf32, #tpu.memory_space<vmem>>) offsets(%get3A_2329 : vector<16xi32>) semaphore(%arg9 : memref<!tpu.dma_semaphore, #tpu.memory_space<semaphore_mem>>)
    %get3A_2338 = arith.constant 18 : i32
    %get3A_2339 = arith.index_cast %get3A_2338 : i32 to index
    %get3A_2340 = arith.constant 32 : index
    %get3A_2341 = tpu.vector_load %arg5[%get3A_2339, %get3A_2340] {strides = array<i32>} : memref<26x128xi32, #tpu.memory_space<vmem>>, vector<1x16xi32>,
    %get3A_2342 = vector.shape_cast %get3A_2341 : vector<1x16xi32> to vector<16xi32>
    %dma_start3A_2343 = arith.constant 2 : i32
    %dma_start3A_2344 = arith.constant 32 : i32
    %dma_start3A_2345 = arith.constant 0 : i32
    %dma_start3A_2346 = tpu.memref_slice %arg6[%dma_start3A_2343, %dma_start3A_2344, %dma_start3A_2345] : memref<8x128x64xf32, #tpu.memory_space<vmem>> -> memref<1x16x64xf32, #tpu.memory_space<vmem>>
    %dma_start3A_2347 = tpu.memref_squeeze %dma_start3A_2346 : memref<1x16x64xf32, #tpu.memory_space<vmem>> -> memref<16x64xf32, #tpu.memory_space<vmem>>
    %dma_start3A_2348 = arith.constant 0 : i32
    %dma_start3A_2349 = arith.constant 0 : i32
    %dma_start3A_2350 = tpu.memref_slice %arg3[%dma_start3A_2348, %dma_start3A_2349] : memref<1000000x64xf32, #tpu.memory_space<hbm>> -> memref<1000000x64xf32, #tpu.memory_space<hbm>>
    tpu.enqueue_indirect_dma source(%dma_start3A_2350 : memref<1000000x64xf32, #tpu.memory_space<hbm>>) target(%dma_start3A_2347 : memref<16x64xf32, #tpu.memory_space<vmem>>) offsets(%get3A_2342 : vector<16xi32>) semaphore(%arg9 : memref<!tpu.dma_semaphore, #tpu.memory_space<semaphore_mem>>)
    %get3A_2351 = arith.constant 18 : i32
    %get3A_2352 = arith.index_cast %get3A_2351 : i32 to index
    %get3A_2353 = arith.constant 48 : index
    %get3A_2354 = tpu.vector_load %arg5[%get3A_2352, %get3A_2353] {strides = array<i32>} : memref<26x128xi32, #tpu.memory_space<vmem>>, vector<1x16xi32>,
    %get3A_2355 = vector.shape_cast %get3A_2354 : vector<1x16xi32> to vector<16xi32>
    %dma_start3A_2356 = arith.constant 2 : i32
    %dma_start3A_2357 = arith.constant 48 : i32
    %dma_start3A_2358 = arith.constant 0 : i32
    %dma_start3A_2359 = tpu.memref_slice %arg6[%dma_start3A_2356, %dma_start3A_2357, %dma_start3A_2358] : memref<8x128x64xf32, #tpu.memory_space<vmem>> -> memref<1x16x64xf32, #tpu.memory_space<vmem>>
    %dma_start3A_2360 = tpu.memref_squeeze %dma_start3A_2359 : memref<1x16x64xf32, #tpu.memory_space<vmem>> -> memref<16x64xf32, #tpu.memory_space<vmem>>
    %dma_start3A_2361 = arith.constant 0 : i32
    %dma_start3A_2362 = arith.constant 0 : i32
    %dma_start3A_2363 = tpu.memref_slice %arg3[%dma_start3A_2361, %dma_start3A_2362] : memref<1000000x64xf32, #tpu.memory_space<hbm>> -> memref<1000000x64xf32, #tpu.memory_space<hbm>>
    tpu.enqueue_indirect_dma source(%dma_start3A_2363 : memref<1000000x64xf32, #tpu.memory_space<hbm>>) target(%dma_start3A_2360 : memref<16x64xf32, #tpu.memory_space<vmem>>) offsets(%get3A_2355 : vector<16xi32>) semaphore(%arg9 : memref<!tpu.dma_semaphore, #tpu.memory_space<semaphore_mem>>)
    %get3A_2364 = arith.constant 18 : i32
    %get3A_2365 = arith.index_cast %get3A_2364 : i32 to index
    %get3A_2366 = arith.constant 64 : index
    %get3A_2367 = tpu.vector_load %arg5[%get3A_2365, %get3A_2366] {strides = array<i32>} : memref<26x128xi32, #tpu.memory_space<vmem>>, vector<1x16xi32>,
    %get3A_2368 = vector.shape_cast %get3A_2367 : vector<1x16xi32> to vector<16xi32>
    %dma_start3A_2369 = arith.constant 2 : i32
    %dma_start3A_2370 = arith.constant 64 : i32
    %dma_start3A_2371 = arith.constant 0 : i32
    %dma_start3A_2372 = tpu.memref_slice %arg6[%dma_start3A_2369, %dma_start3A_2370, %dma_start3A_2371] : memref<8x128x64xf32, #tpu.memory_space<vmem>> -> memref<1x16x64xf32, #tpu.memory_space<vmem>>
    %dma_start3A_2373 = tpu.memref_squeeze %dma_start3A_2372 : memref<1x16x64xf32, #tpu.memory_space<vmem>> -> memref<16x64xf32, #tpu.memory_space<vmem>>
    %dma_start3A_2374 = arith.constant 0 : i32
    %dma_start3A_2375 = arith.constant 0 : i32
    %dma_start3A_2376 = tpu.memref_slice %arg3[%dma_start3A_2374, %dma_start3A_2375] : memref<1000000x64xf32, #tpu.memory_space<hbm>> -> memref<1000000x64xf32, #tpu.memory_space<hbm>>
    tpu.enqueue_indirect_dma source(%dma_start3A_2376 : memref<1000000x64xf32, #tpu.memory_space<hbm>>) target(%dma_start3A_2373 : memref<16x64xf32, #tpu.memory_space<vmem>>) offsets(%get3A_2368 : vector<16xi32>) semaphore(%arg9 : memref<!tpu.dma_semaphore, #tpu.memory_space<semaphore_mem>>)
    %get3A_2377 = arith.constant 18 : i32
    %get3A_2378 = arith.index_cast %get3A_2377 : i32 to index
    %get3A_2379 = arith.constant 80 : index
    %get3A_2380 = tpu.vector_load %arg5[%get3A_2378, %get3A_2379] {strides = array<i32>} : memref<26x128xi32, #tpu.memory_space<vmem>>, vector<1x16xi32>,
    %get3A_2381 = vector.shape_cast %get3A_2380 : vector<1x16xi32> to vector<16xi32>
    %dma_start3A_2382 = arith.constant 2 : i32
    %dma_start3A_2383 = arith.constant 80 : i32
    %dma_start3A_2384 = arith.constant 0 : i32
    %dma_start3A_2385 = tpu.memref_slice %arg6[%dma_start3A_2382, %dma_start3A_2383, %dma_start3A_2384] : memref<8x128x64xf32, #tpu.memory_space<vmem>> -> memref<1x16x64xf32, #tpu.memory_space<vmem>>
    %dma_start3A_2386 = tpu.memref_squeeze %dma_start3A_2385 : memref<1x16x64xf32, #tpu.memory_space<vmem>> -> memref<16x64xf32, #tpu.memory_space<vmem>>
    %dma_start3A_2387 = arith.constant 0 : i32
    %dma_start3A_2388 = arith.constant 0 : i32
    %dma_start3A_2389 = tpu.memref_slice %arg3[%dma_start3A_2387, %dma_start3A_2388] : memref<1000000x64xf32, #tpu.memory_space<hbm>> -> memref<1000000x64xf32, #tpu.memory_space<hbm>>
    tpu.enqueue_indirect_dma source(%dma_start3A_2389 : memref<1000000x64xf32, #tpu.memory_space<hbm>>) target(%dma_start3A_2386 : memref<16x64xf32, #tpu.memory_space<vmem>>) offsets(%get3A_2381 : vector<16xi32>) semaphore(%arg9 : memref<!tpu.dma_semaphore, #tpu.memory_space<semaphore_mem>>)
    %get3A_2390 = arith.constant 18 : i32
    %get3A_2391 = arith.index_cast %get3A_2390 : i32 to index
    %get3A_2392 = arith.constant 96 : index
    %get3A_2393 = tpu.vector_load %arg5[%get3A_2391, %get3A_2392] {strides = array<i32>} : memref<26x128xi32, #tpu.memory_space<vmem>>, vector<1x16xi32>,
    %get3A_2394 = vector.shape_cast %get3A_2393 : vector<1x16xi32> to vector<16xi32>
    %dma_start3A_2395 = arith.constant 2 : i32
    %dma_start3A_2396 = arith.constant 96 : i32
    %dma_start3A_2397 = arith.constant 0 : i32
    %dma_start3A_2398 = tpu.memref_slice %arg6[%dma_start3A_2395, %dma_start3A_2396, %dma_start3A_2397] : memref<8x128x64xf32, #tpu.memory_space<vmem>> -> memref<1x16x64xf32, #tpu.memory_space<vmem>>
    %dma_start3A_2399 = tpu.memref_squeeze %dma_start3A_2398 : memref<1x16x64xf32, #tpu.memory_space<vmem>> -> memref<16x64xf32, #tpu.memory_space<vmem>>
    %dma_start3A_2400 = arith.constant 0 : i32
    %dma_start3A_2401 = arith.constant 0 : i32
    %dma_start3A_2402 = tpu.memref_slice %arg3[%dma_start3A_2400, %dma_start3A_2401] : memref<1000000x64xf32, #tpu.memory_space<hbm>> -> memref<1000000x64xf32, #tpu.memory_space<hbm>>
    tpu.enqueue_indirect_dma source(%dma_start3A_2402 : memref<1000000x64xf32, #tpu.memory_space<hbm>>) target(%dma_start3A_2399 : memref<16x64xf32, #tpu.memory_space<vmem>>) offsets(%get3A_2394 : vector<16xi32>) semaphore(%arg9 : memref<!tpu.dma_semaphore, #tpu.memory_space<semaphore_mem>>)
    %get3A_2403 = arith.constant 18 : i32
    %get3A_2404 = arith.index_cast %get3A_2403 : i32 to index
    %get3A_2405 = arith.constant 112 : index
    %get3A_2406 = tpu.vector_load %arg5[%get3A_2404, %get3A_2405] {strides = array<i32>} : memref<26x128xi32, #tpu.memory_space<vmem>>, vector<1x16xi32>,
    %get3A_2407 = vector.shape_cast %get3A_2406 : vector<1x16xi32> to vector<16xi32>
    %dma_start3A_2408 = arith.constant 2 : i32
    %dma_start3A_2409 = arith.constant 112 : i32
    %dma_start3A_2410 = arith.constant 0 : i32
    %dma_start3A_2411 = tpu.memref_slice %arg6[%dma_start3A_2408, %dma_start3A_2409, %dma_start3A_2410] : memref<8x128x64xf32, #tpu.memory_space<vmem>> -> memref<1x16x64xf32, #tpu.memory_space<vmem>>
    %dma_start3A_2412 = tpu.memref_squeeze %dma_start3A_2411 : memref<1x16x64xf32, #tpu.memory_space<vmem>> -> memref<16x64xf32, #tpu.memory_space<vmem>>
    %dma_start3A_2413 = arith.constant 0 : i32
    %dma_start3A_2414 = arith.constant 0 : i32
    %dma_start3A_2415 = tpu.memref_slice %arg3[%dma_start3A_2413, %dma_start3A_2414] : memref<1000000x64xf32, #tpu.memory_space<hbm>> -> memref<1000000x64xf32, #tpu.memory_space<hbm>>
    tpu.enqueue_indirect_dma source(%dma_start3A_2415 : memref<1000000x64xf32, #tpu.memory_space<hbm>>) target(%dma_start3A_2412 : memref<16x64xf32, #tpu.memory_space<vmem>>) offsets(%get3A_2407 : vector<16xi32>) semaphore(%arg9 : memref<!tpu.dma_semaphore, #tpu.memory_space<semaphore_mem>>)
    %dma_wait3A_2416 = arith.constant 11 : i32
    %dma_wait3A_2417 = arith.constant 3 : i32
    %dma_wait3A_2418 = arith.constant 0 : i32
    %dma_wait3A_2419 = arith.constant 0 : i32
    %dma_wait3A_2420 = tpu.memref_slice %arg6[%dma_wait3A_2417, %dma_wait3A_2418, %dma_wait3A_2419] : memref<8x128x64xf32, #tpu.memory_space<vmem>> -> memref<1x128x64xf32, #tpu.memory_space<vmem>>
    %dma_wait3A_2421 = tpu.memref_squeeze %dma_wait3A_2420 : memref<1x128x64xf32, #tpu.memory_space<vmem>> -> memref<128x64xf32, #tpu.memory_space<vmem>>
    %dma_wait3A_2422 = arith.constant 0 : i32
    %dma_wait3A_2423 = tpu.memref_slice %arg5[%dma_wait3A_2416, %dma_wait3A_2422] : memref<26x128xi32, #tpu.memory_space<vmem>> -> memref<1x128xi32, #tpu.memory_space<vmem>>
    %dma_wait3A_2424 = tpu.memref_squeeze %dma_wait3A_2423 : memref<1x128xi32, #tpu.memory_space<vmem>> -> memref<128xi32, #tpu.memory_space<vmem>>
    %dma_wait3A_2425 = arith.constant 0 : i32
    %dma_wait3A_2426 = arith.constant 0 : i32
    %dma_wait3A_2427 = tpu.memref_slice %arg3[%dma_wait3A_2425, %dma_wait3A_2426] : memref<1000000x64xf32, #tpu.memory_space<hbm>> -> memref<1000000x64xf32, #tpu.memory_space<hbm>>
    tpu.wait_indirect_dma semaphore(%arg10 : memref<!tpu.dma_semaphore, #tpu.memory_space<semaphore_mem>>) src(%dma_wait3A_2427 : memref<1000000x64xf32, #tpu.memory_space<hbm>>) dst(%dma_wait3A_2421 : memref<128x64xf32, #tpu.memory_space<vmem>>)
    %add3A_2428 = arith.constant 1408 : i32
    %add3A_2429 = arith.addi %mul3A_2, %add3A_2428 : i32
    %dma_start3A_2430 = arith.constant 3 : i32
    %dma_start3A_2431 = arith.constant 0 : i32
    %dma_start3A_2432 = arith.constant 0 : i32
    %dma_start3A_2433 = tpu.memref_slice %arg6[%dma_start3A_2430, %dma_start3A_2431, %dma_start3A_2432] : memref<8x128x64xf32, #tpu.memory_space<vmem>> -> memref<1x128x64xf32, #tpu.memory_space<vmem>>
    %dma_start3A_2434 = tpu.memref_squeeze %dma_start3A_2433 : memref<1x128x64xf32, #tpu.memory_space<vmem>> -> memref<128x64xf32, #tpu.memory_space<vmem>>
    %dma_start3A_2435 = arith.constant 0 : i32
    %dma_start3A_2436 = tpu.memref_slice %arg4[%add3A_2429, %dma_start3A_2435] : memref<106496x64xf32, #tpu.memory_space<hbm>> -> memref<128x64xf32, #tpu.memory_space<hbm>>
    %dma_start3A_2437 = arith.constant 0 : i32
    %dma_start3A_2438 = tpu.memref_slice %arg4[%add3A_2429, %dma_start3A_2437] : memref<106496x64xf32, #tpu.memory_space<hbm>> -> memref<128x64xf32, #tpu.memory_space<hbm>>
    %dma_start3A_2439 = arith.constant 0 : i32
    %dma_start3A_2440 = arith.constant 0 : i32
    %dma_start3A_2441 = tpu.memref_slice %arg6[%dma_start3A_2430, %dma_start3A_2439, %dma_start3A_2440] : memref<8x128x64xf32, #tpu.memory_space<vmem>> -> memref<1x128x64xf32, #tpu.memory_space<vmem>>
    %dma_start3A_2442 = tpu.memref_squeeze %dma_start3A_2441 : memref<1x128x64xf32, #tpu.memory_space<vmem>> -> memref<128x64xf32, #tpu.memory_space<vmem>>
    tpu.enqueue_dma source(%dma_start3A_2442 : memref<128x64xf32, #tpu.memory_space<vmem>>) target(%dma_start3A_2438 : memref<128x64xf32, #tpu.memory_space<hbm>>) target_semaphore(%arg18 : memref<!tpu.dma_semaphore, #tpu.memory_space<semaphore_mem>>)
    %dma_wait3A_2443 = arith.constant 3 : i32
    %dma_wait3A_2444 = arith.constant 0 : i32
    %dma_wait3A_2445 = arith.constant 0 : i32
    %dma_wait3A_2446 = tpu.memref_slice %arg6[%dma_wait3A_2443, %dma_wait3A_2444, %dma_wait3A_2445] : memref<8x128x64xf32, #tpu.memory_space<vmem>> -> memref<1x128x64xf32, #tpu.memory_space<vmem>>
    %dma_wait3A_2447 = tpu.memref_squeeze %dma_wait3A_2446 : memref<1x128x64xf32, #tpu.memory_space<vmem>> -> memref<128x64xf32, #tpu.memory_space<vmem>>
    %dma_wait3A_2448 = arith.constant 0 : i32
    %dma_wait3A_2449 = tpu.memref_slice %arg4[%add3A_2429, %dma_wait3A_2448] : memref<106496x64xf32, #tpu.memory_space<hbm>> -> memref<128x64xf32, #tpu.memory_space<hbm>>
    %dma_wait3A_2450 = arith.constant 0 : i32
    %dma_wait3A_2451 = tpu.memref_slice %arg4[%add3A_2429, %dma_wait3A_2450] : memref<106496x64xf32, #tpu.memory_space<hbm>> -> memref<128x64xf32, #tpu.memory_space<hbm>>
    %dma_wait3A_2452 = arith.constant 0 : i32
    %dma_wait3A_2453 = arith.constant 0 : i32
    %dma_wait3A_2454 = tpu.memref_slice %arg6[%dma_wait3A_2443, %dma_wait3A_2452, %dma_wait3A_2453] : memref<8x128x64xf32, #tpu.memory_space<vmem>> -> memref<1x128x64xf32, #tpu.memory_space<vmem>>
    %dma_wait3A_2455 = tpu.memref_squeeze %dma_wait3A_2454 : memref<1x128x64xf32, #tpu.memory_space<vmem>> -> memref<128x64xf32, #tpu.memory_space<vmem>>
    tpu.wait_dma2 semaphore(%arg18 : memref<!tpu.dma_semaphore, #tpu.memory_space<semaphore_mem>>) src(%dma_wait3A_2455 : memref<128x64xf32, #tpu.memory_space<vmem>>) dst(%dma_wait3A_2451 : memref<128x64xf32, #tpu.memory_space<hbm>>)
    %get3A_2456 = arith.constant 19 : i32
    %get3A_2457 = arith.index_cast %get3A_2456 : i32 to index
    %get3A_2458 = arith.constant 0 : index
    %get3A_2459 = tpu.vector_load %arg5[%get3A_2457, %get3A_2458] {strides = array<i32>} : memref<26x128xi32, #tpu.memory_space<vmem>>, vector<1x16xi32>,
    %get3A_2460 = vector.shape_cast %get3A_2459 : vector<1x16xi32> to vector<16xi32>
    %dma_start3A_2461 = arith.constant 3 : i32
    %dma_start3A_2462 = arith.constant 0 : i32
    %dma_start3A_2463 = arith.constant 0 : i32
    %dma_start3A_2464 = tpu.memref_slice %arg6[%dma_start3A_2461, %dma_start3A_2462, %dma_start3A_2463] : memref<8x128x64xf32, #tpu.memory_space<vmem>> -> memref<1x16x64xf32, #tpu.memory_space<vmem>>
    %dma_start3A_2465 = tpu.memref_squeeze %dma_start3A_2464 : memref<1x16x64xf32, #tpu.memory_space<vmem>> -> memref<16x64xf32, #tpu.memory_space<vmem>>
    %dma_start3A_2466 = arith.constant 0 : i32
    %dma_start3A_2467 = arith.constant 0 : i32
    %dma_start3A_2468 = tpu.memref_slice %arg3[%dma_start3A_2466, %dma_start3A_2467] : memref<1000000x64xf32, #tpu.memory_space<hbm>> -> memref<1000000x64xf32, #tpu.memory_space<hbm>>
    tpu.enqueue_indirect_dma source(%dma_start3A_2468 : memref<1000000x64xf32, #tpu.memory_space<hbm>>) target(%dma_start3A_2465 : memref<16x64xf32, #tpu.memory_space<vmem>>) offsets(%get3A_2460 : vector<16xi32>) semaphore(%arg10 : memref<!tpu.dma_semaphore, #tpu.memory_space<semaphore_mem>>)
    %get3A_2469 = arith.constant 19 : i32
    %get3A_2470 = arith.index_cast %get3A_2469 : i32 to index
    %get3A_2471 = arith.constant 16 : index
    %get3A_2472 = tpu.vector_load %arg5[%get3A_2470, %get3A_2471] {strides = array<i32>} : memref<26x128xi32, #tpu.memory_space<vmem>>, vector<1x16xi32>,
    %get3A_2473 = vector.shape_cast %get3A_2472 : vector<1x16xi32> to vector<16xi32>
    %dma_start3A_2474 = arith.constant 3 : i32
    %dma_start3A_2475 = arith.constant 16 : i32
    %dma_start3A_2476 = arith.constant 0 : i32
    %dma_start3A_2477 = tpu.memref_slice %arg6[%dma_start3A_2474, %dma_start3A_2475, %dma_start3A_2476] : memref<8x128x64xf32, #tpu.memory_space<vmem>> -> memref<1x16x64xf32, #tpu.memory_space<vmem>>
    %dma_start3A_2478 = tpu.memref_squeeze %dma_start3A_2477 : memref<1x16x64xf32, #tpu.memory_space<vmem>> -> memref<16x64xf32, #tpu.memory_space<vmem>>
    %dma_start3A_2479 = arith.constant 0 : i32
    %dma_start3A_2480 = arith.constant 0 : i32
    %dma_start3A_2481 = tpu.memref_slice %arg3[%dma_start3A_2479, %dma_start3A_2480] : memref<1000000x64xf32, #tpu.memory_space<hbm>> -> memref<1000000x64xf32, #tpu.memory_space<hbm>>
    tpu.enqueue_indirect_dma source(%dma_start3A_2481 : memref<1000000x64xf32, #tpu.memory_space<hbm>>) target(%dma_start3A_2478 : memref<16x64xf32, #tpu.memory_space<vmem>>) offsets(%get3A_2473 : vector<16xi32>) semaphore(%arg10 : memref<!tpu.dma_semaphore, #tpu.memory_space<semaphore_mem>>)
    %get3A_2482 = arith.constant 19 : i32
    %get3A_2483 = arith.index_cast %get3A_2482 : i32 to index
    %get3A_2484 = arith.constant 32 : index
    %get3A_2485 = tpu.vector_load %arg5[%get3A_2483, %get3A_2484] {strides = array<i32>} : memref<26x128xi32, #tpu.memory_space<vmem>>, vector<1x16xi32>,
    %get3A_2486 = vector.shape_cast %get3A_2485 : vector<1x16xi32> to vector<16xi32>
    %dma_start3A_2487 = arith.constant 3 : i32
    %dma_start3A_2488 = arith.constant 32 : i32
    %dma_start3A_2489 = arith.constant 0 : i32
    %dma_start3A_2490 = tpu.memref_slice %arg6[%dma_start3A_2487, %dma_start3A_2488, %dma_start3A_2489] : memref<8x128x64xf32, #tpu.memory_space<vmem>> -> memref<1x16x64xf32, #tpu.memory_space<vmem>>
    %dma_start3A_2491 = tpu.memref_squeeze %dma_start3A_2490 : memref<1x16x64xf32, #tpu.memory_space<vmem>> -> memref<16x64xf32, #tpu.memory_space<vmem>>
    %dma_start3A_2492 = arith.constant 0 : i32
    %dma_start3A_2493 = arith.constant 0 : i32
    %dma_start3A_2494 = tpu.memref_slice %arg3[%dma_start3A_2492, %dma_start3A_2493] : memref<1000000x64xf32, #tpu.memory_space<hbm>> -> memref<1000000x64xf32, #tpu.memory_space<hbm>>
    tpu.enqueue_indirect_dma source(%dma_start3A_2494 : memref<1000000x64xf32, #tpu.memory_space<hbm>>) target(%dma_start3A_2491 : memref<16x64xf32, #tpu.memory_space<vmem>>) offsets(%get3A_2486 : vector<16xi32>) semaphore(%arg10 : memref<!tpu.dma_semaphore, #tpu.memory_space<semaphore_mem>>)
    %get3A_2495 = arith.constant 19 : i32
    %get3A_2496 = arith.index_cast %get3A_2495 : i32 to index
    %get3A_2497 = arith.constant 48 : index
    %get3A_2498 = tpu.vector_load %arg5[%get3A_2496, %get3A_2497] {strides = array<i32>} : memref<26x128xi32, #tpu.memory_space<vmem>>, vector<1x16xi32>,
    %get3A_2499 = vector.shape_cast %get3A_2498 : vector<1x16xi32> to vector<16xi32>
    %dma_start3A_2500 = arith.constant 3 : i32
    %dma_start3A_2501 = arith.constant 48 : i32
    %dma_start3A_2502 = arith.constant 0 : i32
    %dma_start3A_2503 = tpu.memref_slice %arg6[%dma_start3A_2500, %dma_start3A_2501, %dma_start3A_2502] : memref<8x128x64xf32, #tpu.memory_space<vmem>> -> memref<1x16x64xf32, #tpu.memory_space<vmem>>
    %dma_start3A_2504 = tpu.memref_squeeze %dma_start3A_2503 : memref<1x16x64xf32, #tpu.memory_space<vmem>> -> memref<16x64xf32, #tpu.memory_space<vmem>>
    %dma_start3A_2505 = arith.constant 0 : i32
    %dma_start3A_2506 = arith.constant 0 : i32
    %dma_start3A_2507 = tpu.memref_slice %arg3[%dma_start3A_2505, %dma_start3A_2506] : memref<1000000x64xf32, #tpu.memory_space<hbm>> -> memref<1000000x64xf32, #tpu.memory_space<hbm>>
    tpu.enqueue_indirect_dma source(%dma_start3A_2507 : memref<1000000x64xf32, #tpu.memory_space<hbm>>) target(%dma_start3A_2504 : memref<16x64xf32, #tpu.memory_space<vmem>>) offsets(%get3A_2499 : vector<16xi32>) semaphore(%arg10 : memref<!tpu.dma_semaphore, #tpu.memory_space<semaphore_mem>>)
    %get3A_2508 = arith.constant 19 : i32
    %get3A_2509 = arith.index_cast %get3A_2508 : i32 to index
    %get3A_2510 = arith.constant 64 : index
    %get3A_2511 = tpu.vector_load %arg5[%get3A_2509, %get3A_2510] {strides = array<i32>} : memref<26x128xi32, #tpu.memory_space<vmem>>, vector<1x16xi32>,
    %get3A_2512 = vector.shape_cast %get3A_2511 : vector<1x16xi32> to vector<16xi32>
    %dma_start3A_2513 = arith.constant 3 : i32
    %dma_start3A_2514 = arith.constant 64 : i32
    %dma_start3A_2515 = arith.constant 0 : i32
    %dma_start3A_2516 = tpu.memref_slice %arg6[%dma_start3A_2513, %dma_start3A_2514, %dma_start3A_2515] : memref<8x128x64xf32, #tpu.memory_space<vmem>> -> memref<1x16x64xf32, #tpu.memory_space<vmem>>
    %dma_start3A_2517 = tpu.memref_squeeze %dma_start3A_2516 : memref<1x16x64xf32, #tpu.memory_space<vmem>> -> memref<16x64xf32, #tpu.memory_space<vmem>>
    %dma_start3A_2518 = arith.constant 0 : i32
    %dma_start3A_2519 = arith.constant 0 : i32
    %dma_start3A_2520 = tpu.memref_slice %arg3[%dma_start3A_2518, %dma_start3A_2519] : memref<1000000x64xf32, #tpu.memory_space<hbm>> -> memref<1000000x64xf32, #tpu.memory_space<hbm>>
    tpu.enqueue_indirect_dma source(%dma_start3A_2520 : memref<1000000x64xf32, #tpu.memory_space<hbm>>) target(%dma_start3A_2517 : memref<16x64xf32, #tpu.memory_space<vmem>>) offsets(%get3A_2512 : vector<16xi32>) semaphore(%arg10 : memref<!tpu.dma_semaphore, #tpu.memory_space<semaphore_mem>>)
    %get3A_2521 = arith.constant 19 : i32
    %get3A_2522 = arith.index_cast %get3A_2521 : i32 to index
    %get3A_2523 = arith.constant 80 : index
    %get3A_2524 = tpu.vector_load %arg5[%get3A_2522, %get3A_2523] {strides = array<i32>} : memref<26x128xi32, #tpu.memory_space<vmem>>, vector<1x16xi32>,
    %get3A_2525 = vector.shape_cast %get3A_2524 : vector<1x16xi32> to vector<16xi32>
    %dma_start3A_2526 = arith.constant 3 : i32
    %dma_start3A_2527 = arith.constant 80 : i32
    %dma_start3A_2528 = arith.constant 0 : i32
    %dma_start3A_2529 = tpu.memref_slice %arg6[%dma_start3A_2526, %dma_start3A_2527, %dma_start3A_2528] : memref<8x128x64xf32, #tpu.memory_space<vmem>> -> memref<1x16x64xf32, #tpu.memory_space<vmem>>
    %dma_start3A_2530 = tpu.memref_squeeze %dma_start3A_2529 : memref<1x16x64xf32, #tpu.memory_space<vmem>> -> memref<16x64xf32, #tpu.memory_space<vmem>>
    %dma_start3A_2531 = arith.constant 0 : i32
    %dma_start3A_2532 = arith.constant 0 : i32
    %dma_start3A_2533 = tpu.memref_slice %arg3[%dma_start3A_2531, %dma_start3A_2532] : memref<1000000x64xf32, #tpu.memory_space<hbm>> -> memref<1000000x64xf32, #tpu.memory_space<hbm>>
    tpu.enqueue_indirect_dma source(%dma_start3A_2533 : memref<1000000x64xf32, #tpu.memory_space<hbm>>) target(%dma_start3A_2530 : memref<16x64xf32, #tpu.memory_space<vmem>>) offsets(%get3A_2525 : vector<16xi32>) semaphore(%arg10 : memref<!tpu.dma_semaphore, #tpu.memory_space<semaphore_mem>>)
    %get3A_2534 = arith.constant 19 : i32
    %get3A_2535 = arith.index_cast %get3A_2534 : i32 to index
    %get3A_2536 = arith.constant 96 : index
    %get3A_2537 = tpu.vector_load %arg5[%get3A_2535, %get3A_2536] {strides = array<i32>} : memref<26x128xi32, #tpu.memory_space<vmem>>, vector<1x16xi32>,
    %get3A_2538 = vector.shape_cast %get3A_2537 : vector<1x16xi32> to vector<16xi32>
    %dma_start3A_2539 = arith.constant 3 : i32
    %dma_start3A_2540 = arith.constant 96 : i32
    %dma_start3A_2541 = arith.constant 0 : i32
    %dma_start3A_2542 = tpu.memref_slice %arg6[%dma_start3A_2539, %dma_start3A_2540, %dma_start3A_2541] : memref<8x128x64xf32, #tpu.memory_space<vmem>> -> memref<1x16x64xf32, #tpu.memory_space<vmem>>
    %dma_start3A_2543 = tpu.memref_squeeze %dma_start3A_2542 : memref<1x16x64xf32, #tpu.memory_space<vmem>> -> memref<16x64xf32, #tpu.memory_space<vmem>>
    %dma_start3A_2544 = arith.constant 0 : i32
    %dma_start3A_2545 = arith.constant 0 : i32
    %dma_start3A_2546 = tpu.memref_slice %arg3[%dma_start3A_2544, %dma_start3A_2545] : memref<1000000x64xf32, #tpu.memory_space<hbm>> -> memref<1000000x64xf32, #tpu.memory_space<hbm>>
    tpu.enqueue_indirect_dma source(%dma_start3A_2546 : memref<1000000x64xf32, #tpu.memory_space<hbm>>) target(%dma_start3A_2543 : memref<16x64xf32, #tpu.memory_space<vmem>>) offsets(%get3A_2538 : vector<16xi32>) semaphore(%arg10 : memref<!tpu.dma_semaphore, #tpu.memory_space<semaphore_mem>>)
    %get3A_2547 = arith.constant 19 : i32
    %get3A_2548 = arith.index_cast %get3A_2547 : i32 to index
    %get3A_2549 = arith.constant 112 : index
    %get3A_2550 = tpu.vector_load %arg5[%get3A_2548, %get3A_2549] {strides = array<i32>} : memref<26x128xi32, #tpu.memory_space<vmem>>, vector<1x16xi32>,
    %get3A_2551 = vector.shape_cast %get3A_2550 : vector<1x16xi32> to vector<16xi32>
    %dma_start3A_2552 = arith.constant 3 : i32
    %dma_start3A_2553 = arith.constant 112 : i32
    %dma_start3A_2554 = arith.constant 0 : i32
    %dma_start3A_2555 = tpu.memref_slice %arg6[%dma_start3A_2552, %dma_start3A_2553, %dma_start3A_2554] : memref<8x128x64xf32, #tpu.memory_space<vmem>> -> memref<1x16x64xf32, #tpu.memory_space<vmem>>
    %dma_start3A_2556 = tpu.memref_squeeze %dma_start3A_2555 : memref<1x16x64xf32, #tpu.memory_space<vmem>> -> memref<16x64xf32, #tpu.memory_space<vmem>>
    %dma_start3A_2557 = arith.constant 0 : i32
    %dma_start3A_2558 = arith.constant 0 : i32
    %dma_start3A_2559 = tpu.memref_slice %arg3[%dma_start3A_2557, %dma_start3A_2558] : memref<1000000x64xf32, #tpu.memory_space<hbm>> -> memref<1000000x64xf32, #tpu.memory_space<hbm>>
    tpu.enqueue_indirect_dma source(%dma_start3A_2559 : memref<1000000x64xf32, #tpu.memory_space<hbm>>) target(%dma_start3A_2556 : memref<16x64xf32, #tpu.memory_space<vmem>>) offsets(%get3A_2551 : vector<16xi32>) semaphore(%arg10 : memref<!tpu.dma_semaphore, #tpu.memory_space<semaphore_mem>>)
    %dma_wait3A_2560 = arith.constant 12 : i32
    %dma_wait3A_2561 = arith.constant 4 : i32
    %dma_wait3A_2562 = arith.constant 0 : i32
    %dma_wait3A_2563 = arith.constant 0 : i32
    %dma_wait3A_2564 = tpu.memref_slice %arg6[%dma_wait3A_2561, %dma_wait3A_2562, %dma_wait3A_2563] : memref<8x128x64xf32, #tpu.memory_space<vmem>> -> memref<1x128x64xf32, #tpu.memory_space<vmem>>
    %dma_wait3A_2565 = tpu.memref_squeeze %dma_wait3A_2564 : memref<1x128x64xf32, #tpu.memory_space<vmem>> -> memref<128x64xf32, #tpu.memory_space<vmem>>
    %dma_wait3A_2566 = arith.constant 0 : i32
    %dma_wait3A_2567 = tpu.memref_slice %arg5[%dma_wait3A_2560, %dma_wait3A_2566] : memref<26x128xi32, #tpu.memory_space<vmem>> -> memref<1x128xi32, #tpu.memory_space<vmem>>
    %dma_wait3A_2568 = tpu.memref_squeeze %dma_wait3A_2567 : memref<1x128xi32, #tpu.memory_space<vmem>> -> memref<128xi32, #tpu.memory_space<vmem>>
    %dma_wait3A_2569 = arith.constant 0 : i32
    %dma_wait3A_2570 = arith.constant 0 : i32
    %dma_wait3A_2571 = tpu.memref_slice %arg3[%dma_wait3A_2569, %dma_wait3A_2570] : memref<1000000x64xf32, #tpu.memory_space<hbm>> -> memref<1000000x64xf32, #tpu.memory_space<hbm>>
    tpu.wait_indirect_dma semaphore(%arg11 : memref<!tpu.dma_semaphore, #tpu.memory_space<semaphore_mem>>) src(%dma_wait3A_2571 : memref<1000000x64xf32, #tpu.memory_space<hbm>>) dst(%dma_wait3A_2565 : memref<128x64xf32, #tpu.memory_space<vmem>>)
    %add3A_2572 = arith.constant 1536 : i32
    %add3A_2573 = arith.addi %mul3A_2, %add3A_2572 : i32
    %dma_start3A_2574 = arith.constant 4 : i32
    %dma_start3A_2575 = arith.constant 0 : i32
    %dma_start3A_2576 = arith.constant 0 : i32
    %dma_start3A_2577 = tpu.memref_slice %arg6[%dma_start3A_2574, %dma_start3A_2575, %dma_start3A_2576] : memref<8x128x64xf32, #tpu.memory_space<vmem>> -> memref<1x128x64xf32, #tpu.memory_space<vmem>>
    %dma_start3A_2578 = tpu.memref_squeeze %dma_start3A_2577 : memref<1x128x64xf32, #tpu.memory_space<vmem>> -> memref<128x64xf32, #tpu.memory_space<vmem>>
    %dma_start3A_2579 = arith.constant 0 : i32
    %dma_start3A_2580 = tpu.memref_slice %arg4[%add3A_2573, %dma_start3A_2579] : memref<106496x64xf32, #tpu.memory_space<hbm>> -> memref<128x64xf32, #tpu.memory_space<hbm>>
    %dma_start3A_2581 = arith.constant 0 : i32
    %dma_start3A_2582 = tpu.memref_slice %arg4[%add3A_2573, %dma_start3A_2581] : memref<106496x64xf32, #tpu.memory_space<hbm>> -> memref<128x64xf32, #tpu.memory_space<hbm>>
    %dma_start3A_2583 = arith.constant 0 : i32
    %dma_start3A_2584 = arith.constant 0 : i32
    %dma_start3A_2585 = tpu.memref_slice %arg6[%dma_start3A_2574, %dma_start3A_2583, %dma_start3A_2584] : memref<8x128x64xf32, #tpu.memory_space<vmem>> -> memref<1x128x64xf32, #tpu.memory_space<vmem>>
    %dma_start3A_2586 = tpu.memref_squeeze %dma_start3A_2585 : memref<1x128x64xf32, #tpu.memory_space<vmem>> -> memref<128x64xf32, #tpu.memory_space<vmem>>
    tpu.enqueue_dma source(%dma_start3A_2586 : memref<128x64xf32, #tpu.memory_space<vmem>>) target(%dma_start3A_2582 : memref<128x64xf32, #tpu.memory_space<hbm>>) target_semaphore(%arg19 : memref<!tpu.dma_semaphore, #tpu.memory_space<semaphore_mem>>)
    %dma_wait3A_2587 = arith.constant 4 : i32
    %dma_wait3A_2588 = arith.constant 0 : i32
    %dma_wait3A_2589 = arith.constant 0 : i32
    %dma_wait3A_2590 = tpu.memref_slice %arg6[%dma_wait3A_2587, %dma_wait3A_2588, %dma_wait3A_2589] : memref<8x128x64xf32, #tpu.memory_space<vmem>> -> memref<1x128x64xf32, #tpu.memory_space<vmem>>
    %dma_wait3A_2591 = tpu.memref_squeeze %dma_wait3A_2590 : memref<1x128x64xf32, #tpu.memory_space<vmem>> -> memref<128x64xf32, #tpu.memory_space<vmem>>
    %dma_wait3A_2592 = arith.constant 0 : i32
    %dma_wait3A_2593 = tpu.memref_slice %arg4[%add3A_2573, %dma_wait3A_2592] : memref<106496x64xf32, #tpu.memory_space<hbm>> -> memref<128x64xf32, #tpu.memory_space<hbm>>
    %dma_wait3A_2594 = arith.constant 0 : i32
    %dma_wait3A_2595 = tpu.memref_slice %arg4[%add3A_2573, %dma_wait3A_2594] : memref<106496x64xf32, #tpu.memory_space<hbm>> -> memref<128x64xf32, #tpu.memory_space<hbm>>
    %dma_wait3A_2596 = arith.constant 0 : i32
    %dma_wait3A_2597 = arith.constant 0 : i32
    %dma_wait3A_2598 = tpu.memref_slice %arg6[%dma_wait3A_2587, %dma_wait3A_2596, %dma_wait3A_2597] : memref<8x128x64xf32, #tpu.memory_space<vmem>> -> memref<1x128x64xf32, #tpu.memory_space<vmem>>
    %dma_wait3A_2599 = tpu.memref_squeeze %dma_wait3A_2598 : memref<1x128x64xf32, #tpu.memory_space<vmem>> -> memref<128x64xf32, #tpu.memory_space<vmem>>
    tpu.wait_dma2 semaphore(%arg19 : memref<!tpu.dma_semaphore, #tpu.memory_space<semaphore_mem>>) src(%dma_wait3A_2599 : memref<128x64xf32, #tpu.memory_space<vmem>>) dst(%dma_wait3A_2595 : memref<128x64xf32, #tpu.memory_space<hbm>>)
    %get3A_2600 = arith.constant 20 : i32
    %get3A_2601 = arith.index_cast %get3A_2600 : i32 to index
    %get3A_2602 = arith.constant 0 : index
    %get3A_2603 = tpu.vector_load %arg5[%get3A_2601, %get3A_2602] {strides = array<i32>} : memref<26x128xi32, #tpu.memory_space<vmem>>, vector<1x16xi32>,
    %get3A_2604 = vector.shape_cast %get3A_2603 : vector<1x16xi32> to vector<16xi32>
    %dma_start3A_2605 = arith.constant 4 : i32
    %dma_start3A_2606 = arith.constant 0 : i32
    %dma_start3A_2607 = arith.constant 0 : i32
    %dma_start3A_2608 = tpu.memref_slice %arg6[%dma_start3A_2605, %dma_start3A_2606, %dma_start3A_2607] : memref<8x128x64xf32, #tpu.memory_space<vmem>> -> memref<1x16x64xf32, #tpu.memory_space<vmem>>
    %dma_start3A_2609 = tpu.memref_squeeze %dma_start3A_2608 : memref<1x16x64xf32, #tpu.memory_space<vmem>> -> memref<16x64xf32, #tpu.memory_space<vmem>>
    %dma_start3A_2610 = arith.constant 0 : i32
    %dma_start3A_2611 = arith.constant 0 : i32
    %dma_start3A_2612 = tpu.memref_slice %arg3[%dma_start3A_2610, %dma_start3A_2611] : memref<1000000x64xf32, #tpu.memory_space<hbm>> -> memref<1000000x64xf32, #tpu.memory_space<hbm>>
    tpu.enqueue_indirect_dma source(%dma_start3A_2612 : memref<1000000x64xf32, #tpu.memory_space<hbm>>) target(%dma_start3A_2609 : memref<16x64xf32, #tpu.memory_space<vmem>>) offsets(%get3A_2604 : vector<16xi32>) semaphore(%arg11 : memref<!tpu.dma_semaphore, #tpu.memory_space<semaphore_mem>>)
    %get3A_2613 = arith.constant 20 : i32
    %get3A_2614 = arith.index_cast %get3A_2613 : i32 to index
    %get3A_2615 = arith.constant 16 : index
    %get3A_2616 = tpu.vector_load %arg5[%get3A_2614, %get3A_2615] {strides = array<i32>} : memref<26x128xi32, #tpu.memory_space<vmem>>, vector<1x16xi32>,
    %get3A_2617 = vector.shape_cast %get3A_2616 : vector<1x16xi32> to vector<16xi32>
    %dma_start3A_2618 = arith.constant 4 : i32
    %dma_start3A_2619 = arith.constant 16 : i32
    %dma_start3A_2620 = arith.constant 0 : i32
    %dma_start3A_2621 = tpu.memref_slice %arg6[%dma_start3A_2618, %dma_start3A_2619, %dma_start3A_2620] : memref<8x128x64xf32, #tpu.memory_space<vmem>> -> memref<1x16x64xf32, #tpu.memory_space<vmem>>
    %dma_start3A_2622 = tpu.memref_squeeze %dma_start3A_2621 : memref<1x16x64xf32, #tpu.memory_space<vmem>> -> memref<16x64xf32, #tpu.memory_space<vmem>>
    %dma_start3A_2623 = arith.constant 0 : i32
    %dma_start3A_2624 = arith.constant 0 : i32
    %dma_start3A_2625 = tpu.memref_slice %arg3[%dma_start3A_2623, %dma_start3A_2624] : memref<1000000x64xf32, #tpu.memory_space<hbm>> -> memref<1000000x64xf32, #tpu.memory_space<hbm>>
    tpu.enqueue_indirect_dma source(%dma_start3A_2625 : memref<1000000x64xf32, #tpu.memory_space<hbm>>) target(%dma_start3A_2622 : memref<16x64xf32, #tpu.memory_space<vmem>>) offsets(%get3A_2617 : vector<16xi32>) semaphore(%arg11 : memref<!tpu.dma_semaphore, #tpu.memory_space<semaphore_mem>>)
    %get3A_2626 = arith.constant 20 : i32
    %get3A_2627 = arith.index_cast %get3A_2626 : i32 to index
    %get3A_2628 = arith.constant 32 : index
    %get3A_2629 = tpu.vector_load %arg5[%get3A_2627, %get3A_2628] {strides = array<i32>} : memref<26x128xi32, #tpu.memory_space<vmem>>, vector<1x16xi32>,
    %get3A_2630 = vector.shape_cast %get3A_2629 : vector<1x16xi32> to vector<16xi32>
    %dma_start3A_2631 = arith.constant 4 : i32
    %dma_start3A_2632 = arith.constant 32 : i32
    %dma_start3A_2633 = arith.constant 0 : i32
    %dma_start3A_2634 = tpu.memref_slice %arg6[%dma_start3A_2631, %dma_start3A_2632, %dma_start3A_2633] : memref<8x128x64xf32, #tpu.memory_space<vmem>> -> memref<1x16x64xf32, #tpu.memory_space<vmem>>
    %dma_start3A_2635 = tpu.memref_squeeze %dma_start3A_2634 : memref<1x16x64xf32, #tpu.memory_space<vmem>> -> memref<16x64xf32, #tpu.memory_space<vmem>>
    %dma_start3A_2636 = arith.constant 0 : i32
    %dma_start3A_2637 = arith.constant 0 : i32
    %dma_start3A_2638 = tpu.memref_slice %arg3[%dma_start3A_2636, %dma_start3A_2637] : memref<1000000x64xf32, #tpu.memory_space<hbm>> -> memref<1000000x64xf32, #tpu.memory_space<hbm>>
    tpu.enqueue_indirect_dma source(%dma_start3A_2638 : memref<1000000x64xf32, #tpu.memory_space<hbm>>) target(%dma_start3A_2635 : memref<16x64xf32, #tpu.memory_space<vmem>>) offsets(%get3A_2630 : vector<16xi32>) semaphore(%arg11 : memref<!tpu.dma_semaphore, #tpu.memory_space<semaphore_mem>>)
    %get3A_2639 = arith.constant 20 : i32
    %get3A_2640 = arith.index_cast %get3A_2639 : i32 to index
    %get3A_2641 = arith.constant 48 : index
    %get3A_2642 = tpu.vector_load %arg5[%get3A_2640, %get3A_2641] {strides = array<i32>} : memref<26x128xi32, #tpu.memory_space<vmem>>, vector<1x16xi32>,
    %get3A_2643 = vector.shape_cast %get3A_2642 : vector<1x16xi32> to vector<16xi32>
    %dma_start3A_2644 = arith.constant 4 : i32
    %dma_start3A_2645 = arith.constant 48 : i32
    %dma_start3A_2646 = arith.constant 0 : i32
    %dma_start3A_2647 = tpu.memref_slice %arg6[%dma_start3A_2644, %dma_start3A_2645, %dma_start3A_2646] : memref<8x128x64xf32, #tpu.memory_space<vmem>> -> memref<1x16x64xf32, #tpu.memory_space<vmem>>
    %dma_start3A_2648 = tpu.memref_squeeze %dma_start3A_2647 : memref<1x16x64xf32, #tpu.memory_space<vmem>> -> memref<16x64xf32, #tpu.memory_space<vmem>>
    %dma_start3A_2649 = arith.constant 0 : i32
    %dma_start3A_2650 = arith.constant 0 : i32
    %dma_start3A_2651 = tpu.memref_slice %arg3[%dma_start3A_2649, %dma_start3A_2650] : memref<1000000x64xf32, #tpu.memory_space<hbm>> -> memref<1000000x64xf32, #tpu.memory_space<hbm>>
    tpu.enqueue_indirect_dma source(%dma_start3A_2651 : memref<1000000x64xf32, #tpu.memory_space<hbm>>) target(%dma_start3A_2648 : memref<16x64xf32, #tpu.memory_space<vmem>>) offsets(%get3A_2643 : vector<16xi32>) semaphore(%arg11 : memref<!tpu.dma_semaphore, #tpu.memory_space<semaphore_mem>>)
    %get3A_2652 = arith.constant 20 : i32
    %get3A_2653 = arith.index_cast %get3A_2652 : i32 to index
    %get3A_2654 = arith.constant 64 : index
    %get3A_2655 = tpu.vector_load %arg5[%get3A_2653, %get3A_2654] {strides = array<i32>} : memref<26x128xi32, #tpu.memory_space<vmem>>, vector<1x16xi32>,
    %get3A_2656 = vector.shape_cast %get3A_2655 : vector<1x16xi32> to vector<16xi32>
    %dma_start3A_2657 = arith.constant 4 : i32
    %dma_start3A_2658 = arith.constant 64 : i32
    %dma_start3A_2659 = arith.constant 0 : i32
    %dma_start3A_2660 = tpu.memref_slice %arg6[%dma_start3A_2657, %dma_start3A_2658, %dma_start3A_2659] : memref<8x128x64xf32, #tpu.memory_space<vmem>> -> memref<1x16x64xf32, #tpu.memory_space<vmem>>
    %dma_start3A_2661 = tpu.memref_squeeze %dma_start3A_2660 : memref<1x16x64xf32, #tpu.memory_space<vmem>> -> memref<16x64xf32, #tpu.memory_space<vmem>>
    %dma_start3A_2662 = arith.constant 0 : i32
    %dma_start3A_2663 = arith.constant 0 : i32
    %dma_start3A_2664 = tpu.memref_slice %arg3[%dma_start3A_2662, %dma_start3A_2663] : memref<1000000x64xf32, #tpu.memory_space<hbm>> -> memref<1000000x64xf32, #tpu.memory_space<hbm>>
    tpu.enqueue_indirect_dma source(%dma_start3A_2664 : memref<1000000x64xf32, #tpu.memory_space<hbm>>) target(%dma_start3A_2661 : memref<16x64xf32, #tpu.memory_space<vmem>>) offsets(%get3A_2656 : vector<16xi32>) semaphore(%arg11 : memref<!tpu.dma_semaphore, #tpu.memory_space<semaphore_mem>>)
    %get3A_2665 = arith.constant 20 : i32
    %get3A_2666 = arith.index_cast %get3A_2665 : i32 to index
    %get3A_2667 = arith.constant 80 : index
    %get3A_2668 = tpu.vector_load %arg5[%get3A_2666, %get3A_2667] {strides = array<i32>} : memref<26x128xi32, #tpu.memory_space<vmem>>, vector<1x16xi32>,
    %get3A_2669 = vector.shape_cast %get3A_2668 : vector<1x16xi32> to vector<16xi32>
    %dma_start3A_2670 = arith.constant 4 : i32
    %dma_start3A_2671 = arith.constant 80 : i32
    %dma_start3A_2672 = arith.constant 0 : i32
    %dma_start3A_2673 = tpu.memref_slice %arg6[%dma_start3A_2670, %dma_start3A_2671, %dma_start3A_2672] : memref<8x128x64xf32, #tpu.memory_space<vmem>> -> memref<1x16x64xf32, #tpu.memory_space<vmem>>
    %dma_start3A_2674 = tpu.memref_squeeze %dma_start3A_2673 : memref<1x16x64xf32, #tpu.memory_space<vmem>> -> memref<16x64xf32, #tpu.memory_space<vmem>>
    %dma_start3A_2675 = arith.constant 0 : i32
    %dma_start3A_2676 = arith.constant 0 : i32
    %dma_start3A_2677 = tpu.memref_slice %arg3[%dma_start3A_2675, %dma_start3A_2676] : memref<1000000x64xf32, #tpu.memory_space<hbm>> -> memref<1000000x64xf32, #tpu.memory_space<hbm>>
    tpu.enqueue_indirect_dma source(%dma_start3A_2677 : memref<1000000x64xf32, #tpu.memory_space<hbm>>) target(%dma_start3A_2674 : memref<16x64xf32, #tpu.memory_space<vmem>>) offsets(%get3A_2669 : vector<16xi32>) semaphore(%arg11 : memref<!tpu.dma_semaphore, #tpu.memory_space<semaphore_mem>>)
    %get3A_2678 = arith.constant 20 : i32
    %get3A_2679 = arith.index_cast %get3A_2678 : i32 to index
    %get3A_2680 = arith.constant 96 : index
    %get3A_2681 = tpu.vector_load %arg5[%get3A_2679, %get3A_2680] {strides = array<i32>} : memref<26x128xi32, #tpu.memory_space<vmem>>, vector<1x16xi32>,
    %get3A_2682 = vector.shape_cast %get3A_2681 : vector<1x16xi32> to vector<16xi32>
    %dma_start3A_2683 = arith.constant 4 : i32
    %dma_start3A_2684 = arith.constant 96 : i32
    %dma_start3A_2685 = arith.constant 0 : i32
    %dma_start3A_2686 = tpu.memref_slice %arg6[%dma_start3A_2683, %dma_start3A_2684, %dma_start3A_2685] : memref<8x128x64xf32, #tpu.memory_space<vmem>> -> memref<1x16x64xf32, #tpu.memory_space<vmem>>
    %dma_start3A_2687 = tpu.memref_squeeze %dma_start3A_2686 : memref<1x16x64xf32, #tpu.memory_space<vmem>> -> memref<16x64xf32, #tpu.memory_space<vmem>>
    %dma_start3A_2688 = arith.constant 0 : i32
    %dma_start3A_2689 = arith.constant 0 : i32
    %dma_start3A_2690 = tpu.memref_slice %arg3[%dma_start3A_2688, %dma_start3A_2689] : memref<1000000x64xf32, #tpu.memory_space<hbm>> -> memref<1000000x64xf32, #tpu.memory_space<hbm>>
    tpu.enqueue_indirect_dma source(%dma_start3A_2690 : memref<1000000x64xf32, #tpu.memory_space<hbm>>) target(%dma_start3A_2687 : memref<16x64xf32, #tpu.memory_space<vmem>>) offsets(%get3A_2682 : vector<16xi32>) semaphore(%arg11 : memref<!tpu.dma_semaphore, #tpu.memory_space<semaphore_mem>>)
    %get3A_2691 = arith.constant 20 : i32
    %get3A_2692 = arith.index_cast %get3A_2691 : i32 to index
    %get3A_2693 = arith.constant 112 : index
    %get3A_2694 = tpu.vector_load %arg5[%get3A_2692, %get3A_2693] {strides = array<i32>} : memref<26x128xi32, #tpu.memory_space<vmem>>, vector<1x16xi32>,
    %get3A_2695 = vector.shape_cast %get3A_2694 : vector<1x16xi32> to vector<16xi32>
    %dma_start3A_2696 = arith.constant 4 : i32
    %dma_start3A_2697 = arith.constant 112 : i32
    %dma_start3A_2698 = arith.constant 0 : i32
    %dma_start3A_2699 = tpu.memref_slice %arg6[%dma_start3A_2696, %dma_start3A_2697, %dma_start3A_2698] : memref<8x128x64xf32, #tpu.memory_space<vmem>> -> memref<1x16x64xf32, #tpu.memory_space<vmem>>
    %dma_start3A_2700 = tpu.memref_squeeze %dma_start3A_2699 : memref<1x16x64xf32, #tpu.memory_space<vmem>> -> memref<16x64xf32, #tpu.memory_space<vmem>>
    %dma_start3A_2701 = arith.constant 0 : i32
    %dma_start3A_2702 = arith.constant 0 : i32
    %dma_start3A_2703 = tpu.memref_slice %arg3[%dma_start3A_2701, %dma_start3A_2702] : memref<1000000x64xf32, #tpu.memory_space<hbm>> -> memref<1000000x64xf32, #tpu.memory_space<hbm>>
    tpu.enqueue_indirect_dma source(%dma_start3A_2703 : memref<1000000x64xf32, #tpu.memory_space<hbm>>) target(%dma_start3A_2700 : memref<16x64xf32, #tpu.memory_space<vmem>>) offsets(%get3A_2695 : vector<16xi32>) semaphore(%arg11 : memref<!tpu.dma_semaphore, #tpu.memory_space<semaphore_mem>>)
    %dma_wait3A_2704 = arith.constant 13 : i32
    %dma_wait3A_2705 = arith.constant 5 : i32
    %dma_wait3A_2706 = arith.constant 0 : i32
    %dma_wait3A_2707 = arith.constant 0 : i32
    %dma_wait3A_2708 = tpu.memref_slice %arg6[%dma_wait3A_2705, %dma_wait3A_2706, %dma_wait3A_2707] : memref<8x128x64xf32, #tpu.memory_space<vmem>> -> memref<1x128x64xf32, #tpu.memory_space<vmem>>
    %dma_wait3A_2709 = tpu.memref_squeeze %dma_wait3A_2708 : memref<1x128x64xf32, #tpu.memory_space<vmem>> -> memref<128x64xf32, #tpu.memory_space<vmem>>
    %dma_wait3A_2710 = arith.constant 0 : i32
    %dma_wait3A_2711 = tpu.memref_slice %arg5[%dma_wait3A_2704, %dma_wait3A_2710] : memref<26x128xi32, #tpu.memory_space<vmem>> -> memref<1x128xi32, #tpu.memory_space<vmem>>
    %dma_wait3A_2712 = tpu.memref_squeeze %dma_wait3A_2711 : memref<1x128xi32, #tpu.memory_space<vmem>> -> memref<128xi32, #tpu.memory_space<vmem>>
    %dma_wait3A_2713 = arith.constant 0 : i32
    %dma_wait3A_2714 = arith.constant 0 : i32
    %dma_wait3A_2715 = tpu.memref_slice %arg3[%dma_wait3A_2713, %dma_wait3A_2714] : memref<1000000x64xf32, #tpu.memory_space<hbm>> -> memref<1000000x64xf32, #tpu.memory_space<hbm>>
    tpu.wait_indirect_dma semaphore(%arg12 : memref<!tpu.dma_semaphore, #tpu.memory_space<semaphore_mem>>) src(%dma_wait3A_2715 : memref<1000000x64xf32, #tpu.memory_space<hbm>>) dst(%dma_wait3A_2709 : memref<128x64xf32, #tpu.memory_space<vmem>>)
    %add3A_2716 = arith.constant 1664 : i32
    %add3A_2717 = arith.addi %mul3A_2, %add3A_2716 : i32
    %dma_start3A_2718 = arith.constant 5 : i32
    %dma_start3A_2719 = arith.constant 0 : i32
    %dma_start3A_2720 = arith.constant 0 : i32
    %dma_start3A_2721 = tpu.memref_slice %arg6[%dma_start3A_2718, %dma_start3A_2719, %dma_start3A_2720] : memref<8x128x64xf32, #tpu.memory_space<vmem>> -> memref<1x128x64xf32, #tpu.memory_space<vmem>>
    %dma_start3A_2722 = tpu.memref_squeeze %dma_start3A_2721 : memref<1x128x64xf32, #tpu.memory_space<vmem>> -> memref<128x64xf32, #tpu.memory_space<vmem>>
    %dma_start3A_2723 = arith.constant 0 : i32
    %dma_start3A_2724 = tpu.memref_slice %arg4[%add3A_2717, %dma_start3A_2723] : memref<106496x64xf32, #tpu.memory_space<hbm>> -> memref<128x64xf32, #tpu.memory_space<hbm>>
    %dma_start3A_2725 = arith.constant 0 : i32
    %dma_start3A_2726 = tpu.memref_slice %arg4[%add3A_2717, %dma_start3A_2725] : memref<106496x64xf32, #tpu.memory_space<hbm>> -> memref<128x64xf32, #tpu.memory_space<hbm>>
    %dma_start3A_2727 = arith.constant 0 : i32
    %dma_start3A_2728 = arith.constant 0 : i32
    %dma_start3A_2729 = tpu.memref_slice %arg6[%dma_start3A_2718, %dma_start3A_2727, %dma_start3A_2728] : memref<8x128x64xf32, #tpu.memory_space<vmem>> -> memref<1x128x64xf32, #tpu.memory_space<vmem>>
    %dma_start3A_2730 = tpu.memref_squeeze %dma_start3A_2729 : memref<1x128x64xf32, #tpu.memory_space<vmem>> -> memref<128x64xf32, #tpu.memory_space<vmem>>
    tpu.enqueue_dma source(%dma_start3A_2730 : memref<128x64xf32, #tpu.memory_space<vmem>>) target(%dma_start3A_2726 : memref<128x64xf32, #tpu.memory_space<hbm>>) target_semaphore(%arg20 : memref<!tpu.dma_semaphore, #tpu.memory_space<semaphore_mem>>)
    %dma_wait3A_2731 = arith.constant 5 : i32
    %dma_wait3A_2732 = arith.constant 0 : i32
    %dma_wait3A_2733 = arith.constant 0 : i32
    %dma_wait3A_2734 = tpu.memref_slice %arg6[%dma_wait3A_2731, %dma_wait3A_2732, %dma_wait3A_2733] : memref<8x128x64xf32, #tpu.memory_space<vmem>> -> memref<1x128x64xf32, #tpu.memory_space<vmem>>
    %dma_wait3A_2735 = tpu.memref_squeeze %dma_wait3A_2734 : memref<1x128x64xf32, #tpu.memory_space<vmem>> -> memref<128x64xf32, #tpu.memory_space<vmem>>
    %dma_wait3A_2736 = arith.constant 0 : i32
    %dma_wait3A_2737 = tpu.memref_slice %arg4[%add3A_2717, %dma_wait3A_2736] : memref<106496x64xf32, #tpu.memory_space<hbm>> -> memref<128x64xf32, #tpu.memory_space<hbm>>
    %dma_wait3A_2738 = arith.constant 0 : i32
    %dma_wait3A_2739 = tpu.memref_slice %arg4[%add3A_2717, %dma_wait3A_2738] : memref<106496x64xf32, #tpu.memory_space<hbm>> -> memref<128x64xf32, #tpu.memory_space<hbm>>
    %dma_wait3A_2740 = arith.constant 0 : i32
    %dma_wait3A_2741 = arith.constant 0 : i32
    %dma_wait3A_2742 = tpu.memref_slice %arg6[%dma_wait3A_2731, %dma_wait3A_2740, %dma_wait3A_2741] : memref<8x128x64xf32, #tpu.memory_space<vmem>> -> memref<1x128x64xf32, #tpu.memory_space<vmem>>
    %dma_wait3A_2743 = tpu.memref_squeeze %dma_wait3A_2742 : memref<1x128x64xf32, #tpu.memory_space<vmem>> -> memref<128x64xf32, #tpu.memory_space<vmem>>
    tpu.wait_dma2 semaphore(%arg20 : memref<!tpu.dma_semaphore, #tpu.memory_space<semaphore_mem>>) src(%dma_wait3A_2743 : memref<128x64xf32, #tpu.memory_space<vmem>>) dst(%dma_wait3A_2739 : memref<128x64xf32, #tpu.memory_space<hbm>>)
    %get3A_2744 = arith.constant 21 : i32
    %get3A_2745 = arith.index_cast %get3A_2744 : i32 to index
    %get3A_2746 = arith.constant 0 : index
    %get3A_2747 = tpu.vector_load %arg5[%get3A_2745, %get3A_2746] {strides = array<i32>} : memref<26x128xi32, #tpu.memory_space<vmem>>, vector<1x16xi32>,
    %get3A_2748 = vector.shape_cast %get3A_2747 : vector<1x16xi32> to vector<16xi32>
    %dma_start3A_2749 = arith.constant 5 : i32
    %dma_start3A_2750 = arith.constant 0 : i32
    %dma_start3A_2751 = arith.constant 0 : i32
    %dma_start3A_2752 = tpu.memref_slice %arg6[%dma_start3A_2749, %dma_start3A_2750, %dma_start3A_2751] : memref<8x128x64xf32, #tpu.memory_space<vmem>> -> memref<1x16x64xf32, #tpu.memory_space<vmem>>
    %dma_start3A_2753 = tpu.memref_squeeze %dma_start3A_2752 : memref<1x16x64xf32, #tpu.memory_space<vmem>> -> memref<16x64xf32, #tpu.memory_space<vmem>>
    %dma_start3A_2754 = arith.constant 0 : i32
    %dma_start3A_2755 = arith.constant 0 : i32
    %dma_start3A_2756 = tpu.memref_slice %arg3[%dma_start3A_2754, %dma_start3A_2755] : memref<1000000x64xf32, #tpu.memory_space<hbm>> -> memref<1000000x64xf32, #tpu.memory_space<hbm>>
    tpu.enqueue_indirect_dma source(%dma_start3A_2756 : memref<1000000x64xf32, #tpu.memory_space<hbm>>) target(%dma_start3A_2753 : memref<16x64xf32, #tpu.memory_space<vmem>>) offsets(%get3A_2748 : vector<16xi32>) semaphore(%arg12 : memref<!tpu.dma_semaphore, #tpu.memory_space<semaphore_mem>>)
    %get3A_2757 = arith.constant 21 : i32
    %get3A_2758 = arith.index_cast %get3A_2757 : i32 to index
    %get3A_2759 = arith.constant 16 : index
    %get3A_2760 = tpu.vector_load %arg5[%get3A_2758, %get3A_2759] {strides = array<i32>} : memref<26x128xi32, #tpu.memory_space<vmem>>, vector<1x16xi32>,
    %get3A_2761 = vector.shape_cast %get3A_2760 : vector<1x16xi32> to vector<16xi32>
    %dma_start3A_2762 = arith.constant 5 : i32
    %dma_start3A_2763 = arith.constant 16 : i32
    %dma_start3A_2764 = arith.constant 0 : i32
    %dma_start3A_2765 = tpu.memref_slice %arg6[%dma_start3A_2762, %dma_start3A_2763, %dma_start3A_2764] : memref<8x128x64xf32, #tpu.memory_space<vmem>> -> memref<1x16x64xf32, #tpu.memory_space<vmem>>
    %dma_start3A_2766 = tpu.memref_squeeze %dma_start3A_2765 : memref<1x16x64xf32, #tpu.memory_space<vmem>> -> memref<16x64xf32, #tpu.memory_space<vmem>>
    %dma_start3A_2767 = arith.constant 0 : i32
    %dma_start3A_2768 = arith.constant 0 : i32
    %dma_start3A_2769 = tpu.memref_slice %arg3[%dma_start3A_2767, %dma_start3A_2768] : memref<1000000x64xf32, #tpu.memory_space<hbm>> -> memref<1000000x64xf32, #tpu.memory_space<hbm>>
    tpu.enqueue_indirect_dma source(%dma_start3A_2769 : memref<1000000x64xf32, #tpu.memory_space<hbm>>) target(%dma_start3A_2766 : memref<16x64xf32, #tpu.memory_space<vmem>>) offsets(%get3A_2761 : vector<16xi32>) semaphore(%arg12 : memref<!tpu.dma_semaphore, #tpu.memory_space<semaphore_mem>>)
    %get3A_2770 = arith.constant 21 : i32
    %get3A_2771 = arith.index_cast %get3A_2770 : i32 to index
    %get3A_2772 = arith.constant 32 : index
    %get3A_2773 = tpu.vector_load %arg5[%get3A_2771, %get3A_2772] {strides = array<i32>} : memref<26x128xi32, #tpu.memory_space<vmem>>, vector<1x16xi32>,
    %get3A_2774 = vector.shape_cast %get3A_2773 : vector<1x16xi32> to vector<16xi32>
    %dma_start3A_2775 = arith.constant 5 : i32
    %dma_start3A_2776 = arith.constant 32 : i32
    %dma_start3A_2777 = arith.constant 0 : i32
    %dma_start3A_2778 = tpu.memref_slice %arg6[%dma_start3A_2775, %dma_start3A_2776, %dma_start3A_2777] : memref<8x128x64xf32, #tpu.memory_space<vmem>> -> memref<1x16x64xf32, #tpu.memory_space<vmem>>
    %dma_start3A_2779 = tpu.memref_squeeze %dma_start3A_2778 : memref<1x16x64xf32, #tpu.memory_space<vmem>> -> memref<16x64xf32, #tpu.memory_space<vmem>>
    %dma_start3A_2780 = arith.constant 0 : i32
    %dma_start3A_2781 = arith.constant 0 : i32
    %dma_start3A_2782 = tpu.memref_slice %arg3[%dma_start3A_2780, %dma_start3A_2781] : memref<1000000x64xf32, #tpu.memory_space<hbm>> -> memref<1000000x64xf32, #tpu.memory_space<hbm>>
    tpu.enqueue_indirect_dma source(%dma_start3A_2782 : memref<1000000x64xf32, #tpu.memory_space<hbm>>) target(%dma_start3A_2779 : memref<16x64xf32, #tpu.memory_space<vmem>>) offsets(%get3A_2774 : vector<16xi32>) semaphore(%arg12 : memref<!tpu.dma_semaphore, #tpu.memory_space<semaphore_mem>>)
    %get3A_2783 = arith.constant 21 : i32
    %get3A_2784 = arith.index_cast %get3A_2783 : i32 to index
    %get3A_2785 = arith.constant 48 : index
    %get3A_2786 = tpu.vector_load %arg5[%get3A_2784, %get3A_2785] {strides = array<i32>} : memref<26x128xi32, #tpu.memory_space<vmem>>, vector<1x16xi32>,
    %get3A_2787 = vector.shape_cast %get3A_2786 : vector<1x16xi32> to vector<16xi32>
    %dma_start3A_2788 = arith.constant 5 : i32
    %dma_start3A_2789 = arith.constant 48 : i32
    %dma_start3A_2790 = arith.constant 0 : i32
    %dma_start3A_2791 = tpu.memref_slice %arg6[%dma_start3A_2788, %dma_start3A_2789, %dma_start3A_2790] : memref<8x128x64xf32, #tpu.memory_space<vmem>> -> memref<1x16x64xf32, #tpu.memory_space<vmem>>
    %dma_start3A_2792 = tpu.memref_squeeze %dma_start3A_2791 : memref<1x16x64xf32, #tpu.memory_space<vmem>> -> memref<16x64xf32, #tpu.memory_space<vmem>>
    %dma_start3A_2793 = arith.constant 0 : i32
    %dma_start3A_2794 = arith.constant 0 : i32
    %dma_start3A_2795 = tpu.memref_slice %arg3[%dma_start3A_2793, %dma_start3A_2794] : memref<1000000x64xf32, #tpu.memory_space<hbm>> -> memref<1000000x64xf32, #tpu.memory_space<hbm>>
    tpu.enqueue_indirect_dma source(%dma_start3A_2795 : memref<1000000x64xf32, #tpu.memory_space<hbm>>) target(%dma_start3A_2792 : memref<16x64xf32, #tpu.memory_space<vmem>>) offsets(%get3A_2787 : vector<16xi32>) semaphore(%arg12 : memref<!tpu.dma_semaphore, #tpu.memory_space<semaphore_mem>>)
    %get3A_2796 = arith.constant 21 : i32
    %get3A_2797 = arith.index_cast %get3A_2796 : i32 to index
    %get3A_2798 = arith.constant 64 : index
    %get3A_2799 = tpu.vector_load %arg5[%get3A_2797, %get3A_2798] {strides = array<i32>} : memref<26x128xi32, #tpu.memory_space<vmem>>, vector<1x16xi32>,
    %get3A_2800 = vector.shape_cast %get3A_2799 : vector<1x16xi32> to vector<16xi32>
    %dma_start3A_2801 = arith.constant 5 : i32
    %dma_start3A_2802 = arith.constant 64 : i32
    %dma_start3A_2803 = arith.constant 0 : i32
    %dma_start3A_2804 = tpu.memref_slice %arg6[%dma_start3A_2801, %dma_start3A_2802, %dma_start3A_2803] : memref<8x128x64xf32, #tpu.memory_space<vmem>> -> memref<1x16x64xf32, #tpu.memory_space<vmem>>
    %dma_start3A_2805 = tpu.memref_squeeze %dma_start3A_2804 : memref<1x16x64xf32, #tpu.memory_space<vmem>> -> memref<16x64xf32, #tpu.memory_space<vmem>>
    %dma_start3A_2806 = arith.constant 0 : i32
    %dma_start3A_2807 = arith.constant 0 : i32
    %dma_start3A_2808 = tpu.memref_slice %arg3[%dma_start3A_2806, %dma_start3A_2807] : memref<1000000x64xf32, #tpu.memory_space<hbm>> -> memref<1000000x64xf32, #tpu.memory_space<hbm>>
    tpu.enqueue_indirect_dma source(%dma_start3A_2808 : memref<1000000x64xf32, #tpu.memory_space<hbm>>) target(%dma_start3A_2805 : memref<16x64xf32, #tpu.memory_space<vmem>>) offsets(%get3A_2800 : vector<16xi32>) semaphore(%arg12 : memref<!tpu.dma_semaphore, #tpu.memory_space<semaphore_mem>>)
    %get3A_2809 = arith.constant 21 : i32
    %get3A_2810 = arith.index_cast %get3A_2809 : i32 to index
    %get3A_2811 = arith.constant 80 : index
    %get3A_2812 = tpu.vector_load %arg5[%get3A_2810, %get3A_2811] {strides = array<i32>} : memref<26x128xi32, #tpu.memory_space<vmem>>, vector<1x16xi32>,
    %get3A_2813 = vector.shape_cast %get3A_2812 : vector<1x16xi32> to vector<16xi32>
    %dma_start3A_2814 = arith.constant 5 : i32
    %dma_start3A_2815 = arith.constant 80 : i32
    %dma_start3A_2816 = arith.constant 0 : i32
    %dma_start3A_2817 = tpu.memref_slice %arg6[%dma_start3A_2814, %dma_start3A_2815, %dma_start3A_2816] : memref<8x128x64xf32, #tpu.memory_space<vmem>> -> memref<1x16x64xf32, #tpu.memory_space<vmem>>
    %dma_start3A_2818 = tpu.memref_squeeze %dma_start3A_2817 : memref<1x16x64xf32, #tpu.memory_space<vmem>> -> memref<16x64xf32, #tpu.memory_space<vmem>>
    %dma_start3A_2819 = arith.constant 0 : i32
    %dma_start3A_2820 = arith.constant 0 : i32
    %dma_start3A_2821 = tpu.memref_slice %arg3[%dma_start3A_2819, %dma_start3A_2820] : memref<1000000x64xf32, #tpu.memory_space<hbm>> -> memref<1000000x64xf32, #tpu.memory_space<hbm>>
    tpu.enqueue_indirect_dma source(%dma_start3A_2821 : memref<1000000x64xf32, #tpu.memory_space<hbm>>) target(%dma_start3A_2818 : memref<16x64xf32, #tpu.memory_space<vmem>>) offsets(%get3A_2813 : vector<16xi32>) semaphore(%arg12 : memref<!tpu.dma_semaphore, #tpu.memory_space<semaphore_mem>>)
    %get3A_2822 = arith.constant 21 : i32
    %get3A_2823 = arith.index_cast %get3A_2822 : i32 to index
    %get3A_2824 = arith.constant 96 : index
    %get3A_2825 = tpu.vector_load %arg5[%get3A_2823, %get3A_2824] {strides = array<i32>} : memref<26x128xi32, #tpu.memory_space<vmem>>, vector<1x16xi32>,
    %get3A_2826 = vector.shape_cast %get3A_2825 : vector<1x16xi32> to vector<16xi32>
    %dma_start3A_2827 = arith.constant 5 : i32
    %dma_start3A_2828 = arith.constant 96 : i32
    %dma_start3A_2829 = arith.constant 0 : i32
    %dma_start3A_2830 = tpu.memref_slice %arg6[%dma_start3A_2827, %dma_start3A_2828, %dma_start3A_2829] : memref<8x128x64xf32, #tpu.memory_space<vmem>> -> memref<1x16x64xf32, #tpu.memory_space<vmem>>
    %dma_start3A_2831 = tpu.memref_squeeze %dma_start3A_2830 : memref<1x16x64xf32, #tpu.memory_space<vmem>> -> memref<16x64xf32, #tpu.memory_space<vmem>>
    %dma_start3A_2832 = arith.constant 0 : i32
    %dma_start3A_2833 = arith.constant 0 : i32
    %dma_start3A_2834 = tpu.memref_slice %arg3[%dma_start3A_2832, %dma_start3A_2833] : memref<1000000x64xf32, #tpu.memory_space<hbm>> -> memref<1000000x64xf32, #tpu.memory_space<hbm>>
    tpu.enqueue_indirect_dma source(%dma_start3A_2834 : memref<1000000x64xf32, #tpu.memory_space<hbm>>) target(%dma_start3A_2831 : memref<16x64xf32, #tpu.memory_space<vmem>>) offsets(%get3A_2826 : vector<16xi32>) semaphore(%arg12 : memref<!tpu.dma_semaphore, #tpu.memory_space<semaphore_mem>>)
    %get3A_2835 = arith.constant 21 : i32
    %get3A_2836 = arith.index_cast %get3A_2835 : i32 to index
    %get3A_2837 = arith.constant 112 : index
    %get3A_2838 = tpu.vector_load %arg5[%get3A_2836, %get3A_2837] {strides = array<i32>} : memref<26x128xi32, #tpu.memory_space<vmem>>, vector<1x16xi32>,
    %get3A_2839 = vector.shape_cast %get3A_2838 : vector<1x16xi32> to vector<16xi32>
    %dma_start3A_2840 = arith.constant 5 : i32
    %dma_start3A_2841 = arith.constant 112 : i32
    %dma_start3A_2842 = arith.constant 0 : i32
    %dma_start3A_2843 = tpu.memref_slice %arg6[%dma_start3A_2840, %dma_start3A_2841, %dma_start3A_2842] : memref<8x128x64xf32, #tpu.memory_space<vmem>> -> memref<1x16x64xf32, #tpu.memory_space<vmem>>
    %dma_start3A_2844 = tpu.memref_squeeze %dma_start3A_2843 : memref<1x16x64xf32, #tpu.memory_space<vmem>> -> memref<16x64xf32, #tpu.memory_space<vmem>>
    %dma_start3A_2845 = arith.constant 0 : i32
    %dma_start3A_2846 = arith.constant 0 : i32
    %dma_start3A_2847 = tpu.memref_slice %arg3[%dma_start3A_2845, %dma_start3A_2846] : memref<1000000x64xf32, #tpu.memory_space<hbm>> -> memref<1000000x64xf32, #tpu.memory_space<hbm>>
    tpu.enqueue_indirect_dma source(%dma_start3A_2847 : memref<1000000x64xf32, #tpu.memory_space<hbm>>) target(%dma_start3A_2844 : memref<16x64xf32, #tpu.memory_space<vmem>>) offsets(%get3A_2839 : vector<16xi32>) semaphore(%arg12 : memref<!tpu.dma_semaphore, #tpu.memory_space<semaphore_mem>>)
    %dma_wait3A_2848 = arith.constant 14 : i32
    %dma_wait3A_2849 = arith.constant 6 : i32
    %dma_wait3A_2850 = arith.constant 0 : i32
    %dma_wait3A_2851 = arith.constant 0 : i32
    %dma_wait3A_2852 = tpu.memref_slice %arg6[%dma_wait3A_2849, %dma_wait3A_2850, %dma_wait3A_2851] : memref<8x128x64xf32, #tpu.memory_space<vmem>> -> memref<1x128x64xf32, #tpu.memory_space<vmem>>
    %dma_wait3A_2853 = tpu.memref_squeeze %dma_wait3A_2852 : memref<1x128x64xf32, #tpu.memory_space<vmem>> -> memref<128x64xf32, #tpu.memory_space<vmem>>
    %dma_wait3A_2854 = arith.constant 0 : i32
    %dma_wait3A_2855 = tpu.memref_slice %arg5[%dma_wait3A_2848, %dma_wait3A_2854] : memref<26x128xi32, #tpu.memory_space<vmem>> -> memref<1x128xi32, #tpu.memory_space<vmem>>
    %dma_wait3A_2856 = tpu.memref_squeeze %dma_wait3A_2855 : memref<1x128xi32, #tpu.memory_space<vmem>> -> memref<128xi32, #tpu.memory_space<vmem>>
    %dma_wait3A_2857 = arith.constant 0 : i32
    %dma_wait3A_2858 = arith.constant 0 : i32
    %dma_wait3A_2859 = tpu.memref_slice %arg3[%dma_wait3A_2857, %dma_wait3A_2858] : memref<1000000x64xf32, #tpu.memory_space<hbm>> -> memref<1000000x64xf32, #tpu.memory_space<hbm>>
    tpu.wait_indirect_dma semaphore(%arg13 : memref<!tpu.dma_semaphore, #tpu.memory_space<semaphore_mem>>) src(%dma_wait3A_2859 : memref<1000000x64xf32, #tpu.memory_space<hbm>>) dst(%dma_wait3A_2853 : memref<128x64xf32, #tpu.memory_space<vmem>>)
    %add3A_2860 = arith.constant 1792 : i32
    %add3A_2861 = arith.addi %mul3A_2, %add3A_2860 : i32
    %dma_start3A_2862 = arith.constant 6 : i32
    %dma_start3A_2863 = arith.constant 0 : i32
    %dma_start3A_2864 = arith.constant 0 : i32
    %dma_start3A_2865 = tpu.memref_slice %arg6[%dma_start3A_2862, %dma_start3A_2863, %dma_start3A_2864] : memref<8x128x64xf32, #tpu.memory_space<vmem>> -> memref<1x128x64xf32, #tpu.memory_space<vmem>>
    %dma_start3A_2866 = tpu.memref_squeeze %dma_start3A_2865 : memref<1x128x64xf32, #tpu.memory_space<vmem>> -> memref<128x64xf32, #tpu.memory_space<vmem>>
    %dma_start3A_2867 = arith.constant 0 : i32
    %dma_start3A_2868 = tpu.memref_slice %arg4[%add3A_2861, %dma_start3A_2867] : memref<106496x64xf32, #tpu.memory_space<hbm>> -> memref<128x64xf32, #tpu.memory_space<hbm>>
    %dma_start3A_2869 = arith.constant 0 : i32
    %dma_start3A_2870 = tpu.memref_slice %arg4[%add3A_2861, %dma_start3A_2869] : memref<106496x64xf32, #tpu.memory_space<hbm>> -> memref<128x64xf32, #tpu.memory_space<hbm>>
    %dma_start3A_2871 = arith.constant 0 : i32
    %dma_start3A_2872 = arith.constant 0 : i32
    %dma_start3A_2873 = tpu.memref_slice %arg6[%dma_start3A_2862, %dma_start3A_2871, %dma_start3A_2872] : memref<8x128x64xf32, #tpu.memory_space<vmem>> -> memref<1x128x64xf32, #tpu.memory_space<vmem>>
    %dma_start3A_2874 = tpu.memref_squeeze %dma_start3A_2873 : memref<1x128x64xf32, #tpu.memory_space<vmem>> -> memref<128x64xf32, #tpu.memory_space<vmem>>
    tpu.enqueue_dma source(%dma_start3A_2874 : memref<128x64xf32, #tpu.memory_space<vmem>>) target(%dma_start3A_2870 : memref<128x64xf32, #tpu.memory_space<hbm>>) target_semaphore(%arg21 : memref<!tpu.dma_semaphore, #tpu.memory_space<semaphore_mem>>)
    %dma_wait3A_2875 = arith.constant 6 : i32
    %dma_wait3A_2876 = arith.constant 0 : i32
    %dma_wait3A_2877 = arith.constant 0 : i32
    %dma_wait3A_2878 = tpu.memref_slice %arg6[%dma_wait3A_2875, %dma_wait3A_2876, %dma_wait3A_2877] : memref<8x128x64xf32, #tpu.memory_space<vmem>> -> memref<1x128x64xf32, #tpu.memory_space<vmem>>
    %dma_wait3A_2879 = tpu.memref_squeeze %dma_wait3A_2878 : memref<1x128x64xf32, #tpu.memory_space<vmem>> -> memref<128x64xf32, #tpu.memory_space<vmem>>
    %dma_wait3A_2880 = arith.constant 0 : i32
    %dma_wait3A_2881 = tpu.memref_slice %arg4[%add3A_2861, %dma_wait3A_2880] : memref<106496x64xf32, #tpu.memory_space<hbm>> -> memref<128x64xf32, #tpu.memory_space<hbm>>
    %dma_wait3A_2882 = arith.constant 0 : i32
    %dma_wait3A_2883 = tpu.memref_slice %arg4[%add3A_2861, %dma_wait3A_2882] : memref<106496x64xf32, #tpu.memory_space<hbm>> -> memref<128x64xf32, #tpu.memory_space<hbm>>
    %dma_wait3A_2884 = arith.constant 0 : i32
    %dma_wait3A_2885 = arith.constant 0 : i32
    %dma_wait3A_2886 = tpu.memref_slice %arg6[%dma_wait3A_2875, %dma_wait3A_2884, %dma_wait3A_2885] : memref<8x128x64xf32, #tpu.memory_space<vmem>> -> memref<1x128x64xf32, #tpu.memory_space<vmem>>
    %dma_wait3A_2887 = tpu.memref_squeeze %dma_wait3A_2886 : memref<1x128x64xf32, #tpu.memory_space<vmem>> -> memref<128x64xf32, #tpu.memory_space<vmem>>
    tpu.wait_dma2 semaphore(%arg21 : memref<!tpu.dma_semaphore, #tpu.memory_space<semaphore_mem>>) src(%dma_wait3A_2887 : memref<128x64xf32, #tpu.memory_space<vmem>>) dst(%dma_wait3A_2883 : memref<128x64xf32, #tpu.memory_space<hbm>>)
    %get3A_2888 = arith.constant 22 : i32
    %get3A_2889 = arith.index_cast %get3A_2888 : i32 to index
    %get3A_2890 = arith.constant 0 : index
    %get3A_2891 = tpu.vector_load %arg5[%get3A_2889, %get3A_2890] {strides = array<i32>} : memref<26x128xi32, #tpu.memory_space<vmem>>, vector<1x16xi32>,
    %get3A_2892 = vector.shape_cast %get3A_2891 : vector<1x16xi32> to vector<16xi32>
    %dma_start3A_2893 = arith.constant 6 : i32
    %dma_start3A_2894 = arith.constant 0 : i32
    %dma_start3A_2895 = arith.constant 0 : i32
    %dma_start3A_2896 = tpu.memref_slice %arg6[%dma_start3A_2893, %dma_start3A_2894, %dma_start3A_2895] : memref<8x128x64xf32, #tpu.memory_space<vmem>> -> memref<1x16x64xf32, #tpu.memory_space<vmem>>
    %dma_start3A_2897 = tpu.memref_squeeze %dma_start3A_2896 : memref<1x16x64xf32, #tpu.memory_space<vmem>> -> memref<16x64xf32, #tpu.memory_space<vmem>>
    %dma_start3A_2898 = arith.constant 0 : i32
    %dma_start3A_2899 = arith.constant 0 : i32
    %dma_start3A_2900 = tpu.memref_slice %arg3[%dma_start3A_2898, %dma_start3A_2899] : memref<1000000x64xf32, #tpu.memory_space<hbm>> -> memref<1000000x64xf32, #tpu.memory_space<hbm>>
    tpu.enqueue_indirect_dma source(%dma_start3A_2900 : memref<1000000x64xf32, #tpu.memory_space<hbm>>) target(%dma_start3A_2897 : memref<16x64xf32, #tpu.memory_space<vmem>>) offsets(%get3A_2892 : vector<16xi32>) semaphore(%arg13 : memref<!tpu.dma_semaphore, #tpu.memory_space<semaphore_mem>>)
    %get3A_2901 = arith.constant 22 : i32
    %get3A_2902 = arith.index_cast %get3A_2901 : i32 to index
    %get3A_2903 = arith.constant 16 : index
    %get3A_2904 = tpu.vector_load %arg5[%get3A_2902, %get3A_2903] {strides = array<i32>} : memref<26x128xi32, #tpu.memory_space<vmem>>, vector<1x16xi32>,
    %get3A_2905 = vector.shape_cast %get3A_2904 : vector<1x16xi32> to vector<16xi32>
    %dma_start3A_2906 = arith.constant 6 : i32
    %dma_start3A_2907 = arith.constant 16 : i32
    %dma_start3A_2908 = arith.constant 0 : i32
    %dma_start3A_2909 = tpu.memref_slice %arg6[%dma_start3A_2906, %dma_start3A_2907, %dma_start3A_2908] : memref<8x128x64xf32, #tpu.memory_space<vmem>> -> memref<1x16x64xf32, #tpu.memory_space<vmem>>
    %dma_start3A_2910 = tpu.memref_squeeze %dma_start3A_2909 : memref<1x16x64xf32, #tpu.memory_space<vmem>> -> memref<16x64xf32, #tpu.memory_space<vmem>>
    %dma_start3A_2911 = arith.constant 0 : i32
    %dma_start3A_2912 = arith.constant 0 : i32
    %dma_start3A_2913 = tpu.memref_slice %arg3[%dma_start3A_2911, %dma_start3A_2912] : memref<1000000x64xf32, #tpu.memory_space<hbm>> -> memref<1000000x64xf32, #tpu.memory_space<hbm>>
    tpu.enqueue_indirect_dma source(%dma_start3A_2913 : memref<1000000x64xf32, #tpu.memory_space<hbm>>) target(%dma_start3A_2910 : memref<16x64xf32, #tpu.memory_space<vmem>>) offsets(%get3A_2905 : vector<16xi32>) semaphore(%arg13 : memref<!tpu.dma_semaphore, #tpu.memory_space<semaphore_mem>>)
    %get3A_2914 = arith.constant 22 : i32
    %get3A_2915 = arith.index_cast %get3A_2914 : i32 to index
    %get3A_2916 = arith.constant 32 : index
    %get3A_2917 = tpu.vector_load %arg5[%get3A_2915, %get3A_2916] {strides = array<i32>} : memref<26x128xi32, #tpu.memory_space<vmem>>, vector<1x16xi32>,
    %get3A_2918 = vector.shape_cast %get3A_2917 : vector<1x16xi32> to vector<16xi32>
    %dma_start3A_2919 = arith.constant 6 : i32
    %dma_start3A_2920 = arith.constant 32 : i32
    %dma_start3A_2921 = arith.constant 0 : i32
    %dma_start3A_2922 = tpu.memref_slice %arg6[%dma_start3A_2919, %dma_start3A_2920, %dma_start3A_2921] : memref<8x128x64xf32, #tpu.memory_space<vmem>> -> memref<1x16x64xf32, #tpu.memory_space<vmem>>
    %dma_start3A_2923 = tpu.memref_squeeze %dma_start3A_2922 : memref<1x16x64xf32, #tpu.memory_space<vmem>> -> memref<16x64xf32, #tpu.memory_space<vmem>>
    %dma_start3A_2924 = arith.constant 0 : i32
    %dma_start3A_2925 = arith.constant 0 : i32
    %dma_start3A_2926 = tpu.memref_slice %arg3[%dma_start3A_2924, %dma_start3A_2925] : memref<1000000x64xf32, #tpu.memory_space<hbm>> -> memref<1000000x64xf32, #tpu.memory_space<hbm>>
    tpu.enqueue_indirect_dma source(%dma_start3A_2926 : memref<1000000x64xf32, #tpu.memory_space<hbm>>) target(%dma_start3A_2923 : memref<16x64xf32, #tpu.memory_space<vmem>>) offsets(%get3A_2918 : vector<16xi32>) semaphore(%arg13 : memref<!tpu.dma_semaphore, #tpu.memory_space<semaphore_mem>>)
    %get3A_2927 = arith.constant 22 : i32
    %get3A_2928 = arith.index_cast %get3A_2927 : i32 to index
    %get3A_2929 = arith.constant 48 : index
    %get3A_2930 = tpu.vector_load %arg5[%get3A_2928, %get3A_2929] {strides = array<i32>} : memref<26x128xi32, #tpu.memory_space<vmem>>, vector<1x16xi32>,
    %get3A_2931 = vector.shape_cast %get3A_2930 : vector<1x16xi32> to vector<16xi32>
    %dma_start3A_2932 = arith.constant 6 : i32
    %dma_start3A_2933 = arith.constant 48 : i32
    %dma_start3A_2934 = arith.constant 0 : i32
    %dma_start3A_2935 = tpu.memref_slice %arg6[%dma_start3A_2932, %dma_start3A_2933, %dma_start3A_2934] : memref<8x128x64xf32, #tpu.memory_space<vmem>> -> memref<1x16x64xf32, #tpu.memory_space<vmem>>
    %dma_start3A_2936 = tpu.memref_squeeze %dma_start3A_2935 : memref<1x16x64xf32, #tpu.memory_space<vmem>> -> memref<16x64xf32, #tpu.memory_space<vmem>>
    %dma_start3A_2937 = arith.constant 0 : i32
    %dma_start3A_2938 = arith.constant 0 : i32
    %dma_start3A_2939 = tpu.memref_slice %arg3[%dma_start3A_2937, %dma_start3A_2938] : memref<1000000x64xf32, #tpu.memory_space<hbm>> -> memref<1000000x64xf32, #tpu.memory_space<hbm>>
    tpu.enqueue_indirect_dma source(%dma_start3A_2939 : memref<1000000x64xf32, #tpu.memory_space<hbm>>) target(%dma_start3A_2936 : memref<16x64xf32, #tpu.memory_space<vmem>>) offsets(%get3A_2931 : vector<16xi32>) semaphore(%arg13 : memref<!tpu.dma_semaphore, #tpu.memory_space<semaphore_mem>>)
    %get3A_2940 = arith.constant 22 : i32
    %get3A_2941 = arith.index_cast %get3A_2940 : i32 to index
    %get3A_2942 = arith.constant 64 : index
    %get3A_2943 = tpu.vector_load %arg5[%get3A_2941, %get3A_2942] {strides = array<i32>} : memref<26x128xi32, #tpu.memory_space<vmem>>, vector<1x16xi32>,
    %get3A_2944 = vector.shape_cast %get3A_2943 : vector<1x16xi32> to vector<16xi32>
    %dma_start3A_2945 = arith.constant 6 : i32
    %dma_start3A_2946 = arith.constant 64 : i32
    %dma_start3A_2947 = arith.constant 0 : i32
    %dma_start3A_2948 = tpu.memref_slice %arg6[%dma_start3A_2945, %dma_start3A_2946, %dma_start3A_2947] : memref<8x128x64xf32, #tpu.memory_space<vmem>> -> memref<1x16x64xf32, #tpu.memory_space<vmem>>
    %dma_start3A_2949 = tpu.memref_squeeze %dma_start3A_2948 : memref<1x16x64xf32, #tpu.memory_space<vmem>> -> memref<16x64xf32, #tpu.memory_space<vmem>>
    %dma_start3A_2950 = arith.constant 0 : i32
    %dma_start3A_2951 = arith.constant 0 : i32
    %dma_start3A_2952 = tpu.memref_slice %arg3[%dma_start3A_2950, %dma_start3A_2951] : memref<1000000x64xf32, #tpu.memory_space<hbm>> -> memref<1000000x64xf32, #tpu.memory_space<hbm>>
    tpu.enqueue_indirect_dma source(%dma_start3A_2952 : memref<1000000x64xf32, #tpu.memory_space<hbm>>) target(%dma_start3A_2949 : memref<16x64xf32, #tpu.memory_space<vmem>>) offsets(%get3A_2944 : vector<16xi32>) semaphore(%arg13 : memref<!tpu.dma_semaphore, #tpu.memory_space<semaphore_mem>>)
    %get3A_2953 = arith.constant 22 : i32
    %get3A_2954 = arith.index_cast %get3A_2953 : i32 to index
    %get3A_2955 = arith.constant 80 : index
    %get3A_2956 = tpu.vector_load %arg5[%get3A_2954, %get3A_2955] {strides = array<i32>} : memref<26x128xi32, #tpu.memory_space<vmem>>, vector<1x16xi32>,
    %get3A_2957 = vector.shape_cast %get3A_2956 : vector<1x16xi32> to vector<16xi32>
    %dma_start3A_2958 = arith.constant 6 : i32
    %dma_start3A_2959 = arith.constant 80 : i32
    %dma_start3A_2960 = arith.constant 0 : i32
    %dma_start3A_2961 = tpu.memref_slice %arg6[%dma_start3A_2958, %dma_start3A_2959, %dma_start3A_2960] : memref<8x128x64xf32, #tpu.memory_space<vmem>> -> memref<1x16x64xf32, #tpu.memory_space<vmem>>
    %dma_start3A_2962 = tpu.memref_squeeze %dma_start3A_2961 : memref<1x16x64xf32, #tpu.memory_space<vmem>> -> memref<16x64xf32, #tpu.memory_space<vmem>>
    %dma_start3A_2963 = arith.constant 0 : i32
    %dma_start3A_2964 = arith.constant 0 : i32
    %dma_start3A_2965 = tpu.memref_slice %arg3[%dma_start3A_2963, %dma_start3A_2964] : memref<1000000x64xf32, #tpu.memory_space<hbm>> -> memref<1000000x64xf32, #tpu.memory_space<hbm>>
    tpu.enqueue_indirect_dma source(%dma_start3A_2965 : memref<1000000x64xf32, #tpu.memory_space<hbm>>) target(%dma_start3A_2962 : memref<16x64xf32, #tpu.memory_space<vmem>>) offsets(%get3A_2957 : vector<16xi32>) semaphore(%arg13 : memref<!tpu.dma_semaphore, #tpu.memory_space<semaphore_mem>>)
    %get3A_2966 = arith.constant 22 : i32
    %get3A_2967 = arith.index_cast %get3A_2966 : i32 to index
    %get3A_2968 = arith.constant 96 : index
    %get3A_2969 = tpu.vector_load %arg5[%get3A_2967, %get3A_2968] {strides = array<i32>} : memref<26x128xi32, #tpu.memory_space<vmem>>, vector<1x16xi32>,
    %get3A_2970 = vector.shape_cast %get3A_2969 : vector<1x16xi32> to vector<16xi32>
    %dma_start3A_2971 = arith.constant 6 : i32
    %dma_start3A_2972 = arith.constant 96 : i32
    %dma_start3A_2973 = arith.constant 0 : i32
    %dma_start3A_2974 = tpu.memref_slice %arg6[%dma_start3A_2971, %dma_start3A_2972, %dma_start3A_2973] : memref<8x128x64xf32, #tpu.memory_space<vmem>> -> memref<1x16x64xf32, #tpu.memory_space<vmem>>
    %dma_start3A_2975 = tpu.memref_squeeze %dma_start3A_2974 : memref<1x16x64xf32, #tpu.memory_space<vmem>> -> memref<16x64xf32, #tpu.memory_space<vmem>>
    %dma_start3A_2976 = arith.constant 0 : i32
    %dma_start3A_2977 = arith.constant 0 : i32
    %dma_start3A_2978 = tpu.memref_slice %arg3[%dma_start3A_2976, %dma_start3A_2977] : memref<1000000x64xf32, #tpu.memory_space<hbm>> -> memref<1000000x64xf32, #tpu.memory_space<hbm>>
    tpu.enqueue_indirect_dma source(%dma_start3A_2978 : memref<1000000x64xf32, #tpu.memory_space<hbm>>) target(%dma_start3A_2975 : memref<16x64xf32, #tpu.memory_space<vmem>>) offsets(%get3A_2970 : vector<16xi32>) semaphore(%arg13 : memref<!tpu.dma_semaphore, #tpu.memory_space<semaphore_mem>>)
    %get3A_2979 = arith.constant 22 : i32
    %get3A_2980 = arith.index_cast %get3A_2979 : i32 to index
    %get3A_2981 = arith.constant 112 : index
    %get3A_2982 = tpu.vector_load %arg5[%get3A_2980, %get3A_2981] {strides = array<i32>} : memref<26x128xi32, #tpu.memory_space<vmem>>, vector<1x16xi32>,
    %get3A_2983 = vector.shape_cast %get3A_2982 : vector<1x16xi32> to vector<16xi32>
    %dma_start3A_2984 = arith.constant 6 : i32
    %dma_start3A_2985 = arith.constant 112 : i32
    %dma_start3A_2986 = arith.constant 0 : i32
    %dma_start3A_2987 = tpu.memref_slice %arg6[%dma_start3A_2984, %dma_start3A_2985, %dma_start3A_2986] : memref<8x128x64xf32, #tpu.memory_space<vmem>> -> memref<1x16x64xf32, #tpu.memory_space<vmem>>
    %dma_start3A_2988 = tpu.memref_squeeze %dma_start3A_2987 : memref<1x16x64xf32, #tpu.memory_space<vmem>> -> memref<16x64xf32, #tpu.memory_space<vmem>>
    %dma_start3A_2989 = arith.constant 0 : i32
    %dma_start3A_2990 = arith.constant 0 : i32
    %dma_start3A_2991 = tpu.memref_slice %arg3[%dma_start3A_2989, %dma_start3A_2990] : memref<1000000x64xf32, #tpu.memory_space<hbm>> -> memref<1000000x64xf32, #tpu.memory_space<hbm>>
    tpu.enqueue_indirect_dma source(%dma_start3A_2991 : memref<1000000x64xf32, #tpu.memory_space<hbm>>) target(%dma_start3A_2988 : memref<16x64xf32, #tpu.memory_space<vmem>>) offsets(%get3A_2983 : vector<16xi32>) semaphore(%arg13 : memref<!tpu.dma_semaphore, #tpu.memory_space<semaphore_mem>>)
    %dma_wait3A_2992 = arith.constant 15 : i32
    %dma_wait3A_2993 = arith.constant 7 : i32
    %dma_wait3A_2994 = arith.constant 0 : i32
    %dma_wait3A_2995 = arith.constant 0 : i32
    %dma_wait3A_2996 = tpu.memref_slice %arg6[%dma_wait3A_2993, %dma_wait3A_2994, %dma_wait3A_2995] : memref<8x128x64xf32, #tpu.memory_space<vmem>> -> memref<1x128x64xf32, #tpu.memory_space<vmem>>
    %dma_wait3A_2997 = tpu.memref_squeeze %dma_wait3A_2996 : memref<1x128x64xf32, #tpu.memory_space<vmem>> -> memref<128x64xf32, #tpu.memory_space<vmem>>
    %dma_wait3A_2998 = arith.constant 0 : i32
    %dma_wait3A_2999 = tpu.memref_slice %arg5[%dma_wait3A_2992, %dma_wait3A_2998] : memref<26x128xi32, #tpu.memory_space<vmem>> -> memref<1x128xi32, #tpu.memory_space<vmem>>
    %dma_wait3A_3000 = tpu.memref_squeeze %dma_wait3A_2999 : memref<1x128xi32, #tpu.memory_space<vmem>> -> memref<128xi32, #tpu.memory_space<vmem>>
    %dma_wait3A_3001 = arith.constant 0 : i32
    %dma_wait3A_3002 = arith.constant 0 : i32
    %dma_wait3A_3003 = tpu.memref_slice %arg3[%dma_wait3A_3001, %dma_wait3A_3002] : memref<1000000x64xf32, #tpu.memory_space<hbm>> -> memref<1000000x64xf32, #tpu.memory_space<hbm>>
    tpu.wait_indirect_dma semaphore(%arg14 : memref<!tpu.dma_semaphore, #tpu.memory_space<semaphore_mem>>) src(%dma_wait3A_3003 : memref<1000000x64xf32, #tpu.memory_space<hbm>>) dst(%dma_wait3A_2997 : memref<128x64xf32, #tpu.memory_space<vmem>>)
    %add3A_3004 = arith.constant 1920 : i32
    %add3A_3005 = arith.addi %mul3A_2, %add3A_3004 : i32
    %dma_start3A_3006 = arith.constant 7 : i32
    %dma_start3A_3007 = arith.constant 0 : i32
    %dma_start3A_3008 = arith.constant 0 : i32
    %dma_start3A_3009 = tpu.memref_slice %arg6[%dma_start3A_3006, %dma_start3A_3007, %dma_start3A_3008] : memref<8x128x64xf32, #tpu.memory_space<vmem>> -> memref<1x128x64xf32, #tpu.memory_space<vmem>>
    %dma_start3A_3010 = tpu.memref_squeeze %dma_start3A_3009 : memref<1x128x64xf32, #tpu.memory_space<vmem>> -> memref<128x64xf32, #tpu.memory_space<vmem>>
    %dma_start3A_3011 = arith.constant 0 : i32
    %dma_start3A_3012 = tpu.memref_slice %arg4[%add3A_3005, %dma_start3A_3011] : memref<106496x64xf32, #tpu.memory_space<hbm>> -> memref<128x64xf32, #tpu.memory_space<hbm>>
    %dma_start3A_3013 = arith.constant 0 : i32
    %dma_start3A_3014 = tpu.memref_slice %arg4[%add3A_3005, %dma_start3A_3013] : memref<106496x64xf32, #tpu.memory_space<hbm>> -> memref<128x64xf32, #tpu.memory_space<hbm>>
    %dma_start3A_3015 = arith.constant 0 : i32
    %dma_start3A_3016 = arith.constant 0 : i32
    %dma_start3A_3017 = tpu.memref_slice %arg6[%dma_start3A_3006, %dma_start3A_3015, %dma_start3A_3016] : memref<8x128x64xf32, #tpu.memory_space<vmem>> -> memref<1x128x64xf32, #tpu.memory_space<vmem>>
    %dma_start3A_3018 = tpu.memref_squeeze %dma_start3A_3017 : memref<1x128x64xf32, #tpu.memory_space<vmem>> -> memref<128x64xf32, #tpu.memory_space<vmem>>
    tpu.enqueue_dma source(%dma_start3A_3018 : memref<128x64xf32, #tpu.memory_space<vmem>>) target(%dma_start3A_3014 : memref<128x64xf32, #tpu.memory_space<hbm>>) target_semaphore(%arg22 : memref<!tpu.dma_semaphore, #tpu.memory_space<semaphore_mem>>)
    %dma_wait3A_3019 = arith.constant 7 : i32
    %dma_wait3A_3020 = arith.constant 0 : i32
    %dma_wait3A_3021 = arith.constant 0 : i32
    %dma_wait3A_3022 = tpu.memref_slice %arg6[%dma_wait3A_3019, %dma_wait3A_3020, %dma_wait3A_3021] : memref<8x128x64xf32, #tpu.memory_space<vmem>> -> memref<1x128x64xf32, #tpu.memory_space<vmem>>
    %dma_wait3A_3023 = tpu.memref_squeeze %dma_wait3A_3022 : memref<1x128x64xf32, #tpu.memory_space<vmem>> -> memref<128x64xf32, #tpu.memory_space<vmem>>
    %dma_wait3A_3024 = arith.constant 0 : i32
    %dma_wait3A_3025 = tpu.memref_slice %arg4[%add3A_3005, %dma_wait3A_3024] : memref<106496x64xf32, #tpu.memory_space<hbm>> -> memref<128x64xf32, #tpu.memory_space<hbm>>
    %dma_wait3A_3026 = arith.constant 0 : i32
    %dma_wait3A_3027 = tpu.memref_slice %arg4[%add3A_3005, %dma_wait3A_3026] : memref<106496x64xf32, #tpu.memory_space<hbm>> -> memref<128x64xf32, #tpu.memory_space<hbm>>
    %dma_wait3A_3028 = arith.constant 0 : i32
    %dma_wait3A_3029 = arith.constant 0 : i32
    %dma_wait3A_3030 = tpu.memref_slice %arg6[%dma_wait3A_3019, %dma_wait3A_3028, %dma_wait3A_3029] : memref<8x128x64xf32, #tpu.memory_space<vmem>> -> memref<1x128x64xf32, #tpu.memory_space<vmem>>
    %dma_wait3A_3031 = tpu.memref_squeeze %dma_wait3A_3030 : memref<1x128x64xf32, #tpu.memory_space<vmem>> -> memref<128x64xf32, #tpu.memory_space<vmem>>
    tpu.wait_dma2 semaphore(%arg22 : memref<!tpu.dma_semaphore, #tpu.memory_space<semaphore_mem>>) src(%dma_wait3A_3031 : memref<128x64xf32, #tpu.memory_space<vmem>>) dst(%dma_wait3A_3027 : memref<128x64xf32, #tpu.memory_space<hbm>>)
    %get3A_3032 = arith.constant 23 : i32
    %get3A_3033 = arith.index_cast %get3A_3032 : i32 to index
    %get3A_3034 = arith.constant 0 : index
    %get3A_3035 = tpu.vector_load %arg5[%get3A_3033, %get3A_3034] {strides = array<i32>} : memref<26x128xi32, #tpu.memory_space<vmem>>, vector<1x16xi32>,
    %get3A_3036 = vector.shape_cast %get3A_3035 : vector<1x16xi32> to vector<16xi32>
    %dma_start3A_3037 = arith.constant 7 : i32
    %dma_start3A_3038 = arith.constant 0 : i32
    %dma_start3A_3039 = arith.constant 0 : i32
    %dma_start3A_3040 = tpu.memref_slice %arg6[%dma_start3A_3037, %dma_start3A_3038, %dma_start3A_3039] : memref<8x128x64xf32, #tpu.memory_space<vmem>> -> memref<1x16x64xf32, #tpu.memory_space<vmem>>
    %dma_start3A_3041 = tpu.memref_squeeze %dma_start3A_3040 : memref<1x16x64xf32, #tpu.memory_space<vmem>> -> memref<16x64xf32, #tpu.memory_space<vmem>>
    %dma_start3A_3042 = arith.constant 0 : i32
    %dma_start3A_3043 = arith.constant 0 : i32
    %dma_start3A_3044 = tpu.memref_slice %arg3[%dma_start3A_3042, %dma_start3A_3043] : memref<1000000x64xf32, #tpu.memory_space<hbm>> -> memref<1000000x64xf32, #tpu.memory_space<hbm>>
    tpu.enqueue_indirect_dma source(%dma_start3A_3044 : memref<1000000x64xf32, #tpu.memory_space<hbm>>) target(%dma_start3A_3041 : memref<16x64xf32, #tpu.memory_space<vmem>>) offsets(%get3A_3036 : vector<16xi32>) semaphore(%arg14 : memref<!tpu.dma_semaphore, #tpu.memory_space<semaphore_mem>>)
    %get3A_3045 = arith.constant 23 : i32
    %get3A_3046 = arith.index_cast %get3A_3045 : i32 to index
    %get3A_3047 = arith.constant 16 : index
    %get3A_3048 = tpu.vector_load %arg5[%get3A_3046, %get3A_3047] {strides = array<i32>} : memref<26x128xi32, #tpu.memory_space<vmem>>, vector<1x16xi32>,
    %get3A_3049 = vector.shape_cast %get3A_3048 : vector<1x16xi32> to vector<16xi32>
    %dma_start3A_3050 = arith.constant 7 : i32
    %dma_start3A_3051 = arith.constant 16 : i32
    %dma_start3A_3052 = arith.constant 0 : i32
    %dma_start3A_3053 = tpu.memref_slice %arg6[%dma_start3A_3050, %dma_start3A_3051, %dma_start3A_3052] : memref<8x128x64xf32, #tpu.memory_space<vmem>> -> memref<1x16x64xf32, #tpu.memory_space<vmem>>
    %dma_start3A_3054 = tpu.memref_squeeze %dma_start3A_3053 : memref<1x16x64xf32, #tpu.memory_space<vmem>> -> memref<16x64xf32, #tpu.memory_space<vmem>>
    %dma_start3A_3055 = arith.constant 0 : i32
    %dma_start3A_3056 = arith.constant 0 : i32
    %dma_start3A_3057 = tpu.memref_slice %arg3[%dma_start3A_3055, %dma_start3A_3056] : memref<1000000x64xf32, #tpu.memory_space<hbm>> -> memref<1000000x64xf32, #tpu.memory_space<hbm>>
    tpu.enqueue_indirect_dma source(%dma_start3A_3057 : memref<1000000x64xf32, #tpu.memory_space<hbm>>) target(%dma_start3A_3054 : memref<16x64xf32, #tpu.memory_space<vmem>>) offsets(%get3A_3049 : vector<16xi32>) semaphore(%arg14 : memref<!tpu.dma_semaphore, #tpu.memory_space<semaphore_mem>>)
    %get3A_3058 = arith.constant 23 : i32
    %get3A_3059 = arith.index_cast %get3A_3058 : i32 to index
    %get3A_3060 = arith.constant 32 : index
    %get3A_3061 = tpu.vector_load %arg5[%get3A_3059, %get3A_3060] {strides = array<i32>} : memref<26x128xi32, #tpu.memory_space<vmem>>, vector<1x16xi32>,
    %get3A_3062 = vector.shape_cast %get3A_3061 : vector<1x16xi32> to vector<16xi32>
    %dma_start3A_3063 = arith.constant 7 : i32
    %dma_start3A_3064 = arith.constant 32 : i32
    %dma_start3A_3065 = arith.constant 0 : i32
    %dma_start3A_3066 = tpu.memref_slice %arg6[%dma_start3A_3063, %dma_start3A_3064, %dma_start3A_3065] : memref<8x128x64xf32, #tpu.memory_space<vmem>> -> memref<1x16x64xf32, #tpu.memory_space<vmem>>
    %dma_start3A_3067 = tpu.memref_squeeze %dma_start3A_3066 : memref<1x16x64xf32, #tpu.memory_space<vmem>> -> memref<16x64xf32, #tpu.memory_space<vmem>>
    %dma_start3A_3068 = arith.constant 0 : i32
    %dma_start3A_3069 = arith.constant 0 : i32
    %dma_start3A_3070 = tpu.memref_slice %arg3[%dma_start3A_3068, %dma_start3A_3069] : memref<1000000x64xf32, #tpu.memory_space<hbm>> -> memref<1000000x64xf32, #tpu.memory_space<hbm>>
    tpu.enqueue_indirect_dma source(%dma_start3A_3070 : memref<1000000x64xf32, #tpu.memory_space<hbm>>) target(%dma_start3A_3067 : memref<16x64xf32, #tpu.memory_space<vmem>>) offsets(%get3A_3062 : vector<16xi32>) semaphore(%arg14 : memref<!tpu.dma_semaphore, #tpu.memory_space<semaphore_mem>>)
    %get3A_3071 = arith.constant 23 : i32
    %get3A_3072 = arith.index_cast %get3A_3071 : i32 to index
    %get3A_3073 = arith.constant 48 : index
    %get3A_3074 = tpu.vector_load %arg5[%get3A_3072, %get3A_3073] {strides = array<i32>} : memref<26x128xi32, #tpu.memory_space<vmem>>, vector<1x16xi32>,
    %get3A_3075 = vector.shape_cast %get3A_3074 : vector<1x16xi32> to vector<16xi32>
    %dma_start3A_3076 = arith.constant 7 : i32
    %dma_start3A_3077 = arith.constant 48 : i32
    %dma_start3A_3078 = arith.constant 0 : i32
    %dma_start3A_3079 = tpu.memref_slice %arg6[%dma_start3A_3076, %dma_start3A_3077, %dma_start3A_3078] : memref<8x128x64xf32, #tpu.memory_space<vmem>> -> memref<1x16x64xf32, #tpu.memory_space<vmem>>
    %dma_start3A_3080 = tpu.memref_squeeze %dma_start3A_3079 : memref<1x16x64xf32, #tpu.memory_space<vmem>> -> memref<16x64xf32, #tpu.memory_space<vmem>>
    %dma_start3A_3081 = arith.constant 0 : i32
    %dma_start3A_3082 = arith.constant 0 : i32
    %dma_start3A_3083 = tpu.memref_slice %arg3[%dma_start3A_3081, %dma_start3A_3082] : memref<1000000x64xf32, #tpu.memory_space<hbm>> -> memref<1000000x64xf32, #tpu.memory_space<hbm>>
    tpu.enqueue_indirect_dma source(%dma_start3A_3083 : memref<1000000x64xf32, #tpu.memory_space<hbm>>) target(%dma_start3A_3080 : memref<16x64xf32, #tpu.memory_space<vmem>>) offsets(%get3A_3075 : vector<16xi32>) semaphore(%arg14 : memref<!tpu.dma_semaphore, #tpu.memory_space<semaphore_mem>>)
    %get3A_3084 = arith.constant 23 : i32
    %get3A_3085 = arith.index_cast %get3A_3084 : i32 to index
    %get3A_3086 = arith.constant 64 : index
    %get3A_3087 = tpu.vector_load %arg5[%get3A_3085, %get3A_3086] {strides = array<i32>} : memref<26x128xi32, #tpu.memory_space<vmem>>, vector<1x16xi32>,
    %get3A_3088 = vector.shape_cast %get3A_3087 : vector<1x16xi32> to vector<16xi32>
    %dma_start3A_3089 = arith.constant 7 : i32
    %dma_start3A_3090 = arith.constant 64 : i32
    %dma_start3A_3091 = arith.constant 0 : i32
    %dma_start3A_3092 = tpu.memref_slice %arg6[%dma_start3A_3089, %dma_start3A_3090, %dma_start3A_3091] : memref<8x128x64xf32, #tpu.memory_space<vmem>> -> memref<1x16x64xf32, #tpu.memory_space<vmem>>
    %dma_start3A_3093 = tpu.memref_squeeze %dma_start3A_3092 : memref<1x16x64xf32, #tpu.memory_space<vmem>> -> memref<16x64xf32, #tpu.memory_space<vmem>>
    %dma_start3A_3094 = arith.constant 0 : i32
    %dma_start3A_3095 = arith.constant 0 : i32
    %dma_start3A_3096 = tpu.memref_slice %arg3[%dma_start3A_3094, %dma_start3A_3095] : memref<1000000x64xf32, #tpu.memory_space<hbm>> -> memref<1000000x64xf32, #tpu.memory_space<hbm>>
    tpu.enqueue_indirect_dma source(%dma_start3A_3096 : memref<1000000x64xf32, #tpu.memory_space<hbm>>) target(%dma_start3A_3093 : memref<16x64xf32, #tpu.memory_space<vmem>>) offsets(%get3A_3088 : vector<16xi32>) semaphore(%arg14 : memref<!tpu.dma_semaphore, #tpu.memory_space<semaphore_mem>>)
    %get3A_3097 = arith.constant 23 : i32
    %get3A_3098 = arith.index_cast %get3A_3097 : i32 to index
    %get3A_3099 = arith.constant 80 : index
    %get3A_3100 = tpu.vector_load %arg5[%get3A_3098, %get3A_3099] {strides = array<i32>} : memref<26x128xi32, #tpu.memory_space<vmem>>, vector<1x16xi32>,
    %get3A_3101 = vector.shape_cast %get3A_3100 : vector<1x16xi32> to vector<16xi32>
    %dma_start3A_3102 = arith.constant 7 : i32
    %dma_start3A_3103 = arith.constant 80 : i32
    %dma_start3A_3104 = arith.constant 0 : i32
    %dma_start3A_3105 = tpu.memref_slice %arg6[%dma_start3A_3102, %dma_start3A_3103, %dma_start3A_3104] : memref<8x128x64xf32, #tpu.memory_space<vmem>> -> memref<1x16x64xf32, #tpu.memory_space<vmem>>
    %dma_start3A_3106 = tpu.memref_squeeze %dma_start3A_3105 : memref<1x16x64xf32, #tpu.memory_space<vmem>> -> memref<16x64xf32, #tpu.memory_space<vmem>>
    %dma_start3A_3107 = arith.constant 0 : i32
    %dma_start3A_3108 = arith.constant 0 : i32
    %dma_start3A_3109 = tpu.memref_slice %arg3[%dma_start3A_3107, %dma_start3A_3108] : memref<1000000x64xf32, #tpu.memory_space<hbm>> -> memref<1000000x64xf32, #tpu.memory_space<hbm>>
    tpu.enqueue_indirect_dma source(%dma_start3A_3109 : memref<1000000x64xf32, #tpu.memory_space<hbm>>) target(%dma_start3A_3106 : memref<16x64xf32, #tpu.memory_space<vmem>>) offsets(%get3A_3101 : vector<16xi32>) semaphore(%arg14 : memref<!tpu.dma_semaphore, #tpu.memory_space<semaphore_mem>>)
    %get3A_3110 = arith.constant 23 : i32
    %get3A_3111 = arith.index_cast %get3A_3110 : i32 to index
    %get3A_3112 = arith.constant 96 : index
    %get3A_3113 = tpu.vector_load %arg5[%get3A_3111, %get3A_3112] {strides = array<i32>} : memref<26x128xi32, #tpu.memory_space<vmem>>, vector<1x16xi32>,
    %get3A_3114 = vector.shape_cast %get3A_3113 : vector<1x16xi32> to vector<16xi32>
    %dma_start3A_3115 = arith.constant 7 : i32
    %dma_start3A_3116 = arith.constant 96 : i32
    %dma_start3A_3117 = arith.constant 0 : i32
    %dma_start3A_3118 = tpu.memref_slice %arg6[%dma_start3A_3115, %dma_start3A_3116, %dma_start3A_3117] : memref<8x128x64xf32, #tpu.memory_space<vmem>> -> memref<1x16x64xf32, #tpu.memory_space<vmem>>
    %dma_start3A_3119 = tpu.memref_squeeze %dma_start3A_3118 : memref<1x16x64xf32, #tpu.memory_space<vmem>> -> memref<16x64xf32, #tpu.memory_space<vmem>>
    %dma_start3A_3120 = arith.constant 0 : i32
    %dma_start3A_3121 = arith.constant 0 : i32
    %dma_start3A_3122 = tpu.memref_slice %arg3[%dma_start3A_3120, %dma_start3A_3121] : memref<1000000x64xf32, #tpu.memory_space<hbm>> -> memref<1000000x64xf32, #tpu.memory_space<hbm>>
    tpu.enqueue_indirect_dma source(%dma_start3A_3122 : memref<1000000x64xf32, #tpu.memory_space<hbm>>) target(%dma_start3A_3119 : memref<16x64xf32, #tpu.memory_space<vmem>>) offsets(%get3A_3114 : vector<16xi32>) semaphore(%arg14 : memref<!tpu.dma_semaphore, #tpu.memory_space<semaphore_mem>>)
    %get3A_3123 = arith.constant 23 : i32
    %get3A_3124 = arith.index_cast %get3A_3123 : i32 to index
    %get3A_3125 = arith.constant 112 : index
    %get3A_3126 = tpu.vector_load %arg5[%get3A_3124, %get3A_3125] {strides = array<i32>} : memref<26x128xi32, #tpu.memory_space<vmem>>, vector<1x16xi32>,
    %get3A_3127 = vector.shape_cast %get3A_3126 : vector<1x16xi32> to vector<16xi32>
    %dma_start3A_3128 = arith.constant 7 : i32
    %dma_start3A_3129 = arith.constant 112 : i32
    %dma_start3A_3130 = arith.constant 0 : i32
    %dma_start3A_3131 = tpu.memref_slice %arg6[%dma_start3A_3128, %dma_start3A_3129, %dma_start3A_3130] : memref<8x128x64xf32, #tpu.memory_space<vmem>> -> memref<1x16x64xf32, #tpu.memory_space<vmem>>
    %dma_start3A_3132 = tpu.memref_squeeze %dma_start3A_3131 : memref<1x16x64xf32, #tpu.memory_space<vmem>> -> memref<16x64xf32, #tpu.memory_space<vmem>>
    %dma_start3A_3133 = arith.constant 0 : i32
    %dma_start3A_3134 = arith.constant 0 : i32
    %dma_start3A_3135 = tpu.memref_slice %arg3[%dma_start3A_3133, %dma_start3A_3134] : memref<1000000x64xf32, #tpu.memory_space<hbm>> -> memref<1000000x64xf32, #tpu.memory_space<hbm>>
    tpu.enqueue_indirect_dma source(%dma_start3A_3135 : memref<1000000x64xf32, #tpu.memory_space<hbm>>) target(%dma_start3A_3132 : memref<16x64xf32, #tpu.memory_space<vmem>>) offsets(%get3A_3127 : vector<16xi32>) semaphore(%arg14 : memref<!tpu.dma_semaphore, #tpu.memory_space<semaphore_mem>>)
    %dma_wait3A_3136 = arith.constant 16 : i32
    %dma_wait3A_3137 = arith.constant 0 : i32
    %dma_wait3A_3138 = arith.constant 0 : i32
    %dma_wait3A_3139 = arith.constant 0 : i32
    %dma_wait3A_3140 = tpu.memref_slice %arg6[%dma_wait3A_3137, %dma_wait3A_3138, %dma_wait3A_3139] : memref<8x128x64xf32, #tpu.memory_space<vmem>> -> memref<1x128x64xf32, #tpu.memory_space<vmem>>
    %dma_wait3A_3141 = tpu.memref_squeeze %dma_wait3A_3140 : memref<1x128x64xf32, #tpu.memory_space<vmem>> -> memref<128x64xf32, #tpu.memory_space<vmem>>
    %dma_wait3A_3142 = arith.constant 0 : i32
    %dma_wait3A_3143 = tpu.memref_slice %arg5[%dma_wait3A_3136, %dma_wait3A_3142] : memref<26x128xi32, #tpu.memory_space<vmem>> -> memref<1x128xi32, #tpu.memory_space<vmem>>
    %dma_wait3A_3144 = tpu.memref_squeeze %dma_wait3A_3143 : memref<1x128xi32, #tpu.memory_space<vmem>> -> memref<128xi32, #tpu.memory_space<vmem>>
    %dma_wait3A_3145 = arith.constant 0 : i32
    %dma_wait3A_3146 = arith.constant 0 : i32
    %dma_wait3A_3147 = tpu.memref_slice %arg3[%dma_wait3A_3145, %dma_wait3A_3146] : memref<1000000x64xf32, #tpu.memory_space<hbm>> -> memref<1000000x64xf32, #tpu.memory_space<hbm>>
    tpu.wait_indirect_dma semaphore(%arg7 : memref<!tpu.dma_semaphore, #tpu.memory_space<semaphore_mem>>) src(%dma_wait3A_3147 : memref<1000000x64xf32, #tpu.memory_space<hbm>>) dst(%dma_wait3A_3141 : memref<128x64xf32, #tpu.memory_space<vmem>>)
    %add3A_3148 = arith.constant 2048 : i32
    %add3A_3149 = arith.addi %mul3A_2, %add3A_3148 : i32
    %dma_start3A_3150 = arith.constant 0 : i32
    %dma_start3A_3151 = arith.constant 0 : i32
    %dma_start3A_3152 = arith.constant 0 : i32
    %dma_start3A_3153 = tpu.memref_slice %arg6[%dma_start3A_3150, %dma_start3A_3151, %dma_start3A_3152] : memref<8x128x64xf32, #tpu.memory_space<vmem>> -> memref<1x128x64xf32, #tpu.memory_space<vmem>>
    %dma_start3A_3154 = tpu.memref_squeeze %dma_start3A_3153 : memref<1x128x64xf32, #tpu.memory_space<vmem>> -> memref<128x64xf32, #tpu.memory_space<vmem>>
    %dma_start3A_3155 = arith.constant 0 : i32
    %dma_start3A_3156 = tpu.memref_slice %arg4[%add3A_3149, %dma_start3A_3155] : memref<106496x64xf32, #tpu.memory_space<hbm>> -> memref<128x64xf32, #tpu.memory_space<hbm>>
    %dma_start3A_3157 = arith.constant 0 : i32
    %dma_start3A_3158 = tpu.memref_slice %arg4[%add3A_3149, %dma_start3A_3157] : memref<106496x64xf32, #tpu.memory_space<hbm>> -> memref<128x64xf32, #tpu.memory_space<hbm>>
    %dma_start3A_3159 = arith.constant 0 : i32
    %dma_start3A_3160 = arith.constant 0 : i32
    %dma_start3A_3161 = tpu.memref_slice %arg6[%dma_start3A_3150, %dma_start3A_3159, %dma_start3A_3160] : memref<8x128x64xf32, #tpu.memory_space<vmem>> -> memref<1x128x64xf32, #tpu.memory_space<vmem>>
    %dma_start3A_3162 = tpu.memref_squeeze %dma_start3A_3161 : memref<1x128x64xf32, #tpu.memory_space<vmem>> -> memref<128x64xf32, #tpu.memory_space<vmem>>
    tpu.enqueue_dma source(%dma_start3A_3162 : memref<128x64xf32, #tpu.memory_space<vmem>>) target(%dma_start3A_3158 : memref<128x64xf32, #tpu.memory_space<hbm>>) target_semaphore(%arg15 : memref<!tpu.dma_semaphore, #tpu.memory_space<semaphore_mem>>)
    %dma_wait3A_3163 = arith.constant 0 : i32
    %dma_wait3A_3164 = arith.constant 0 : i32
    %dma_wait3A_3165 = arith.constant 0 : i32
    %dma_wait3A_3166 = tpu.memref_slice %arg6[%dma_wait3A_3163, %dma_wait3A_3164, %dma_wait3A_3165] : memref<8x128x64xf32, #tpu.memory_space<vmem>> -> memref<1x128x64xf32, #tpu.memory_space<vmem>>
    %dma_wait3A_3167 = tpu.memref_squeeze %dma_wait3A_3166 : memref<1x128x64xf32, #tpu.memory_space<vmem>> -> memref<128x64xf32, #tpu.memory_space<vmem>>
    %dma_wait3A_3168 = arith.constant 0 : i32
    %dma_wait3A_3169 = tpu.memref_slice %arg4[%add3A_3149, %dma_wait3A_3168] : memref<106496x64xf32, #tpu.memory_space<hbm>> -> memref<128x64xf32, #tpu.memory_space<hbm>>
    %dma_wait3A_3170 = arith.constant 0 : i32
    %dma_wait3A_3171 = tpu.memref_slice %arg4[%add3A_3149, %dma_wait3A_3170] : memref<106496x64xf32, #tpu.memory_space<hbm>> -> memref<128x64xf32, #tpu.memory_space<hbm>>
    %dma_wait3A_3172 = arith.constant 0 : i32
    %dma_wait3A_3173 = arith.constant 0 : i32
    %dma_wait3A_3174 = tpu.memref_slice %arg6[%dma_wait3A_3163, %dma_wait3A_3172, %dma_wait3A_3173] : memref<8x128x64xf32, #tpu.memory_space<vmem>> -> memref<1x128x64xf32, #tpu.memory_space<vmem>>
    %dma_wait3A_3175 = tpu.memref_squeeze %dma_wait3A_3174 : memref<1x128x64xf32, #tpu.memory_space<vmem>> -> memref<128x64xf32, #tpu.memory_space<vmem>>
    tpu.wait_dma2 semaphore(%arg15 : memref<!tpu.dma_semaphore, #tpu.memory_space<semaphore_mem>>) src(%dma_wait3A_3175 : memref<128x64xf32, #tpu.memory_space<vmem>>) dst(%dma_wait3A_3171 : memref<128x64xf32, #tpu.memory_space<hbm>>)
    %get3A_3176 = arith.constant 24 : i32
    %get3A_3177 = arith.index_cast %get3A_3176 : i32 to index
    %get3A_3178 = arith.constant 0 : index
    %get3A_3179 = tpu.vector_load %arg5[%get3A_3177, %get3A_3178] {strides = array<i32>} : memref<26x128xi32, #tpu.memory_space<vmem>>, vector<1x16xi32>,
    %get3A_3180 = vector.shape_cast %get3A_3179 : vector<1x16xi32> to vector<16xi32>
    %dma_start3A_3181 = arith.constant 0 : i32
    %dma_start3A_3182 = arith.constant 0 : i32
    %dma_start3A_3183 = arith.constant 0 : i32
    %dma_start3A_3184 = tpu.memref_slice %arg6[%dma_start3A_3181, %dma_start3A_3182, %dma_start3A_3183] : memref<8x128x64xf32, #tpu.memory_space<vmem>> -> memref<1x16x64xf32, #tpu.memory_space<vmem>>
    %dma_start3A_3185 = tpu.memref_squeeze %dma_start3A_3184 : memref<1x16x64xf32, #tpu.memory_space<vmem>> -> memref<16x64xf32, #tpu.memory_space<vmem>>
    %dma_start3A_3186 = arith.constant 0 : i32
    %dma_start3A_3187 = arith.constant 0 : i32
    %dma_start3A_3188 = tpu.memref_slice %arg3[%dma_start3A_3186, %dma_start3A_3187] : memref<1000000x64xf32, #tpu.memory_space<hbm>> -> memref<1000000x64xf32, #tpu.memory_space<hbm>>
    tpu.enqueue_indirect_dma source(%dma_start3A_3188 : memref<1000000x64xf32, #tpu.memory_space<hbm>>) target(%dma_start3A_3185 : memref<16x64xf32, #tpu.memory_space<vmem>>) offsets(%get3A_3180 : vector<16xi32>) semaphore(%arg7 : memref<!tpu.dma_semaphore, #tpu.memory_space<semaphore_mem>>)
    %get3A_3189 = arith.constant 24 : i32
    %get3A_3190 = arith.index_cast %get3A_3189 : i32 to index
    %get3A_3191 = arith.constant 16 : index
    %get3A_3192 = tpu.vector_load %arg5[%get3A_3190, %get3A_3191] {strides = array<i32>} : memref<26x128xi32, #tpu.memory_space<vmem>>, vector<1x16xi32>,
    %get3A_3193 = vector.shape_cast %get3A_3192 : vector<1x16xi32> to vector<16xi32>
    %dma_start3A_3194 = arith.constant 0 : i32
    %dma_start3A_3195 = arith.constant 16 : i32
    %dma_start3A_3196 = arith.constant 0 : i32
    %dma_start3A_3197 = tpu.memref_slice %arg6[%dma_start3A_3194, %dma_start3A_3195, %dma_start3A_3196] : memref<8x128x64xf32, #tpu.memory_space<vmem>> -> memref<1x16x64xf32, #tpu.memory_space<vmem>>
    %dma_start3A_3198 = tpu.memref_squeeze %dma_start3A_3197 : memref<1x16x64xf32, #tpu.memory_space<vmem>> -> memref<16x64xf32, #tpu.memory_space<vmem>>
    %dma_start3A_3199 = arith.constant 0 : i32
    %dma_start3A_3200 = arith.constant 0 : i32
    %dma_start3A_3201 = tpu.memref_slice %arg3[%dma_start3A_3199, %dma_start3A_3200] : memref<1000000x64xf32, #tpu.memory_space<hbm>> -> memref<1000000x64xf32, #tpu.memory_space<hbm>>
    tpu.enqueue_indirect_dma source(%dma_start3A_3201 : memref<1000000x64xf32, #tpu.memory_space<hbm>>) target(%dma_start3A_3198 : memref<16x64xf32, #tpu.memory_space<vmem>>) offsets(%get3A_3193 : vector<16xi32>) semaphore(%arg7 : memref<!tpu.dma_semaphore, #tpu.memory_space<semaphore_mem>>)
    %get3A_3202 = arith.constant 24 : i32
    %get3A_3203 = arith.index_cast %get3A_3202 : i32 to index
    %get3A_3204 = arith.constant 32 : index
    %get3A_3205 = tpu.vector_load %arg5[%get3A_3203, %get3A_3204] {strides = array<i32>} : memref<26x128xi32, #tpu.memory_space<vmem>>, vector<1x16xi32>,
    %get3A_3206 = vector.shape_cast %get3A_3205 : vector<1x16xi32> to vector<16xi32>
    %dma_start3A_3207 = arith.constant 0 : i32
    %dma_start3A_3208 = arith.constant 32 : i32
    %dma_start3A_3209 = arith.constant 0 : i32
    %dma_start3A_3210 = tpu.memref_slice %arg6[%dma_start3A_3207, %dma_start3A_3208, %dma_start3A_3209] : memref<8x128x64xf32, #tpu.memory_space<vmem>> -> memref<1x16x64xf32, #tpu.memory_space<vmem>>
    %dma_start3A_3211 = tpu.memref_squeeze %dma_start3A_3210 : memref<1x16x64xf32, #tpu.memory_space<vmem>> -> memref<16x64xf32, #tpu.memory_space<vmem>>
    %dma_start3A_3212 = arith.constant 0 : i32
    %dma_start3A_3213 = arith.constant 0 : i32
    %dma_start3A_3214 = tpu.memref_slice %arg3[%dma_start3A_3212, %dma_start3A_3213] : memref<1000000x64xf32, #tpu.memory_space<hbm>> -> memref<1000000x64xf32, #tpu.memory_space<hbm>>
    tpu.enqueue_indirect_dma source(%dma_start3A_3214 : memref<1000000x64xf32, #tpu.memory_space<hbm>>) target(%dma_start3A_3211 : memref<16x64xf32, #tpu.memory_space<vmem>>) offsets(%get3A_3206 : vector<16xi32>) semaphore(%arg7 : memref<!tpu.dma_semaphore, #tpu.memory_space<semaphore_mem>>)
    %get3A_3215 = arith.constant 24 : i32
    %get3A_3216 = arith.index_cast %get3A_3215 : i32 to index
    %get3A_3217 = arith.constant 48 : index
    %get3A_3218 = tpu.vector_load %arg5[%get3A_3216, %get3A_3217] {strides = array<i32>} : memref<26x128xi32, #tpu.memory_space<vmem>>, vector<1x16xi32>,
    %get3A_3219 = vector.shape_cast %get3A_3218 : vector<1x16xi32> to vector<16xi32>
    %dma_start3A_3220 = arith.constant 0 : i32
    %dma_start3A_3221 = arith.constant 48 : i32
    %dma_start3A_3222 = arith.constant 0 : i32
    %dma_start3A_3223 = tpu.memref_slice %arg6[%dma_start3A_3220, %dma_start3A_3221, %dma_start3A_3222] : memref<8x128x64xf32, #tpu.memory_space<vmem>> -> memref<1x16x64xf32, #tpu.memory_space<vmem>>
    %dma_start3A_3224 = tpu.memref_squeeze %dma_start3A_3223 : memref<1x16x64xf32, #tpu.memory_space<vmem>> -> memref<16x64xf32, #tpu.memory_space<vmem>>
    %dma_start3A_3225 = arith.constant 0 : i32
    %dma_start3A_3226 = arith.constant 0 : i32
    %dma_start3A_3227 = tpu.memref_slice %arg3[%dma_start3A_3225, %dma_start3A_3226] : memref<1000000x64xf32, #tpu.memory_space<hbm>> -> memref<1000000x64xf32, #tpu.memory_space<hbm>>
    tpu.enqueue_indirect_dma source(%dma_start3A_3227 : memref<1000000x64xf32, #tpu.memory_space<hbm>>) target(%dma_start3A_3224 : memref<16x64xf32, #tpu.memory_space<vmem>>) offsets(%get3A_3219 : vector<16xi32>) semaphore(%arg7 : memref<!tpu.dma_semaphore, #tpu.memory_space<semaphore_mem>>)
    %get3A_3228 = arith.constant 24 : i32
    %get3A_3229 = arith.index_cast %get3A_3228 : i32 to index
    %get3A_3230 = arith.constant 64 : index
    %get3A_3231 = tpu.vector_load %arg5[%get3A_3229, %get3A_3230] {strides = array<i32>} : memref<26x128xi32, #tpu.memory_space<vmem>>, vector<1x16xi32>,
    %get3A_3232 = vector.shape_cast %get3A_3231 : vector<1x16xi32> to vector<16xi32>
    %dma_start3A_3233 = arith.constant 0 : i32
    %dma_start3A_3234 = arith.constant 64 : i32
    %dma_start3A_3235 = arith.constant 0 : i32
    %dma_start3A_3236 = tpu.memref_slice %arg6[%dma_start3A_3233, %dma_start3A_3234, %dma_start3A_3235] : memref<8x128x64xf32, #tpu.memory_space<vmem>> -> memref<1x16x64xf32, #tpu.memory_space<vmem>>
    %dma_start3A_3237 = tpu.memref_squeeze %dma_start3A_3236 : memref<1x16x64xf32, #tpu.memory_space<vmem>> -> memref<16x64xf32, #tpu.memory_space<vmem>>
    %dma_start3A_3238 = arith.constant 0 : i32
    %dma_start3A_3239 = arith.constant 0 : i32
    %dma_start3A_3240 = tpu.memref_slice %arg3[%dma_start3A_3238, %dma_start3A_3239] : memref<1000000x64xf32, #tpu.memory_space<hbm>> -> memref<1000000x64xf32, #tpu.memory_space<hbm>>
    tpu.enqueue_indirect_dma source(%dma_start3A_3240 : memref<1000000x64xf32, #tpu.memory_space<hbm>>) target(%dma_start3A_3237 : memref<16x64xf32, #tpu.memory_space<vmem>>) offsets(%get3A_3232 : vector<16xi32>) semaphore(%arg7 : memref<!tpu.dma_semaphore, #tpu.memory_space<semaphore_mem>>)
    %get3A_3241 = arith.constant 24 : i32
    %get3A_3242 = arith.index_cast %get3A_3241 : i32 to index
    %get3A_3243 = arith.constant 80 : index
    %get3A_3244 = tpu.vector_load %arg5[%get3A_3242, %get3A_3243] {strides = array<i32>} : memref<26x128xi32, #tpu.memory_space<vmem>>, vector<1x16xi32>,
    %get3A_3245 = vector.shape_cast %get3A_3244 : vector<1x16xi32> to vector<16xi32>
    %dma_start3A_3246 = arith.constant 0 : i32
    %dma_start3A_3247 = arith.constant 80 : i32
    %dma_start3A_3248 = arith.constant 0 : i32
    %dma_start3A_3249 = tpu.memref_slice %arg6[%dma_start3A_3246, %dma_start3A_3247, %dma_start3A_3248] : memref<8x128x64xf32, #tpu.memory_space<vmem>> -> memref<1x16x64xf32, #tpu.memory_space<vmem>>
    %dma_start3A_3250 = tpu.memref_squeeze %dma_start3A_3249 : memref<1x16x64xf32, #tpu.memory_space<vmem>> -> memref<16x64xf32, #tpu.memory_space<vmem>>
    %dma_start3A_3251 = arith.constant 0 : i32
    %dma_start3A_3252 = arith.constant 0 : i32
    %dma_start3A_3253 = tpu.memref_slice %arg3[%dma_start3A_3251, %dma_start3A_3252] : memref<1000000x64xf32, #tpu.memory_space<hbm>> -> memref<1000000x64xf32, #tpu.memory_space<hbm>>
    tpu.enqueue_indirect_dma source(%dma_start3A_3253 : memref<1000000x64xf32, #tpu.memory_space<hbm>>) target(%dma_start3A_3250 : memref<16x64xf32, #tpu.memory_space<vmem>>) offsets(%get3A_3245 : vector<16xi32>) semaphore(%arg7 : memref<!tpu.dma_semaphore, #tpu.memory_space<semaphore_mem>>)
    %get3A_3254 = arith.constant 24 : i32
    %get3A_3255 = arith.index_cast %get3A_3254 : i32 to index
    %get3A_3256 = arith.constant 96 : index
    %get3A_3257 = tpu.vector_load %arg5[%get3A_3255, %get3A_3256] {strides = array<i32>} : memref<26x128xi32, #tpu.memory_space<vmem>>, vector<1x16xi32>,
    %get3A_3258 = vector.shape_cast %get3A_3257 : vector<1x16xi32> to vector<16xi32>
    %dma_start3A_3259 = arith.constant 0 : i32
    %dma_start3A_3260 = arith.constant 96 : i32
    %dma_start3A_3261 = arith.constant 0 : i32
    %dma_start3A_3262 = tpu.memref_slice %arg6[%dma_start3A_3259, %dma_start3A_3260, %dma_start3A_3261] : memref<8x128x64xf32, #tpu.memory_space<vmem>> -> memref<1x16x64xf32, #tpu.memory_space<vmem>>
    %dma_start3A_3263 = tpu.memref_squeeze %dma_start3A_3262 : memref<1x16x64xf32, #tpu.memory_space<vmem>> -> memref<16x64xf32, #tpu.memory_space<vmem>>
    %dma_start3A_3264 = arith.constant 0 : i32
    %dma_start3A_3265 = arith.constant 0 : i32
    %dma_start3A_3266 = tpu.memref_slice %arg3[%dma_start3A_3264, %dma_start3A_3265] : memref<1000000x64xf32, #tpu.memory_space<hbm>> -> memref<1000000x64xf32, #tpu.memory_space<hbm>>
    tpu.enqueue_indirect_dma source(%dma_start3A_3266 : memref<1000000x64xf32, #tpu.memory_space<hbm>>) target(%dma_start3A_3263 : memref<16x64xf32, #tpu.memory_space<vmem>>) offsets(%get3A_3258 : vector<16xi32>) semaphore(%arg7 : memref<!tpu.dma_semaphore, #tpu.memory_space<semaphore_mem>>)
    %get3A_3267 = arith.constant 24 : i32
    %get3A_3268 = arith.index_cast %get3A_3267 : i32 to index
    %get3A_3269 = arith.constant 112 : index
    %get3A_3270 = tpu.vector_load %arg5[%get3A_3268, %get3A_3269] {strides = array<i32>} : memref<26x128xi32, #tpu.memory_space<vmem>>, vector<1x16xi32>,
    %get3A_3271 = vector.shape_cast %get3A_3270 : vector<1x16xi32> to vector<16xi32>
    %dma_start3A_3272 = arith.constant 0 : i32
    %dma_start3A_3273 = arith.constant 112 : i32
    %dma_start3A_3274 = arith.constant 0 : i32
    %dma_start3A_3275 = tpu.memref_slice %arg6[%dma_start3A_3272, %dma_start3A_3273, %dma_start3A_3274] : memref<8x128x64xf32, #tpu.memory_space<vmem>> -> memref<1x16x64xf32, #tpu.memory_space<vmem>>
    %dma_start3A_3276 = tpu.memref_squeeze %dma_start3A_3275 : memref<1x16x64xf32, #tpu.memory_space<vmem>> -> memref<16x64xf32, #tpu.memory_space<vmem>>
    %dma_start3A_3277 = arith.constant 0 : i32
    %dma_start3A_3278 = arith.constant 0 : i32
    %dma_start3A_3279 = tpu.memref_slice %arg3[%dma_start3A_3277, %dma_start3A_3278] : memref<1000000x64xf32, #tpu.memory_space<hbm>> -> memref<1000000x64xf32, #tpu.memory_space<hbm>>
    tpu.enqueue_indirect_dma source(%dma_start3A_3279 : memref<1000000x64xf32, #tpu.memory_space<hbm>>) target(%dma_start3A_3276 : memref<16x64xf32, #tpu.memory_space<vmem>>) offsets(%get3A_3271 : vector<16xi32>) semaphore(%arg7 : memref<!tpu.dma_semaphore, #tpu.memory_space<semaphore_mem>>)
    %dma_wait3A_3280 = arith.constant 17 : i32
    %dma_wait3A_3281 = arith.constant 1 : i32
    %dma_wait3A_3282 = arith.constant 0 : i32
    %dma_wait3A_3283 = arith.constant 0 : i32
    %dma_wait3A_3284 = tpu.memref_slice %arg6[%dma_wait3A_3281, %dma_wait3A_3282, %dma_wait3A_3283] : memref<8x128x64xf32, #tpu.memory_space<vmem>> -> memref<1x128x64xf32, #tpu.memory_space<vmem>>
    %dma_wait3A_3285 = tpu.memref_squeeze %dma_wait3A_3284 : memref<1x128x64xf32, #tpu.memory_space<vmem>> -> memref<128x64xf32, #tpu.memory_space<vmem>>
    %dma_wait3A_3286 = arith.constant 0 : i32
    %dma_wait3A_3287 = tpu.memref_slice %arg5[%dma_wait3A_3280, %dma_wait3A_3286] : memref<26x128xi32, #tpu.memory_space<vmem>> -> memref<1x128xi32, #tpu.memory_space<vmem>>
    %dma_wait3A_3288 = tpu.memref_squeeze %dma_wait3A_3287 : memref<1x128xi32, #tpu.memory_space<vmem>> -> memref<128xi32, #tpu.memory_space<vmem>>
    %dma_wait3A_3289 = arith.constant 0 : i32
    %dma_wait3A_3290 = arith.constant 0 : i32
    %dma_wait3A_3291 = tpu.memref_slice %arg3[%dma_wait3A_3289, %dma_wait3A_3290] : memref<1000000x64xf32, #tpu.memory_space<hbm>> -> memref<1000000x64xf32, #tpu.memory_space<hbm>>
    tpu.wait_indirect_dma semaphore(%arg8 : memref<!tpu.dma_semaphore, #tpu.memory_space<semaphore_mem>>) src(%dma_wait3A_3291 : memref<1000000x64xf32, #tpu.memory_space<hbm>>) dst(%dma_wait3A_3285 : memref<128x64xf32, #tpu.memory_space<vmem>>)
    %add3A_3292 = arith.constant 2176 : i32
    %add3A_3293 = arith.addi %mul3A_2, %add3A_3292 : i32
    %dma_start3A_3294 = arith.constant 1 : i32
    %dma_start3A_3295 = arith.constant 0 : i32
    %dma_start3A_3296 = arith.constant 0 : i32
    %dma_start3A_3297 = tpu.memref_slice %arg6[%dma_start3A_3294, %dma_start3A_3295, %dma_start3A_3296] : memref<8x128x64xf32, #tpu.memory_space<vmem>> -> memref<1x128x64xf32, #tpu.memory_space<vmem>>
    %dma_start3A_3298 = tpu.memref_squeeze %dma_start3A_3297 : memref<1x128x64xf32, #tpu.memory_space<vmem>> -> memref<128x64xf32, #tpu.memory_space<vmem>>
    %dma_start3A_3299 = arith.constant 0 : i32
    %dma_start3A_3300 = tpu.memref_slice %arg4[%add3A_3293, %dma_start3A_3299] : memref<106496x64xf32, #tpu.memory_space<hbm>> -> memref<128x64xf32, #tpu.memory_space<hbm>>
    %dma_start3A_3301 = arith.constant 0 : i32
    %dma_start3A_3302 = tpu.memref_slice %arg4[%add3A_3293, %dma_start3A_3301] : memref<106496x64xf32, #tpu.memory_space<hbm>> -> memref<128x64xf32, #tpu.memory_space<hbm>>
    %dma_start3A_3303 = arith.constant 0 : i32
    %dma_start3A_3304 = arith.constant 0 : i32
    %dma_start3A_3305 = tpu.memref_slice %arg6[%dma_start3A_3294, %dma_start3A_3303, %dma_start3A_3304] : memref<8x128x64xf32, #tpu.memory_space<vmem>> -> memref<1x128x64xf32, #tpu.memory_space<vmem>>
    %dma_start3A_3306 = tpu.memref_squeeze %dma_start3A_3305 : memref<1x128x64xf32, #tpu.memory_space<vmem>> -> memref<128x64xf32, #tpu.memory_space<vmem>>
    tpu.enqueue_dma source(%dma_start3A_3306 : memref<128x64xf32, #tpu.memory_space<vmem>>) target(%dma_start3A_3302 : memref<128x64xf32, #tpu.memory_space<hbm>>) target_semaphore(%arg16 : memref<!tpu.dma_semaphore, #tpu.memory_space<semaphore_mem>>)
    %dma_wait3A_3307 = arith.constant 1 : i32
    %dma_wait3A_3308 = arith.constant 0 : i32
    %dma_wait3A_3309 = arith.constant 0 : i32
    %dma_wait3A_3310 = tpu.memref_slice %arg6[%dma_wait3A_3307, %dma_wait3A_3308, %dma_wait3A_3309] : memref<8x128x64xf32, #tpu.memory_space<vmem>> -> memref<1x128x64xf32, #tpu.memory_space<vmem>>
    %dma_wait3A_3311 = tpu.memref_squeeze %dma_wait3A_3310 : memref<1x128x64xf32, #tpu.memory_space<vmem>> -> memref<128x64xf32, #tpu.memory_space<vmem>>
    %dma_wait3A_3312 = arith.constant 0 : i32
    %dma_wait3A_3313 = tpu.memref_slice %arg4[%add3A_3293, %dma_wait3A_3312] : memref<106496x64xf32, #tpu.memory_space<hbm>> -> memref<128x64xf32, #tpu.memory_space<hbm>>
    %dma_wait3A_3314 = arith.constant 0 : i32
    %dma_wait3A_3315 = tpu.memref_slice %arg4[%add3A_3293, %dma_wait3A_3314] : memref<106496x64xf32, #tpu.memory_space<hbm>> -> memref<128x64xf32, #tpu.memory_space<hbm>>
    %dma_wait3A_3316 = arith.constant 0 : i32
    %dma_wait3A_3317 = arith.constant 0 : i32
    %dma_wait3A_3318 = tpu.memref_slice %arg6[%dma_wait3A_3307, %dma_wait3A_3316, %dma_wait3A_3317] : memref<8x128x64xf32, #tpu.memory_space<vmem>> -> memref<1x128x64xf32, #tpu.memory_space<vmem>>
    %dma_wait3A_3319 = tpu.memref_squeeze %dma_wait3A_3318 : memref<1x128x64xf32, #tpu.memory_space<vmem>> -> memref<128x64xf32, #tpu.memory_space<vmem>>
    tpu.wait_dma2 semaphore(%arg16 : memref<!tpu.dma_semaphore, #tpu.memory_space<semaphore_mem>>) src(%dma_wait3A_3319 : memref<128x64xf32, #tpu.memory_space<vmem>>) dst(%dma_wait3A_3315 : memref<128x64xf32, #tpu.memory_space<hbm>>)
    %get3A_3320 = arith.constant 25 : i32
    %get3A_3321 = arith.index_cast %get3A_3320 : i32 to index
    %get3A_3322 = arith.constant 0 : index
    %get3A_3323 = tpu.vector_load %arg5[%get3A_3321, %get3A_3322] {strides = array<i32>} : memref<26x128xi32, #tpu.memory_space<vmem>>, vector<1x16xi32>,
    %get3A_3324 = vector.shape_cast %get3A_3323 : vector<1x16xi32> to vector<16xi32>
    %dma_start3A_3325 = arith.constant 1 : i32
    %dma_start3A_3326 = arith.constant 0 : i32
    %dma_start3A_3327 = arith.constant 0 : i32
    %dma_start3A_3328 = tpu.memref_slice %arg6[%dma_start3A_3325, %dma_start3A_3326, %dma_start3A_3327] : memref<8x128x64xf32, #tpu.memory_space<vmem>> -> memref<1x16x64xf32, #tpu.memory_space<vmem>>
    %dma_start3A_3329 = tpu.memref_squeeze %dma_start3A_3328 : memref<1x16x64xf32, #tpu.memory_space<vmem>> -> memref<16x64xf32, #tpu.memory_space<vmem>>
    %dma_start3A_3330 = arith.constant 0 : i32
    %dma_start3A_3331 = arith.constant 0 : i32
    %dma_start3A_3332 = tpu.memref_slice %arg3[%dma_start3A_3330, %dma_start3A_3331] : memref<1000000x64xf32, #tpu.memory_space<hbm>> -> memref<1000000x64xf32, #tpu.memory_space<hbm>>
    tpu.enqueue_indirect_dma source(%dma_start3A_3332 : memref<1000000x64xf32, #tpu.memory_space<hbm>>) target(%dma_start3A_3329 : memref<16x64xf32, #tpu.memory_space<vmem>>) offsets(%get3A_3324 : vector<16xi32>) semaphore(%arg8 : memref<!tpu.dma_semaphore, #tpu.memory_space<semaphore_mem>>)
    %get3A_3333 = arith.constant 25 : i32
    %get3A_3334 = arith.index_cast %get3A_3333 : i32 to index
    %get3A_3335 = arith.constant 16 : index
    %get3A_3336 = tpu.vector_load %arg5[%get3A_3334, %get3A_3335] {strides = array<i32>} : memref<26x128xi32, #tpu.memory_space<vmem>>, vector<1x16xi32>,
    %get3A_3337 = vector.shape_cast %get3A_3336 : vector<1x16xi32> to vector<16xi32>
    %dma_start3A_3338 = arith.constant 1 : i32
    %dma_start3A_3339 = arith.constant 16 : i32
    %dma_start3A_3340 = arith.constant 0 : i32
    %dma_start3A_3341 = tpu.memref_slice %arg6[%dma_start3A_3338, %dma_start3A_3339, %dma_start3A_3340] : memref<8x128x64xf32, #tpu.memory_space<vmem>> -> memref<1x16x64xf32, #tpu.memory_space<vmem>>
    %dma_start3A_3342 = tpu.memref_squeeze %dma_start3A_3341 : memref<1x16x64xf32, #tpu.memory_space<vmem>> -> memref<16x64xf32, #tpu.memory_space<vmem>>
    %dma_start3A_3343 = arith.constant 0 : i32
    %dma_start3A_3344 = arith.constant 0 : i32
    %dma_start3A_3345 = tpu.memref_slice %arg3[%dma_start3A_3343, %dma_start3A_3344] : memref<1000000x64xf32, #tpu.memory_space<hbm>> -> memref<1000000x64xf32, #tpu.memory_space<hbm>>
    tpu.enqueue_indirect_dma source(%dma_start3A_3345 : memref<1000000x64xf32, #tpu.memory_space<hbm>>) target(%dma_start3A_3342 : memref<16x64xf32, #tpu.memory_space<vmem>>) offsets(%get3A_3337 : vector<16xi32>) semaphore(%arg8 : memref<!tpu.dma_semaphore, #tpu.memory_space<semaphore_mem>>)
    %get3A_3346 = arith.constant 25 : i32
    %get3A_3347 = arith.index_cast %get3A_3346 : i32 to index
    %get3A_3348 = arith.constant 32 : index
    %get3A_3349 = tpu.vector_load %arg5[%get3A_3347, %get3A_3348] {strides = array<i32>} : memref<26x128xi32, #tpu.memory_space<vmem>>, vector<1x16xi32>,
    %get3A_3350 = vector.shape_cast %get3A_3349 : vector<1x16xi32> to vector<16xi32>
    %dma_start3A_3351 = arith.constant 1 : i32
    %dma_start3A_3352 = arith.constant 32 : i32
    %dma_start3A_3353 = arith.constant 0 : i32
    %dma_start3A_3354 = tpu.memref_slice %arg6[%dma_start3A_3351, %dma_start3A_3352, %dma_start3A_3353] : memref<8x128x64xf32, #tpu.memory_space<vmem>> -> memref<1x16x64xf32, #tpu.memory_space<vmem>>
    %dma_start3A_3355 = tpu.memref_squeeze %dma_start3A_3354 : memref<1x16x64xf32, #tpu.memory_space<vmem>> -> memref<16x64xf32, #tpu.memory_space<vmem>>
    %dma_start3A_3356 = arith.constant 0 : i32
    %dma_start3A_3357 = arith.constant 0 : i32
    %dma_start3A_3358 = tpu.memref_slice %arg3[%dma_start3A_3356, %dma_start3A_3357] : memref<1000000x64xf32, #tpu.memory_space<hbm>> -> memref<1000000x64xf32, #tpu.memory_space<hbm>>
    tpu.enqueue_indirect_dma source(%dma_start3A_3358 : memref<1000000x64xf32, #tpu.memory_space<hbm>>) target(%dma_start3A_3355 : memref<16x64xf32, #tpu.memory_space<vmem>>) offsets(%get3A_3350 : vector<16xi32>) semaphore(%arg8 : memref<!tpu.dma_semaphore, #tpu.memory_space<semaphore_mem>>)
    %get3A_3359 = arith.constant 25 : i32
    %get3A_3360 = arith.index_cast %get3A_3359 : i32 to index
    %get3A_3361 = arith.constant 48 : index
    %get3A_3362 = tpu.vector_load %arg5[%get3A_3360, %get3A_3361] {strides = array<i32>} : memref<26x128xi32, #tpu.memory_space<vmem>>, vector<1x16xi32>,
    %get3A_3363 = vector.shape_cast %get3A_3362 : vector<1x16xi32> to vector<16xi32>
    %dma_start3A_3364 = arith.constant 1 : i32
    %dma_start3A_3365 = arith.constant 48 : i32
    %dma_start3A_3366 = arith.constant 0 : i32
    %dma_start3A_3367 = tpu.memref_slice %arg6[%dma_start3A_3364, %dma_start3A_3365, %dma_start3A_3366] : memref<8x128x64xf32, #tpu.memory_space<vmem>> -> memref<1x16x64xf32, #tpu.memory_space<vmem>>
    %dma_start3A_3368 = tpu.memref_squeeze %dma_start3A_3367 : memref<1x16x64xf32, #tpu.memory_space<vmem>> -> memref<16x64xf32, #tpu.memory_space<vmem>>
    %dma_start3A_3369 = arith.constant 0 : i32
    %dma_start3A_3370 = arith.constant 0 : i32
    %dma_start3A_3371 = tpu.memref_slice %arg3[%dma_start3A_3369, %dma_start3A_3370] : memref<1000000x64xf32, #tpu.memory_space<hbm>> -> memref<1000000x64xf32, #tpu.memory_space<hbm>>
    tpu.enqueue_indirect_dma source(%dma_start3A_3371 : memref<1000000x64xf32, #tpu.memory_space<hbm>>) target(%dma_start3A_3368 : memref<16x64xf32, #tpu.memory_space<vmem>>) offsets(%get3A_3363 : vector<16xi32>) semaphore(%arg8 : memref<!tpu.dma_semaphore, #tpu.memory_space<semaphore_mem>>)
    %get3A_3372 = arith.constant 25 : i32
    %get3A_3373 = arith.index_cast %get3A_3372 : i32 to index
    %get3A_3374 = arith.constant 64 : index
    %get3A_3375 = tpu.vector_load %arg5[%get3A_3373, %get3A_3374] {strides = array<i32>} : memref<26x128xi32, #tpu.memory_space<vmem>>, vector<1x16xi32>,
    %get3A_3376 = vector.shape_cast %get3A_3375 : vector<1x16xi32> to vector<16xi32>
    %dma_start3A_3377 = arith.constant 1 : i32
    %dma_start3A_3378 = arith.constant 64 : i32
    %dma_start3A_3379 = arith.constant 0 : i32
    %dma_start3A_3380 = tpu.memref_slice %arg6[%dma_start3A_3377, %dma_start3A_3378, %dma_start3A_3379] : memref<8x128x64xf32, #tpu.memory_space<vmem>> -> memref<1x16x64xf32, #tpu.memory_space<vmem>>
    %dma_start3A_3381 = tpu.memref_squeeze %dma_start3A_3380 : memref<1x16x64xf32, #tpu.memory_space<vmem>> -> memref<16x64xf32, #tpu.memory_space<vmem>>
    %dma_start3A_3382 = arith.constant 0 : i32
    %dma_start3A_3383 = arith.constant 0 : i32
    %dma_start3A_3384 = tpu.memref_slice %arg3[%dma_start3A_3382, %dma_start3A_3383] : memref<1000000x64xf32, #tpu.memory_space<hbm>> -> memref<1000000x64xf32, #tpu.memory_space<hbm>>
    tpu.enqueue_indirect_dma source(%dma_start3A_3384 : memref<1000000x64xf32, #tpu.memory_space<hbm>>) target(%dma_start3A_3381 : memref<16x64xf32, #tpu.memory_space<vmem>>) offsets(%get3A_3376 : vector<16xi32>) semaphore(%arg8 : memref<!tpu.dma_semaphore, #tpu.memory_space<semaphore_mem>>)
    %get3A_3385 = arith.constant 25 : i32
    %get3A_3386 = arith.index_cast %get3A_3385 : i32 to index
    %get3A_3387 = arith.constant 80 : index
    %get3A_3388 = tpu.vector_load %arg5[%get3A_3386, %get3A_3387] {strides = array<i32>} : memref<26x128xi32, #tpu.memory_space<vmem>>, vector<1x16xi32>,
    %get3A_3389 = vector.shape_cast %get3A_3388 : vector<1x16xi32> to vector<16xi32>
    %dma_start3A_3390 = arith.constant 1 : i32
    %dma_start3A_3391 = arith.constant 80 : i32
    %dma_start3A_3392 = arith.constant 0 : i32
    %dma_start3A_3393 = tpu.memref_slice %arg6[%dma_start3A_3390, %dma_start3A_3391, %dma_start3A_3392] : memref<8x128x64xf32, #tpu.memory_space<vmem>> -> memref<1x16x64xf32, #tpu.memory_space<vmem>>
    %dma_start3A_3394 = tpu.memref_squeeze %dma_start3A_3393 : memref<1x16x64xf32, #tpu.memory_space<vmem>> -> memref<16x64xf32, #tpu.memory_space<vmem>>
    %dma_start3A_3395 = arith.constant 0 : i32
    %dma_start3A_3396 = arith.constant 0 : i32
    %dma_start3A_3397 = tpu.memref_slice %arg3[%dma_start3A_3395, %dma_start3A_3396] : memref<1000000x64xf32, #tpu.memory_space<hbm>> -> memref<1000000x64xf32, #tpu.memory_space<hbm>>
    tpu.enqueue_indirect_dma source(%dma_start3A_3397 : memref<1000000x64xf32, #tpu.memory_space<hbm>>) target(%dma_start3A_3394 : memref<16x64xf32, #tpu.memory_space<vmem>>) offsets(%get3A_3389 : vector<16xi32>) semaphore(%arg8 : memref<!tpu.dma_semaphore, #tpu.memory_space<semaphore_mem>>)
    %get3A_3398 = arith.constant 25 : i32
    %get3A_3399 = arith.index_cast %get3A_3398 : i32 to index
    %get3A_3400 = arith.constant 96 : index
    %get3A_3401 = tpu.vector_load %arg5[%get3A_3399, %get3A_3400] {strides = array<i32>} : memref<26x128xi32, #tpu.memory_space<vmem>>, vector<1x16xi32>,
    %get3A_3402 = vector.shape_cast %get3A_3401 : vector<1x16xi32> to vector<16xi32>
    %dma_start3A_3403 = arith.constant 1 : i32
    %dma_start3A_3404 = arith.constant 96 : i32
    %dma_start3A_3405 = arith.constant 0 : i32
    %dma_start3A_3406 = tpu.memref_slice %arg6[%dma_start3A_3403, %dma_start3A_3404, %dma_start3A_3405] : memref<8x128x64xf32, #tpu.memory_space<vmem>> -> memref<1x16x64xf32, #tpu.memory_space<vmem>>
    %dma_start3A_3407 = tpu.memref_squeeze %dma_start3A_3406 : memref<1x16x64xf32, #tpu.memory_space<vmem>> -> memref<16x64xf32, #tpu.memory_space<vmem>>
    %dma_start3A_3408 = arith.constant 0 : i32
    %dma_start3A_3409 = arith.constant 0 : i32
    %dma_start3A_3410 = tpu.memref_slice %arg3[%dma_start3A_3408, %dma_start3A_3409] : memref<1000000x64xf32, #tpu.memory_space<hbm>> -> memref<1000000x64xf32, #tpu.memory_space<hbm>>
    tpu.enqueue_indirect_dma source(%dma_start3A_3410 : memref<1000000x64xf32, #tpu.memory_space<hbm>>) target(%dma_start3A_3407 : memref<16x64xf32, #tpu.memory_space<vmem>>) offsets(%get3A_3402 : vector<16xi32>) semaphore(%arg8 : memref<!tpu.dma_semaphore, #tpu.memory_space<semaphore_mem>>)
    %get3A_3411 = arith.constant 25 : i32
    %get3A_3412 = arith.index_cast %get3A_3411 : i32 to index
    %get3A_3413 = arith.constant 112 : index
    %get3A_3414 = tpu.vector_load %arg5[%get3A_3412, %get3A_3413] {strides = array<i32>} : memref<26x128xi32, #tpu.memory_space<vmem>>, vector<1x16xi32>,
    %get3A_3415 = vector.shape_cast %get3A_3414 : vector<1x16xi32> to vector<16xi32>
    %dma_start3A_3416 = arith.constant 1 : i32
    %dma_start3A_3417 = arith.constant 112 : i32
    %dma_start3A_3418 = arith.constant 0 : i32
    %dma_start3A_3419 = tpu.memref_slice %arg6[%dma_start3A_3416, %dma_start3A_3417, %dma_start3A_3418] : memref<8x128x64xf32, #tpu.memory_space<vmem>> -> memref<1x16x64xf32, #tpu.memory_space<vmem>>
    %dma_start3A_3420 = tpu.memref_squeeze %dma_start3A_3419 : memref<1x16x64xf32, #tpu.memory_space<vmem>> -> memref<16x64xf32, #tpu.memory_space<vmem>>
    %dma_start3A_3421 = arith.constant 0 : i32
    %dma_start3A_3422 = arith.constant 0 : i32
    %dma_start3A_3423 = tpu.memref_slice %arg3[%dma_start3A_3421, %dma_start3A_3422] : memref<1000000x64xf32, #tpu.memory_space<hbm>> -> memref<1000000x64xf32, #tpu.memory_space<hbm>>
    tpu.enqueue_indirect_dma source(%dma_start3A_3423 : memref<1000000x64xf32, #tpu.memory_space<hbm>>) target(%dma_start3A_3420 : memref<16x64xf32, #tpu.memory_space<vmem>>) offsets(%get3A_3415 : vector<16xi32>) semaphore(%arg8 : memref<!tpu.dma_semaphore, #tpu.memory_space<semaphore_mem>>)
    %dma_wait3A_3424 = arith.constant 18 : i32
    %dma_wait3A_3425 = arith.constant 2 : i32
    %dma_wait3A_3426 = arith.constant 0 : i32
    %dma_wait3A_3427 = arith.constant 0 : i32
    %dma_wait3A_3428 = tpu.memref_slice %arg6[%dma_wait3A_3425, %dma_wait3A_3426, %dma_wait3A_3427] : memref<8x128x64xf32, #tpu.memory_space<vmem>> -> memref<1x128x64xf32, #tpu.memory_space<vmem>>
    %dma_wait3A_3429 = tpu.memref_squeeze %dma_wait3A_3428 : memref<1x128x64xf32, #tpu.memory_space<vmem>> -> memref<128x64xf32, #tpu.memory_space<vmem>>
    %dma_wait3A_3430 = arith.constant 0 : i32
    %dma_wait3A_3431 = tpu.memref_slice %arg5[%dma_wait3A_3424, %dma_wait3A_3430] : memref<26x128xi32, #tpu.memory_space<vmem>> -> memref<1x128xi32, #tpu.memory_space<vmem>>
    %dma_wait3A_3432 = tpu.memref_squeeze %dma_wait3A_3431 : memref<1x128xi32, #tpu.memory_space<vmem>> -> memref<128xi32, #tpu.memory_space<vmem>>
    %dma_wait3A_3433 = arith.constant 0 : i32
    %dma_wait3A_3434 = arith.constant 0 : i32
    %dma_wait3A_3435 = tpu.memref_slice %arg3[%dma_wait3A_3433, %dma_wait3A_3434] : memref<1000000x64xf32, #tpu.memory_space<hbm>> -> memref<1000000x64xf32, #tpu.memory_space<hbm>>
    tpu.wait_indirect_dma semaphore(%arg9 : memref<!tpu.dma_semaphore, #tpu.memory_space<semaphore_mem>>) src(%dma_wait3A_3435 : memref<1000000x64xf32, #tpu.memory_space<hbm>>) dst(%dma_wait3A_3429 : memref<128x64xf32, #tpu.memory_space<vmem>>)
    %add3A_3436 = arith.constant 2304 : i32
    %add3A_3437 = arith.addi %mul3A_2, %add3A_3436 : i32
    %dma_start3A_3438 = arith.constant 2 : i32
    %dma_start3A_3439 = arith.constant 0 : i32
    %dma_start3A_3440 = arith.constant 0 : i32
    %dma_start3A_3441 = tpu.memref_slice %arg6[%dma_start3A_3438, %dma_start3A_3439, %dma_start3A_3440] : memref<8x128x64xf32, #tpu.memory_space<vmem>> -> memref<1x128x64xf32, #tpu.memory_space<vmem>>
    %dma_start3A_3442 = tpu.memref_squeeze %dma_start3A_3441 : memref<1x128x64xf32, #tpu.memory_space<vmem>> -> memref<128x64xf32, #tpu.memory_space<vmem>>
    %dma_start3A_3443 = arith.constant 0 : i32
    %dma_start3A_3444 = tpu.memref_slice %arg4[%add3A_3437, %dma_start3A_3443] : memref<106496x64xf32, #tpu.memory_space<hbm>> -> memref<128x64xf32, #tpu.memory_space<hbm>>
    %dma_start3A_3445 = arith.constant 0 : i32
    %dma_start3A_3446 = tpu.memref_slice %arg4[%add3A_3437, %dma_start3A_3445] : memref<106496x64xf32, #tpu.memory_space<hbm>> -> memref<128x64xf32, #tpu.memory_space<hbm>>
    %dma_start3A_3447 = arith.constant 0 : i32
    %dma_start3A_3448 = arith.constant 0 : i32
    %dma_start3A_3449 = tpu.memref_slice %arg6[%dma_start3A_3438, %dma_start3A_3447, %dma_start3A_3448] : memref<8x128x64xf32, #tpu.memory_space<vmem>> -> memref<1x128x64xf32, #tpu.memory_space<vmem>>
    %dma_start3A_3450 = tpu.memref_squeeze %dma_start3A_3449 : memref<1x128x64xf32, #tpu.memory_space<vmem>> -> memref<128x64xf32, #tpu.memory_space<vmem>>
    tpu.enqueue_dma source(%dma_start3A_3450 : memref<128x64xf32, #tpu.memory_space<vmem>>) target(%dma_start3A_3446 : memref<128x64xf32, #tpu.memory_space<hbm>>) target_semaphore(%arg17 : memref<!tpu.dma_semaphore, #tpu.memory_space<semaphore_mem>>)
    %dma_wait3A_3451 = arith.constant 19 : i32
    %dma_wait3A_3452 = arith.constant 3 : i32
    %dma_wait3A_3453 = arith.constant 0 : i32
    %dma_wait3A_3454 = arith.constant 0 : i32
    %dma_wait3A_3455 = tpu.memref_slice %arg6[%dma_wait3A_3452, %dma_wait3A_3453, %dma_wait3A_3454] : memref<8x128x64xf32, #tpu.memory_space<vmem>> -> memref<1x128x64xf32, #tpu.memory_space<vmem>>
    %dma_wait3A_3456 = tpu.memref_squeeze %dma_wait3A_3455 : memref<1x128x64xf32, #tpu.memory_space<vmem>> -> memref<128x64xf32, #tpu.memory_space<vmem>>
    %dma_wait3A_3457 = arith.constant 0 : i32
    %dma_wait3A_3458 = tpu.memref_slice %arg5[%dma_wait3A_3451, %dma_wait3A_3457] : memref<26x128xi32, #tpu.memory_space<vmem>> -> memref<1x128xi32, #tpu.memory_space<vmem>>
    %dma_wait3A_3459 = tpu.memref_squeeze %dma_wait3A_3458 : memref<1x128xi32, #tpu.memory_space<vmem>> -> memref<128xi32, #tpu.memory_space<vmem>>
    %dma_wait3A_3460 = arith.constant 0 : i32
    %dma_wait3A_3461 = arith.constant 0 : i32
    %dma_wait3A_3462 = tpu.memref_slice %arg3[%dma_wait3A_3460, %dma_wait3A_3461] : memref<1000000x64xf32, #tpu.memory_space<hbm>> -> memref<1000000x64xf32, #tpu.memory_space<hbm>>
    tpu.wait_indirect_dma semaphore(%arg10 : memref<!tpu.dma_semaphore, #tpu.memory_space<semaphore_mem>>) src(%dma_wait3A_3462 : memref<1000000x64xf32, #tpu.memory_space<hbm>>) dst(%dma_wait3A_3456 : memref<128x64xf32, #tpu.memory_space<vmem>>)
    %add3A_3463 = arith.constant 2432 : i32
    %add3A_3464 = arith.addi %mul3A_2, %add3A_3463 : i32
    %dma_start3A_3465 = arith.constant 3 : i32
    %dma_start3A_3466 = arith.constant 0 : i32
    %dma_start3A_3467 = arith.constant 0 : i32
    %dma_start3A_3468 = tpu.memref_slice %arg6[%dma_start3A_3465, %dma_start3A_3466, %dma_start3A_3467] : memref<8x128x64xf32, #tpu.memory_space<vmem>> -> memref<1x128x64xf32, #tpu.memory_space<vmem>>
    %dma_start3A_3469 = tpu.memref_squeeze %dma_start3A_3468 : memref<1x128x64xf32, #tpu.memory_space<vmem>> -> memref<128x64xf32, #tpu.memory_space<vmem>>
    %dma_start3A_3470 = arith.constant 0 : i32
    %dma_start3A_3471 = tpu.memref_slice %arg4[%add3A_3464, %dma_start3A_3470] : memref<106496x64xf32, #tpu.memory_space<hbm>> -> memref<128x64xf32, #tpu.memory_space<hbm>>
    %dma_start3A_3472 = arith.constant 0 : i32
    %dma_start3A_3473 = tpu.memref_slice %arg4[%add3A_3464, %dma_start3A_3472] : memref<106496x64xf32, #tpu.memory_space<hbm>> -> memref<128x64xf32, #tpu.memory_space<hbm>>
    %dma_start3A_3474 = arith.constant 0 : i32
    %dma_start3A_3475 = arith.constant 0 : i32
    %dma_start3A_3476 = tpu.memref_slice %arg6[%dma_start3A_3465, %dma_start3A_3474, %dma_start3A_3475] : memref<8x128x64xf32, #tpu.memory_space<vmem>> -> memref<1x128x64xf32, #tpu.memory_space<vmem>>
    %dma_start3A_3477 = tpu.memref_squeeze %dma_start3A_3476 : memref<1x128x64xf32, #tpu.memory_space<vmem>> -> memref<128x64xf32, #tpu.memory_space<vmem>>
    tpu.enqueue_dma source(%dma_start3A_3477 : memref<128x64xf32, #tpu.memory_space<vmem>>) target(%dma_start3A_3473 : memref<128x64xf32, #tpu.memory_space<hbm>>) target_semaphore(%arg18 : memref<!tpu.dma_semaphore, #tpu.memory_space<semaphore_mem>>)
    %dma_wait3A_3478 = arith.constant 20 : i32
    %dma_wait3A_3479 = arith.constant 4 : i32
    %dma_wait3A_3480 = arith.constant 0 : i32
    %dma_wait3A_3481 = arith.constant 0 : i32
    %dma_wait3A_3482 = tpu.memref_slice %arg6[%dma_wait3A_3479, %dma_wait3A_3480, %dma_wait3A_3481] : memref<8x128x64xf32, #tpu.memory_space<vmem>> -> memref<1x128x64xf32, #tpu.memory_space<vmem>>
    %dma_wait3A_3483 = tpu.memref_squeeze %dma_wait3A_3482 : memref<1x128x64xf32, #tpu.memory_space<vmem>> -> memref<128x64xf32, #tpu.memory_space<vmem>>
    %dma_wait3A_3484 = arith.constant 0 : i32
    %dma_wait3A_3485 = tpu.memref_slice %arg5[%dma_wait3A_3478, %dma_wait3A_3484] : memref<26x128xi32, #tpu.memory_space<vmem>> -> memref<1x128xi32, #tpu.memory_space<vmem>>
    %dma_wait3A_3486 = tpu.memref_squeeze %dma_wait3A_3485 : memref<1x128xi32, #tpu.memory_space<vmem>> -> memref<128xi32, #tpu.memory_space<vmem>>
    %dma_wait3A_3487 = arith.constant 0 : i32
    %dma_wait3A_3488 = arith.constant 0 : i32
    %dma_wait3A_3489 = tpu.memref_slice %arg3[%dma_wait3A_3487, %dma_wait3A_3488] : memref<1000000x64xf32, #tpu.memory_space<hbm>> -> memref<1000000x64xf32, #tpu.memory_space<hbm>>
    tpu.wait_indirect_dma semaphore(%arg11 : memref<!tpu.dma_semaphore, #tpu.memory_space<semaphore_mem>>) src(%dma_wait3A_3489 : memref<1000000x64xf32, #tpu.memory_space<hbm>>) dst(%dma_wait3A_3483 : memref<128x64xf32, #tpu.memory_space<vmem>>)
    %add3A_3490 = arith.constant 2560 : i32
    %add3A_3491 = arith.addi %mul3A_2, %add3A_3490 : i32
    %dma_start3A_3492 = arith.constant 4 : i32
    %dma_start3A_3493 = arith.constant 0 : i32
    %dma_start3A_3494 = arith.constant 0 : i32
    %dma_start3A_3495 = tpu.memref_slice %arg6[%dma_start3A_3492, %dma_start3A_3493, %dma_start3A_3494] : memref<8x128x64xf32, #tpu.memory_space<vmem>> -> memref<1x128x64xf32, #tpu.memory_space<vmem>>
    %dma_start3A_3496 = tpu.memref_squeeze %dma_start3A_3495 : memref<1x128x64xf32, #tpu.memory_space<vmem>> -> memref<128x64xf32, #tpu.memory_space<vmem>>
    %dma_start3A_3497 = arith.constant 0 : i32
    %dma_start3A_3498 = tpu.memref_slice %arg4[%add3A_3491, %dma_start3A_3497] : memref<106496x64xf32, #tpu.memory_space<hbm>> -> memref<128x64xf32, #tpu.memory_space<hbm>>
    %dma_start3A_3499 = arith.constant 0 : i32
    %dma_start3A_3500 = tpu.memref_slice %arg4[%add3A_3491, %dma_start3A_3499] : memref<106496x64xf32, #tpu.memory_space<hbm>> -> memref<128x64xf32, #tpu.memory_space<hbm>>
    %dma_start3A_3501 = arith.constant 0 : i32
    %dma_start3A_3502 = arith.constant 0 : i32
    %dma_start3A_3503 = tpu.memref_slice %arg6[%dma_start3A_3492, %dma_start3A_3501, %dma_start3A_3502] : memref<8x128x64xf32, #tpu.memory_space<vmem>> -> memref<1x128x64xf32, #tpu.memory_space<vmem>>
    %dma_start3A_3504 = tpu.memref_squeeze %dma_start3A_3503 : memref<1x128x64xf32, #tpu.memory_space<vmem>> -> memref<128x64xf32, #tpu.memory_space<vmem>>
    tpu.enqueue_dma source(%dma_start3A_3504 : memref<128x64xf32, #tpu.memory_space<vmem>>) target(%dma_start3A_3500 : memref<128x64xf32, #tpu.memory_space<hbm>>) target_semaphore(%arg19 : memref<!tpu.dma_semaphore, #tpu.memory_space<semaphore_mem>>)
    %dma_wait3A_3505 = arith.constant 21 : i32
    %dma_wait3A_3506 = arith.constant 5 : i32
    %dma_wait3A_3507 = arith.constant 0 : i32
    %dma_wait3A_3508 = arith.constant 0 : i32
    %dma_wait3A_3509 = tpu.memref_slice %arg6[%dma_wait3A_3506, %dma_wait3A_3507, %dma_wait3A_3508] : memref<8x128x64xf32, #tpu.memory_space<vmem>> -> memref<1x128x64xf32, #tpu.memory_space<vmem>>
    %dma_wait3A_3510 = tpu.memref_squeeze %dma_wait3A_3509 : memref<1x128x64xf32, #tpu.memory_space<vmem>> -> memref<128x64xf32, #tpu.memory_space<vmem>>
    %dma_wait3A_3511 = arith.constant 0 : i32
    %dma_wait3A_3512 = tpu.memref_slice %arg5[%dma_wait3A_3505, %dma_wait3A_3511] : memref<26x128xi32, #tpu.memory_space<vmem>> -> memref<1x128xi32, #tpu.memory_space<vmem>>
    %dma_wait3A_3513 = tpu.memref_squeeze %dma_wait3A_3512 : memref<1x128xi32, #tpu.memory_space<vmem>> -> memref<128xi32, #tpu.memory_space<vmem>>
    %dma_wait3A_3514 = arith.constant 0 : i32
    %dma_wait3A_3515 = arith.constant 0 : i32
    %dma_wait3A_3516 = tpu.memref_slice %arg3[%dma_wait3A_3514, %dma_wait3A_3515] : memref<1000000x64xf32, #tpu.memory_space<hbm>> -> memref<1000000x64xf32, #tpu.memory_space<hbm>>
    tpu.wait_indirect_dma semaphore(%arg12 : memref<!tpu.dma_semaphore, #tpu.memory_space<semaphore_mem>>) src(%dma_wait3A_3516 : memref<1000000x64xf32, #tpu.memory_space<hbm>>) dst(%dma_wait3A_3510 : memref<128x64xf32, #tpu.memory_space<vmem>>)
    %add3A_3517 = arith.constant 2688 : i32
    %add3A_3518 = arith.addi %mul3A_2, %add3A_3517 : i32
    %dma_start3A_3519 = arith.constant 5 : i32
    %dma_start3A_3520 = arith.constant 0 : i32
    %dma_start3A_3521 = arith.constant 0 : i32
    %dma_start3A_3522 = tpu.memref_slice %arg6[%dma_start3A_3519, %dma_start3A_3520, %dma_start3A_3521] : memref<8x128x64xf32, #tpu.memory_space<vmem>> -> memref<1x128x64xf32, #tpu.memory_space<vmem>>
    %dma_start3A_3523 = tpu.memref_squeeze %dma_start3A_3522 : memref<1x128x64xf32, #tpu.memory_space<vmem>> -> memref<128x64xf32, #tpu.memory_space<vmem>>
    %dma_start3A_3524 = arith.constant 0 : i32
    %dma_start3A_3525 = tpu.memref_slice %arg4[%add3A_3518, %dma_start3A_3524] : memref<106496x64xf32, #tpu.memory_space<hbm>> -> memref<128x64xf32, #tpu.memory_space<hbm>>
    %dma_start3A_3526 = arith.constant 0 : i32
    %dma_start3A_3527 = tpu.memref_slice %arg4[%add3A_3518, %dma_start3A_3526] : memref<106496x64xf32, #tpu.memory_space<hbm>> -> memref<128x64xf32, #tpu.memory_space<hbm>>
    %dma_start3A_3528 = arith.constant 0 : i32
    %dma_start3A_3529 = arith.constant 0 : i32
    %dma_start3A_3530 = tpu.memref_slice %arg6[%dma_start3A_3519, %dma_start3A_3528, %dma_start3A_3529] : memref<8x128x64xf32, #tpu.memory_space<vmem>> -> memref<1x128x64xf32, #tpu.memory_space<vmem>>
    %dma_start3A_3531 = tpu.memref_squeeze %dma_start3A_3530 : memref<1x128x64xf32, #tpu.memory_space<vmem>> -> memref<128x64xf32, #tpu.memory_space<vmem>>
    tpu.enqueue_dma source(%dma_start3A_3531 : memref<128x64xf32, #tpu.memory_space<vmem>>) target(%dma_start3A_3527 : memref<128x64xf32, #tpu.memory_space<hbm>>) target_semaphore(%arg20 : memref<!tpu.dma_semaphore, #tpu.memory_space<semaphore_mem>>)
    %dma_wait3A_3532 = arith.constant 22 : i32
    %dma_wait3A_3533 = arith.constant 6 : i32
    %dma_wait3A_3534 = arith.constant 0 : i32
    %dma_wait3A_3535 = arith.constant 0 : i32
    %dma_wait3A_3536 = tpu.memref_slice %arg6[%dma_wait3A_3533, %dma_wait3A_3534, %dma_wait3A_3535] : memref<8x128x64xf32, #tpu.memory_space<vmem>> -> memref<1x128x64xf32, #tpu.memory_space<vmem>>
    %dma_wait3A_3537 = tpu.memref_squeeze %dma_wait3A_3536 : memref<1x128x64xf32, #tpu.memory_space<vmem>> -> memref<128x64xf32, #tpu.memory_space<vmem>>
    %dma_wait3A_3538 = arith.constant 0 : i32
    %dma_wait3A_3539 = tpu.memref_slice %arg5[%dma_wait3A_3532, %dma_wait3A_3538] : memref<26x128xi32, #tpu.memory_space<vmem>> -> memref<1x128xi32, #tpu.memory_space<vmem>>
    %dma_wait3A_3540 = tpu.memref_squeeze %dma_wait3A_3539 : memref<1x128xi32, #tpu.memory_space<vmem>> -> memref<128xi32, #tpu.memory_space<vmem>>
    %dma_wait3A_3541 = arith.constant 0 : i32
    %dma_wait3A_3542 = arith.constant 0 : i32
    %dma_wait3A_3543 = tpu.memref_slice %arg3[%dma_wait3A_3541, %dma_wait3A_3542] : memref<1000000x64xf32, #tpu.memory_space<hbm>> -> memref<1000000x64xf32, #tpu.memory_space<hbm>>
    tpu.wait_indirect_dma semaphore(%arg13 : memref<!tpu.dma_semaphore, #tpu.memory_space<semaphore_mem>>) src(%dma_wait3A_3543 : memref<1000000x64xf32, #tpu.memory_space<hbm>>) dst(%dma_wait3A_3537 : memref<128x64xf32, #tpu.memory_space<vmem>>)
    %add3A_3544 = arith.constant 2816 : i32
    %add3A_3545 = arith.addi %mul3A_2, %add3A_3544 : i32
    %dma_start3A_3546 = arith.constant 6 : i32
    %dma_start3A_3547 = arith.constant 0 : i32
    %dma_start3A_3548 = arith.constant 0 : i32
    %dma_start3A_3549 = tpu.memref_slice %arg6[%dma_start3A_3546, %dma_start3A_3547, %dma_start3A_3548] : memref<8x128x64xf32, #tpu.memory_space<vmem>> -> memref<1x128x64xf32, #tpu.memory_space<vmem>>
    %dma_start3A_3550 = tpu.memref_squeeze %dma_start3A_3549 : memref<1x128x64xf32, #tpu.memory_space<vmem>> -> memref<128x64xf32, #tpu.memory_space<vmem>>
    %dma_start3A_3551 = arith.constant 0 : i32
    %dma_start3A_3552 = tpu.memref_slice %arg4[%add3A_3545, %dma_start3A_3551] : memref<106496x64xf32, #tpu.memory_space<hbm>> -> memref<128x64xf32, #tpu.memory_space<hbm>>
    %dma_start3A_3553 = arith.constant 0 : i32
    %dma_start3A_3554 = tpu.memref_slice %arg4[%add3A_3545, %dma_start3A_3553] : memref<106496x64xf32, #tpu.memory_space<hbm>> -> memref<128x64xf32, #tpu.memory_space<hbm>>
    %dma_start3A_3555 = arith.constant 0 : i32
    %dma_start3A_3556 = arith.constant 0 : i32
    %dma_start3A_3557 = tpu.memref_slice %arg6[%dma_start3A_3546, %dma_start3A_3555, %dma_start3A_3556] : memref<8x128x64xf32, #tpu.memory_space<vmem>> -> memref<1x128x64xf32, #tpu.memory_space<vmem>>
    %dma_start3A_3558 = tpu.memref_squeeze %dma_start3A_3557 : memref<1x128x64xf32, #tpu.memory_space<vmem>> -> memref<128x64xf32, #tpu.memory_space<vmem>>
    tpu.enqueue_dma source(%dma_start3A_3558 : memref<128x64xf32, #tpu.memory_space<vmem>>) target(%dma_start3A_3554 : memref<128x64xf32, #tpu.memory_space<hbm>>) target_semaphore(%arg21 : memref<!tpu.dma_semaphore, #tpu.memory_space<semaphore_mem>>)
    %dma_wait3A_3559 = arith.constant 23 : i32
    %dma_wait3A_3560 = arith.constant 7 : i32
    %dma_wait3A_3561 = arith.constant 0 : i32
    %dma_wait3A_3562 = arith.constant 0 : i32
    %dma_wait3A_3563 = tpu.memref_slice %arg6[%dma_wait3A_3560, %dma_wait3A_3561, %dma_wait3A_3562] : memref<8x128x64xf32, #tpu.memory_space<vmem>> -> memref<1x128x64xf32, #tpu.memory_space<vmem>>
    %dma_wait3A_3564 = tpu.memref_squeeze %dma_wait3A_3563 : memref<1x128x64xf32, #tpu.memory_space<vmem>> -> memref<128x64xf32, #tpu.memory_space<vmem>>
    %dma_wait3A_3565 = arith.constant 0 : i32
    %dma_wait3A_3566 = tpu.memref_slice %arg5[%dma_wait3A_3559, %dma_wait3A_3565] : memref<26x128xi32, #tpu.memory_space<vmem>> -> memref<1x128xi32, #tpu.memory_space<vmem>>
    %dma_wait3A_3567 = tpu.memref_squeeze %dma_wait3A_3566 : memref<1x128xi32, #tpu.memory_space<vmem>> -> memref<128xi32, #tpu.memory_space<vmem>>
    %dma_wait3A_3568 = arith.constant 0 : i32
    %dma_wait3A_3569 = arith.constant 0 : i32
    %dma_wait3A_3570 = tpu.memref_slice %arg3[%dma_wait3A_3568, %dma_wait3A_3569] : memref<1000000x64xf32, #tpu.memory_space<hbm>> -> memref<1000000x64xf32, #tpu.memory_space<hbm>>
    tpu.wait_indirect_dma semaphore(%arg14 : memref<!tpu.dma_semaphore, #tpu.memory_space<semaphore_mem>>) src(%dma_wait3A_3570 : memref<1000000x64xf32, #tpu.memory_space<hbm>>) dst(%dma_wait3A_3564 : memref<128x64xf32, #tpu.memory_space<vmem>>)
    %add3A_3571 = arith.constant 2944 : i32
    %add3A_3572 = arith.addi %mul3A_2, %add3A_3571 : i32
    %dma_start3A_3573 = arith.constant 7 : i32
    %dma_start3A_3574 = arith.constant 0 : i32
    %dma_start3A_3575 = arith.constant 0 : i32
    %dma_start3A_3576 = tpu.memref_slice %arg6[%dma_start3A_3573, %dma_start3A_3574, %dma_start3A_3575] : memref<8x128x64xf32, #tpu.memory_space<vmem>> -> memref<1x128x64xf32, #tpu.memory_space<vmem>>
    %dma_start3A_3577 = tpu.memref_squeeze %dma_start3A_3576 : memref<1x128x64xf32, #tpu.memory_space<vmem>> -> memref<128x64xf32, #tpu.memory_space<vmem>>
    %dma_start3A_3578 = arith.constant 0 : i32
    %dma_start3A_3579 = tpu.memref_slice %arg4[%add3A_3572, %dma_start3A_3578] : memref<106496x64xf32, #tpu.memory_space<hbm>> -> memref<128x64xf32, #tpu.memory_space<hbm>>
    %dma_start3A_3580 = arith.constant 0 : i32
    %dma_start3A_3581 = tpu.memref_slice %arg4[%add3A_3572, %dma_start3A_3580] : memref<106496x64xf32, #tpu.memory_space<hbm>> -> memref<128x64xf32, #tpu.memory_space<hbm>>
    %dma_start3A_3582 = arith.constant 0 : i32
    %dma_start3A_3583 = arith.constant 0 : i32
    %dma_start3A_3584 = tpu.memref_slice %arg6[%dma_start3A_3573, %dma_start3A_3582, %dma_start3A_3583] : memref<8x128x64xf32, #tpu.memory_space<vmem>> -> memref<1x128x64xf32, #tpu.memory_space<vmem>>
    %dma_start3A_3585 = tpu.memref_squeeze %dma_start3A_3584 : memref<1x128x64xf32, #tpu.memory_space<vmem>> -> memref<128x64xf32, #tpu.memory_space<vmem>>
    tpu.enqueue_dma source(%dma_start3A_3585 : memref<128x64xf32, #tpu.memory_space<vmem>>) target(%dma_start3A_3581 : memref<128x64xf32, #tpu.memory_space<hbm>>) target_semaphore(%arg22 : memref<!tpu.dma_semaphore, #tpu.memory_space<semaphore_mem>>)
    %dma_wait3A_3586 = arith.constant 24 : i32
    %dma_wait3A_3587 = arith.constant 0 : i32
    %dma_wait3A_3588 = arith.constant 0 : i32
    %dma_wait3A_3589 = arith.constant 0 : i32
    %dma_wait3A_3590 = tpu.memref_slice %arg6[%dma_wait3A_3587, %dma_wait3A_3588, %dma_wait3A_3589] : memref<8x128x64xf32, #tpu.memory_space<vmem>> -> memref<1x128x64xf32, #tpu.memory_space<vmem>>
    %dma_wait3A_3591 = tpu.memref_squeeze %dma_wait3A_3590 : memref<1x128x64xf32, #tpu.memory_space<vmem>> -> memref<128x64xf32, #tpu.memory_space<vmem>>
    %dma_wait3A_3592 = arith.constant 0 : i32
    %dma_wait3A_3593 = tpu.memref_slice %arg5[%dma_wait3A_3586, %dma_wait3A_3592] : memref<26x128xi32, #tpu.memory_space<vmem>> -> memref<1x128xi32, #tpu.memory_space<vmem>>
    %dma_wait3A_3594 = tpu.memref_squeeze %dma_wait3A_3593 : memref<1x128xi32, #tpu.memory_space<vmem>> -> memref<128xi32, #tpu.memory_space<vmem>>
    %dma_wait3A_3595 = arith.constant 0 : i32
    %dma_wait3A_3596 = arith.constant 0 : i32
    %dma_wait3A_3597 = tpu.memref_slice %arg3[%dma_wait3A_3595, %dma_wait3A_3596] : memref<1000000x64xf32, #tpu.memory_space<hbm>> -> memref<1000000x64xf32, #tpu.memory_space<hbm>>
    tpu.wait_indirect_dma semaphore(%arg7 : memref<!tpu.dma_semaphore, #tpu.memory_space<semaphore_mem>>) src(%dma_wait3A_3597 : memref<1000000x64xf32, #tpu.memory_space<hbm>>) dst(%dma_wait3A_3591 : memref<128x64xf32, #tpu.memory_space<vmem>>)
    %add3A_3598 = arith.constant 3072 : i32
    %add3A_3599 = arith.addi %mul3A_2, %add3A_3598 : i32
    %dma_start3A_3600 = arith.constant 0 : i32
    %dma_start3A_3601 = arith.constant 0 : i32
    %dma_start3A_3602 = arith.constant 0 : i32
    %dma_start3A_3603 = tpu.memref_slice %arg6[%dma_start3A_3600, %dma_start3A_3601, %dma_start3A_3602] : memref<8x128x64xf32, #tpu.memory_space<vmem>> -> memref<1x128x64xf32, #tpu.memory_space<vmem>>
    %dma_start3A_3604 = tpu.memref_squeeze %dma_start3A_3603 : memref<1x128x64xf32, #tpu.memory_space<vmem>> -> memref<128x64xf32, #tpu.memory_space<vmem>>
    %dma_start3A_3605 = arith.constant 0 : i32
    %dma_start3A_3606 = tpu.memref_slice %arg4[%add3A_3599, %dma_start3A_3605] : memref<106496x64xf32, #tpu.memory_space<hbm>> -> memref<128x64xf32, #tpu.memory_space<hbm>>
    %dma_start3A_3607 = arith.constant 0 : i32
    %dma_start3A_3608 = tpu.memref_slice %arg4[%add3A_3599, %dma_start3A_3607] : memref<106496x64xf32, #tpu.memory_space<hbm>> -> memref<128x64xf32, #tpu.memory_space<hbm>>
    %dma_start3A_3609 = arith.constant 0 : i32
    %dma_start3A_3610 = arith.constant 0 : i32
    %dma_start3A_3611 = tpu.memref_slice %arg6[%dma_start3A_3600, %dma_start3A_3609, %dma_start3A_3610] : memref<8x128x64xf32, #tpu.memory_space<vmem>> -> memref<1x128x64xf32, #tpu.memory_space<vmem>>
    %dma_start3A_3612 = tpu.memref_squeeze %dma_start3A_3611 : memref<1x128x64xf32, #tpu.memory_space<vmem>> -> memref<128x64xf32, #tpu.memory_space<vmem>>
    tpu.enqueue_dma source(%dma_start3A_3612 : memref<128x64xf32, #tpu.memory_space<vmem>>) target(%dma_start3A_3608 : memref<128x64xf32, #tpu.memory_space<hbm>>) target_semaphore(%arg15 : memref<!tpu.dma_semaphore, #tpu.memory_space<semaphore_mem>>)
    %dma_wait3A_3613 = arith.constant 25 : i32
    %dma_wait3A_3614 = arith.constant 1 : i32
    %dma_wait3A_3615 = arith.constant 0 : i32
    %dma_wait3A_3616 = arith.constant 0 : i32
    %dma_wait3A_3617 = tpu.memref_slice %arg6[%dma_wait3A_3614, %dma_wait3A_3615, %dma_wait3A_3616] : memref<8x128x64xf32, #tpu.memory_space<vmem>> -> memref<1x128x64xf32, #tpu.memory_space<vmem>>
    %dma_wait3A_3618 = tpu.memref_squeeze %dma_wait3A_3617 : memref<1x128x64xf32, #tpu.memory_space<vmem>> -> memref<128x64xf32, #tpu.memory_space<vmem>>
    %dma_wait3A_3619 = arith.constant 0 : i32
    %dma_wait3A_3620 = tpu.memref_slice %arg5[%dma_wait3A_3613, %dma_wait3A_3619] : memref<26x128xi32, #tpu.memory_space<vmem>> -> memref<1x128xi32, #tpu.memory_space<vmem>>
    %dma_wait3A_3621 = tpu.memref_squeeze %dma_wait3A_3620 : memref<1x128xi32, #tpu.memory_space<vmem>> -> memref<128xi32, #tpu.memory_space<vmem>>
    %dma_wait3A_3622 = arith.constant 0 : i32
    %dma_wait3A_3623 = arith.constant 0 : i32
    %dma_wait3A_3624 = tpu.memref_slice %arg3[%dma_wait3A_3622, %dma_wait3A_3623] : memref<1000000x64xf32, #tpu.memory_space<hbm>> -> memref<1000000x64xf32, #tpu.memory_space<hbm>>
    tpu.wait_indirect_dma semaphore(%arg8 : memref<!tpu.dma_semaphore, #tpu.memory_space<semaphore_mem>>) src(%dma_wait3A_3624 : memref<1000000x64xf32, #tpu.memory_space<hbm>>) dst(%dma_wait3A_3618 : memref<128x64xf32, #tpu.memory_space<vmem>>)
    %add3A_3625 = arith.constant 3200 : i32
    %add3A_3626 = arith.addi %mul3A_2, %add3A_3625 : i32
    %dma_start3A_3627 = arith.constant 1 : i32
    %dma_start3A_3628 = arith.constant 0 : i32
    %dma_start3A_3629 = arith.constant 0 : i32
    %dma_start3A_3630 = tpu.memref_slice %arg6[%dma_start3A_3627, %dma_start3A_3628, %dma_start3A_3629] : memref<8x128x64xf32, #tpu.memory_space<vmem>> -> memref<1x128x64xf32, #tpu.memory_space<vmem>>
    %dma_start3A_3631 = tpu.memref_squeeze %dma_start3A_3630 : memref<1x128x64xf32, #tpu.memory_space<vmem>> -> memref<128x64xf32, #tpu.memory_space<vmem>>
    %dma_start3A_3632 = arith.constant 0 : i32
    %dma_start3A_3633 = tpu.memref_slice %arg4[%add3A_3626, %dma_start3A_3632] : memref<106496x64xf32, #tpu.memory_space<hbm>> -> memref<128x64xf32, #tpu.memory_space<hbm>>
    %dma_start3A_3634 = arith.constant 0 : i32
    %dma_start3A_3635 = tpu.memref_slice %arg4[%add3A_3626, %dma_start3A_3634] : memref<106496x64xf32, #tpu.memory_space<hbm>> -> memref<128x64xf32, #tpu.memory_space<hbm>>
    %dma_start3A_3636 = arith.constant 0 : i32
    %dma_start3A_3637 = arith.constant 0 : i32
    %dma_start3A_3638 = tpu.memref_slice %arg6[%dma_start3A_3627, %dma_start3A_3636, %dma_start3A_3637] : memref<8x128x64xf32, #tpu.memory_space<vmem>> -> memref<1x128x64xf32, #tpu.memory_space<vmem>>
    %dma_start3A_3639 = tpu.memref_squeeze %dma_start3A_3638 : memref<1x128x64xf32, #tpu.memory_space<vmem>> -> memref<128x64xf32, #tpu.memory_space<vmem>>
    tpu.enqueue_dma source(%dma_start3A_3639 : memref<128x64xf32, #tpu.memory_space<vmem>>) target(%dma_start3A_3635 : memref<128x64xf32, #tpu.memory_space<hbm>>) target_semaphore(%arg16 : memref<!tpu.dma_semaphore, #tpu.memory_space<semaphore_mem>>)
    %add3A_3640 = arith.constant 2304 : i32
    %add3A_3641 = arith.addi %mul3A_2, %add3A_3640 : i32
    %dma_wait3A_3642 = arith.constant 2 : i32
    %dma_wait3A_3643 = arith.constant 0 : i32
    %dma_wait3A_3644 = arith.constant 0 : i32
    %dma_wait3A_3645 = tpu.memref_slice %arg6[%dma_wait3A_3642, %dma_wait3A_3643, %dma_wait3A_3644] : memref<8x128x64xf32, #tpu.memory_space<vmem>> -> memref<1x128x64xf32, #tpu.memory_space<vmem>>
    %dma_wait3A_3646 = tpu.memref_squeeze %dma_wait3A_3645 : memref<1x128x64xf32, #tpu.memory_space<vmem>> -> memref<128x64xf32, #tpu.memory_space<vmem>>
    %dma_wait3A_3647 = arith.constant 0 : i32
    %dma_wait3A_3648 = tpu.memref_slice %arg4[%add3A_3641, %dma_wait3A_3647] : memref<106496x64xf32, #tpu.memory_space<hbm>> -> memref<128x64xf32, #tpu.memory_space<hbm>>
    %dma_wait3A_3649 = arith.constant 0 : i32
    %dma_wait3A_3650 = tpu.memref_slice %arg4[%add3A_3641, %dma_wait3A_3649] : memref<106496x64xf32, #tpu.memory_space<hbm>> -> memref<128x64xf32, #tpu.memory_space<hbm>>
    %dma_wait3A_3651 = arith.constant 0 : i32
    %dma_wait3A_3652 = arith.constant 0 : i32
    %dma_wait3A_3653 = tpu.memref_slice %arg6[%dma_wait3A_3642, %dma_wait3A_3651, %dma_wait3A_3652] : memref<8x128x64xf32, #tpu.memory_space<vmem>> -> memref<1x128x64xf32, #tpu.memory_space<vmem>>
    %dma_wait3A_3654 = tpu.memref_squeeze %dma_wait3A_3653 : memref<1x128x64xf32, #tpu.memory_space<vmem>> -> memref<128x64xf32, #tpu.memory_space<vmem>>
    tpu.wait_dma2 semaphore(%arg17 : memref<!tpu.dma_semaphore, #tpu.memory_space<semaphore_mem>>) src(%dma_wait3A_3654 : memref<128x64xf32, #tpu.memory_space<vmem>>) dst(%dma_wait3A_3650 : memref<128x64xf32, #tpu.memory_space<hbm>>)
    %add3A_3655 = arith.constant 2432 : i32
    %add3A_3656 = arith.addi %mul3A_2, %add3A_3655 : i32
    %dma_wait3A_3657 = arith.constant 3 : i32
    %dma_wait3A_3658 = arith.constant 0 : i32
    %dma_wait3A_3659 = arith.constant 0 : i32
    %dma_wait3A_3660 = tpu.memref_slice %arg6[%dma_wait3A_3657, %dma_wait3A_3658, %dma_wait3A_3659] : memref<8x128x64xf32, #tpu.memory_space<vmem>> -> memref<1x128x64xf32, #tpu.memory_space<vmem>>
    %dma_wait3A_3661 = tpu.memref_squeeze %dma_wait3A_3660 : memref<1x128x64xf32, #tpu.memory_space<vmem>> -> memref<128x64xf32, #tpu.memory_space<vmem>>
    %dma_wait3A_3662 = arith.constant 0 : i32
    %dma_wait3A_3663 = tpu.memref_slice %arg4[%add3A_3656, %dma_wait3A_3662] : memref<106496x64xf32, #tpu.memory_space<hbm>> -> memref<128x64xf32, #tpu.memory_space<hbm>>
    %dma_wait3A_3664 = arith.constant 0 : i32
    %dma_wait3A_3665 = tpu.memref_slice %arg4[%add3A_3656, %dma_wait3A_3664] : memref<106496x64xf32, #tpu.memory_space<hbm>> -> memref<128x64xf32, #tpu.memory_space<hbm>>
    %dma_wait3A_3666 = arith.constant 0 : i32
    %dma_wait3A_3667 = arith.constant 0 : i32
    %dma_wait3A_3668 = tpu.memref_slice %arg6[%dma_wait3A_3657, %dma_wait3A_3666, %dma_wait3A_3667] : memref<8x128x64xf32, #tpu.memory_space<vmem>> -> memref<1x128x64xf32, #tpu.memory_space<vmem>>
    %dma_wait3A_3669 = tpu.memref_squeeze %dma_wait3A_3668 : memref<1x128x64xf32, #tpu.memory_space<vmem>> -> memref<128x64xf32, #tpu.memory_space<vmem>>
    tpu.wait_dma2 semaphore(%arg18 : memref<!tpu.dma_semaphore, #tpu.memory_space<semaphore_mem>>) src(%dma_wait3A_3669 : memref<128x64xf32, #tpu.memory_space<vmem>>) dst(%dma_wait3A_3665 : memref<128x64xf32, #tpu.memory_space<hbm>>)
    %add3A_3670 = arith.constant 2560 : i32
    %add3A_3671 = arith.addi %mul3A_2, %add3A_3670 : i32
    %dma_wait3A_3672 = arith.constant 4 : i32
    %dma_wait3A_3673 = arith.constant 0 : i32
    %dma_wait3A_3674 = arith.constant 0 : i32
    %dma_wait3A_3675 = tpu.memref_slice %arg6[%dma_wait3A_3672, %dma_wait3A_3673, %dma_wait3A_3674] : memref<8x128x64xf32, #tpu.memory_space<vmem>> -> memref<1x128x64xf32, #tpu.memory_space<vmem>>
    %dma_wait3A_3676 = tpu.memref_squeeze %dma_wait3A_3675 : memref<1x128x64xf32, #tpu.memory_space<vmem>> -> memref<128x64xf32, #tpu.memory_space<vmem>>
    %dma_wait3A_3677 = arith.constant 0 : i32
    %dma_wait3A_3678 = tpu.memref_slice %arg4[%add3A_3671, %dma_wait3A_3677] : memref<106496x64xf32, #tpu.memory_space<hbm>> -> memref<128x64xf32, #tpu.memory_space<hbm>>
    %dma_wait3A_3679 = arith.constant 0 : i32
    %dma_wait3A_3680 = tpu.memref_slice %arg4[%add3A_3671, %dma_wait3A_3679] : memref<106496x64xf32, #tpu.memory_space<hbm>> -> memref<128x64xf32, #tpu.memory_space<hbm>>
    %dma_wait3A_3681 = arith.constant 0 : i32
    %dma_wait3A_3682 = arith.constant 0 : i32
    %dma_wait3A_3683 = tpu.memref_slice %arg6[%dma_wait3A_3672, %dma_wait3A_3681, %dma_wait3A_3682] : memref<8x128x64xf32, #tpu.memory_space<vmem>> -> memref<1x128x64xf32, #tpu.memory_space<vmem>>
    %dma_wait3A_3684 = tpu.memref_squeeze %dma_wait3A_3683 : memref<1x128x64xf32, #tpu.memory_space<vmem>> -> memref<128x64xf32, #tpu.memory_space<vmem>>
    tpu.wait_dma2 semaphore(%arg19 : memref<!tpu.dma_semaphore, #tpu.memory_space<semaphore_mem>>) src(%dma_wait3A_3684 : memref<128x64xf32, #tpu.memory_space<vmem>>) dst(%dma_wait3A_3680 : memref<128x64xf32, #tpu.memory_space<hbm>>)
    %add3A_3685 = arith.constant 2688 : i32
    %add3A_3686 = arith.addi %mul3A_2, %add3A_3685 : i32
    %dma_wait3A_3687 = arith.constant 5 : i32
    %dma_wait3A_3688 = arith.constant 0 : i32
    %dma_wait3A_3689 = arith.constant 0 : i32
    %dma_wait3A_3690 = tpu.memref_slice %arg6[%dma_wait3A_3687, %dma_wait3A_3688, %dma_wait3A_3689] : memref<8x128x64xf32, #tpu.memory_space<vmem>> -> memref<1x128x64xf32, #tpu.memory_space<vmem>>
    %dma_wait3A_3691 = tpu.memref_squeeze %dma_wait3A_3690 : memref<1x128x64xf32, #tpu.memory_space<vmem>> -> memref<128x64xf32, #tpu.memory_space<vmem>>
    %dma_wait3A_3692 = arith.constant 0 : i32
    %dma_wait3A_3693 = tpu.memref_slice %arg4[%add3A_3686, %dma_wait3A_3692] : memref<106496x64xf32, #tpu.memory_space<hbm>> -> memref<128x64xf32, #tpu.memory_space<hbm>>
    %dma_wait3A_3694 = arith.constant 0 : i32
    %dma_wait3A_3695 = tpu.memref_slice %arg4[%add3A_3686, %dma_wait3A_3694] : memref<106496x64xf32, #tpu.memory_space<hbm>> -> memref<128x64xf32, #tpu.memory_space<hbm>>
    %dma_wait3A_3696 = arith.constant 0 : i32
    %dma_wait3A_3697 = arith.constant 0 : i32
    %dma_wait3A_3698 = tpu.memref_slice %arg6[%dma_wait3A_3687, %dma_wait3A_3696, %dma_wait3A_3697] : memref<8x128x64xf32, #tpu.memory_space<vmem>> -> memref<1x128x64xf32, #tpu.memory_space<vmem>>
    %dma_wait3A_3699 = tpu.memref_squeeze %dma_wait3A_3698 : memref<1x128x64xf32, #tpu.memory_space<vmem>> -> memref<128x64xf32, #tpu.memory_space<vmem>>
    tpu.wait_dma2 semaphore(%arg20 : memref<!tpu.dma_semaphore, #tpu.memory_space<semaphore_mem>>) src(%dma_wait3A_3699 : memref<128x64xf32, #tpu.memory_space<vmem>>) dst(%dma_wait3A_3695 : memref<128x64xf32, #tpu.memory_space<hbm>>)
    %add3A_3700 = arith.constant 2816 : i32
    %add3A_3701 = arith.addi %mul3A_2, %add3A_3700 : i32
    %dma_wait3A_3702 = arith.constant 6 : i32
    %dma_wait3A_3703 = arith.constant 0 : i32
    %dma_wait3A_3704 = arith.constant 0 : i32
    %dma_wait3A_3705 = tpu.memref_slice %arg6[%dma_wait3A_3702, %dma_wait3A_3703, %dma_wait3A_3704] : memref<8x128x64xf32, #tpu.memory_space<vmem>> -> memref<1x128x64xf32, #tpu.memory_space<vmem>>
    %dma_wait3A_3706 = tpu.memref_squeeze %dma_wait3A_3705 : memref<1x128x64xf32, #tpu.memory_space<vmem>> -> memref<128x64xf32, #tpu.memory_space<vmem>>
    %dma_wait3A_3707 = arith.constant 0 : i32
    %dma_wait3A_3708 = tpu.memref_slice %arg4[%add3A_3701, %dma_wait3A_3707] : memref<106496x64xf32, #tpu.memory_space<hbm>> -> memref<128x64xf32, #tpu.memory_space<hbm>>
    %dma_wait3A_3709 = arith.constant 0 : i32
    %dma_wait3A_3710 = tpu.memref_slice %arg4[%add3A_3701, %dma_wait3A_3709] : memref<106496x64xf32, #tpu.memory_space<hbm>> -> memref<128x64xf32, #tpu.memory_space<hbm>>
    %dma_wait3A_3711 = arith.constant 0 : i32
    %dma_wait3A_3712 = arith.constant 0 : i32
    %dma_wait3A_3713 = tpu.memref_slice %arg6[%dma_wait3A_3702, %dma_wait3A_3711, %dma_wait3A_3712] : memref<8x128x64xf32, #tpu.memory_space<vmem>> -> memref<1x128x64xf32, #tpu.memory_space<vmem>>
    %dma_wait3A_3714 = tpu.memref_squeeze %dma_wait3A_3713 : memref<1x128x64xf32, #tpu.memory_space<vmem>> -> memref<128x64xf32, #tpu.memory_space<vmem>>
    tpu.wait_dma2 semaphore(%arg21 : memref<!tpu.dma_semaphore, #tpu.memory_space<semaphore_mem>>) src(%dma_wait3A_3714 : memref<128x64xf32, #tpu.memory_space<vmem>>) dst(%dma_wait3A_3710 : memref<128x64xf32, #tpu.memory_space<hbm>>)
    %add3A_3715 = arith.constant 2944 : i32
    %add3A_3716 = arith.addi %mul3A_2, %add3A_3715 : i32
    %dma_wait3A_3717 = arith.constant 7 : i32
    %dma_wait3A_3718 = arith.constant 0 : i32
    %dma_wait3A_3719 = arith.constant 0 : i32
    %dma_wait3A_3720 = tpu.memref_slice %arg6[%dma_wait3A_3717, %dma_wait3A_3718, %dma_wait3A_3719] : memref<8x128x64xf32, #tpu.memory_space<vmem>> -> memref<1x128x64xf32, #tpu.memory_space<vmem>>
    %dma_wait3A_3721 = tpu.memref_squeeze %dma_wait3A_3720 : memref<1x128x64xf32, #tpu.memory_space<vmem>> -> memref<128x64xf32, #tpu.memory_space<vmem>>
    %dma_wait3A_3722 = arith.constant 0 : i32
    %dma_wait3A_3723 = tpu.memref_slice %arg4[%add3A_3716, %dma_wait3A_3722] : memref<106496x64xf32, #tpu.memory_space<hbm>> -> memref<128x64xf32, #tpu.memory_space<hbm>>
    %dma_wait3A_3724 = arith.constant 0 : i32
    %dma_wait3A_3725 = tpu.memref_slice %arg4[%add3A_3716, %dma_wait3A_3724] : memref<106496x64xf32, #tpu.memory_space<hbm>> -> memref<128x64xf32, #tpu.memory_space<hbm>>
    %dma_wait3A_3726 = arith.constant 0 : i32
    %dma_wait3A_3727 = arith.constant 0 : i32
    %dma_wait3A_3728 = tpu.memref_slice %arg6[%dma_wait3A_3717, %dma_wait3A_3726, %dma_wait3A_3727] : memref<8x128x64xf32, #tpu.memory_space<vmem>> -> memref<1x128x64xf32, #tpu.memory_space<vmem>>
    %dma_wait3A_3729 = tpu.memref_squeeze %dma_wait3A_3728 : memref<1x128x64xf32, #tpu.memory_space<vmem>> -> memref<128x64xf32, #tpu.memory_space<vmem>>
    tpu.wait_dma2 semaphore(%arg22 : memref<!tpu.dma_semaphore, #tpu.memory_space<semaphore_mem>>) src(%dma_wait3A_3729 : memref<128x64xf32, #tpu.memory_space<vmem>>) dst(%dma_wait3A_3725 : memref<128x64xf32, #tpu.memory_space<hbm>>)
    %add3A_3730 = arith.constant 3072 : i32
    %add3A_3731 = arith.addi %mul3A_2, %add3A_3730 : i32
    %dma_wait3A_3732 = arith.constant 0 : i32
    %dma_wait3A_3733 = arith.constant 0 : i32
    %dma_wait3A_3734 = arith.constant 0 : i32
    %dma_wait3A_3735 = tpu.memref_slice %arg6[%dma_wait3A_3732, %dma_wait3A_3733, %dma_wait3A_3734] : memref<8x128x64xf32, #tpu.memory_space<vmem>> -> memref<1x128x64xf32, #tpu.memory_space<vmem>>
    %dma_wait3A_3736 = tpu.memref_squeeze %dma_wait3A_3735 : memref<1x128x64xf32, #tpu.memory_space<vmem>> -> memref<128x64xf32, #tpu.memory_space<vmem>>
    %dma_wait3A_3737 = arith.constant 0 : i32
    %dma_wait3A_3738 = tpu.memref_slice %arg4[%add3A_3731, %dma_wait3A_3737] : memref<106496x64xf32, #tpu.memory_space<hbm>> -> memref<128x64xf32, #tpu.memory_space<hbm>>
    %dma_wait3A_3739 = arith.constant 0 : i32
    %dma_wait3A_3740 = tpu.memref_slice %arg4[%add3A_3731, %dma_wait3A_3739] : memref<106496x64xf32, #tpu.memory_space<hbm>> -> memref<128x64xf32, #tpu.memory_space<hbm>>
    %dma_wait3A_3741 = arith.constant 0 : i32
    %dma_wait3A_3742 = arith.constant 0 : i32
    %dma_wait3A_3743 = tpu.memref_slice %arg6[%dma_wait3A_3732, %dma_wait3A_3741, %dma_wait3A_3742] : memref<8x128x64xf32, #tpu.memory_space<vmem>> -> memref<1x128x64xf32, #tpu.memory_space<vmem>>
    %dma_wait3A_3744 = tpu.memref_squeeze %dma_wait3A_3743 : memref<1x128x64xf32, #tpu.memory_space<vmem>> -> memref<128x64xf32, #tpu.memory_space<vmem>>
    tpu.wait_dma2 semaphore(%arg15 : memref<!tpu.dma_semaphore, #tpu.memory_space<semaphore_mem>>) src(%dma_wait3A_3744 : memref<128x64xf32, #tpu.memory_space<vmem>>) dst(%dma_wait3A_3740 : memref<128x64xf32, #tpu.memory_space<hbm>>)
    %add3A_3745 = arith.constant 3200 : i32
    %add3A_3746 = arith.addi %mul3A_2, %add3A_3745 : i32
    %dma_wait3A_3747 = arith.constant 1 : i32
    %dma_wait3A_3748 = arith.constant 0 : i32
    %dma_wait3A_3749 = arith.constant 0 : i32
    %dma_wait3A_3750 = tpu.memref_slice %arg6[%dma_wait3A_3747, %dma_wait3A_3748, %dma_wait3A_3749] : memref<8x128x64xf32, #tpu.memory_space<vmem>> -> memref<1x128x64xf32, #tpu.memory_space<vmem>>
    %dma_wait3A_3751 = tpu.memref_squeeze %dma_wait3A_3750 : memref<1x128x64xf32, #tpu.memory_space<vmem>> -> memref<128x64xf32, #tpu.memory_space<vmem>>
    %dma_wait3A_3752 = arith.constant 0 : i32
    %dma_wait3A_3753 = tpu.memref_slice %arg4[%add3A_3746, %dma_wait3A_3752] : memref<106496x64xf32, #tpu.memory_space<hbm>> -> memref<128x64xf32, #tpu.memory_space<hbm>>
    %dma_wait3A_3754 = arith.constant 0 : i32
    %dma_wait3A_3755 = tpu.memref_slice %arg4[%add3A_3746, %dma_wait3A_3754] : memref<106496x64xf32, #tpu.memory_space<hbm>> -> memref<128x64xf32, #tpu.memory_space<hbm>>
    %dma_wait3A_3756 = arith.constant 0 : i32
    %dma_wait3A_3757 = arith.constant 0 : i32
    %dma_wait3A_3758 = tpu.memref_slice %arg6[%dma_wait3A_3747, %dma_wait3A_3756, %dma_wait3A_3757] : memref<8x128x64xf32, #tpu.memory_space<vmem>> -> memref<1x128x64xf32, #tpu.memory_space<vmem>>
    %dma_wait3A_3759 = tpu.memref_squeeze %dma_wait3A_3758 : memref<1x128x64xf32, #tpu.memory_space<vmem>> -> memref<128x64xf32, #tpu.memory_space<vmem>>
    tpu.wait_dma2 semaphore(%arg16 : memref<!tpu.dma_semaphore, #tpu.memory_space<semaphore_mem>>) src(%dma_wait3A_3759 : memref<128x64xf32, #tpu.memory_space<vmem>>) dst(%dma_wait3A_3755 : memref<128x64xf32, #tpu.memory_space<hbm>>)
    return
  }
}

</mosaic_0001>

<sc_bundles>
// kernel: kernel.3.cloned.1.call-start
scs
__scs_entry_jumppad:
0x0: {  	(pc) =	sbr.rel $0x88, $3  }
0x1: {  	(tag) =	ssettag $0x0;
	lr =	simm.s32 $0x1  }
0x2: {  	[smem:$0x3F9F] =	sst lr;
	_ =	strace $0xD0000000  }
0x3: {  	_ = 	snop  }
0x4: {  	_ = 	snop  }
0x5: {  	_ = 	snop  }
0x6: {  	_ = 	snop  }
0x7: {  	_ = 	snop  }
__scs_overlays_trampoline_lowered:
0x8: {  	[smem:$0x3FAE] =	sst s0  }
0x9: {  	[smem:$0x3FAF] =	sst s1  }
0xa: {  	[smem:$0x3FB0] =	sst s2  }
0xb: {  	[smem:$0x3FB1] =	sst s3  }
0xc: {  	[smem:$0x3FB2] =	sst s4  }
0xd: {  	[smem:$0x3FB3] =	sst s5  }
0xe: {  	[smem:$0x3FB4] =	sst s6  }
0xf: {  	[smem:$0x3FB5] =	sst s7  }
0x10: {  	[smem:$0x3FB6] =	sst s8  }
0x11: {  	[smem:$0x3FB7] =	sst s9;
	s0 =	simm.s32 @!p0 $0x0  }
0x12: {  	s1 =	sld [smem:$0x3F9D];
	s0 =	simm.s32 @p0 $0x1  }
0x13: {  	[smem:$0x3FB8] =	sst s0;
	s0 =	simm.s32 @!p1 $0x0  }
0x14: {  	s2 =	sld [smem:$0x3F9C];
	s0 =	simm.s32 @p1 $0x1  }
0x15: {  	[smem:$0x3FB9] =	sst s0;
	s0 =	simm.s32 @!p2 $0x0  }
0x16: {  	s3 =	sld [smem:$0x3FDB];
	s0 =	simm.s32 @p2 $0x1  }
0x17: {  	s4 =	simm.s32 $0x1BF5;
	[smem:$0x3FBB] =	sst s0  }
0x18: {  	s0 =	sld [smem:$0x3F9E];
	_ =	swait.ge [sflag:s4], $0x0  }
0x19: {  	s7 =	sld [smem:$0x3F9F]  }
0x1a: {  	s8 =	sadd.s32 $0xFFFFE003, lr  }
0x1b: {  	s9 =	sadd.s32 $0xFFFFFEF7, lr;
	s5 =	simm.s32 $0xFFFFFFFF;
	p2 =	slt.u32 s8, $0xFFFFF086  }
0x1c: {  	p1 =	slt.u32 s9, $0xF7A;
	s5 =	simm.s32 @!p2 $0x0  }
0x1d: {  	s5 =	simm.s32 @p1 $0x1;
	p0 =	seq.s32 s7, s2  }
0x1e: {  	s7 =	smul.u32 @!p0 $0xF7A, s2;
	p2 =	seq.s32 @!p0 s5, $0x0  }
0x1f: {  	s9 =	smul.u32 $0xF7A, s1;
	s8 =	simm.s32 @!p0 $0x1BF5;
	p2 =	por !p2, p0  }
0x20: {  	[sflag:s8] =	ssyncset.s32 @!p0 $0xFFFFF086;
	s6 =	sadd.s32 @!p0 s3, s7;
	s7 =	simm.s32 @!p0 $0x108  }
0x21: {  	s3 =	sadd.s32 s3, s9;
	s6 =	sadd.s32 @!p0 $0x88, s6;
	s7 =	simm.s32 @p2 $0x1082  }
0x22: {  	[simem:s7], [sflag:s8] =	dma.local @!p0 [hbm:s6], $0xF7A  }
0x23: {  	s9 =	sor.u32 $0xD0000000, s2;
	s6 =	simm.s32 $0x108;
	_ =	swait.ge @!p0 [sflag:s8], $0x0  }
0x24: {  	s3 =	sadd.s32 $0x88, s3;
	s6 =	simm.s32 @!p1 $0x1082;
	[sflag:s4] =	ssyncset.s32 $0xFFFFF086  }
0x25: {  	[simem:s6], [sflag:s4] =	dma.local [hbm:s3], $0xF7A  }
0x26: {  	[smem:$0x3F9F] =	sst s1;
	(tag) =	ssettag s2;
	_ =	strace s9  }
0x27: {  	s1 =	sld [smem:$0x3FAF]  }
0x28: {  	s2 =	sld [smem:$0x3FB0]  }
0x29: {  	s4 =	sld [smem:$0x3FB2]  }
0x2a: {  	p0 =	seq.s32 s5, $0x0;
	s5 =	sld [smem:$0x3FB3]  }
0x2b: {  	s6 =	sld [smem:$0x3FB4]  }
0x2c: {  	s7 =	sld [smem:$0x3FB5]  }
0x2d: {  	s3 =	simm.s32 $0x108;
	s8 =	sld [smem:$0x3FB6]  }
0x2e: {  	s3 =	simm.s32 @!p0 $0x1082;
	s9 =	sld [smem:$0x3FB7]  }
0x2f: {  	lr =	sadd.s32 s0, s3;
	s0 =	sld [smem:$0x3FAE]  }
0x30: {  	s3 =	sld [smem:$0x3FB1]  }
0x31: {  	[smem:$0x3FBA] =	sst s10  }
0x32: {  	s10 =	sld [smem:$0x3FB8];
	_ =	sdelay $0x3  }
0x33: {  	p0 =	seq.s32 s10, $0x1;
	s10 =	sld [smem:$0x3FBA];
	_ =	sdelay $0x3  }
0x34: {  	[smem:$0x3FBA] =	sst s10  }
0x35: {  	s10 =	sld [smem:$0x3FB9];
	_ =	sdelay $0x3  }
0x36: {  	p1 =	seq.s32 s10, $0x1;
	s10 =	sld [smem:$0x3FBA];
	_ =	sdelay $0x3  }
0x37: {  	[smem:$0x3FBA] =	sst s10  }
0x38: {  	s10 =	sld [smem:$0x3FBB]  }
0x39: {  	_ = 	snop;
	(pc) =	sbr.ind lr, $3  }
0x3a: {  	_ = 	snop  }
0x3b: {  	_ = 	snop  }
0x3c: {  	p2 =	seq.s32 s10, $0x1;
	s10 =	sld [smem:$0x3FBA]  }
0x3d: {  	_ =	shalt  }
0x3e: {  	_ =	shalt  }
0x3f: {  	_ =	shalt  }
0x40: {  	_ =	shalt  }
0x41: {  	_ =	shalt  }
0x42: {  	_ =	shalt  }
0x43: {  	_ =	shalt  }
0x44: {  	_ =	shalt  }
0x45: {  	_ =	shalt  }
0x46: {  	_ =	shalt  }
0x47: {  	_ =	shalt  }
0x48: {  	_ =	shalt  }
0x49: {  	_ =	shalt  }
0x4a: {  	_ =	shalt  }
0x4b: {  	_ =	shalt  }
0x4c: {  	_ =	shalt  }
0x4d: {  	_ =	shalt  }
0x4e: {  	_ =	shalt  }
0x4f: {  	_ =	shalt  }
0x50: {  	_ =	shalt  }
0x51: {  	_ =	shalt  }
0x52: {  	_ =	shalt  }
0x53: {  	_ =	shalt  }
0x54: {  	_ =	shalt  }
0x55: {  	_ =	shalt  }
0x56: {  	_ =	shalt  }
0x57: {  	_ =	shalt  }
0x58: {  	_ =	shalt  }
0x59: {  	_ =	shalt  }
0x5a: {  	_ =	shalt  }
0x5b: {  	_ =	shalt  }
0x5c: {  	_ =	shalt  }
0x5d: {  	_ =	shalt  }
0x5e: {  	_ =	shalt  }
0x5f: {  	_ =	shalt  }
0x60: {  	_ =	shalt  }
0x61: {  	_ =	shalt  }
0x62: {  	_ =	shalt  }
0x63: {  	_ =	shalt  }
0x64: {  	_ =	shalt  }
0x65: {  	_ =	shalt  }
0x66: {  	_ =	shalt  }
0x67: {  	_ =	shalt  }
0x68: {  	_ =	shalt  }
0x69: {  	_ =	shalt  }
0x6a: {  	_ =	shalt  }
0x6b: {  	_ =	shalt  }
0x6c: {  	_ =	shalt  }
0x6d: {  	_ =	shalt  }
0x6e: {  	_ =	shalt  }
0x6f: {  	_ =	shalt  }
0x70: {  	_ =	shalt  }
0x71: {  	_ =	shalt  }
0x72: {  	_ =	shalt  }
0x73: {  	_ =	shalt  }
0x74: {  	_ =	shalt  }
0x75: {  	_ =	shalt  }
0x76: {  	_ =	shalt  }
0x77: {  	_ =	shalt  }
0x78: {  	_ =	shalt  }
0x79: {  	_ =	shalt  }
0x7a: {  	_ =	shalt  }
0x7b: {  	_ =	shalt  }
0x7c: {  	_ =	shalt  }
0x7d: {  	_ =	shalt  }
0x7e: {  	_ =	shalt  }
0x7f: {  	_ =	shalt  }
0x80: {  	_ =	shalt  }
0x81: {  	_ =	shalt  }
0x82: {  	_ =	shalt  }
0x83: {  	_ =	shalt  }
0x84: {  	_ =	shalt  }
0x85: {  	_ =	shalt  }
0x86: {  	_ =	shalt  }
0x87: {  	_ =	shalt  }
.Lfunc_end0:
.L_simem_size_0:
called_computation_lowered:
.L_overlay_start_0:
0x88: {  	s2 =	sld [smem:$0x3FD9]  }
0x89: {  	s3 =	sld [smem:$0x3FFE];
	_ =	sdelay $0x1  }
0x8a: {  	s1 =	srdreg.scid  }
0x8b: {  	s0 =	sand.u32 $0x1, s1  }
0x8c: {  	s17 =	sshll.u32 s0, $0xA;
	s2 =	sadd.s32 s3, s2  }
0x8d: {  	s2 =	sadd.s32 s2, s17  }
0x8e: {  	[smem:$0x3FC6] =	sst s2  }
0x8f: {  	_ = 	snop  }
0x90: {  	s2 =	sld [smem:$0x3FD0];
	(tm) =	ssettm $0x1  }
0x91: {  	s18 =	sld [smem:$0x3FFB];
	_ =	sdelay $0x3  }
0x92: {  	_ =	strace s18  }
0x93: {  	s3 =	sld [smem:$0x3FFC];
	_ =	sdelay $0x3  }
0x94: {  	_ =	strace s3  }
0x95: {  	s3 =	sld [smem:$0x3FFD];
	_ =	sdelay $0x3  }
0x96: {  	_ =	strace s3  }
0x97: {  	_ =	strace $0x8FFFFFFF  }
0x98: {  	s19 =	sld [smem:$0x3FDB];
	_ =	sdelay $0x1  }
0x99: {  	s4 =	simm.s32 $_scs_section_size  }
0x9a: {  	s5 =	simm.s32 $_size__tile_overlayer_lowered;
	s6 =	simm.s32 $_tile_overlayer_lowered  }
0x9b: {  	s22 =	simm.s32 $0x1BFF;
	s21 =	sshll.u32 s6, $0x1;
	s3 =	sadd.s32 s4, s19  }
0x9c: {  	s7 =	simm.s32 $0x0;
	s20 =	sshll.u32 s5, $0x1;
	s5 =	sadd.s32 s21, s3  }
0x9d: {  	[timem:s7], [sflag:s22] =	dma.local [hbm:s5], s20  }
0x9e: {  	_ =	swait.ge [sflag:s22], s20  }
0x9f: {  	s4 =	ssub.s32 $0x0, s20;
	[sflag:s22] =	ssyncset.done $0x0  }
0xa0: {  	[sflag:s22] =	ssyncadd.s32 s4;
	_ =	sdelay $0x1  }
0xa1: {  	s23 =	simm.s32 $0x1B8B  }
0xa2: {  	_ =	swait.ge [sflag:s23], $0x1  }
0xa3: {  	[sflag:s23] =	ssyncset.done $0x0  }
0xa4: {  	s25 =	simm.s32 $0x1B8E;
	s24 =	sld [smem:$0x3FFE];
	[sflag:s23] =	ssyncadd.s32 $0xFFFFFFFF  }
0xa5: {  	s26 =	simm.s32 $execute0_lowered;
	[smem:$0x3FD2] =	sst s25  }
0xa6: {  	s5 =	sshll.u32 s26, $0x1;
	_ =	strace $0x80000046;
	[dreg:$0x1] =	wrdreg $0xFFFFFFFF  }
0xa7: {  	s28 =	simm.s32 $_size_execute0_lowered;
	s3 =	sadd.s32 s3, s5;
	[dreg:$0x0] =	wrdreg $0x0  }
0xa8: {  	s5 =	sshll.u32 s28, $0x1;
	[dreg:$0x2] =	wrdreg s3  }
0xa9: {  	[dreg:$0x3] =	wrdreg s5  }
0xaa: {  	[dreg:$0x4] =	wrdreg $0xC0  }
0xab: {  	_ =	task [dreg:s7], $0x5FFFF  }
0xac: {  	[dreg:$0x1] =	wrdreg $0xFFFFFFFF  }
0xad: {  	[dreg:$0x0] =	wrdreg $0x60  }
0xae: {  	[dreg:$0x2] =	wrdreg s24  }
0xaf: {  	[dreg:$0x3] =	wrdreg s2  }
0xb0: {  	[dreg:$0x4] =	wrdreg $0x9  }
0xb1: {  	_ =	task.clear_ibuf [dreg:s7], $0x5FFFF;
	_ =	strace $0x90000046  }
0xb2: {  	s29 =	simm.s32 $0x9;
	_ =	strace $0x80000048  }
0xb3: {  	_ =	swait.ge [sflag:s29], $0x1  }
0xb4: {  	[sflag:s29] =	ssyncadd.s32 $0xFFFFFFFF  }
0xb5: {  	_ =	strace $0x90000048  }
0xb6: {  	_ =	sfence  }
0xb7: {  	s30 =	sld [smem:$0x0];
	_ =	sdelay $0x2  }
0xb8: {  	s31 =	sshll.u32 s1, $0xD;
	s1 =	sshrl.u32 s1, $0x2  }
0xb9: {  	s3 =	sand.u32 $0x4000, s31;
	s1 =	sadd.s32 s1, s30  }
0xba: {  	s0 =	sor.u32 s3, s0;
	s1 =	sshll.u32 s1, $0x11  }
0xbb: {  	s0 =	sor.u32 s1, s0  }
0xbc: {  	s0 =	sadd.s32 $0x8F2B, s0  }
0xbd: {  	[sflag:s0] =	ssyncadd.remote.s32 $0x1  }
0xbe: {  	_ =	sfence.sel $0xFFFF  }
0xbf: {  	[dreg:$0x0] =	wrdreg $0xFFFFFFFF;
	(pc) =	sbr.abs _section_cstart, $3  }
0xc0: {  	[dreg:$0x1] =	wrdreg $0xFFFFFFFF  }
0xc1: {  	_ =	task.clear_ibuf [dreg:s7], $0x2FFFF;
	_ =	strace $0x9FFFFFFF  }
0xc2: {  	(tm) =	ssettm $0x7FFFFFFF  }
0xc3: {  	_ =	shalt  }
tec
execute0_lowered:
.L_overlay_start_1:
0x0: {  	(tag) =	ssettag $0x1  }
0x1: {  	s0 =	srdreg.scid;
	s2 =	stileid.u32  }
0x2: {  	s1 =	sand.u32 $0x1, s0;
	s2 =	sshll.u32 s2, $0x1  }
0x3: {  	s3 =	sor.u32 s1, s2  }
0x4: {  	s4 =	rddreg [dreg:$0x1];
	s5 =	smul.u32 $0x1A0, s3  }
0x5: {  	s0 =	rddreg [dreg:$0x0];
	s2 =	simm.s32 $0x0;
	s6 =	smul.u32 $0x6800, s3  }
0x6: {  	[smem:$0x7FF] =	sst s2;
	s3 =	smul.u32 $0x34000, s3  }
0x7: {  	_ =	strace $0x80000047;
	s5 =	sadd.s32 s5, s0;
	s6 =	sadd.s32 s4, s6  }
0x8: {  	s3 =	sshrl.u32 s3, $0x3;
	s5 =	sadd.s32 $0x600, s5;
	[dreg:$0x1d] =	wrdreg s6  }
0x9: {  	s28 =	sadd.s32 $0x400, s6;
	s3 =	sadd.s32 s4, s3;
	[dreg:$0x3] =	wrdreg s5  }
0xa: {  	[dreg:$0x4] =	wrdreg s28;
	s4 =	sadd.s32 $0x800, s3  }
0xb: {  	s5 =	sadd.s32 $0xC00, s3;
	[dreg:$0x5] =	wrdreg s4  }
0xc: {  	s6 =	sadd.s32 $0x1000, s3;
	[dreg:$0x6] =	wrdreg s5  }
0xd: {  	s7 =	sadd.s32 $0x1400, s3;
	[dreg:$0x7] =	wrdreg s6  }
0xe: {  	s8 =	sadd.s32 $0x1800, s3;
	[dreg:$0x8] =	wrdreg s7  }
0xf: {  	s9 =	sadd.s32 $0x1C00, s3;
	[dreg:$0x9] =	wrdreg s8  }
0x10: {  	s10 =	sadd.s32 $0x2000, s3;
	[dreg:$0xa] =	wrdreg s9  }
0x11: {  	s11 =	sadd.s32 $0x2400, s3;
	[dreg:$0xb] =	wrdreg s10  }
0x12: {  	s12 =	sadd.s32 $0x2800, s3;
	[dreg:$0xc] =	wrdreg s11  }
0x13: {  	s13 =	sadd.s32 $0x2C00, s3;
	[dreg:$0xd] =	wrdreg s12  }
0x14: {  	s14 =	sadd.s32 $0x3000, s3;
	[dreg:$0xe] =	wrdreg s13  }
0x15: {  	s15 =	sadd.s32 $0x3400, s3;
	[dreg:$0xf] =	wrdreg s14  }
0x16: {  	s16 =	sadd.s32 $0x3800, s3;
	[dreg:$0x10] =	wrdreg s15  }
0x17: {  	s17 =	sadd.s32 $0x3C00, s3;
	[dreg:$0x11] =	wrdreg s16  }
0x18: {  	s18 =	sadd.s32 $0x4000, s3;
	[dreg:$0x12] =	wrdreg s17  }
0x19: {  	s19 =	sadd.s32 $0x4400, s3;
	[dreg:$0x13] =	wrdreg s18  }
0x1a: {  	s20 =	sadd.s32 $0x4800, s3;
	[dreg:$0x14] =	wrdreg s19  }
0x1b: {  	s21 =	sadd.s32 $0x4C00, s3;
	[dreg:$0x15] =	wrdreg s20  }
0x1c: {  	s22 =	sadd.s32 $0x5000, s3;
	[dreg:$0x16] =	wrdreg s21  }
0x1d: {  	s31 =	simm.s32 $0x1;
	s23 =	sadd.s32 $0x5400, s3;
	[dreg:$0x17] =	wrdreg s22  }
0x1e: {  	s30 =	simm.s32 $0xB;
	s24 =	sadd.s32 $0x5800, s3;
	[dreg:$0x18] =	wrdreg s23  }
0x1f: {  	s29 =	simm.s32 $0x8D00;
	s25 =	sadd.s32 $0x5C00, s3;
	[dreg:$0x19] =	wrdreg s24  }
0x20: {  	s1 =	ssub.s32 $0x2, s1;
	s28 =	sadd.s32 $0x6000, s3;
	[dreg:$0x1a] =	wrdreg s25  }
0x21: {  	s26 =	sshrl.u32 s1, $0x1;
	s3 =	sadd.s32 $0x6400, s3;
	[dreg:$0x1b] =	wrdreg s28  }
0x22: {  	s1 =	ssub.s32 s1, s26;
	s4 =	sadd.s32 $0xF42A00, s0;
	[dreg:$0x1c] =	wrdreg s3  }
0x23: {  	s5 =	smax.u32 s1, $0x1;
	s0 =	simm.s32 $0x9;
	s3 =	simm.s32 $0x2  }
0x24: {  	s6 =	simm.s32 $0xA;
	s24 =	simm.s32 $0x3;
	s8 =	simm.s32 $0x4  }
0x25: {  	s9 =	simm.s32 $0xC;
	s10 =	simm.s32 $0x5;
	s11 =	simm.s32 $0xD  }
0x26: {  	s12 =	simm.s32 $0x6;
	s13 =	simm.s32 $0xE;
	s14 =	simm.s32 $0x7  }
0x27: {  	s16 =	simm.s32 $0xF;
	s17 =	simm.s32 $0x8;
	s18 =	simm.s32 $0x10  }
0x28: {  	s15 =	simm.s32 $0xD00;
	s7 =	simm.s32 $0x2D00;
	s23 =	simm.s32 $0x4D00  }
0x29: {  	vm0 =	vmmov $0xffff;
	s20 =	simm.s32 $0xAD00;
	s21 =	simm.s32 $0xCD00;
	s22 =	simm.s32 $0xED00  }
.LBB2_1:
0x2a: {  	s19 =	rddreg [dreg:$0x3];
	s25 =	simm.s32 $0x11  }
0x2b: {  	[tilespmem:s2], [sflag:$0x11] =	stream.linear.gather [hbm4b:s19+s2], $0xD00, $0x38;
	[tilespmem:$0x10D00] =	vst v63  }
0x2c: {  	_ =	swait.ge [sflag:s25], $0xD00  }
0x2d: {  	[sflag:s25] =	ssyncset.done $0x0  }
0x2e: {  	[sflag:s25] =	ssyncadd.s32 $0xFFFFF300  }
0x2f: {  	v0 =	vld [tilespmem:$0x0];
	_ =	sdelay $0x7  }
0x30: {  	[tilespmem:s15], [sflag:$0x1] =	stream.indirect_vreg.gather [hbm4b:s4+s2], $0x40, v0, vm0, $0xb8;
	[tilespmem:$0x10D00] =	vst v63  }
0x31: {  	v0 =	vld [tilespmem:$0x10];
	_ =	sdelay $0x6  }
0x32: {  	s1 =	simm.s32 $0x1100  }
0x33: {  	[tilespmem:s1], [sflag:$0x1] =	stream.indirect_vreg.gather [hbm4b:s4+s2], $0x40, v0, vm0, $0xb8;
	[tilespmem:$0x10D00] =	vst v63  }
0x34: {  	v0 =	vld [tilespmem:$0x20];
	_ =	sdelay $0x6  }
0x35: {  	s26 =	simm.s32 $0x1500  }
0x36: {  	[tilespmem:s26], [sflag:$0x1] =	stream.indirect_vreg.gather [hbm4b:s4+s2], $0x40, v0, vm0, $0xb8;
	[tilespmem:$0x10D00] =	vst v63  }
0x37: {  	v0 =	vld [tilespmem:$0x30];
	_ =	sdelay $0x6  }
0x38: {  	s28 =	simm.s32 $0x1900  }
0x39: {  	[tilespmem:s28], [sflag:$0x1] =	stream.indirect_vreg.gather [hbm4b:s4+s2], $0x40, v0, vm0, $0xb8;
	[tilespmem:$0x10D00] =	vst v63  }
0x3a: {  	v0 =	vld [tilespmem:$0x40];
	_ =	sdelay $0x6  }
0x3b: {  	s19 =	simm.s32 $0x1D00  }
0x3c: {  	[tilespmem:s19], [sflag:$0x1] =	stream.indirect_vreg.gather [hbm4b:s4+s2], $0x40, v0, vm0, $0xb8;
	[tilespmem:$0x10D00] =	vst v63  }
0x3d: {  	v0 =	vld [tilespmem:$0x50];
	_ =	sdelay $0x6  }
0x3e: {  	s19 =	simm.s32 $0x2100  }
0x3f: {  	[tilespmem:s19], [sflag:$0x1] =	stream.indirect_vreg.gather [hbm4b:s4+s2], $0x40, v0, vm0, $0xb8;
	[tilespmem:$0x10D00] =	vst v63  }
0x40: {  	v0 =	vld [tilespmem:$0x60];
	_ =	sdelay $0x6  }
0x41: {  	s19 =	simm.s32 $0x2500  }
0x42: {  	[tilespmem:s19], [sflag:$0x1] =	stream.indirect_vreg.gather [hbm4b:s4+s2], $0x40, v0, vm0, $0xb8;
	[tilespmem:$0x10D00] =	vst v63  }
0x43: {  	v0 =	vld [tilespmem:$0x70];
	_ =	sdelay $0x6  }
0x44: {  	s19 =	simm.s32 $0x2900  }
0x45: {  	[tilespmem:s19], [sflag:$0x1] =	stream.indirect_vreg.gather [hbm4b:s4+s2], $0x40, v0, vm0, $0xb8;
	[tilespmem:$0x10D00] =	vst v63  }
0x46: {  	v0 =	vld [tilespmem:$0x80];
	_ =	sdelay $0x7  }
0x47: {  	[tilespmem:s7], [sflag:$0x2] =	stream.indirect_vreg.gather [hbm4b:s4+s2], $0x40, v0, vm0, $0xb8;
	[tilespmem:$0x10D00] =	vst v63  }
0x48: {  	v0 =	vld [tilespmem:$0x90];
	_ =	sdelay $0x6  }
0x49: {  	s19 =	simm.s32 $0x3100  }
0x4a: {  	[tilespmem:s19], [sflag:$0x2] =	stream.indirect_vreg.gather [hbm4b:s4+s2], $0x40, v0, vm0, $0xb8;
	[tilespmem:$0x10D00] =	vst v63  }
0x4b: {  	v0 =	vld [tilespmem:$0xA0];
	_ =	sdelay $0x6  }
0x4c: {  	s19 =	simm.s32 $0x3500  }
0x4d: {  	[tilespmem:s19], [sflag:$0x2] =	stream.indirect_vreg.gather [hbm4b:s4+s2], $0x40, v0, vm0, $0xb8;
	[tilespmem:$0x10D00] =	vst v63  }
0x4e: {  	v0 =	vld [tilespmem:$0xB0];
	_ =	sdelay $0x6  }
0x4f: {  	s19 =	simm.s32 $0x3900  }
0x50: {  	[tilespmem:s19], [sflag:$0x2] =	stream.indirect_vreg.gather [hbm4b:s4+s2], $0x40, v0, vm0, $0xb8;
	[tilespmem:$0x10D00] =	vst v63  }
0x51: {  	v0 =	vld [tilespmem:$0xC0];
	_ =	sdelay $0x6  }
0x52: {  	s19 =	simm.s32 $0x3D00  }
0x53: {  	[tilespmem:s19], [sflag:$0x2] =	stream.indirect_vreg.gather [hbm4b:s4+s2], $0x40, v0, vm0, $0xb8;
	[tilespmem:$0x10D00] =	vst v63  }
0x54: {  	v0 =	vld [tilespmem:$0xD0];
	_ =	sdelay $0x6  }
0x55: {  	s19 =	simm.s32 $0x4100  }
0x56: {  	[tilespmem:s19], [sflag:$0x2] =	stream.indirect_vreg.gather [hbm4b:s4+s2], $0x40, v0, vm0, $0xb8;
	[tilespmem:$0x10D00] =	vst v63  }
0x57: {  	v0 =	vld [tilespmem:$0xE0];
	_ =	sdelay $0x6  }
0x58: {  	s19 =	simm.s32 $0x4500  }
0x59: {  	[tilespmem:s19], [sflag:$0x2] =	stream.indirect_vreg.gather [hbm4b:s4+s2], $0x40, v0, vm0, $0xb8;
	[tilespmem:$0x10D00] =	vst v63  }
0x5a: {  	v0 =	vld [tilespmem:$0xF0];
	_ =	sdelay $0x6  }
0x5b: {  	s19 =	simm.s32 $0x4900  }
0x5c: {  	[tilespmem:s19], [sflag:$0x2] =	stream.indirect_vreg.gather [hbm4b:s4+s2], $0x40, v0, vm0, $0xb8;
	[tilespmem:$0x10D00] =	vst v63  }
0x5d: {  	v0 =	vld [tilespmem:$0x100];
	_ =	sdelay $0x7  }
0x5e: {  	[tilespmem:s23], [sflag:$0x3] =	stream.indirect_vreg.gather [hbm4b:s4+s2], $0x40, v0, vm0, $0xb8;
	[tilespmem:$0x10D00] =	vst v63  }
0x5f: {  	v0 =	vld [tilespmem:$0x110];
	_ =	sdelay $0x6  }
0x60: {  	s19 =	simm.s32 $0x5100  }
0x61: {  	[tilespmem:s19], [sflag:$0x3] =	stream.indirect_vreg.gather [hbm4b:s4+s2], $0x40, v0, vm0, $0xb8;
	[tilespmem:$0x10D00] =	vst v63  }
0x62: {  	v0 =	vld [tilespmem:$0x120];
	_ =	sdelay $0x6  }
0x63: {  	s19 =	simm.s32 $0x5500  }
0x64: {  	[tilespmem:s19], [sflag:$0x3] =	stream.indirect_vreg.gather [hbm4b:s4+s2], $0x40, v0, vm0, $0xb8;
	[tilespmem:$0x10D00] =	vst v63  }
0x65: {  	v0 =	vld [tilespmem:$0x130];
	_ =	sdelay $0x6  }
0x66: {  	s19 =	simm.s32 $0x5900  }
0x67: {  	[tilespmem:s19], [sflag:$0x3] =	stream.indirect_vreg.gather [hbm4b:s4+s2], $0x40, v0, vm0, $0xb8;
	[tilespmem:$0x10D00] =	vst v63  }
0x68: {  	v0 =	vld [tilespmem:$0x140];
	_ =	sdelay $0x6  }
0x69: {  	s19 =	simm.s32 $0x5D00  }
0x6a: {  	[tilespmem:s19], [sflag:$0x3] =	stream.indirect_vreg.gather [hbm4b:s4+s2], $0x40, v0, vm0, $0xb8;
	[tilespmem:$0x10D00] =	vst v63  }
0x6b: {  	v0 =	vld [tilespmem:$0x150];
	_ =	sdelay $0x6  }
0x6c: {  	s19 =	simm.s32 $0x6100  }
0x6d: {  	[tilespmem:s19], [sflag:$0x3] =	stream.indirect_vreg.gather [hbm4b:s4+s2], $0x40, v0, vm0, $0xb8;
	[tilespmem:$0x10D00] =	vst v63  }
0x6e: {  	v0 =	vld [tilespmem:$0x160];
	_ =	sdelay $0x6  }
0x6f: {  	s19 =	simm.s32 $0x6500  }
0x70: {  	[tilespmem:s19], [sflag:$0x3] =	stream.indirect_vreg.gather [hbm4b:s4+s2], $0x40, v0, vm0, $0xb8;
	[tilespmem:$0x10D00] =	vst v63  }
0x71: {  	v0 =	vld [tilespmem:$0x170];
	_ =	sdelay $0x6  }
0x72: {  	s19 =	simm.s32 $0x6900  }
0x73: {  	[tilespmem:s19], [sflag:$0x3] =	stream.indirect_vreg.gather [hbm4b:s4+s2], $0x40, v0, vm0, $0xb8;
	[tilespmem:$0x10D00] =	vst v63  }
0x74: {  	v0 =	vld [tilespmem:$0x180];
	_ =	sdelay $0x6  }
0x75: {  	s1 =	simm.s32 $0x6D00  }
0x76: {  	[tilespmem:s1], [sflag:$0x4] =	stream.indirect_vreg.gather [hbm4b:s4+s2], $0x40, v0, vm0, $0xb8;
	[tilespmem:$0x10D00] =	vst v63  }
0x77: {  	v0 =	vld [tilespmem:$0x190];
	_ =	sdelay $0x6  }
0x78: {  	s19 =	simm.s32 $0x7100  }
0x79: {  	[tilespmem:s19], [sflag:$0x4] =	stream.indirect_vreg.gather [hbm4b:s4+s2], $0x40, v0, vm0, $0xb8;
	[tilespmem:$0x10D00] =	vst v63  }
0x7a: {  	v0 =	vld [tilespmem:$0x1A0];
	_ =	sdelay $0x6  }
0x7b: {  	s19 =	simm.s32 $0x7500  }
0x7c: {  	[tilespmem:s19], [sflag:$0x4] =	stream.indirect_vreg.gather [hbm4b:s4+s2], $0x40, v0, vm0, $0xb8;
	[tilespmem:$0x10D00] =	vst v63  }
0x7d: {  	v0 =	vld [tilespmem:$0x1B0];
	_ =	sdelay $0x6  }
0x7e: {  	s19 =	simm.s32 $0x7900  }
0x7f: {  	[tilespmem:s19], [sflag:$0x4] =	stream.indirect_vreg.gather [hbm4b:s4+s2], $0x40, v0, vm0, $0xb8;
	[tilespmem:$0x10D00] =	vst v63  }
0x80: {  	v0 =	vld [tilespmem:$0x1C0];
	_ =	sdelay $0x6  }
0x81: {  	s19 =	simm.s32 $0x7D00  }
0x82: {  	[tilespmem:s19], [sflag:$0x4] =	stream.indirect_vreg.gather [hbm4b:s4+s2], $0x40, v0, vm0, $0xb8;
	[tilespmem:$0x10D00] =	vst v63  }
0x83: {  	v0 =	vld [tilespmem:$0x1D0];
	_ =	sdelay $0x6  }
0x84: {  	s19 =	simm.s32 $0x8100  }
0x85: {  	[tilespmem:s19], [sflag:$0x4] =	stream.indirect_vreg.gather [hbm4b:s4+s2], $0x40, v0, vm0, $0xb8;
	[tilespmem:$0x10D00] =	vst v63  }
0x86: {  	v0 =	vld [tilespmem:$0x1E0];
	_ =	sdelay $0x6  }
0x87: {  	s19 =	simm.s32 $0x8500  }
0x88: {  	[tilespmem:s19], [sflag:$0x4] =	stream.indirect_vreg.gather [hbm4b:s4+s2], $0x40, v0, vm0, $0xb8;
	[tilespmem:$0x10D00] =	vst v63  }
0x89: {  	v0 =	vld [tilespmem:$0x1F0];
	_ =	sdelay $0x6  }
0x8a: {  	s19 =	simm.s32 $0x8900  }
0x8b: {  	[tilespmem:s19], [sflag:$0x4] =	stream.indirect_vreg.gather [hbm4b:s4+s2], $0x40, v0, vm0, $0xb8;
	[tilespmem:$0x10D00] =	vst v63  }
0x8c: {  	v0 =	vld [tilespmem:$0x200];
	_ =	sdelay $0x7  }
0x8d: {  	[tilespmem:s29], [sflag:$0x5] =	stream.indirect_vreg.gather [hbm4b:s4+s2], $0x40, v0, vm0, $0xb8;
	[tilespmem:$0x10D00] =	vst v63  }
0x8e: {  	v0 =	vld [tilespmem:$0x210];
	_ =	sdelay $0x6  }
0x8f: {  	s19 =	simm.s32 $0x9100  }
0x90: {  	[tilespmem:s19], [sflag:$0x5] =	stream.indirect_vreg.gather [hbm4b:s4+s2], $0x40, v0, vm0, $0xb8;
	[tilespmem:$0x10D00] =	vst v63  }
0x91: {  	v0 =	vld [tilespmem:$0x220];
	_ =	sdelay $0x6  }
0x92: {  	s19 =	simm.s32 $0x9500  }
0x93: {  	[tilespmem:s19], [sflag:$0x5] =	stream.indirect_vreg.gather [hbm4b:s4+s2], $0x40, v0, vm0, $0xb8;
	[tilespmem:$0x10D00] =	vst v63  }
0x94: {  	v0 =	vld [tilespmem:$0x230];
	_ =	sdelay $0x6  }
0x95: {  	s19 =	simm.s32 $0x9900  }
0x96: {  	[tilespmem:s19], [sflag:$0x5] =	stream.indirect_vreg.gather [hbm4b:s4+s2], $0x40, v0, vm0, $0xb8;
	[tilespmem:$0x10D00] =	vst v63  }
0x97: {  	v0 =	vld [tilespmem:$0x240];
	_ =	sdelay $0x6  }
0x98: {  	s19 =	simm.s32 $0x9D00  }
0x99: {  	[tilespmem:s19], [sflag:$0x5] =	stream.indirect_vreg.gather [hbm4b:s4+s2], $0x40, v0, vm0, $0xb8;
	[tilespmem:$0x10D00] =	vst v63  }
0x9a: {  	v0 =	vld [tilespmem:$0x250];
	_ =	sdelay $0x6  }
0x9b: {  	s19 =	simm.s32 $0xA100  }
0x9c: {  	[tilespmem:s19], [sflag:$0x5] =	stream.indirect_vreg.gather [hbm4b:s4+s2], $0x40, v0, vm0, $0xb8;
	[tilespmem:$0x10D00] =	vst v63  }
0x9d: {  	v0 =	vld [tilespmem:$0x260];
	_ =	sdelay $0x6  }
0x9e: {  	s19 =	simm.s32 $0xA500  }
0x9f: {  	[tilespmem:s19], [sflag:$0x5] =	stream.indirect_vreg.gather [hbm4b:s4+s2], $0x40, v0, vm0, $0xb8;
	[tilespmem:$0x10D00] =	vst v63  }
0xa0: {  	v0 =	vld [tilespmem:$0x270];
	_ =	sdelay $0x6  }
0xa1: {  	s19 =	simm.s32 $0xA900  }
0xa2: {  	[tilespmem:s19], [sflag:$0x5] =	stream.indirect_vreg.gather [hbm4b:s4+s2], $0x40, v0, vm0, $0xb8;
	[tilespmem:$0x10D00] =	vst v63  }
0xa3: {  	v0 =	vld [tilespmem:$0x280];
	_ =	sdelay $0x7  }
0xa4: {  	[tilespmem:s20], [sflag:$0x6] =	stream.indirect_vreg.gather [hbm4b:s4+s2], $0x40, v0, vm0, $0xb8;
	[tilespmem:$0x10D00] =	vst v63  }
0xa5: {  	v0 =	vld [tilespmem:$0x290];
	_ =	sdelay $0x6  }
0xa6: {  	s19 =	simm.s32 $0xB100  }
0xa7: {  	[tilespmem:s19], [sflag:$0x6] =	stream.indirect_vreg.gather [hbm4b:s4+s2], $0x40, v0, vm0, $0xb8;
	[tilespmem:$0x10D00] =	vst v63  }
0xa8: {  	v0 =	vld [tilespmem:$0x2A0];
	_ =	sdelay $0x6  }
0xa9: {  	s19 =	simm.s32 $0xB500  }
0xaa: {  	[tilespmem:s19], [sflag:$0x6] =	stream.indirect_vreg.gather [hbm4b:s4+s2], $0x40, v0, vm0, $0xb8;
	[tilespmem:$0x10D00] =	vst v63  }
0xab: {  	v0 =	vld [tilespmem:$0x2B0];
	_ =	sdelay $0x6  }
0xac: {  	s19 =	simm.s32 $0xB900  }
0xad: {  	[tilespmem:s19], [sflag:$0x6] =	stream.indirect_vreg.gather [hbm4b:s4+s2], $0x40, v0, vm0, $0xb8;
	[tilespmem:$0x10D00] =	vst v63  }
0xae: {  	v0 =	vld [tilespmem:$0x2C0];
	_ =	sdelay $0x6  }
0xaf: {  	s19 =	simm.s32 $0xBD00  }
0xb0: {  	[tilespmem:s19], [sflag:$0x6] =	stream.indirect_vreg.gather [hbm4b:s4+s2], $0x40, v0, vm0, $0xb8;
	[tilespmem:$0x10D00] =	vst v63  }
0xb1: {  	v0 =	vld [tilespmem:$0x2D0];
	_ =	sdelay $0x6  }
0xb2: {  	s19 =	simm.s32 $0xC100  }
0xb3: {  	[tilespmem:s19], [sflag:$0x6] =	stream.indirect_vreg.gather [hbm4b:s4+s2], $0x40, v0, vm0, $0xb8;
	[tilespmem:$0x10D00] =	vst v63  }
0xb4: {  	v0 =	vld [tilespmem:$0x2E0];
	_ =	sdelay $0x6  }
0xb5: {  	s19 =	simm.s32 $0xC500  }
0xb6: {  	[tilespmem:s19], [sflag:$0x6] =	stream.indirect_vreg.gather [hbm4b:s4+s2], $0x40, v0, vm0, $0xb8;
	[tilespmem:$0x10D00] =	vst v63  }
0xb7: {  	v0 =	vld [tilespmem:$0x2F0];
	_ =	sdelay $0x6  }
0xb8: {  	s19 =	simm.s32 $0xC900  }
0xb9: {  	[tilespmem:s19], [sflag:$0x6] =	stream.indirect_vreg.gather [hbm4b:s4+s2], $0x40, v0, vm0, $0xb8;
	[tilespmem:$0x10D00] =	vst v63  }
0xba: {  	v0 =	vld [tilespmem:$0x300];
	_ =	sdelay $0x7  }
0xbb: {  	[tilespmem:s21], [sflag:$0x7] =	stream.indirect_vreg.gather [hbm4b:s4+s2], $0x40, v0, vm0, $0xb8;
	[tilespmem:$0x10D00] =	vst v63  }
0xbc: {  	v0 =	vld [tilespmem:$0x310];
	_ =	sdelay $0x6  }
0xbd: {  	s19 =	simm.s32 $0xD100  }
0xbe: {  	[tilespmem:s19], [sflag:$0x7] =	stream.indirect_vreg.gather [hbm4b:s4+s2], $0x40, v0, vm0, $0xb8;
	[tilespmem:$0x10D00] =	vst v63  }
0xbf: {  	v0 =	vld [tilespmem:$0x320];
	_ =	sdelay $0x6  }
0xc0: {  	s19 =	simm.s32 $0xD500  }
0xc1: {  	[tilespmem:s19], [sflag:$0x7] =	stream.indirect_vreg.gather [hbm4b:s4+s2], $0x40, v0, vm0, $0xb8;
	[tilespmem:$0x10D00] =	vst v63  }
0xc2: {  	v0 =	vld [tilespmem:$0x330];
	_ =	sdelay $0x6  }
0xc3: {  	s19 =	simm.s32 $0xD900  }
0xc4: {  	[tilespmem:s19], [sflag:$0x7] =	stream.indirect_vreg.gather [hbm4b:s4+s2], $0x40, v0, vm0, $0xb8;
	[tilespmem:$0x10D00] =	vst v63  }
0xc5: {  	v0 =	vld [tilespmem:$0x340];
	_ =	sdelay $0x6  }
0xc6: {  	s19 =	simm.s32 $0xDD00  }
0xc7: {  	[tilespmem:s19], [sflag:$0x7] =	stream.indirect_vreg.gather [hbm4b:s4+s2], $0x40, v0, vm0, $0xb8;
	[tilespmem:$0x10D00] =	vst v63  }
0xc8: {  	v0 =	vld [tilespmem:$0x350];
	_ =	sdelay $0x6  }
0xc9: {  	s19 =	simm.s32 $0xE100  }
0xca: {  	[tilespmem:s19], [sflag:$0x7] =	stream.indirect_vreg.gather [hbm4b:s4+s2], $0x40, v0, vm0, $0xb8;
	[tilespmem:$0x10D00] =	vst v63  }
0xcb: {  	v0 =	vld [tilespmem:$0x360];
	_ =	sdelay $0x6  }
0xcc: {  	s19 =	simm.s32 $0xE500  }
0xcd: {  	[tilespmem:s19], [sflag:$0x7] =	stream.indirect_vreg.gather [hbm4b:s4+s2], $0x40, v0, vm0, $0xb8;
	[tilespmem:$0x10D00] =	vst v63  }
0xce: {  	v0 =	vld [tilespmem:$0x370];
	_ =	sdelay $0x6  }
0xcf: {  	s19 =	simm.s32 $0xE900  }
0xd0: {  	[tilespmem:s19], [sflag:$0x7] =	stream.indirect_vreg.gather [hbm4b:s4+s2], $0x40, v0, vm0, $0xb8;
	[tilespmem:$0x10D00] =	vst v63  }
0xd1: {  	v0 =	vld [tilespmem:$0x380];
	_ =	sdelay $0x7  }
0xd2: {  	[tilespmem:s22], [sflag:$0x8] =	stream.indirect_vreg.gather [hbm4b:s4+s2], $0x40, v0, vm0, $0xb8;
	[tilespmem:$0x10D00] =	vst v63  }
0xd3: {  	v0 =	vld [tilespmem:$0x390];
	_ =	sdelay $0x6  }
0xd4: {  	s19 =	simm.s32 $0xF100  }
0xd5: {  	[tilespmem:s19], [sflag:$0x8] =	stream.indirect_vreg.gather [hbm4b:s4+s2], $0x40, v0, vm0, $0xb8;
	[tilespmem:$0x10D00] =	vst v63  }
0xd6: {  	v0 =	vld [tilespmem:$0x3A0];
	_ =	sdelay $0x6  }
0xd7: {  	s19 =	simm.s32 $0xF500  }
0xd8: {  	[tilespmem:s19], [sflag:$0x8] =	stream.indirect_vreg.gather [hbm4b:s4+s2], $0x40, v0, vm0, $0xb8;
	[tilespmem:$0x10D00] =	vst v63  }
0xd9: {  	v0 =	vld [tilespmem:$0x3B0];
	_ =	sdelay $0x6  }
0xda: {  	s19 =	simm.s32 $0xF900  }
0xdb: {  	[tilespmem:s19], [sflag:$0x8] =	stream.indirect_vreg.gather [hbm4b:s4+s2], $0x40, v0, vm0, $0xb8;
	[tilespmem:$0x10D00] =	vst v63  }
0xdc: {  	v0 =	vld [tilespmem:$0x3C0];
	_ =	sdelay $0x6  }
0xdd: {  	s19 =	simm.s32 $0xFD00  }
0xde: {  	[tilespmem:s19], [sflag:$0x8] =	stream.indirect_vreg.gather [hbm4b:s4+s2], $0x40, v0, vm0, $0xb8;
	[tilespmem:$0x10D00] =	vst v63  }
0xdf: {  	v0 =	vld [tilespmem:$0x3D0];
	_ =	sdelay $0x6  }
0xe0: {  	s19 =	simm.s32 $0x10100  }
0xe1: {  	[tilespmem:s19], [sflag:$0x8] =	stream.indirect_vreg.gather [hbm4b:s4+s2], $0x40, v0, vm0, $0xb8;
	[tilespmem:$0x10D00] =	vst v63  }
0xe2: {  	v0 =	vld [tilespmem:$0x3E0];
	_ =	sdelay $0x6  }
0xe3: {  	s19 =	simm.s32 $0x10500  }
0xe4: {  	[tilespmem:s19], [sflag:$0x8] =	stream.indirect_vreg.gather [hbm4b:s4+s2], $0x40, v0, vm0, $0xb8;
	[tilespmem:$0x10D00] =	vst v63  }
0xe5: {  	v0 =	vld [tilespmem:$0x3F0];
	_ =	sdelay $0x6  }
0xe6: {  	s19 =	simm.s32 $0x10900  }
0xe7: {  	[tilespmem:s19], [sflag:$0x8] =	stream.indirect_vreg.gather [hbm4b:s4+s2], $0x40, v0, vm0, $0xb8;
	[tilespmem:$0x10D00] =	vst v63  }
0xe8: {  	_ =	swait.ge [sflag:s31], $0x2000  }
0xe9: {  	[sflag:s31] =	ssyncset.done $0x0  }
0xea: {  	s19 =	rddreg [dreg:$0x1d];
	[sflag:s31] =	ssyncadd.s32 $0xFFFFE000  }
0xeb: {  	[hbm4b:s19+s2] =	stream.linear.scatter [tilespmem:s15], [sflag:$0x9], $0x2000, $0x38;
	[tilespmem:$0x10D00] =	vst v63  }
0xec: {  	_ =	swait.ge [sflag:s0], $0x2000  }
0xed: {  	[sflag:s0] =	ssyncset.done $0x0  }
0xee: {  	[sflag:s0] =	ssyncadd.s32 $0xFFFFE000  }
0xef: {  	v46 =	vld [tilespmem:$0x400];
	_ =	sdelay $0x7  }
0xf0: {  	[tilespmem:s15], [sflag:$0x1] =	stream.indirect_vreg.gather [hbm4b:s4+s2], $0x40, v46, vm0, $0xb8;
	[tilespmem:$0x10D00] =	vst v63  }
0xf1: {  	v0 =	vld [tilespmem:$0x410];
	_ =	sdelay $0x6  }
0xf2: {  	s25 =	simm.s32 $0x1100  }
0xf3: {  	[tilespmem:s25], [sflag:$0x1] =	stream.indirect_vreg.gather [hbm4b:s4+s2], $0x40, v0, vm0, $0xb8;
	[tilespmem:$0x10D00] =	vst v63  }
0xf4: {  	v0 =	vld [tilespmem:$0x420];
	_ =	sdelay $0x6  }
0xf5: {  	s26 =	simm.s32 $0x1500  }
0xf6: {  	[tilespmem:s26], [sflag:$0x1] =	stream.indirect_vreg.gather [hbm4b:s4+s2], $0x40, v0, vm0, $0xb8;
	[tilespmem:$0x10D00] =	vst v63  }
0xf7: {  	v0 =	vld [tilespmem:$0x430];
	_ =	sdelay $0x6  }
0xf8: {  	s28 =	simm.s32 $0x1900  }
0xf9: {  	[tilespmem:s28], [sflag:$0x1] =	stream.indirect_vreg.gather [hbm4b:s4+s2], $0x40, v0, vm0, $0xb8;
	[tilespmem:$0x10D00] =	vst v63  }
0xfa: {  	v0 =	vld [tilespmem:$0x440];
	_ =	sdelay $0x6  }
0xfb: {  	s26 =	simm.s32 $0x1D00  }
0xfc: {  	[tilespmem:s26], [sflag:$0x1] =	stream.indirect_vreg.gather [hbm4b:s4+s2], $0x40, v0, vm0, $0xb8;
	[tilespmem:$0x10D00] =	vst v63  }
0xfd: {  	v0 =	vld [tilespmem:$0x450];
	_ =	sdelay $0x6  }
0xfe: {  	s28 =	simm.s32 $0x2100  }
0xff: {  	[tilespmem:s28], [sflag:$0x1] =	stream.indirect_vreg.gather [hbm4b:s4+s2], $0x40, v0, vm0, $0xb8;
	[tilespmem:$0x10D00] =	vst v63  }
0x100: {  	v0 =	vld [tilespmem:$0x460];
	_ =	sdelay $0x6  }
0x101: {  	s25 =	simm.s32 $0x2500  }
0x102: {  	[tilespmem:s25], [sflag:$0x1] =	stream.indirect_vreg.gather [hbm4b:s4+s2], $0x40, v0, vm0, $0xb8;
	[tilespmem:$0x10D00] =	vst v63  }
0x103: {  	v0 =	vld [tilespmem:$0x470];
	_ =	sdelay $0x6  }
0x104: {  	s26 =	simm.s32 $0x2900  }
0x105: {  	[tilespmem:s26], [sflag:$0x1] =	stream.indirect_vreg.gather [hbm4b:s4+s2], $0x40, v0, vm0, $0xb8;
	[tilespmem:$0x10D00] =	vst v63  }
0x106: {  	_ =	swait.ge [sflag:s3], $0x2000  }
0x107: {  	[sflag:s3] =	ssyncset.done $0x0  }
0x108: {  	s28 =	rddreg [dreg:$0x4];
	[sflag:s3] =	ssyncadd.s32 $0xFFFFE000  }
0x109: {  	[hbm4b:s28+s2] =	stream.linear.scatter [tilespmem:s7], [sflag:$0xA], $0x2000, $0x38;
	[tilespmem:$0x10D00] =	vst v63  }
0x10a: {  	_ =	swait.ge [sflag:s6], $0x2000  }
0x10b: {  	[sflag:s6] =	ssyncset.done $0x0  }
0x10c: {  	[sflag:s6] =	ssyncadd.s32 $0xFFFFE000  }
0x10d: {  	v47 =	vld [tilespmem:$0x480];
	_ =	sdelay $0x7  }
0x10e: {  	[tilespmem:s7], [sflag:$0x2] =	stream.indirect_vreg.gather [hbm4b:s4+s2], $0x40, v47, vm0, $0xb8;
	[tilespmem:$0x10D00] =	vst v63  }
0x10f: {  	v0 =	vld [tilespmem:$0x490];
	_ =	sdelay $0x6  }
0x110: {  	s25 =	simm.s32 $0x3100  }
0x111: {  	[tilespmem:s25], [sflag:$0x2] =	stream.indirect_vreg.gather [hbm4b:s4+s2], $0x40, v0, vm0, $0xb8;
	[tilespmem:$0x10D00] =	vst v63  }
0x112: {  	v0 =	vld [tilespmem:$0x4A0];
	_ =	sdelay $0x6  }
0x113: {  	s26 =	simm.s32 $0x3500  }
0x114: {  	[tilespmem:s26], [sflag:$0x2] =	stream.indirect_vreg.gather [hbm4b:s4+s2], $0x40, v0, vm0, $0xb8;
	[tilespmem:$0x10D00] =	vst v63  }
0x115: {  	v0 =	vld [tilespmem:$0x4B0];
	_ =	sdelay $0x6  }
0x116: {  	s28 =	simm.s32 $0x3900  }
0x117: {  	[tilespmem:s28], [sflag:$0x2] =	stream.indirect_vreg.gather [hbm4b:s4+s2], $0x40, v0, vm0, $0xb8;
	[tilespmem:$0x10D00] =	vst v63  }
0x118: {  	v0 =	vld [tilespmem:$0x4C0];
	_ =	sdelay $0x6  }
0x119: {  	s19 =	simm.s32 $0x3D00  }
0x11a: {  	[tilespmem:s19], [sflag:$0x2] =	stream.indirect_vreg.gather [hbm4b:s4+s2], $0x40, v0, vm0, $0xb8;
	[tilespmem:$0x10D00] =	vst v63  }
0x11b: {  	v0 =	vld [tilespmem:$0x4D0];
	_ =	sdelay $0x6  }
0x11c: {  	s19 =	simm.s32 $0x4100  }
0x11d: {  	[tilespmem:s19], [sflag:$0x2] =	stream.indirect_vreg.gather [hbm4b:s4+s2], $0x40, v0, vm0, $0xb8;
	[tilespmem:$0x10D00] =	vst v63  }
0x11e: {  	v0 =	vld [tilespmem:$0x4E0];
	_ =	sdelay $0x6  }
0x11f: {  	s19 =	simm.s32 $0x4500  }
0x120: {  	[tilespmem:s19], [sflag:$0x2] =	stream.indirect_vreg.gather [hbm4b:s4+s2], $0x40, v0, vm0, $0xb8;
	[tilespmem:$0x10D00] =	vst v63  }
0x121: {  	v0 =	vld [tilespmem:$0x4F0];
	_ =	sdelay $0x6  }
0x122: {  	s19 =	simm.s32 $0x4900  }
0x123: {  	[tilespmem:s19], [sflag:$0x2] =	stream.indirect_vreg.gather [hbm4b:s4+s2], $0x40, v0, vm0, $0xb8;
	[tilespmem:$0x10D00] =	vst v63  }
0x124: {  	_ =	swait.ge [sflag:s24], $0x2000  }
0x125: {  	[sflag:s24] =	ssyncset.done $0x0  }
0x126: {  	s19 =	rddreg [dreg:$0x5];
	[sflag:s24] =	ssyncadd.s32 $0xFFFFE000  }
0x127: {  	[hbm4b:s19+s2] =	stream.linear.scatter [tilespmem:s23], [sflag:$0xB], $0x2000, $0x38;
	[tilespmem:$0x10D00] =	vst v63  }
0x128: {  	_ =	swait.ge [sflag:s30], $0x2000  }
0x129: {  	[sflag:s30] =	ssyncset.done $0x0  }
0x12a: {  	[sflag:s30] =	ssyncadd.s32 $0xFFFFE000  }
0x12b: {  	v48 =	vld [tilespmem:$0x500];
	_ =	sdelay $0x7  }
0x12c: {  	[tilespmem:s23], [sflag:$0x3] =	stream.indirect_vreg.gather [hbm4b:s4+s2], $0x40, v48, vm0, $0xb8;
	[tilespmem:$0x10D00] =	vst v63  }
0x12d: {  	v0 =	vld [tilespmem:$0x510];
	_ =	sdelay $0x6  }
0x12e: {  	s19 =	simm.s32 $0x5100  }
0x12f: {  	[tilespmem:s19], [sflag:$0x3] =	stream.indirect_vreg.gather [hbm4b:s4+s2], $0x40, v0, vm0, $0xb8;
	[tilespmem:$0x10D00] =	vst v63  }
0x130: {  	v0 =	vld [tilespmem:$0x520];
	_ =	sdelay $0x6  }
0x131: {  	s19 =	simm.s32 $0x5500  }
0x132: {  	[tilespmem:s19], [sflag:$0x3] =	stream.indirect_vreg.gather [hbm4b:s4+s2], $0x40, v0, vm0, $0xb8;
	[tilespmem:$0x10D00] =	vst v63  }
0x133: {  	v0 =	vld [tilespmem:$0x530];
	_ =	sdelay $0x6  }
0x134: {  	s19 =	simm.s32 $0x5900  }
0x135: {  	[tilespmem:s19], [sflag:$0x3] =	stream.indirect_vreg.gather [hbm4b:s4+s2], $0x40, v0, vm0, $0xb8;
	[tilespmem:$0x10D00] =	vst v63  }
0x136: {  	v0 =	vld [tilespmem:$0x540];
	_ =	sdelay $0x6  }
0x137: {  	s19 =	simm.s32 $0x5D00  }
0x138: {  	[tilespmem:s19], [sflag:$0x3] =	stream.indirect_vreg.gather [hbm4b:s4+s2], $0x40, v0, vm0, $0xb8;
	[tilespmem:$0x10D00] =	vst v63  }
0x139: {  	v0 =	vld [tilespmem:$0x550];
	_ =	sdelay $0x6  }
0x13a: {  	s19 =	simm.s32 $0x6100  }
0x13b: {  	[tilespmem:s19], [sflag:$0x3] =	stream.indirect_vreg.gather [hbm4b:s4+s2], $0x40, v0, vm0, $0xb8;
	[tilespmem:$0x10D00] =	vst v63  }
0x13c: {  	v0 =	vld [tilespmem:$0x560];
	_ =	sdelay $0x6  }
0x13d: {  	s19 =	simm.s32 $0x6500  }
0x13e: {  	[tilespmem:s19], [sflag:$0x3] =	stream.indirect_vreg.gather [hbm4b:s4+s2], $0x40, v0, vm0, $0xb8;
	[tilespmem:$0x10D00] =	vst v63  }
0x13f: {  	v0 =	vld [tilespmem:$0x570];
	_ =	sdelay $0x6  }
0x140: {  	s19 =	simm.s32 $0x6900  }
0x141: {  	[tilespmem:s19], [sflag:$0x3] =	stream.indirect_vreg.gather [hbm4b:s4+s2], $0x40, v0, vm0, $0xb8;
	[tilespmem:$0x10D00] =	vst v63  }
0x142: {  	_ =	swait.ge [sflag:s8], $0x2000  }
0x143: {  	[sflag:s8] =	ssyncset.done $0x0  }
0x144: {  	s19 =	rddreg [dreg:$0x6];
	[sflag:s8] =	ssyncadd.s32 $0xFFFFE000  }
0x145: {  	[hbm4b:s19+s2] =	stream.linear.scatter [tilespmem:s1], [sflag:$0xC], $0x2000, $0x38;
	[tilespmem:$0x10D00] =	vst v63  }
0x146: {  	_ =	swait.ge [sflag:s9], $0x2000  }
0x147: {  	[sflag:s9] =	ssyncset.done $0x0  }
0x148: {  	[sflag:s9] =	ssyncadd.s32 $0xFFFFE000  }
0x149: {  	v49 =	vld [tilespmem:$0x580];
	_ =	sdelay $0x7  }
0x14a: {  	[tilespmem:s1], [sflag:$0x4] =	stream.indirect_vreg.gather [hbm4b:s4+s2], $0x40, v49, vm0, $0xb8;
	[tilespmem:$0x10D00] =	vst v63  }
0x14b: {  	v0 =	vld [tilespmem:$0x590];
	_ =	sdelay $0x6  }
0x14c: {  	s19 =	simm.s32 $0x7100  }
0x14d: {  	[tilespmem:s19], [sflag:$0x4] =	stream.indirect_vreg.gather [hbm4b:s4+s2], $0x40, v0, vm0, $0xb8;
	[tilespmem:$0x10D00] =	vst v63  }
0x14e: {  	v0 =	vld [tilespmem:$0x5A0];
	_ =	sdelay $0x6  }
0x14f: {  	s19 =	simm.s32 $0x7500  }
0x150: {  	[tilespmem:s19], [sflag:$0x4] =	stream.indirect_vreg.gather [hbm4b:s4+s2], $0x40, v0, vm0, $0xb8;
	[tilespmem:$0x10D00] =	vst v63  }
0x151: {  	v0 =	vld [tilespmem:$0x5B0];
	_ =	sdelay $0x6  }
0x152: {  	s19 =	simm.s32 $0x7900  }
0x153: {  	[tilespmem:s19], [sflag:$0x4] =	stream.indirect_vreg.gather [hbm4b:s4+s2], $0x40, v0, vm0, $0xb8;
	[tilespmem:$0x10D00] =	vst v63  }
0x154: {  	v0 =	vld [tilespmem:$0x5C0];
	_ =	sdelay $0x6  }
0x155: {  	s19 =	simm.s32 $0x7D00  }
0x156: {  	[tilespmem:s19], [sflag:$0x4] =	stream.indirect_vreg.gather [hbm4b:s4+s2], $0x40, v0, vm0, $0xb8;
	[tilespmem:$0x10D00] =	vst v63  }
0x157: {  	v0 =	vld [tilespmem:$0x5D0];
	_ =	sdelay $0x6  }
0x158: {  	s19 =	simm.s32 $0x8100  }
0x159: {  	[tilespmem:s19], [sflag:$0x4] =	stream.indirect_vreg.gather [hbm4b:s4+s2], $0x40, v0, vm0, $0xb8;
	[tilespmem:$0x10D00] =	vst v63  }
0x15a: {  	v0 =	vld [tilespmem:$0x5E0];
	_ =	sdelay $0x6  }
0x15b: {  	s19 =	simm.s32 $0x8500  }
0x15c: {  	[tilespmem:s19], [sflag:$0x4] =	stream.indirect_vreg.gather [hbm4b:s4+s2], $0x40, v0, vm0, $0xb8;
	[tilespmem:$0x10D00] =	vst v63  }
0x15d: {  	v0 =	vld [tilespmem:$0x5F0];
	_ =	sdelay $0x6  }
0x15e: {  	s19 =	simm.s32 $0x8900  }
0x15f: {  	[tilespmem:s19], [sflag:$0x4] =	stream.indirect_vreg.gather [hbm4b:s4+s2], $0x40, v0, vm0, $0xb8;
	[tilespmem:$0x10D00] =	vst v63  }
0x160: {  	_ =	swait.ge [sflag:s10], $0x2000  }
0x161: {  	[sflag:s10] =	ssyncset.done $0x0  }
0x162: {  	s19 =	rddreg [dreg:$0x7];
	[sflag:s10] =	ssyncadd.s32 $0xFFFFE000  }
0x163: {  	[hbm4b:s19+s2] =	stream.linear.scatter [tilespmem:s29], [sflag:$0xD], $0x2000, $0x38;
	[tilespmem:$0x10D00] =	vst v63  }
0x164: {  	_ =	swait.ge [sflag:s11], $0x2000  }
0x165: {  	[sflag:s11] =	ssyncset.done $0x0  }
0x166: {  	[sflag:s11] =	ssyncadd.s32 $0xFFFFE000  }
0x167: {  	v50 =	vld [tilespmem:$0x600];
	_ =	sdelay $0x7  }
0x168: {  	[tilespmem:s29], [sflag:$0x5] =	stream.indirect_vreg.gather [hbm4b:s4+s2], $0x40, v50, vm0, $0xb8;
	[tilespmem:$0x10D00] =	vst v63  }
0x169: {  	v0 =	vld [tilespmem:$0x610];
	_ =	sdelay $0x6  }
0x16a: {  	s19 =	simm.s32 $0x9100  }
0x16b: {  	[tilespmem:s19], [sflag:$0x5] =	stream.indirect_vreg.gather [hbm4b:s4+s2], $0x40, v0, vm0, $0xb8;
	[tilespmem:$0x10D00] =	vst v63  }
0x16c: {  	v0 =	vld [tilespmem:$0x620];
	_ =	sdelay $0x6  }
0x16d: {  	s19 =	simm.s32 $0x9500  }
0x16e: {  	[tilespmem:s19], [sflag:$0x5] =	stream.indirect_vreg.gather [hbm4b:s4+s2], $0x40, v0, vm0, $0xb8;
	[tilespmem:$0x10D00] =	vst v63  }
0x16f: {  	v0 =	vld [tilespmem:$0x630];
	_ =	sdelay $0x6  }
0x170: {  	s19 =	simm.s32 $0x9900  }
0x171: {  	[tilespmem:s19], [sflag:$0x5] =	stream.indirect_vreg.gather [hbm4b:s4+s2], $0x40, v0, vm0, $0xb8;
	[tilespmem:$0x10D00] =	vst v63  }
0x172: {  	v0 =	vld [tilespmem:$0x640];
	_ =	sdelay $0x6  }
0x173: {  	s19 =	simm.s32 $0x9D00  }
0x174: {  	[tilespmem:s19], [sflag:$0x5] =	stream.indirect_vreg.gather [hbm4b:s4+s2], $0x40, v0, vm0, $0xb8;
	[tilespmem:$0x10D00] =	vst v63  }
0x175: {  	v0 =	vld [tilespmem:$0x650];
	_ =	sdelay $0x6  }
0x176: {  	s19 =	simm.s32 $0xA100  }
0x177: {  	[tilespmem:s19], [sflag:$0x5] =	stream.indirect_vreg.gather [hbm4b:s4+s2], $0x40, v0, vm0, $0xb8;
	[tilespmem:$0x10D00] =	vst v63  }
0x178: {  	v0 =	vld [tilespmem:$0x660];
	_ =	sdelay $0x6  }
0x179: {  	s19 =	simm.s32 $0xA500  }
0x17a: {  	[tilespmem:s19], [sflag:$0x5] =	stream.indirect_vreg.gather [hbm4b:s4+s2], $0x40, v0, vm0, $0xb8;
	[tilespmem:$0x10D00] =	vst v63  }
0x17b: {  	v0 =	vld [tilespmem:$0x670];
	_ =	sdelay $0x6  }
0x17c: {  	s19 =	simm.s32 $0xA900  }
0x17d: {  	[tilespmem:s19], [sflag:$0x5] =	stream.indirect_vreg.gather [hbm4b:s4+s2], $0x40, v0, vm0, $0xb8;
	[tilespmem:$0x10D00] =	vst v63  }
0x17e: {  	_ =	swait.ge [sflag:s12], $0x2000  }
0x17f: {  	[sflag:s12] =	ssyncset.done $0x0  }
0x180: {  	s19 =	rddreg [dreg:$0x8];
	[sflag:s12] =	ssyncadd.s32 $0xFFFFE000  }
0x181: {  	[hbm4b:s19+s2] =	stream.linear.scatter [tilespmem:s20], [sflag:$0xE], $0x2000, $0x38;
	[tilespmem:$0x10D00] =	vst v63  }
0x182: {  	_ =	swait.ge [sflag:s13], $0x2000  }
0x183: {  	[sflag:s13] =	ssyncset.done $0x0  }
0x184: {  	[sflag:s13] =	ssyncadd.s32 $0xFFFFE000  }
0x185: {  	v51 =	vld [tilespmem:$0x680];
	_ =	sdelay $0x7  }
0x186: {  	[tilespmem:s20], [sflag:$0x6] =	stream.indirect_vreg.gather [hbm4b:s4+s2], $0x40, v51, vm0, $0xb8;
	[tilespmem:$0x10D00] =	vst v63  }
0x187: {  	v0 =	vld [tilespmem:$0x690];
	_ =	sdelay $0x6  }
0x188: {  	s19 =	simm.s32 $0xB100  }
0x189: {  	[tilespmem:s19], [sflag:$0x6] =	stream.indirect_vreg.gather [hbm4b:s4+s2], $0x40, v0, vm0, $0xb8;
	[tilespmem:$0x10D00] =	vst v63  }
0x18a: {  	v0 =	vld [tilespmem:$0x6A0];
	_ =	sdelay $0x6  }
0x18b: {  	s19 =	simm.s32 $0xB500  }
0x18c: {  	[tilespmem:s19], [sflag:$0x6] =	stream.indirect_vreg.gather [hbm4b:s4+s2], $0x40, v0, vm0, $0xb8;
	[tilespmem:$0x10D00] =	vst v63  }
0x18d: {  	v0 =	vld [tilespmem:$0x6B0];
	_ =	sdelay $0x6  }
0x18e: {  	s19 =	simm.s32 $0xB900  }
0x18f: {  	[tilespmem:s19], [sflag:$0x6] =	stream.indirect_vreg.gather [hbm4b:s4+s2], $0x40, v0, vm0, $0xb8;
	[tilespmem:$0x10D00] =	vst v63  }
0x190: {  	v0 =	vld [tilespmem:$0x6C0];
	_ =	sdelay $0x6  }
0x191: {  	s19 =	simm.s32 $0xBD00  }
0x192: {  	[tilespmem:s19], [sflag:$0x6] =	stream.indirect_vreg.gather [hbm4b:s4+s2], $0x40, v0, vm0, $0xb8;
	[tilespmem:$0x10D00] =	vst v63  }
0x193: {  	v0 =	vld [tilespmem:$0x6D0];
	_ =	sdelay $0x6  }
0x194: {  	s19 =	simm.s32 $0xC100  }
0x195: {  	[tilespmem:s19], [sflag:$0x6] =	stream.indirect_vreg.gather [hbm4b:s4+s2], $0x40, v0, vm0, $0xb8;
	[tilespmem:$0x10D00] =	vst v63  }
0x196: {  	v0 =	vld [tilespmem:$0x6E0];
	_ =	sdelay $0x6  }
0x197: {  	s19 =	simm.s32 $0xC500  }
0x198: {  	[tilespmem:s19], [sflag:$0x6] =	stream.indirect_vreg.gather [hbm4b:s4+s2], $0x40, v0, vm0, $0xb8;
	[tilespmem:$0x10D00] =	vst v63  }
0x199: {  	v0 =	vld [tilespmem:$0x6F0];
	_ =	sdelay $0x6  }
0x19a: {  	s19 =	simm.s32 $0xC900  }
0x19b: {  	[tilespmem:s19], [sflag:$0x6] =	stream.indirect_vreg.gather [hbm4b:s4+s2], $0x40, v0, vm0, $0xb8;
	[tilespmem:$0x10D00] =	vst v63  }
0x19c: {  	_ =	swait.ge [sflag:s14], $0x2000  }
0x19d: {  	[sflag:s14] =	ssyncset.done $0x0  }
0x19e: {  	s19 =	rddreg [dreg:$0x9];
	[sflag:s14] =	ssyncadd.s32 $0xFFFFE000  }
0x19f: {  	[hbm4b:s19+s2] =	stream.linear.scatter [tilespmem:s21], [sflag:$0xF], $0x2000, $0x38;
	[tilespmem:$0x10D00] =	vst v63  }
0x1a0: {  	_ =	swait.ge [sflag:s16], $0x2000  }
0x1a1: {  	[sflag:s16] =	ssyncset.done $0x0  }
0x1a2: {  	[sflag:s16] =	ssyncadd.s32 $0xFFFFE000  }
0x1a3: {  	v52 =	vld [tilespmem:$0x700];
	_ =	sdelay $0x7  }
0x1a4: {  	[tilespmem:s21], [sflag:$0x7] =	stream.indirect_vreg.gather [hbm4b:s4+s2], $0x40, v52, vm0, $0xb8;
	[tilespmem:$0x10D00] =	vst v63  }
0x1a5: {  	v0 =	vld [tilespmem:$0x710];
	_ =	sdelay $0x6  }
0x1a6: {  	s19 =	simm.s32 $0xD100  }
0x1a7: {  	[tilespmem:s19], [sflag:$0x7] =	stream.indirect_vreg.gather [hbm4b:s4+s2], $0x40, v0, vm0, $0xb8;
	[tilespmem:$0x10D00] =	vst v63  }
0x1a8: {  	v0 =	vld [tilespmem:$0x720];
	_ =	sdelay $0x6  }
0x1a9: {  	s19 =	simm.s32 $0xD500  }
0x1aa: {  	[tilespmem:s19], [sflag:$0x7] =	stream.indirect_vreg.gather [hbm4b:s4+s2], $0x40, v0, vm0, $0xb8;
	[tilespmem:$0x10D00] =	vst v63  }
0x1ab: {  	v0 =	vld [tilespmem:$0x730];
	_ =	sdelay $0x6  }
0x1ac: {  	s19 =	simm.s32 $0xD900  }
0x1ad: {  	[tilespmem:s19], [sflag:$0x7] =	stream.indirect_vreg.gather [hbm4b:s4+s2], $0x40, v0, vm0, $0xb8;
	[tilespmem:$0x10D00] =	vst v63  }
0x1ae: {  	v0 =	vld [tilespmem:$0x740];
	_ =	sdelay $0x6  }
0x1af: {  	s19 =	simm.s32 $0xDD00  }
0x1b0: {  	[tilespmem:s19], [sflag:$0x7] =	stream.indirect_vreg.gather [hbm4b:s4+s2], $0x40, v0, vm0, $0xb8;
	[tilespmem:$0x10D00] =	vst v63  }
0x1b1: {  	v0 =	vld [tilespmem:$0x750];
	_ =	sdelay $0x6  }
0x1b2: {  	s19 =	simm.s32 $0xE100  }
0x1b3: {  	[tilespmem:s19], [sflag:$0x7] =	stream.indirect_vreg.gather [hbm4b:s4+s2], $0x40, v0, vm0, $0xb8;
	[tilespmem:$0x10D00] =	vst v63  }
0x1b4: {  	v0 =	vld [tilespmem:$0x760];
	_ =	sdelay $0x6  }
0x1b5: {  	s19 =	simm.s32 $0xE500  }
0x1b6: {  	[tilespmem:s19], [sflag:$0x7] =	stream.indirect_vreg.gather [hbm4b:s4+s2], $0x40, v0, vm0, $0xb8;
	[tilespmem:$0x10D00] =	vst v63  }
0x1b7: {  	v0 =	vld [tilespmem:$0x770];
	_ =	sdelay $0x6  }
0x1b8: {  	s19 =	simm.s32 $0xE900  }
0x1b9: {  	[tilespmem:s19], [sflag:$0x7] =	stream.indirect_vreg.gather [hbm4b:s4+s2], $0x40, v0, vm0, $0xb8;
	[tilespmem:$0x10D00] =	vst v63  }
0x1ba: {  	_ =	swait.ge [sflag:s17], $0x2000  }
0x1bb: {  	[sflag:s17] =	ssyncset.done $0x0  }
0x1bc: {  	s19 =	rddreg [dreg:$0xa];
	[sflag:s17] =	ssyncadd.s32 $0xFFFFE000  }
0x1bd: {  	[hbm4b:s19+s2] =	stream.linear.scatter [tilespmem:s22], [sflag:$0x10], $0x2000, $0x38;
	[tilespmem:$0x10D00] =	vst v63  }
0x1be: {  	_ =	swait.ge [sflag:s18], $0x2000  }
0x1bf: {  	[sflag:s18] =	ssyncset.done $0x0  }
0x1c0: {  	[sflag:s18] =	ssyncadd.s32 $0xFFFFE000  }
0x1c1: {  	v53 =	vld [tilespmem:$0x780];
	_ =	sdelay $0x7  }
0x1c2: {  	[tilespmem:s22], [sflag:$0x8] =	stream.indirect_vreg.gather [hbm4b:s4+s2], $0x40, v53, vm0, $0xb8;
	[tilespmem:$0x10D00] =	vst v63  }
0x1c3: {  	v0 =	vld [tilespmem:$0x790];
	_ =	sdelay $0x6  }
0x1c4: {  	s19 =	simm.s32 $0xF100  }
0x1c5: {  	[tilespmem:s19], [sflag:$0x8] =	stream.indirect_vreg.gather [hbm4b:s4+s2], $0x40, v0, vm0, $0xb8;
	[tilespmem:$0x10D00] =	vst v63  }
0x1c6: {  	v0 =	vld [tilespmem:$0x7A0];
	_ =	sdelay $0x6  }
0x1c7: {  	s19 =	simm.s32 $0xF500  }
0x1c8: {  	[tilespmem:s19], [sflag:$0x8] =	stream.indirect_vreg.gather [hbm4b:s4+s2], $0x40, v0, vm0, $0xb8;
	[tilespmem:$0x10D00] =	vst v63  }
0x1c9: {  	v0 =	vld [tilespmem:$0x7B0];
	_ =	sdelay $0x6  }
0x1ca: {  	s19 =	simm.s32 $0xF900  }
0x1cb: {  	[tilespmem:s19], [sflag:$0x8] =	stream.indirect_vreg.gather [hbm4b:s4+s2], $0x40, v0, vm0, $0xb8;
	[tilespmem:$0x10D00] =	vst v63  }
0x1cc: {  	v0 =	vld [tilespmem:$0x7C0];
	_ =	sdelay $0x6  }
0x1cd: {  	s19 =	simm.s32 $0xFD00  }
0x1ce: {  	[tilespmem:s19], [sflag:$0x8] =	stream.indirect_vreg.gather [hbm4b:s4+s2], $0x40, v0, vm0, $0xb8;
	[tilespmem:$0x10D00] =	vst v63  }
0x1cf: {  	v0 =	vld [tilespmem:$0x7D0];
	_ =	sdelay $0x6  }
0x1d0: {  	s19 =	simm.s32 $0x10100  }
0x1d1: {  	[tilespmem:s19], [sflag:$0x8] =	stream.indirect_vreg.gather [hbm4b:s4+s2], $0x40, v0, vm0, $0xb8;
	[tilespmem:$0x10D00] =	vst v63  }
0x1d2: {  	v0 =	vld [tilespmem:$0x7E0];
	_ =	sdelay $0x6  }
0x1d3: {  	s19 =	simm.s32 $0x10500  }
0x1d4: {  	[tilespmem:s19], [sflag:$0x8] =	stream.indirect_vreg.gather [hbm4b:s4+s2], $0x40, v0, vm0, $0xb8;
	[tilespmem:$0x10D00] =	vst v63  }
0x1d5: {  	v0 =	vld [tilespmem:$0x7F0];
	_ =	sdelay $0x6  }
0x1d6: {  	s19 =	simm.s32 $0x10900  }
0x1d7: {  	[tilespmem:s19], [sflag:$0x8] =	stream.indirect_vreg.gather [hbm4b:s4+s2], $0x40, v0, vm0, $0xb8;
	[tilespmem:$0x10D00] =	vst v63  }
0x1d8: {  	_ =	swait.ge [sflag:s31], $0x2000  }
0x1d9: {  	[sflag:s31] =	ssyncset.done $0x0  }
0x1da: {  	s19 =	rddreg [dreg:$0xb];
	[sflag:s31] =	ssyncadd.s32 $0xFFFFE000  }
0x1db: {  	[hbm4b:s19+s2] =	stream.linear.scatter [tilespmem:s15], [sflag:$0x9], $0x2000, $0x38;
	[tilespmem:$0x10D00] =	vst v63  }
0x1dc: {  	_ =	swait.ge [sflag:s0], $0x2000  }
0x1dd: {  	[sflag:s0] =	ssyncset.done $0x0  }
0x1de: {  	[sflag:s0] =	ssyncadd.s32 $0xFFFFE000  }
0x1df: {  	v54 =	vld [tilespmem:$0x800];
	_ =	sdelay $0x7  }
0x1e0: {  	[tilespmem:s15], [sflag:$0x1] =	stream.indirect_vreg.gather [hbm4b:s4+s2], $0x40, v54, vm0, $0xb8;
	[tilespmem:$0x10D00] =	vst v63  }
0x1e1: {  	v0 =	vld [tilespmem:$0x810];
	_ =	sdelay $0x6  }
0x1e2: {  	s19 =	simm.s32 $0x1100  }
0x1e3: {  	[tilespmem:s19], [sflag:$0x1] =	stream.indirect_vreg.gather [hbm4b:s4+s2], $0x40, v0, vm0, $0xb8;
	[tilespmem:$0x10D00] =	vst v63  }
0x1e4: {  	v0 =	vld [tilespmem:$0x820];
	_ =	sdelay $0x6  }
0x1e5: {  	s19 =	simm.s32 $0x1500  }
0x1e6: {  	[tilespmem:s19], [sflag:$0x1] =	stream.indirect_vreg.gather [hbm4b:s4+s2], $0x40, v0, vm0, $0xb8;
	[tilespmem:$0x10D00] =	vst v63  }
0x1e7: {  	v0 =	vld [tilespmem:$0x830];
	_ =	sdelay $0x6  }
0x1e8: {  	s19 =	simm.s32 $0x1900  }
0x1e9: {  	[tilespmem:s19], [sflag:$0x1] =	stream.indirect_vreg.gather [hbm4b:s4+s2], $0x40, v0, vm0, $0xb8;
	[tilespmem:$0x10D00] =	vst v63  }
0x1ea: {  	v0 =	vld [tilespmem:$0x840];
	_ =	sdelay $0x6  }
0x1eb: {  	s19 =	simm.s32 $0x1D00  }
0x1ec: {  	[tilespmem:s19], [sflag:$0x1] =	stream.indirect_vreg.gather [hbm4b:s4+s2], $0x40, v0, vm0, $0xb8;
	[tilespmem:$0x10D00] =	vst v63  }
0x1ed: {  	v0 =	vld [tilespmem:$0x850];
	_ =	sdelay $0x6  }
0x1ee: {  	s19 =	simm.s32 $0x2100  }
0x1ef: {  	[tilespmem:s19], [sflag:$0x1] =	stream.indirect_vreg.gather [hbm4b:s4+s2], $0x40, v0, vm0, $0xb8;
	[tilespmem:$0x10D00] =	vst v63  }
0x1f0: {  	v0 =	vld [tilespmem:$0x860];
	_ =	sdelay $0x6  }
0x1f1: {  	s19 =	simm.s32 $0x2500  }
0x1f2: {  	[tilespmem:s19], [sflag:$0x1] =	stream.indirect_vreg.gather [hbm4b:s4+s2], $0x40, v0, vm0, $0xb8;
	[tilespmem:$0x10D00] =	vst v63  }
0x1f3: {  	v0 =	vld [tilespmem:$0x870];
	_ =	sdelay $0x6  }
0x1f4: {  	s19 =	simm.s32 $0x2900  }
0x1f5: {  	[tilespmem:s19], [sflag:$0x1] =	stream.indirect_vreg.gather [hbm4b:s4+s2], $0x40, v0, vm0, $0xb8;
	[tilespmem:$0x10D00] =	vst v63  }
0x1f6: {  	_ =	swait.ge [sflag:s3], $0x2000  }
0x1f7: {  	[sflag:s3] =	ssyncset.done $0x0  }
0x1f8: {  	s19 =	rddreg [dreg:$0xc];
	[sflag:s3] =	ssyncadd.s32 $0xFFFFE000  }
0x1f9: {  	[hbm4b:s19+s2] =	stream.linear.scatter [tilespmem:s7], [sflag:$0xA], $0x2000, $0x38;
	[tilespmem:$0x10D00] =	vst v63  }
0x1fa: {  	_ =	swait.ge [sflag:s6], $0x2000  }
0x1fb: {  	[sflag:s6] =	ssyncset.done $0x0  }
0x1fc: {  	[sflag:s6] =	ssyncadd.s32 $0xFFFFE000  }
0x1fd: {  	v55 =	vld [tilespmem:$0x880];
	_ =	sdelay $0x7  }
0x1fe: {  	[tilespmem:s7], [sflag:$0x2] =	stream.indirect_vreg.gather [hbm4b:s4+s2], $0x40, v55, vm0, $0xb8;
	[tilespmem:$0x10D00] =	vst v63  }
0x1ff: {  	v0 =	vld [tilespmem:$0x890];
	_ =	sdelay $0x6  }
0x200: {  	s25 =	simm.s32 $0x3100  }
0x201: {  	[tilespmem:s25], [sflag:$0x2] =	stream.indirect_vreg.gather [hbm4b:s4+s2], $0x40, v0, vm0, $0xb8;
	[tilespmem:$0x10D00] =	vst v63  }
0x202: {  	v0 =	vld [tilespmem:$0x8A0];
	_ =	sdelay $0x6  }
0x203: {  	s26 =	simm.s32 $0x3500  }
0x204: {  	[tilespmem:s26], [sflag:$0x2] =	stream.indirect_vreg.gather [hbm4b:s4+s2], $0x40, v0, vm0, $0xb8;
	[tilespmem:$0x10D00] =	vst v63  }
0x205: {  	v0 =	vld [tilespmem:$0x8B0];
	_ =	sdelay $0x6  }
0x206: {  	s28 =	simm.s32 $0x3900  }
0x207: {  	[tilespmem:s28], [sflag:$0x2] =	stream.indirect_vreg.gather [hbm4b:s4+s2], $0x40, v0, vm0, $0xb8;
	[tilespmem:$0x10D00] =	vst v63  }
0x208: {  	v0 =	vld [tilespmem:$0x8C0];
	_ =	sdelay $0x6  }
0x209: {  	s19 =	simm.s32 $0x3D00  }
0x20a: {  	[tilespmem:s19], [sflag:$0x2] =	stream.indirect_vreg.gather [hbm4b:s4+s2], $0x40, v0, vm0, $0xb8;
	[tilespmem:$0x10D00] =	vst v63  }
0x20b: {  	v0 =	vld [tilespmem:$0x8D0];
	_ =	sdelay $0x6  }
0x20c: {  	s19 =	simm.s32 $0x4100  }
0x20d: {  	[tilespmem:s19], [sflag:$0x2] =	stream.indirect_vreg.gather [hbm4b:s4+s2], $0x40, v0, vm0, $0xb8;
	[tilespmem:$0x10D00] =	vst v63  }
0x20e: {  	v0 =	vld [tilespmem:$0x8E0];
	_ =	sdelay $0x6  }
0x20f: {  	s19 =	simm.s32 $0x4500  }
0x210: {  	[tilespmem:s19], [sflag:$0x2] =	stream.indirect_vreg.gather [hbm4b:s4+s2], $0x40, v0, vm0, $0xb8;
	[tilespmem:$0x10D00] =	vst v63  }
0x211: {  	v0 =	vld [tilespmem:$0x8F0];
	_ =	sdelay $0x6  }
0x212: {  	s19 =	simm.s32 $0x4900  }
0x213: {  	[tilespmem:s19], [sflag:$0x2] =	stream.indirect_vreg.gather [hbm4b:s4+s2], $0x40, v0, vm0, $0xb8;
	[tilespmem:$0x10D00] =	vst v63  }
0x214: {  	_ =	swait.ge [sflag:s24], $0x2000  }
0x215: {  	[sflag:s24] =	ssyncset.done $0x0  }
0x216: {  	s19 =	rddreg [dreg:$0xd];
	[sflag:s24] =	ssyncadd.s32 $0xFFFFE000  }
0x217: {  	[hbm4b:s19+s2] =	stream.linear.scatter [tilespmem:s23], [sflag:$0xB], $0x2000, $0x38;
	[tilespmem:$0x10D00] =	vst v63  }
0x218: {  	_ =	swait.ge [sflag:s30], $0x2000  }
0x219: {  	[sflag:s30] =	ssyncset.done $0x0  }
0x21a: {  	[sflag:s30] =	ssyncadd.s32 $0xFFFFE000  }
0x21b: {  	v56 =	vld [tilespmem:$0x900];
	_ =	sdelay $0x7  }
0x21c: {  	[tilespmem:s23], [sflag:$0x3] =	stream.indirect_vreg.gather [hbm4b:s4+s2], $0x40, v56, vm0, $0xb8;
	[tilespmem:$0x10D00] =	vst v63  }
0x21d: {  	v0 =	vld [tilespmem:$0x910];
	_ =	sdelay $0x6  }
0x21e: {  	s19 =	simm.s32 $0x5100  }
0x21f: {  	[tilespmem:s19], [sflag:$0x3] =	stream.indirect_vreg.gather [hbm4b:s4+s2], $0x40, v0, vm0, $0xb8;
	[tilespmem:$0x10D00] =	vst v63  }
0x220: {  	v0 =	vld [tilespmem:$0x920];
	_ =	sdelay $0x6  }
0x221: {  	s19 =	simm.s32 $0x5500  }
0x222: {  	[tilespmem:s19], [sflag:$0x3] =	stream.indirect_vreg.gather [hbm4b:s4+s2], $0x40, v0, vm0, $0xb8;
	[tilespmem:$0x10D00] =	vst v63  }
0x223: {  	v0 =	vld [tilespmem:$0x930];
	_ =	sdelay $0x6  }
0x224: {  	s19 =	simm.s32 $0x5900  }
0x225: {  	[tilespmem:s19], [sflag:$0x3] =	stream.indirect_vreg.gather [hbm4b:s4+s2], $0x40, v0, vm0, $0xb8;
	[tilespmem:$0x10D00] =	vst v63  }
0x226: {  	v0 =	vld [tilespmem:$0x940];
	_ =	sdelay $0x6  }
0x227: {  	s19 =	simm.s32 $0x5D00  }
0x228: {  	[tilespmem:s19], [sflag:$0x3] =	stream.indirect_vreg.gather [hbm4b:s4+s2], $0x40, v0, vm0, $0xb8;
	[tilespmem:$0x10D00] =	vst v63  }
0x229: {  	v0 =	vld [tilespmem:$0x950];
	_ =	sdelay $0x6  }
0x22a: {  	s19 =	simm.s32 $0x6100  }
0x22b: {  	[tilespmem:s19], [sflag:$0x3] =	stream.indirect_vreg.gather [hbm4b:s4+s2], $0x40, v0, vm0, $0xb8;
	[tilespmem:$0x10D00] =	vst v63  }
0x22c: {  	v0 =	vld [tilespmem:$0x960];
	_ =	sdelay $0x6  }
0x22d: {  	s19 =	simm.s32 $0x6500  }
0x22e: {  	[tilespmem:s19], [sflag:$0x3] =	stream.indirect_vreg.gather [hbm4b:s4+s2], $0x40, v0, vm0, $0xb8;
	[tilespmem:$0x10D00] =	vst v63  }
0x22f: {  	v0 =	vld [tilespmem:$0x970];
	_ =	sdelay $0x6  }
0x230: {  	s19 =	simm.s32 $0x6900  }
0x231: {  	[tilespmem:s19], [sflag:$0x3] =	stream.indirect_vreg.gather [hbm4b:s4+s2], $0x40, v0, vm0, $0xb8;
	[tilespmem:$0x10D00] =	vst v63  }
0x232: {  	_ =	swait.ge [sflag:s8], $0x2000  }
0x233: {  	[sflag:s8] =	ssyncset.done $0x0  }
0x234: {  	s19 =	rddreg [dreg:$0xe];
	[sflag:s8] =	ssyncadd.s32 $0xFFFFE000  }
0x235: {  	[hbm4b:s19+s2] =	stream.linear.scatter [tilespmem:s1], [sflag:$0xC], $0x2000, $0x38;
	[tilespmem:$0x10D00] =	vst v63  }
0x236: {  	_ =	swait.ge [sflag:s9], $0x2000  }
0x237: {  	[sflag:s9] =	ssyncset.done $0x0  }
0x238: {  	[sflag:s9] =	ssyncadd.s32 $0xFFFFE000  }
0x239: {  	v57 =	vld [tilespmem:$0x980];
	_ =	sdelay $0x7  }
0x23a: {  	[tilespmem:s1], [sflag:$0x4] =	stream.indirect_vreg.gather [hbm4b:s4+s2], $0x40, v57, vm0, $0xb8;
	[tilespmem:$0x10D00] =	vst v63  }
0x23b: {  	v0 =	vld [tilespmem:$0x990];
	_ =	sdelay $0x6  }
0x23c: {  	s19 =	simm.s32 $0x7100  }
0x23d: {  	[tilespmem:s19], [sflag:$0x4] =	stream.indirect_vreg.gather [hbm4b:s4+s2], $0x40, v0, vm0, $0xb8;
	[tilespmem:$0x10D00] =	vst v63  }
0x23e: {  	v0 =	vld [tilespmem:$0x9A0];
	_ =	sdelay $0x6  }
0x23f: {  	s19 =	simm.s32 $0x7500  }
0x240: {  	[tilespmem:s19], [sflag:$0x4] =	stream.indirect_vreg.gather [hbm4b:s4+s2], $0x40, v0, vm0, $0xb8;
	[tilespmem:$0x10D00] =	vst v63  }
0x241: {  	v0 =	vld [tilespmem:$0x9B0];
	_ =	sdelay $0x6  }
0x242: {  	s19 =	simm.s32 $0x7900  }
0x243: {  	[tilespmem:s19], [sflag:$0x4] =	stream.indirect_vreg.gather [hbm4b:s4+s2], $0x40, v0, vm0, $0xb8;
	[tilespmem:$0x10D00] =	vst v63  }
0x244: {  	v0 =	vld [tilespmem:$0x9C0];
	_ =	sdelay $0x6  }
0x245: {  	s19 =	simm.s32 $0x7D00  }
0x246: {  	[tilespmem:s19], [sflag:$0x4] =	stream.indirect_vreg.gather [hbm4b:s4+s2], $0x40, v0, vm0, $0xb8;
	[tilespmem:$0x10D00] =	vst v63  }
0x247: {  	v0 =	vld [tilespmem:$0x9D0];
	_ =	sdelay $0x6  }
0x248: {  	s19 =	simm.s32 $0x8100  }
0x249: {  	[tilespmem:s19], [sflag:$0x4] =	stream.indirect_vreg.gather [hbm4b:s4+s2], $0x40, v0, vm0, $0xb8;
	[tilespmem:$0x10D00] =	vst v63  }
0x24a: {  	v0 =	vld [tilespmem:$0x9E0];
	_ =	sdelay $0x6  }
0x24b: {  	s19 =	simm.s32 $0x8500  }
0x24c: {  	[tilespmem:s19], [sflag:$0x4] =	stream.indirect_vreg.gather [hbm4b:s4+s2], $0x40, v0, vm0, $0xb8;
	[tilespmem:$0x10D00] =	vst v63  }
0x24d: {  	v0 =	vld [tilespmem:$0x9F0];
	_ =	sdelay $0x6  }
0x24e: {  	s19 =	simm.s32 $0x8900  }
0x24f: {  	[tilespmem:s19], [sflag:$0x4] =	stream.indirect_vreg.gather [hbm4b:s4+s2], $0x40, v0, vm0, $0xb8;
	[tilespmem:$0x10D00] =	vst v63  }
0x250: {  	_ =	swait.ge [sflag:s10], $0x2000  }
0x251: {  	[sflag:s10] =	ssyncset.done $0x0  }
0x252: {  	s19 =	rddreg [dreg:$0xf];
	[sflag:s10] =	ssyncadd.s32 $0xFFFFE000  }
0x253: {  	[hbm4b:s19+s2] =	stream.linear.scatter [tilespmem:s29], [sflag:$0xD], $0x2000, $0x38;
	[tilespmem:$0x10D00] =	vst v63  }
0x254: {  	_ =	swait.ge [sflag:s11], $0x2000  }
0x255: {  	[sflag:s11] =	ssyncset.done $0x0  }
0x256: {  	[sflag:s11] =	ssyncadd.s32 $0xFFFFE000  }
0x257: {  	v58 =	vld [tilespmem:$0xA00];
	_ =	sdelay $0x7  }
0x258: {  	[tilespmem:s29], [sflag:$0x5] =	stream.indirect_vreg.gather [hbm4b:s4+s2], $0x40, v58, vm0, $0xb8;
	[tilespmem:$0x10D00] =	vst v63  }
0x259: {  	v0 =	vld [tilespmem:$0xA10];
	_ =	sdelay $0x6  }
0x25a: {  	s19 =	simm.s32 $0x9100  }
0x25b: {  	[tilespmem:s19], [sflag:$0x5] =	stream.indirect_vreg.gather [hbm4b:s4+s2], $0x40, v0, vm0, $0xb8;
	[tilespmem:$0x10D00] =	vst v63  }
0x25c: {  	v0 =	vld [tilespmem:$0xA20];
	_ =	sdelay $0x6  }
0x25d: {  	s19 =	simm.s32 $0x9500  }
0x25e: {  	[tilespmem:s19], [sflag:$0x5] =	stream.indirect_vreg.gather [hbm4b:s4+s2], $0x40, v0, vm0, $0xb8;
	[tilespmem:$0x10D00] =	vst v63  }
0x25f: {  	v0 =	vld [tilespmem:$0xA30];
	_ =	sdelay $0x6  }
0x260: {  	s19 =	simm.s32 $0x9900  }
0x261: {  	[tilespmem:s19], [sflag:$0x5] =	stream.indirect_vreg.gather [hbm4b:s4+s2], $0x40, v0, vm0, $0xb8;
	[tilespmem:$0x10D00] =	vst v63  }
0x262: {  	v0 =	vld [tilespmem:$0xA40];
	_ =	sdelay $0x6  }
0x263: {  	s19 =	simm.s32 $0x9D00  }
0x264: {  	[tilespmem:s19], [sflag:$0x5] =	stream.indirect_vreg.gather [hbm4b:s4+s2], $0x40, v0, vm0, $0xb8;
	[tilespmem:$0x10D00] =	vst v63  }
0x265: {  	v0 =	vld [tilespmem:$0xA50];
	_ =	sdelay $0x6  }
0x266: {  	s19 =	simm.s32 $0xA100  }
0x267: {  	[tilespmem:s19], [sflag:$0x5] =	stream.indirect_vreg.gather [hbm4b:s4+s2], $0x40, v0, vm0, $0xb8;
	[tilespmem:$0x10D00] =	vst v63  }
0x268: {  	v0 =	vld [tilespmem:$0xA60];
	_ =	sdelay $0x6  }
0x269: {  	s19 =	simm.s32 $0xA500  }
0x26a: {  	[tilespmem:s19], [sflag:$0x5] =	stream.indirect_vreg.gather [hbm4b:s4+s2], $0x40, v0, vm0, $0xb8;
	[tilespmem:$0x10D00] =	vst v63  }
0x26b: {  	v0 =	vld [tilespmem:$0xA70];
	_ =	sdelay $0x6  }
0x26c: {  	s19 =	simm.s32 $0xA900  }
0x26d: {  	[tilespmem:s19], [sflag:$0x5] =	stream.indirect_vreg.gather [hbm4b:s4+s2], $0x40, v0, vm0, $0xb8;
	[tilespmem:$0x10D00] =	vst v63  }
0x26e: {  	_ =	swait.ge [sflag:s12], $0x2000  }
0x26f: {  	[sflag:s12] =	ssyncset.done $0x0  }
0x270: {  	s19 =	rddreg [dreg:$0x10];
	[sflag:s12] =	ssyncadd.s32 $0xFFFFE000  }
0x271: {  	[hbm4b:s19+s2] =	stream.linear.scatter [tilespmem:s20], [sflag:$0xE], $0x2000, $0x38;
	[tilespmem:$0x10D00] =	vst v63  }
0x272: {  	_ =	swait.ge [sflag:s13], $0x2000  }
0x273: {  	[sflag:s13] =	ssyncset.done $0x0  }
0x274: {  	[sflag:s13] =	ssyncadd.s32 $0xFFFFE000  }
0x275: {  	v59 =	vld [tilespmem:$0xA80];
	_ =	sdelay $0x7  }
0x276: {  	[tilespmem:s20], [sflag:$0x6] =	stream.indirect_vreg.gather [hbm4b:s4+s2], $0x40, v59, vm0, $0xb8;
	[tilespmem:$0x10D00] =	vst v63  }
0x277: {  	v0 =	vld [tilespmem:$0xA90];
	_ =	sdelay $0x6  }
0x278: {  	s19 =	simm.s32 $0xB100  }
0x279: {  	[tilespmem:s19], [sflag:$0x6] =	stream.indirect_vreg.gather [hbm4b:s4+s2], $0x40, v0, vm0, $0xb8;
	[tilespmem:$0x10D00] =	vst v63  }
0x27a: {  	v0 =	vld [tilespmem:$0xAA0];
	_ =	sdelay $0x6  }
0x27b: {  	s19 =	simm.s32 $0xB500  }
0x27c: {  	[tilespmem:s19], [sflag:$0x6] =	stream.indirect_vreg.gather [hbm4b:s4+s2], $0x40, v0, vm0, $0xb8;
	[tilespmem:$0x10D00] =	vst v63  }
0x27d: {  	v0 =	vld [tilespmem:$0xAB0];
	_ =	sdelay $0x6  }
0x27e: {  	s19 =	simm.s32 $0xB900  }
0x27f: {  	[tilespmem:s19], [sflag:$0x6] =	stream.indirect_vreg.gather [hbm4b:s4+s2], $0x40, v0, vm0, $0xb8;
	[tilespmem:$0x10D00] =	vst v63  }
0x280: {  	v0 =	vld [tilespmem:$0xAC0];
	_ =	sdelay $0x6  }
0x281: {  	s19 =	simm.s32 $0xBD00  }
0x282: {  	[tilespmem:s19], [sflag:$0x6] =	stream.indirect_vreg.gather [hbm4b:s4+s2], $0x40, v0, vm0, $0xb8;
	[tilespmem:$0x10D00] =	vst v63  }
0x283: {  	v0 =	vld [tilespmem:$0xAD0];
	_ =	sdelay $0x6  }
0x284: {  	s19 =	simm.s32 $0xC100  }
0x285: {  	[tilespmem:s19], [sflag:$0x6] =	stream.indirect_vreg.gather [hbm4b:s4+s2], $0x40, v0, vm0, $0xb8;
	[tilespmem:$0x10D00] =	vst v63  }
0x286: {  	v0 =	vld [tilespmem:$0xAE0];
	_ =	sdelay $0x6  }
0x287: {  	s19 =	simm.s32 $0xC500  }
0x288: {  	[tilespmem:s19], [sflag:$0x6] =	stream.indirect_vreg.gather [hbm4b:s4+s2], $0x40, v0, vm0, $0xb8;
	[tilespmem:$0x10D00] =	vst v63  }
0x289: {  	v0 =	vld [tilespmem:$0xAF0];
	_ =	sdelay $0x6  }
0x28a: {  	s19 =	simm.s32 $0xC900  }
0x28b: {  	[tilespmem:s19], [sflag:$0x6] =	stream.indirect_vreg.gather [hbm4b:s4+s2], $0x40, v0, vm0, $0xb8;
	[tilespmem:$0x10D00] =	vst v63  }
0x28c: {  	_ =	swait.ge [sflag:s14], $0x2000  }
0x28d: {  	[sflag:s14] =	ssyncset.done $0x0  }
0x28e: {  	s19 =	rddreg [dreg:$0x11];
	[sflag:s14] =	ssyncadd.s32 $0xFFFFE000  }
0x28f: {  	[hbm4b:s19+s2] =	stream.linear.scatter [tilespmem:s21], [sflag:$0xF], $0x2000, $0x38;
	[tilespmem:$0x10D00] =	vst v63  }
0x290: {  	_ =	swait.ge [sflag:s16], $0x2000  }
0x291: {  	[sflag:s16] =	ssyncset.done $0x0  }
0x292: {  	[sflag:s16] =	ssyncadd.s32 $0xFFFFE000  }
0x293: {  	v60 =	vld [tilespmem:$0xB00];
	_ =	sdelay $0x7  }
0x294: {  	[tilespmem:s21], [sflag:$0x7] =	stream.indirect_vreg.gather [hbm4b:s4+s2], $0x40, v60, vm0, $0xb8;
	[tilespmem:$0x10D00] =	vst v63  }
0x295: {  	v0 =	vld [tilespmem:$0xB10];
	_ =	sdelay $0x6  }
0x296: {  	s19 =	simm.s32 $0xD100  }
0x297: {  	[tilespmem:s19], [sflag:$0x7] =	stream.indirect_vreg.gather [hbm4b:s4+s2], $0x40, v0, vm0, $0xb8;
	[tilespmem:$0x10D00] =	vst v63  }
0x298: {  	v0 =	vld [tilespmem:$0xB20];
	_ =	sdelay $0x6  }
0x299: {  	s19 =	simm.s32 $0xD500  }
0x29a: {  	[tilespmem:s19], [sflag:$0x7] =	stream.indirect_vreg.gather [hbm4b:s4+s2], $0x40, v0, vm0, $0xb8;
	[tilespmem:$0x10D00] =	vst v63  }
0x29b: {  	v0 =	vld [tilespmem:$0xB30];
	_ =	sdelay $0x6  }
0x29c: {  	s19 =	simm.s32 $0xD900  }
0x29d: {  	[tilespmem:s19], [sflag:$0x7] =	stream.indirect_vreg.gather [hbm4b:s4+s2], $0x40, v0, vm0, $0xb8;
	[tilespmem:$0x10D00] =	vst v63  }
0x29e: {  	v0 =	vld [tilespmem:$0xB40];
	_ =	sdelay $0x6  }
0x29f: {  	s19 =	simm.s32 $0xDD00  }
0x2a0: {  	[tilespmem:s19], [sflag:$0x7] =	stream.indirect_vreg.gather [hbm4b:s4+s2], $0x40, v0, vm0, $0xb8;
	[tilespmem:$0x10D00] =	vst v63  }
0x2a1: {  	v0 =	vld [tilespmem:$0xB50];
	_ =	sdelay $0x6  }
0x2a2: {  	s19 =	simm.s32 $0xE100  }
0x2a3: {  	[tilespmem:s19], [sflag:$0x7] =	stream.indirect_vreg.gather [hbm4b:s4+s2], $0x40, v0, vm0, $0xb8;
	[tilespmem:$0x10D00] =	vst v63  }
0x2a4: {  	v0 =	vld [tilespmem:$0xB60];
	_ =	sdelay $0x6  }
0x2a5: {  	s19 =	simm.s32 $0xE500  }
0x2a6: {  	[tilespmem:s19], [sflag:$0x7] =	stream.indirect_vreg.gather [hbm4b:s4+s2], $0x40, v0, vm0, $0xb8;
	[tilespmem:$0x10D00] =	vst v63  }
0x2a7: {  	v0 =	vld [tilespmem:$0xB70];
	_ =	sdelay $0x6  }
0x2a8: {  	s19 =	simm.s32 $0xE900  }
0x2a9: {  	[tilespmem:s19], [sflag:$0x7] =	stream.indirect_vreg.gather [hbm4b:s4+s2], $0x40, v0, vm0, $0xb8;
	[tilespmem:$0x10D00] =	vst v63  }
0x2aa: {  	_ =	swait.ge [sflag:s17], $0x2000  }
0x2ab: {  	[sflag:s17] =	ssyncset.done $0x0  }
0x2ac: {  	s19 =	rddreg [dreg:$0x12];
	[sflag:s17] =	ssyncadd.s32 $0xFFFFE000  }
0x2ad: {  	[hbm4b:s19+s2] =	stream.linear.scatter [tilespmem:s22], [sflag:$0x10], $0x2000, $0x38;
	[tilespmem:$0x10D00] =	vst v63  }
0x2ae: {  	_ =	swait.ge [sflag:s18], $0x2000  }
0x2af: {  	[sflag:s18] =	ssyncset.done $0x0  }
0x2b0: {  	[sflag:s18] =	ssyncadd.s32 $0xFFFFE000  }
0x2b1: {  	v61 =	vld [tilespmem:$0xB80];
	_ =	sdelay $0x7  }
0x2b2: {  	[tilespmem:s22], [sflag:$0x8] =	stream.indirect_vreg.gather [hbm4b:s4+s2], $0x40, v61, vm0, $0xb8;
	[tilespmem:$0x10D00] =	vst v63  }
0x2b3: {  	v0 =	vld [tilespmem:$0xB90];
	_ =	sdelay $0x6  }
0x2b4: {  	s19 =	simm.s32 $0xF100  }
0x2b5: {  	[tilespmem:s19], [sflag:$0x8] =	stream.indirect_vreg.gather [hbm4b:s4+s2], $0x40, v0, vm0, $0xb8;
	[tilespmem:$0x10D00] =	vst v63  }
0x2b6: {  	v0 =	vld [tilespmem:$0xBA0];
	_ =	sdelay $0x6  }
0x2b7: {  	s19 =	simm.s32 $0xF500  }
0x2b8: {  	[tilespmem:s19], [sflag:$0x8] =	stream.indirect_vreg.gather [hbm4b:s4+s2], $0x40, v0, vm0, $0xb8;
	[tilespmem:$0x10D00] =	vst v63  }
0x2b9: {  	v0 =	vld [tilespmem:$0xBB0];
	_ =	sdelay $0x6  }
0x2ba: {  	s19 =	simm.s32 $0xF900  }
0x2bb: {  	[tilespmem:s19], [sflag:$0x8] =	stream.indirect_vreg.gather [hbm4b:s4+s2], $0x40, v0, vm0, $0xb8;
	[tilespmem:$0x10D00] =	vst v63  }
0x2bc: {  	v0 =	vld [tilespmem:$0xBC0];
	_ =	sdelay $0x6  }
0x2bd: {  	s19 =	simm.s32 $0xFD00  }
0x2be: {  	[tilespmem:s19], [sflag:$0x8] =	stream.indirect_vreg.gather [hbm4b:s4+s2], $0x40, v0, vm0, $0xb8;
	[tilespmem:$0x10D00] =	vst v63  }
0x2bf: {  	v0 =	vld [tilespmem:$0xBD0];
	_ =	sdelay $0x6  }
0x2c0: {  	s19 =	simm.s32 $0x10100  }
0x2c1: {  	[tilespmem:s19], [sflag:$0x8] =	stream.indirect_vreg.gather [hbm4b:s4+s2], $0x40, v0, vm0, $0xb8;
	[tilespmem:$0x10D00] =	vst v63  }
0x2c2: {  	v0 =	vld [tilespmem:$0xBE0];
	_ =	sdelay $0x6  }
0x2c3: {  	s19 =	simm.s32 $0x10500  }
0x2c4: {  	[tilespmem:s19], [sflag:$0x8] =	stream.indirect_vreg.gather [hbm4b:s4+s2], $0x40, v0, vm0, $0xb8;
	[tilespmem:$0x10D00] =	vst v63  }
0x2c5: {  	v0 =	vld [tilespmem:$0xBF0];
	_ =	sdelay $0x6  }
0x2c6: {  	s19 =	simm.s32 $0x10900  }
0x2c7: {  	[tilespmem:s19], [sflag:$0x8] =	stream.indirect_vreg.gather [hbm4b:s4+s2], $0x40, v0, vm0, $0xb8;
	[tilespmem:$0x10D00] =	vst v63  }
0x2c8: {  	_ =	swait.ge [sflag:s31], $0x2000  }
0x2c9: {  	[sflag:s31] =	ssyncset.done $0x0  }
0x2ca: {  	s19 =	rddreg [dreg:$0x13];
	[sflag:s31] =	ssyncadd.s32 $0xFFFFE000  }
0x2cb: {  	[hbm4b:s19+s2] =	stream.linear.scatter [tilespmem:s15], [sflag:$0x9], $0x2000, $0x38;
	[tilespmem:$0x10D00] =	vst v63  }
0x2cc: {  	_ =	swait.ge [sflag:s0], $0x2000  }
0x2cd: {  	[sflag:s0] =	ssyncset.done $0x0  }
0x2ce: {  	[sflag:s0] =	ssyncadd.s32 $0xFFFFE000  }
0x2cf: {  	v62 =	vld [tilespmem:$0xC00];
	_ =	sdelay $0x7  }
0x2d0: {  	[tilespmem:s15], [sflag:$0x1] =	stream.indirect_vreg.gather [hbm4b:s4+s2], $0x40, v62, vm0, $0xb8;
	[tilespmem:$0x10D00] =	vst v63  }
0x2d1: {  	v0 =	vld [tilespmem:$0xC10];
	_ =	sdelay $0x6  }
0x2d2: {  	s19 =	simm.s32 $0x1100  }
0x2d3: {  	[tilespmem:s19], [sflag:$0x1] =	stream.indirect_vreg.gather [hbm4b:s4+s2], $0x40, v0, vm0, $0xb8;
	[tilespmem:$0x10D00] =	vst v63  }
0x2d4: {  	v0 =	vld [tilespmem:$0xC20];
	_ =	sdelay $0x6  }
0x2d5: {  	s19 =	simm.s32 $0x1500  }
0x2d6: {  	[tilespmem:s19], [sflag:$0x1] =	stream.indirect_vreg.gather [hbm4b:s4+s2], $0x40, v0, vm0, $0xb8;
	[tilespmem:$0x10D00] =	vst v63  }
0x2d7: {  	v0 =	vld [tilespmem:$0xC30];
	_ =	sdelay $0x6  }
0x2d8: {  	s19 =	simm.s32 $0x1900  }
0x2d9: {  	[tilespmem:s19], [sflag:$0x1] =	stream.indirect_vreg.gather [hbm4b:s4+s2], $0x40, v0, vm0, $0xb8;
	[tilespmem:$0x10D00] =	vst v63  }
0x2da: {  	v0 =	vld [tilespmem:$0xC40];
	_ =	sdelay $0x6  }
0x2db: {  	s19 =	simm.s32 $0x1D00  }
0x2dc: {  	[tilespmem:s19], [sflag:$0x1] =	stream.indirect_vreg.gather [hbm4b:s4+s2], $0x40, v0, vm0, $0xb8;
	[tilespmem:$0x10D00] =	vst v63  }
0x2dd: {  	v0 =	vld [tilespmem:$0xC50];
	_ =	sdelay $0x6  }
0x2de: {  	s19 =	simm.s32 $0x2100  }
0x2df: {  	[tilespmem:s19], [sflag:$0x1] =	stream.indirect_vreg.gather [hbm4b:s4+s2], $0x40, v0, vm0, $0xb8;
	[tilespmem:$0x10D00] =	vst v63  }
0x2e0: {  	v0 =	vld [tilespmem:$0xC60];
	_ =	sdelay $0x6  }
0x2e1: {  	s19 =	simm.s32 $0x2500  }
0x2e2: {  	[tilespmem:s19], [sflag:$0x1] =	stream.indirect_vreg.gather [hbm4b:s4+s2], $0x40, v0, vm0, $0xb8;
	[tilespmem:$0x10D00] =	vst v63  }
0x2e3: {  	v0 =	vld [tilespmem:$0xC70];
	_ =	sdelay $0x6  }
0x2e4: {  	s19 =	simm.s32 $0x2900  }
0x2e5: {  	[tilespmem:s19], [sflag:$0x1] =	stream.indirect_vreg.gather [hbm4b:s4+s2], $0x40, v0, vm0, $0xb8;
	[tilespmem:$0x10D00] =	vst v63  }
0x2e6: {  	_ =	swait.ge [sflag:s3], $0x2000  }
0x2e7: {  	[sflag:s3] =	ssyncset.done $0x0  }
0x2e8: {  	s19 =	rddreg [dreg:$0x14];
	[sflag:s3] =	ssyncadd.s32 $0xFFFFE000  }
0x2e9: {  	[hbm4b:s19+s2] =	stream.linear.scatter [tilespmem:s7], [sflag:$0xA], $0x2000, $0x38;
	[tilespmem:$0x10D00] =	vst v63  }
0x2ea: {  	_ =	swait.ge [sflag:s6], $0x2000  }
0x2eb: {  	[sflag:s6] =	ssyncset.done $0x0  }
0x2ec: {  	[sflag:s6] =	ssyncadd.s32 $0xFFFFE000  }
0x2ed: {  	v63 =	vld [tilespmem:$0xC80];
	_ =	sdelay $0x7  }
0x2ee: {  	[tilespmem:s7], [sflag:$0x2] =	stream.indirect_vreg.gather [hbm4b:s4+s2], $0x40, v63, vm0, $0xb8;
	[tilespmem:$0x10D00] =	vst v63  }
0x2ef: {  	v0 =	vld [tilespmem:$0xC90];
	_ =	sdelay $0x6  }
0x2f0: {  	s25 =	simm.s32 $0x3100  }
0x2f1: {  	[tilespmem:s25], [sflag:$0x2] =	stream.indirect_vreg.gather [hbm4b:s4+s2], $0x40, v0, vm0, $0xb8;
	[tilespmem:$0x10D00] =	vst v63  }
0x2f2: {  	v0 =	vld [tilespmem:$0xCA0];
	_ =	sdelay $0x6  }
0x2f3: {  	s26 =	simm.s32 $0x3500  }
0x2f4: {  	[tilespmem:s26], [sflag:$0x2] =	stream.indirect_vreg.gather [hbm4b:s4+s2], $0x40, v0, vm0, $0xb8;
	[tilespmem:$0x10D00] =	vst v63  }
0x2f5: {  	v0 =	vld [tilespmem:$0xCB0];
	_ =	sdelay $0x6  }
0x2f6: {  	s28 =	simm.s32 $0x3900  }
0x2f7: {  	[tilespmem:s28], [sflag:$0x2] =	stream.indirect_vreg.gather [hbm4b:s4+s2], $0x40, v0, vm0, $0xb8;
	[tilespmem:$0x10D00] =	vst v63  }
0x2f8: {  	v0 =	vld [tilespmem:$0xCC0];
	_ =	sdelay $0x6  }
0x2f9: {  	s26 =	simm.s32 $0x3D00  }
0x2fa: {  	[tilespmem:s26], [sflag:$0x2] =	stream.indirect_vreg.gather [hbm4b:s4+s2], $0x40, v0, vm0, $0xb8;
	[tilespmem:$0x10D00] =	vst v63  }
0x2fb: {  	v0 =	vld [tilespmem:$0xCD0];
	_ =	sdelay $0x6  }
0x2fc: {  	s28 =	simm.s32 $0x4100  }
0x2fd: {  	[tilespmem:s28], [sflag:$0x2] =	stream.indirect_vreg.gather [hbm4b:s4+s2], $0x40, v0, vm0, $0xb8;
	[tilespmem:$0x10D00] =	vst v63  }
0x2fe: {  	v0 =	vld [tilespmem:$0xCE0];
	_ =	sdelay $0x6  }
0x2ff: {  	s25 =	simm.s32 $0x4500  }
0x300: {  	[tilespmem:s25], [sflag:$0x2] =	stream.indirect_vreg.gather [hbm4b:s4+s2], $0x40, v0, vm0, $0xb8;
	[tilespmem:$0x10D00] =	vst v63  }
0x301: {  	v0 =	vld [tilespmem:$0xCF0];
	_ =	sdelay $0x6  }
0x302: {  	s26 =	simm.s32 $0x4900  }
0x303: {  	[tilespmem:s26], [sflag:$0x2] =	stream.indirect_vreg.gather [hbm4b:s4+s2], $0x40, v0, vm0, $0xb8;
	[tilespmem:$0x10D00] =	vst v63  }
0x304: {  	_ =	swait.ge [sflag:s24], $0x2000  }
0x305: {  	[sflag:s24] =	ssyncset.done $0x0  }
0x306: {  	s28 =	rddreg [dreg:$0x15];
	[sflag:s24] =	ssyncadd.s32 $0xFFFFE000  }
0x307: {  	[hbm4b:s28+s2] =	stream.linear.scatter [tilespmem:s23], [sflag:$0xB], $0x2000, $0x38;
	[tilespmem:$0x10D00] =	vst v63  }
0x308: {  	_ =	swait.ge [sflag:s8], $0x2000  }
0x309: {  	[sflag:s8] =	ssyncset.done $0x0  }
0x30a: {  	s25 =	rddreg [dreg:$0x16];
	[sflag:s8] =	ssyncadd.s32 $0xFFFFE000  }
0x30b: {  	[hbm4b:s25+s2] =	stream.linear.scatter [tilespmem:s1], [sflag:$0xC], $0x2000, $0x38;
	[tilespmem:$0x10D00] =	vst v63  }
0x30c: {  	_ =	swait.ge [sflag:s10], $0x2000  }
0x30d: {  	[sflag:s10] =	ssyncset.done $0x0  }
0x30e: {  	s26 =	rddreg [dreg:$0x17];
	[sflag:s10] =	ssyncadd.s32 $0xFFFFE000  }
0x30f: {  	[hbm4b:s26+s2] =	stream.linear.scatter [tilespmem:s29], [sflag:$0xD], $0x2000, $0x38;
	[tilespmem:$0x10D00] =	vst v63  }
0x310: {  	_ =	swait.ge [sflag:s12], $0x2000  }
0x311: {  	[sflag:s12] =	ssyncset.done $0x0  }
0x312: {  	s28 =	rddreg [dreg:$0x18];
	[sflag:s12] =	ssyncadd.s32 $0xFFFFE000  }
0x313: {  	[hbm4b:s28+s2] =	stream.linear.scatter [tilespmem:s20], [sflag:$0xE], $0x2000, $0x38;
	[tilespmem:$0x10D00] =	vst v63  }
0x314: {  	_ =	swait.ge [sflag:s14], $0x2000  }
0x315: {  	[sflag:s14] =	ssyncset.done $0x0  }
0x316: {  	s1 =	rddreg [dreg:$0x19];
	[sflag:s14] =	ssyncadd.s32 $0xFFFFE000  }
0x317: {  	[hbm4b:s1+s2] =	stream.linear.scatter [tilespmem:s21], [sflag:$0xF], $0x2000, $0x38;
	[tilespmem:$0x10D00] =	vst v63  }
0x318: {  	_ =	swait.ge [sflag:s17], $0x2000  }
0x319: {  	[sflag:s17] =	ssyncset.done $0x0  }
0x31a: {  	s25 =	rddreg [dreg:$0x1a];
	[sflag:s17] =	ssyncadd.s32 $0xFFFFE000  }
0x31b: {  	[hbm4b:s25+s2] =	stream.linear.scatter [tilespmem:s22], [sflag:$0x10], $0x2000, $0x38;
	[tilespmem:$0x10D00] =	vst v63  }
0x31c: {  	_ =	swait.ge [sflag:s31], $0x2000  }
0x31d: {  	[sflag:s31] =	ssyncset.done $0x0  }
0x31e: {  	s26 =	rddreg [dreg:$0x1b];
	[sflag:s31] =	ssyncadd.s32 $0xFFFFE000  }
0x31f: {  	[hbm4b:s26+s2] =	stream.linear.scatter [tilespmem:s15], [sflag:$0x9], $0x2000, $0x38;
	[tilespmem:$0x10D00] =	vst v63  }
0x320: {  	_ =	swait.ge [sflag:s3], $0x2000  }
0x321: {  	[sflag:s3] =	ssyncset.done $0x0  }
0x322: {  	s28 =	rddreg [dreg:$0x1c];
	[sflag:s3] =	ssyncadd.s32 $0xFFFFE000  }
0x323: {  	[hbm4b:s28+s2] =	stream.linear.scatter [tilespmem:s7], [sflag:$0xA], $0x2000, $0x38;
	[tilespmem:$0x10D00] =	vst v63  }
0x324: {  	_ =	swait.ge [sflag:s30], $0x2000  }
0x325: {  	[sflag:s30] =	ssyncset.done $0x0  }
0x326: {  	[sflag:s30] =	ssyncadd.s32 $0xFFFFE000  }
0x327: {  	_ =	swait.ge [sflag:s9], $0x2000  }
0x328: {  	[sflag:s9] =	ssyncset.done $0x0  }
0x329: {  	[sflag:s9] =	ssyncadd.s32 $0xFFFFE000  }
0x32a: {  	_ =	swait.ge [sflag:s11], $0x2000  }
0x32b: {  	[sflag:s11] =	ssyncset.done $0x0  }
0x32c: {  	[sflag:s11] =	ssyncadd.s32 $0xFFFFE000  }
0x32d: {  	_ =	swait.ge [sflag:s13], $0x2000  }
0x32e: {  	[sflag:s13] =	ssyncset.done $0x0  }
0x32f: {  	[sflag:s13] =	ssyncadd.s32 $0xFFFFE000  }
0x330: {  	_ =	swait.ge [sflag:s16], $0x2000  }
0x331: {  	[sflag:s16] =	ssyncset.done $0x0  }
0x332: {  	[sflag:s16] =	ssyncadd.s32 $0xFFFFE000  }
0x333: {  	_ =	swait.ge [sflag:s18], $0x2000  }
0x334: {  	[sflag:s18] =	ssyncset.done $0x0  }
0x335: {  	[sflag:s18] =	ssyncadd.s32 $0xFFFFE000  }
0x336: {  	p0 =	sne.s32 s5, $0x1;
	_ =	swait.ge [sflag:s0], $0x2000  }
.Ltmp0:
0x337: {  	[sflag:s0] =	ssyncset.done $0x0;
	(pc) =	sbr.rel @p0 .LBB2_1-.Ltmp0, $4  }
0x338: {  	[sflag:s0] =	ssyncadd.s32 $0xFFFFE000  }
0x339: {  	_ =	swait.ge [sflag:s6], $0x2000  }
0x33a: {  	[sflag:s6] =	ssyncset.done $0x0  }
0x33b: {  	s5 =	sadd.s32 $0xFFFFFFFF, s5;
	[sflag:s6] =	ssyncadd.s32 $0xFFFFE000  }
0x33c: {  	_ =	sfence.sel $0x180000  }
0x33d: {  	[bflag:$0x0] =	sbarrier.arrive $0xFFFF  }
0x33e: {  	_ =	strace $0x90000047  }
0x33f: {  	s0 =	stileid.u32;
	[bflag:$0x2] =	sbarrier.arrive $0xFFFF  }
0x340: {  	p0 =	sne.s32 s0, $0x0;
	s0 =	rddreg [dreg:$0x2]  }
0x341: {  	s0 =	sadd.s32 @!p0 $0x100000, s0  }
0x342: {  	[sflag:s0] =	ssyncadd.tile.s32 @!p0 $0x1;
	_ =	shalt  }
.Lfunc_end2:
_tile_overlayer_lowered:
.L_overlay_start_2:
0x343: {  	(tag) =	ssettag $0x2  }
0x344: {  	s0 =	rddreg [dreg:$0x0];
	s2 =	stileid.u32  }
0x345: {  	s1 =	rddreg [dreg:$0x1];
	p0 =	sne.s32 s2, $0x0  }
0x346: {  	s3 =	rddreg [dreg:$0x2];
	[bflag:$0x3] =	sbarrier.arrive $0xFFFF;
	s2 =	simm.s32 @!p0 $0x1C11  }
0x347: {  	[timem:s3], [sflag:s2] =	dma.local @!p0 [hbm:s0], s1  }
0x348: {  	s0 =	simm.s32 @!p0 $0x11  }
0x349: {  	_ =	swait.ge @!p0 [sflag:s0], s1  }
0x34a: {  	s1 =	ssub.s32 @!p0 $0x0, s1;
	[sflag:s0] =	ssyncset.done @!p0 $0x0  }
0x34b: {  	[sflag:s0] =	ssyncadd.s32 @!p0 s1  }
0x34c: {  	[bflag:$0x3] =	sbarrier.arrive $0xFFFF  }
0x34d: {  	_ =	shalt  }

</sc_bundles>
